<compile_context>
chip_gen: v7x
topology: tpu7x:2x2x1
jax: 0.10.2.dev20260603
libtpu: 0.0.44.dev20260713+nightly
codegen_flags: <defaults>
</compile_context>

<pallas_src>
import jax
import jax.numpy as jnp
from jax import lax
from jax.experimental import pallas as pl
from jax.experimental.pallas import tpu as pltpu
from jax.experimental.pallas import tpu_sc as plsc

_NC = 2
_NS = 16
_NW = _NC * _NS
_L = 16
_CH = 128


def _sc_body(theta4_hbm, pidx_hbm, cidx_hbm, uidx_hbm, duv_hbm, duw_hbm,
             pidx_v, cidx_v, uidx_v, pblk_v, cblk_v, ublk_v,
             ub0, ub1, vb0, vb1, wb0, wb1, duv_v, duw_v, sem):
    D = 32
    n_chunks = pidx_v.shape[0]
    bpw = n_chunks * _CH
    wid = lax.axis_index("s") * _NC + lax.axis_index("c")
    base_chunk = wid * n_chunks

    pltpu.sync_copy(pidx_hbm.at[pl.ds(base_chunk, n_chunks)], pidx_v)
    pltpu.sync_copy(cidx_hbm.at[pl.ds(base_chunk, n_chunks)], cidx_v)
    pltpu.sync_copy(uidx_hbm.at[pl.ds(base_chunk, n_chunks)], uidx_v)

    for src, dst in ((pidx_v, pblk_v), (cidx_v, cblk_v), (uidx_v, ublk_v)):
        for j in range(n_chunks):
            for s in range(_CH // _L):
                sl = pl.ds(s * _L, _L)
                dst.at[j][sl] = lax.shift_right_logical(src.at[j][sl], 2)

    bufs = ((ub0, vb0, wb0), (ub1, vb1, wb1))

    def fire(j):
        u_b, v_b, w_b = bufs[j % 2]
        return (
            pltpu.async_copy(theta4_hbm.at[pblk_v.at[j]], u_b, sem),
            pltpu.async_copy(theta4_hbm.at[cblk_v.at[j]], v_b, sem),
            pltpu.async_copy(theta4_hbm.at[ublk_v.at[j]], w_b, sem),
        )

    lane = lax.iota(jnp.int32, _L)
    cur = fire(0)
    for j in range(n_chunks):
        for dsc in cur:
            dsc.wait()
        if j + 1 < n_chunks:
            cur = fire(j + 1)
        u_b, v_b, w_b = bufs[j % 2]
        for s in range(_CH // _L):
            sl = pl.ds(s * _L, _L)
            row = jnp.full((_L,), s * _L, jnp.int32) + lane
            offu = lax.shift_left(pidx_v.at[j][sl] & 3, 5)
            offv = lax.shift_left(cidx_v.at[j][sl] & 3, 5)
            offw = lax.shift_left(uidx_v.at[j][sl] & 3, 5)
            u0 = plsc.load_gather(u_b, [row, offu])
            v0 = plsc.load_gather(v_b, [row, offv])
            w0 = plsc.load_gather(w_b, [row, offw])

            def body(dcol, accs, row=row, offu=offu, offv=offv, offw=offw,
                     u_b=u_b, v_b=v_b, w_b=w_b):
                a_uv, a_uw = accs
                ud = plsc.load_gather(u_b, [row, offu + dcol])
                vd = plsc.load_gather(v_b, [row, offv + dcol])
                wd = plsc.load_gather(w_b, [row, offw + dcol])
                return (a_uv - ud * vd, a_uw - ud * wd)

            acc_uv, acc_uw = lax.fori_loop(1, D, body, (u0 * v0, u0 * w0))
            g = j * (_CH // _L) + s
            duv_v[pl.ds(g * _L, _L)] = acc_uv
            duw_v[pl.ds(g * _L, _L)] = acc_uw

    pltpu.sync_copy(duv_v, duv_hbm.at[pl.ds(wid * bpw, bpw)])
    pltpu.sync_copy(duw_v, duw_hbm.at[pl.ds(wid * bpw, bpw)])


def _acosh_body(duv_ref, duw_ref, ouv_ref, ouw_ref):
    for s, o in ((duv_ref, ouv_ref), (duw_ref, ouw_ref)):
        d = jnp.maximum(s[...], 1.0 + 1e-07)
        o[...] = jnp.log(d + jnp.sqrt(d * d - 1.0))


def kernel(theta, parent, child, unrelated):
    B = parent.shape[0]
    V, D = theta.shape
    bpw = B // _NW
    n_chunks = bpw // _CH
    idx2 = (B // _CH, _CH)
    theta4 = theta.reshape(V // 4, 4 * D)
    p2 = parent.astype(jnp.int32).reshape(idx2)
    c2 = child.astype(jnp.int32).reshape(idx2)
    u2 = unrelated.astype(jnp.int32).reshape(idx2)

    sc = pl.kernel(
        _sc_body,
        out_type=(jax.ShapeDtypeStruct((B,), jnp.float32),
                  jax.ShapeDtypeStruct((B,), jnp.float32)),
        mesh=plsc.VectorSubcoreMesh(core_axis_name="c", subcore_axis_name="s",
                                    num_cores=_NC, num_subcores=_NS),
        compiler_params=pltpu.CompilerParams(needs_layout_passes=False,
                                             use_tc_tiling_on_sc=True),
        scratch_types=[
            pltpu.VMEM((n_chunks, _CH), jnp.int32),
            pltpu.VMEM((n_chunks, _CH), jnp.int32),
            pltpu.VMEM((n_chunks, _CH), jnp.int32),
            pltpu.VMEM((n_chunks, _CH), jnp.int32),
            pltpu.VMEM((n_chunks, _CH), jnp.int32),
            pltpu.VMEM((n_chunks, _CH), jnp.int32),
            pltpu.VMEM((_CH, 4 * D), jnp.float32),
            pltpu.VMEM((_CH, 4 * D), jnp.float32),
            pltpu.VMEM((_CH, 4 * D), jnp.float32),
            pltpu.VMEM((_CH, 4 * D), jnp.float32),
            pltpu.VMEM((_CH, 4 * D), jnp.float32),
            pltpu.VMEM((_CH, 4 * D), jnp.float32),
            pltpu.VMEM((bpw,), jnp.float32),
            pltpu.VMEM((bpw,), jnp.float32),
            pltpu.SemaphoreType.DMA,
        ],
    )
    duv, duw = sc(theta4, p2, c2, u2)

    tc = pl.pallas_call(
        _acosh_body,
        out_shape=(jax.ShapeDtypeStruct((B // _CH, _CH), jnp.float32),
                   jax.ShapeDtypeStruct((B // _CH, _CH), jnp.float32)),
    )
    ouv, ouw = tc(duv.reshape(B // _CH, _CH), duw.reshape(B // _CH, _CH))
    return ouv.reshape(B), ouw.reshape(B)

# --- scband reference (transcript-rebuilt; emitter-appended) ---
"""Pipeline reference for scband-lorentz-embedding-62758062129550 (READ-ONLY COPY).

The authoritative reference and input builder live on the scoring server;
editing this copy changes nothing except your own understanding.
"""

import jax, jax.numpy as jnp
import numpy as np

EPS = 1e-05
V = 1000000
D = 32
B = 16384


def setup_inputs(seed: int = 0):
    key = jax.random.key(seed)
    k1, k2, k3, k4 = jax.random.split(key, 4)
    parent = jax.random.randint(k1, (B,), 0, V)
    child = jax.random.randint(k2, (B,), 0, V)
    unrelated = jax.random.randint(k3, (B,), 0, V)
    # LorentzInitializer: sample spatial coords, set time coord so points lie on
    # the hyperboloid: x0 = sqrt(1 + ||x_{1:}||^2)  (ensures -<x,y>_L >= 1)
    spatial = jax.random.normal(k4, (V, D - 1), dtype=jnp.float32) * 0.1
    t = jnp.sqrt(1.0 + jnp.sum(spatial * spatial, axis=1, keepdims=True))
    theta = jnp.concatenate([t, spatial], axis=1)
    return {"theta": theta, "parent": parent, "child": child, "unrelated": unrelated}


def lorentz_scalar_product(x, y):
    p = x * y
    dotL = -1.0 * p[:, 0]
    dotL = dotL + jnp.sum(p[:, 1:], axis=1)
    return dotL


def lorentz_dist(x, y):
    d = -1.0 * lorentz_scalar_product(x, y)
    # clamp for numerical safety of arcosh (valid Lorentz points give d >= 1)
    return jnp.arccosh(jnp.maximum(d, 1.0 + 1e-07))


def reference(theta, parent, child, unrelated):
    u = jnp.take(theta, parent, axis=0)
    v = jnp.take(theta, child, axis=0)
    w = jnp.take(theta, unrelated, axis=0)
    dist_uv = lorentz_dist(u, v)
    dist_uvprimes = lorentz_dist(u, w)
    return (dist_uv, dist_uvprimes)

if __name__ == "__main__":
    import jax
    _d = setup_inputs()
    print(jax.jit(kernel)(*tuple(_d.values())))

</pallas_src>

<mosaic_0001>
#map = affine_map<(d0, d1) -> (0, 0)>
#map1 = affine_map<(d0, d1) -> (0)>
module attributes {stable_mosaic.version = 14 : i64} {
  func.func @_sc_body(%arg0: i32, %arg1: i32, %arg2: memref<250000x128xf32, #tpu.memory_space<hbm>>, %arg3: memref<128x128xi32, #tpu.memory_space<hbm>>, %arg4: memref<128x128xi32, #tpu.memory_space<hbm>>, %arg5: memref<128x128xi32, #tpu.memory_space<hbm>>, %arg6: memref<16384xf32, #tpu.memory_space<hbm>>, %arg7: memref<16384xf32, #tpu.memory_space<hbm>>, %arg8: memref<4x128xi32, #tpu.memory_space<vmem>>, %arg9: memref<4x128xi32, #tpu.memory_space<vmem>>, %arg10: memref<4x128xi32, #tpu.memory_space<vmem>>, %arg11: memref<4x128xi32, #tpu.memory_space<vmem>>, %arg12: memref<4x128xi32, #tpu.memory_space<vmem>>, %arg13: memref<4x128xi32, #tpu.memory_space<vmem>>, %arg14: memref<128x128xf32, #tpu.memory_space<vmem>>, %arg15: memref<128x128xf32, #tpu.memory_space<vmem>>, %arg16: memref<128x128xf32, #tpu.memory_space<vmem>>, %arg17: memref<128x128xf32, #tpu.memory_space<vmem>>, %arg18: memref<128x128xf32, #tpu.memory_space<vmem>>, %arg19: memref<128x128xf32, #tpu.memory_space<vmem>>, %arg20: memref<512xf32, #tpu.memory_space<vmem>>, %arg21: memref<512xf32, #tpu.memory_space<vmem>>, %arg22: memref<!tpu.dma_semaphore, #tpu.memory_space<semaphore_mem>>) attributes {dimension_semantics = [#tpu.dimension_semantics<core_parallel>, #tpu.dimension_semantics<subcore_parallel>], iteration_bounds = array<i64: 2, 16>, scalar_prefetch = 0 : i64, scratch_operands = 15 : i64, tpu.core_type = #tpu.core_type<sc_vector_subcore>, window_params = [{transform_indices = #map}, {transform_indices = #map}, {transform_indices = #map}, {transform_indices = #map}, {transform_indices = #map1}, {transform_indices = #map1}]} {
    %mul3A = arith.constant 2 : i32
    %mul3A_0 = arith.muli %arg1, %mul3A : i32
    %add3A = arith.addi %mul3A_0, %arg0 : i32
    %mul3A_1 = arith.constant 4 : i32
    %mul3A_2 = arith.muli %add3A, %mul3A_1 : i32
    "tpu.region"() ({
      %run_scoped3A = tpu.sem_alloc : memref<!tpu.dma_semaphore, #tpu.memory_space<semaphore_mem>>
      %dma_start3A_3333 = arith.constant 0 : i32
      %dma_start3A_3334 = tpu.memref_slice %arg3[%mul3A_2, %dma_start3A_3333] : memref<128x128xi32, #tpu.memory_space<hbm>> -> memref<4x128xi32, #tpu.memory_space<hbm>>
      %dma_start3A_3335 = arith.constant 0 : i32
      %dma_start3A_3336 = tpu.memref_slice %arg3[%mul3A_2, %dma_start3A_3335] : memref<128x128xi32, #tpu.memory_space<hbm>> -> memref<4x128xi32, #tpu.memory_space<hbm>>
      tpu.enqueue_dma source(%dma_start3A_3336 : memref<4x128xi32, #tpu.memory_space<hbm>>) target(%arg8 : memref<4x128xi32, #tpu.memory_space<vmem>>) target_semaphore(%run_scoped3A : memref<!tpu.dma_semaphore, #tpu.memory_space<semaphore_mem>>)
      %dma_wait3A_3337 = arith.constant 0 : i32
      %dma_wait3A_3338 = tpu.memref_slice %arg3[%mul3A_2, %dma_wait3A_3337] : memref<128x128xi32, #tpu.memory_space<hbm>> -> memref<4x128xi32, #tpu.memory_space<hbm>>
      %dma_wait3A_3339 = arith.constant 0 : i32
      %dma_wait3A_3340 = tpu.memref_slice %arg3[%mul3A_2, %dma_wait3A_3339] : memref<128x128xi32, #tpu.memory_space<hbm>> -> memref<4x128xi32, #tpu.memory_space<hbm>>
      tpu.wait_dma2 semaphore(%run_scoped3A : memref<!tpu.dma_semaphore, #tpu.memory_space<semaphore_mem>>) src(%dma_wait3A_3340 : memref<4x128xi32, #tpu.memory_space<hbm>>) dst(%arg8 : memref<4x128xi32, #tpu.memory_space<vmem>>)
      tpu.yield
    }) : () -> ()
    "tpu.region"() ({
      %run_scoped3A = tpu.sem_alloc : memref<!tpu.dma_semaphore, #tpu.memory_space<semaphore_mem>>
      %dma_start3A_3333 = arith.constant 0 : i32
      %dma_start3A_3334 = tpu.memref_slice %arg4[%mul3A_2, %dma_start3A_3333] : memref<128x128xi32, #tpu.memory_space<hbm>> -> memref<4x128xi32, #tpu.memory_space<hbm>>
      %dma_start3A_3335 = arith.constant 0 : i32
      %dma_start3A_3336 = tpu.memref_slice %arg4[%mul3A_2, %dma_start3A_3335] : memref<128x128xi32, #tpu.memory_space<hbm>> -> memref<4x128xi32, #tpu.memory_space<hbm>>
      tpu.enqueue_dma source(%dma_start3A_3336 : memref<4x128xi32, #tpu.memory_space<hbm>>) target(%arg9 : memref<4x128xi32, #tpu.memory_space<vmem>>) target_semaphore(%run_scoped3A : memref<!tpu.dma_semaphore, #tpu.memory_space<semaphore_mem>>)
      %dma_wait3A_3337 = arith.constant 0 : i32
      %dma_wait3A_3338 = tpu.memref_slice %arg4[%mul3A_2, %dma_wait3A_3337] : memref<128x128xi32, #tpu.memory_space<hbm>> -> memref<4x128xi32, #tpu.memory_space<hbm>>
      %dma_wait3A_3339 = arith.constant 0 : i32
      %dma_wait3A_3340 = tpu.memref_slice %arg4[%mul3A_2, %dma_wait3A_3339] : memref<128x128xi32, #tpu.memory_space<hbm>> -> memref<4x128xi32, #tpu.memory_space<hbm>>
      tpu.wait_dma2 semaphore(%run_scoped3A : memref<!tpu.dma_semaphore, #tpu.memory_space<semaphore_mem>>) src(%dma_wait3A_3340 : memref<4x128xi32, #tpu.memory_space<hbm>>) dst(%arg9 : memref<4x128xi32, #tpu.memory_space<vmem>>)
      tpu.yield
    }) : () -> ()
    "tpu.region"() ({
      %run_scoped3A = tpu.sem_alloc : memref<!tpu.dma_semaphore, #tpu.memory_space<semaphore_mem>>
      %dma_start3A_3333 = arith.constant 0 : i32
      %dma_start3A_3334 = tpu.memref_slice %arg5[%mul3A_2, %dma_start3A_3333] : memref<128x128xi32, #tpu.memory_space<hbm>> -> memref<4x128xi32, #tpu.memory_space<hbm>>
      %dma_start3A_3335 = arith.constant 0 : i32
      %dma_start3A_3336 = tpu.memref_slice %arg5[%mul3A_2, %dma_start3A_3335] : memref<128x128xi32, #tpu.memory_space<hbm>> -> memref<4x128xi32, #tpu.memory_space<hbm>>
      tpu.enqueue_dma source(%dma_start3A_3336 : memref<4x128xi32, #tpu.memory_space<hbm>>) target(%arg10 : memref<4x128xi32, #tpu.memory_space<vmem>>) target_semaphore(%run_scoped3A : memref<!tpu.dma_semaphore, #tpu.memory_space<semaphore_mem>>)
      %dma_wait3A_3337 = arith.constant 0 : i32
      %dma_wait3A_3338 = tpu.memref_slice %arg5[%mul3A_2, %dma_wait3A_3337] : memref<128x128xi32, #tpu.memory_space<hbm>> -> memref<4x128xi32, #tpu.memory_space<hbm>>
      %dma_wait3A_3339 = arith.constant 0 : i32
      %dma_wait3A_3340 = tpu.memref_slice %arg5[%mul3A_2, %dma_wait3A_3339] : memref<128x128xi32, #tpu.memory_space<hbm>> -> memref<4x128xi32, #tpu.memory_space<hbm>>
      tpu.wait_dma2 semaphore(%run_scoped3A : memref<!tpu.dma_semaphore, #tpu.memory_space<semaphore_mem>>) src(%dma_wait3A_3340 : memref<4x128xi32, #tpu.memory_space<hbm>>) dst(%arg10 : memref<4x128xi32, #tpu.memory_space<vmem>>)
      tpu.yield
    }) : () -> ()
    %get3A = arith.constant 0 : i32
    %get3A_3 = arith.constant 0 : i32
    %get3A_4 = tpu.memref_slice %arg8[%get3A, %get3A_3] : memref<4x128xi32, #tpu.memory_space<vmem>> -> memref<1x128xi32, #tpu.memory_space<vmem>>
    %get3A_5 = tpu.memref_squeeze %get3A_4 : memref<1x128xi32, #tpu.memory_space<vmem>> -> memref<128xi32, #tpu.memory_space<vmem>>
    %get3A_6 = arith.constant 0 : index
    %get3A_7 = tpu.vector_load %get3A_5[%get3A_6] {strides = array<i32>} : memref<128xi32, #tpu.memory_space<vmem>>, vector<16xi32>,
    %shift_right_logical3A = arith.constant 2 : i32
    %shift_right_logical3A_8 = vector.broadcast %shift_right_logical3A : i32 to vector<16xi32>
    %shift_right_logical3A_9 = arith.shrui %get3A_7, %shift_right_logical3A_8 : vector<16xi32>
    %swap3A = arith.constant 0 : i32
    %swap3A_10 = arith.constant 0 : i32
    %swap3A_11 = tpu.memref_slice %arg11[%swap3A, %swap3A_10] : memref<4x128xi32, #tpu.memory_space<vmem>> -> memref<1x128xi32, #tpu.memory_space<vmem>>
    %swap3A_12 = tpu.memref_squeeze %swap3A_11 : memref<1x128xi32, #tpu.memory_space<vmem>> -> memref<128xi32, #tpu.memory_space<vmem>>
    %swap3A_13 = arith.constant 0 : index
    %swap3A_14 = tpu.vector_load %swap3A_12[%swap3A_13] {strides = array<i32>} : memref<128xi32, #tpu.memory_space<vmem>>, vector<16xi32>,
    tpu.vector_store %swap3A_12[%swap3A_13], %shift_right_logical3A_9 {strides = array<i32>} : memref<128xi32, #tpu.memory_space<vmem>>, vector<16xi32>,
    %get3A_15 = arith.constant 0 : i32
    %get3A_16 = arith.constant 0 : i32
    %get3A_17 = tpu.memref_slice %arg8[%get3A_15, %get3A_16] : memref<4x128xi32, #tpu.memory_space<vmem>> -> memref<1x128xi32, #tpu.memory_space<vmem>>
    %get3A_18 = tpu.memref_squeeze %get3A_17 : memref<1x128xi32, #tpu.memory_space<vmem>> -> memref<128xi32, #tpu.memory_space<vmem>>
    %get3A_19 = arith.constant 16 : index
    %get3A_20 = tpu.vector_load %get3A_18[%get3A_19] {strides = array<i32>} : memref<128xi32, #tpu.memory_space<vmem>>, vector<16xi32>,
    %shift_right_logical3A_21 = arith.constant 2 : i32
    %shift_right_logical3A_22 = vector.broadcast %shift_right_logical3A_21 : i32 to vector<16xi32>
    %shift_right_logical3A_23 = arith.shrui %get3A_20, %shift_right_logical3A_22 : vector<16xi32>
    %swap3A_24 = arith.constant 0 : i32
    %swap3A_25 = arith.constant 0 : i32
    %swap3A_26 = tpu.memref_slice %arg11[%swap3A_24, %swap3A_25] : memref<4x128xi32, #tpu.memory_space<vmem>> -> memref<1x128xi32, #tpu.memory_space<vmem>>
    %swap3A_27 = tpu.memref_squeeze %swap3A_26 : memref<1x128xi32, #tpu.memory_space<vmem>> -> memref<128xi32, #tpu.memory_space<vmem>>
    %swap3A_28 = arith.constant 16 : index
    %swap3A_29 = tpu.vector_load %swap3A_27[%swap3A_28] {strides = array<i32>} : memref<128xi32, #tpu.memory_space<vmem>>, vector<16xi32>,
    tpu.vector_store %swap3A_27[%swap3A_28], %shift_right_logical3A_23 {strides = array<i32>} : memref<128xi32, #tpu.memory_space<vmem>>, vector<16xi32>,
    %get3A_30 = arith.constant 0 : i32
    %get3A_31 = arith.constant 0 : i32
    %get3A_32 = tpu.memref_slice %arg8[%get3A_30, %get3A_31] : memref<4x128xi32, #tpu.memory_space<vmem>> -> memref<1x128xi32, #tpu.memory_space<vmem>>
    %get3A_33 = tpu.memref_squeeze %get3A_32 : memref<1x128xi32, #tpu.memory_space<vmem>> -> memref<128xi32, #tpu.memory_space<vmem>>
    %get3A_34 = arith.constant 32 : index
    %get3A_35 = tpu.vector_load %get3A_33[%get3A_34] {strides = array<i32>} : memref<128xi32, #tpu.memory_space<vmem>>, vector<16xi32>,
    %shift_right_logical3A_36 = arith.constant 2 : i32
    %shift_right_logical3A_37 = vector.broadcast %shift_right_logical3A_36 : i32 to vector<16xi32>
    %shift_right_logical3A_38 = arith.shrui %get3A_35, %shift_right_logical3A_37 : vector<16xi32>
    %swap3A_39 = arith.constant 0 : i32
    %swap3A_40 = arith.constant 0 : i32
    %swap3A_41 = tpu.memref_slice %arg11[%swap3A_39, %swap3A_40] : memref<4x128xi32, #tpu.memory_space<vmem>> -> memref<1x128xi32, #tpu.memory_space<vmem>>
    %swap3A_42 = tpu.memref_squeeze %swap3A_41 : memref<1x128xi32, #tpu.memory_space<vmem>> -> memref<128xi32, #tpu.memory_space<vmem>>
    %swap3A_43 = arith.constant 32 : index
    %swap3A_44 = tpu.vector_load %swap3A_42[%swap3A_43] {strides = array<i32>} : memref<128xi32, #tpu.memory_space<vmem>>, vector<16xi32>,
    tpu.vector_store %swap3A_42[%swap3A_43], %shift_right_logical3A_38 {strides = array<i32>} : memref<128xi32, #tpu.memory_space<vmem>>, vector<16xi32>,
    %get3A_45 = arith.constant 0 : i32
    %get3A_46 = arith.constant 0 : i32
    %get3A_47 = tpu.memref_slice %arg8[%get3A_45, %get3A_46] : memref<4x128xi32, #tpu.memory_space<vmem>> -> memref<1x128xi32, #tpu.memory_space<vmem>>
    %get3A_48 = tpu.memref_squeeze %get3A_47 : memref<1x128xi32, #tpu.memory_space<vmem>> -> memref<128xi32, #tpu.memory_space<vmem>>
    %get3A_49 = arith.constant 48 : index
    %get3A_50 = tpu.vector_load %get3A_48[%get3A_49] {strides = array<i32>} : memref<128xi32, #tpu.memory_space<vmem>>, vector<16xi32>,
    %shift_right_logical3A_51 = arith.constant 2 : i32
    %shift_right_logical3A_52 = vector.broadcast %shift_right_logical3A_51 : i32 to vector<16xi32>
    %shift_right_logical3A_53 = arith.shrui %get3A_50, %shift_right_logical3A_52 : vector<16xi32>
    %swap3A_54 = arith.constant 0 : i32
    %swap3A_55 = arith.constant 0 : i32
    %swap3A_56 = tpu.memref_slice %arg11[%swap3A_54, %swap3A_55] : memref<4x128xi32, #tpu.memory_space<vmem>> -> memref<1x128xi32, #tpu.memory_space<vmem>>
    %swap3A_57 = tpu.memref_squeeze %swap3A_56 : memref<1x128xi32, #tpu.memory_space<vmem>> -> memref<128xi32, #tpu.memory_space<vmem>>
    %swap3A_58 = arith.constant 48 : index
    %swap3A_59 = tpu.vector_load %swap3A_57[%swap3A_58] {strides = array<i32>} : memref<128xi32, #tpu.memory_space<vmem>>, vector<16xi32>,
    tpu.vector_store %swap3A_57[%swap3A_58], %shift_right_logical3A_53 {strides = array<i32>} : memref<128xi32, #tpu.memory_space<vmem>>, vector<16xi32>,
    %get3A_60 = arith.constant 0 : i32
    %get3A_61 = arith.constant 0 : i32
    %get3A_62 = tpu.memref_slice %arg8[%get3A_60, %get3A_61] : memref<4x128xi32, #tpu.memory_space<vmem>> -> memref<1x128xi32, #tpu.memory_space<vmem>>
    %get3A_63 = tpu.memref_squeeze %get3A_62 : memref<1x128xi32, #tpu.memory_space<vmem>> -> memref<128xi32, #tpu.memory_space<vmem>>
    %get3A_64 = arith.constant 64 : index
    %get3A_65 = tpu.vector_load %get3A_63[%get3A_64] {strides = array<i32>} : memref<128xi32, #tpu.memory_space<vmem>>, vector<16xi32>,
    %shift_right_logical3A_66 = arith.constant 2 : i32
    %shift_right_logical3A_67 = vector.broadcast %shift_right_logical3A_66 : i32 to vector<16xi32>
    %shift_right_logical3A_68 = arith.shrui %get3A_65, %shift_right_logical3A_67 : vector<16xi32>
    %swap3A_69 = arith.constant 0 : i32
    %swap3A_70 = arith.constant 0 : i32
    %swap3A_71 = tpu.memref_slice %arg11[%swap3A_69, %swap3A_70] : memref<4x128xi32, #tpu.memory_space<vmem>> -> memref<1x128xi32, #tpu.memory_space<vmem>>
    %swap3A_72 = tpu.memref_squeeze %swap3A_71 : memref<1x128xi32, #tpu.memory_space<vmem>> -> memref<128xi32, #tpu.memory_space<vmem>>
    %swap3A_73 = arith.constant 64 : index
    %swap3A_74 = tpu.vector_load %swap3A_72[%swap3A_73] {strides = array<i32>} : memref<128xi32, #tpu.memory_space<vmem>>, vector<16xi32>,
    tpu.vector_store %swap3A_72[%swap3A_73], %shift_right_logical3A_68 {strides = array<i32>} : memref<128xi32, #tpu.memory_space<vmem>>, vector<16xi32>,
    %get3A_75 = arith.constant 0 : i32
    %get3A_76 = arith.constant 0 : i32
    %get3A_77 = tpu.memref_slice %arg8[%get3A_75, %get3A_76] : memref<4x128xi32, #tpu.memory_space<vmem>> -> memref<1x128xi32, #tpu.memory_space<vmem>>
    %get3A_78 = tpu.memref_squeeze %get3A_77 : memref<1x128xi32, #tpu.memory_space<vmem>> -> memref<128xi32, #tpu.memory_space<vmem>>
    %get3A_79 = arith.constant 80 : index
    %get3A_80 = tpu.vector_load %get3A_78[%get3A_79] {strides = array<i32>} : memref<128xi32, #tpu.memory_space<vmem>>, vector<16xi32>,
    %shift_right_logical3A_81 = arith.constant 2 : i32
    %shift_right_logical3A_82 = vector.broadcast %shift_right_logical3A_81 : i32 to vector<16xi32>
    %shift_right_logical3A_83 = arith.shrui %get3A_80, %shift_right_logical3A_82 : vector<16xi32>
    %swap3A_84 = arith.constant 0 : i32
    %swap3A_85 = arith.constant 0 : i32
    %swap3A_86 = tpu.memref_slice %arg11[%swap3A_84, %swap3A_85] : memref<4x128xi32, #tpu.memory_space<vmem>> -> memref<1x128xi32, #tpu.memory_space<vmem>>
    %swap3A_87 = tpu.memref_squeeze %swap3A_86 : memref<1x128xi32, #tpu.memory_space<vmem>> -> memref<128xi32, #tpu.memory_space<vmem>>
    %swap3A_88 = arith.constant 80 : index
    %swap3A_89 = tpu.vector_load %swap3A_87[%swap3A_88] {strides = array<i32>} : memref<128xi32, #tpu.memory_space<vmem>>, vector<16xi32>,
    tpu.vector_store %swap3A_87[%swap3A_88], %shift_right_logical3A_83 {strides = array<i32>} : memref<128xi32, #tpu.memory_space<vmem>>, vector<16xi32>,
    %get3A_90 = arith.constant 0 : i32
    %get3A_91 = arith.constant 0 : i32
    %get3A_92 = tpu.memref_slice %arg8[%get3A_90, %get3A_91] : memref<4x128xi32, #tpu.memory_space<vmem>> -> memref<1x128xi32, #tpu.memory_space<vmem>>
    %get3A_93 = tpu.memref_squeeze %get3A_92 : memref<1x128xi32, #tpu.memory_space<vmem>> -> memref<128xi32, #tpu.memory_space<vmem>>
    %get3A_94 = arith.constant 96 : index
    %get3A_95 = tpu.vector_load %get3A_93[%get3A_94] {strides = array<i32>} : memref<128xi32, #tpu.memory_space<vmem>>, vector<16xi32>,
    %shift_right_logical3A_96 = arith.constant 2 : i32
    %shift_right_logical3A_97 = vector.broadcast %shift_right_logical3A_96 : i32 to vector<16xi32>
    %shift_right_logical3A_98 = arith.shrui %get3A_95, %shift_right_logical3A_97 : vector<16xi32>
    %swap3A_99 = arith.constant 0 : i32
    %swap3A_100 = arith.constant 0 : i32
    %swap3A_101 = tpu.memref_slice %arg11[%swap3A_99, %swap3A_100] : memref<4x128xi32, #tpu.memory_space<vmem>> -> memref<1x128xi32, #tpu.memory_space<vmem>>
    %swap3A_102 = tpu.memref_squeeze %swap3A_101 : memref<1x128xi32, #tpu.memory_space<vmem>> -> memref<128xi32, #tpu.memory_space<vmem>>
    %swap3A_103 = arith.constant 96 : index
    %swap3A_104 = tpu.vector_load %swap3A_102[%swap3A_103] {strides = array<i32>} : memref<128xi32, #tpu.memory_space<vmem>>, vector<16xi32>,
    tpu.vector_store %swap3A_102[%swap3A_103], %shift_right_logical3A_98 {strides = array<i32>} : memref<128xi32, #tpu.memory_space<vmem>>, vector<16xi32>,
    %get3A_105 = arith.constant 0 : i32
    %get3A_106 = arith.constant 0 : i32
    %get3A_107 = tpu.memref_slice %arg8[%get3A_105, %get3A_106] : memref<4x128xi32, #tpu.memory_space<vmem>> -> memref<1x128xi32, #tpu.memory_space<vmem>>
    %get3A_108 = tpu.memref_squeeze %get3A_107 : memref<1x128xi32, #tpu.memory_space<vmem>> -> memref<128xi32, #tpu.memory_space<vmem>>
    %get3A_109 = arith.constant 112 : index
    %get3A_110 = tpu.vector_load %get3A_108[%get3A_109] {strides = array<i32>} : memref<128xi32, #tpu.memory_space<vmem>>, vector<16xi32>,
    %shift_right_logical3A_111 = arith.constant 2 : i32
    %shift_right_logical3A_112 = vector.broadcast %shift_right_logical3A_111 : i32 to vector<16xi32>
    %shift_right_logical3A_113 = arith.shrui %get3A_110, %shift_right_logical3A_112 : vector<16xi32>
    %swap3A_114 = arith.constant 0 : i32
    %swap3A_115 = arith.constant 0 : i32
    %swap3A_116 = tpu.memref_slice %arg11[%swap3A_114, %swap3A_115] : memref<4x128xi32, #tpu.memory_space<vmem>> -> memref<1x128xi32, #tpu.memory_space<vmem>>
    %swap3A_117 = tpu.memref_squeeze %swap3A_116 : memref<1x128xi32, #tpu.memory_space<vmem>> -> memref<128xi32, #tpu.memory_space<vmem>>
    %swap3A_118 = arith.constant 112 : index
    %swap3A_119 = tpu.vector_load %swap3A_117[%swap3A_118] {strides = array<i32>} : memref<128xi32, #tpu.memory_space<vmem>>, vector<16xi32>,
    tpu.vector_store %swap3A_117[%swap3A_118], %shift_right_logical3A_113 {strides = array<i32>} : memref<128xi32, #tpu.memory_space<vmem>>, vector<16xi32>,
    %get3A_120 = arith.constant 1 : i32
    %get3A_121 = arith.constant 0 : i32
    %get3A_122 = tpu.memref_slice %arg8[%get3A_120, %get3A_121] : memref<4x128xi32, #tpu.memory_space<vmem>> -> memref<1x128xi32, #tpu.memory_space<vmem>>
    %get3A_123 = tpu.memref_squeeze %get3A_122 : memref<1x128xi32, #tpu.memory_space<vmem>> -> memref<128xi32, #tpu.memory_space<vmem>>
    %get3A_124 = arith.constant 0 : index
    %get3A_125 = tpu.vector_load %get3A_123[%get3A_124] {strides = array<i32>} : memref<128xi32, #tpu.memory_space<vmem>>, vector<16xi32>,
    %shift_right_logical3A_126 = arith.constant 2 : i32
    %shift_right_logical3A_127 = vector.broadcast %shift_right_logical3A_126 : i32 to vector<16xi32>
    %shift_right_logical3A_128 = arith.shrui %get3A_125, %shift_right_logical3A_127 : vector<16xi32>
    %swap3A_129 = arith.constant 1 : i32
    %swap3A_130 = arith.constant 0 : i32
    %swap3A_131 = tpu.memref_slice %arg11[%swap3A_129, %swap3A_130] : memref<4x128xi32, #tpu.memory_space<vmem>> -> memref<1x128xi32, #tpu.memory_space<vmem>>
    %swap3A_132 = tpu.memref_squeeze %swap3A_131 : memref<1x128xi32, #tpu.memory_space<vmem>> -> memref<128xi32, #tpu.memory_space<vmem>>
    %swap3A_133 = arith.constant 0 : index
    %swap3A_134 = tpu.vector_load %swap3A_132[%swap3A_133] {strides = array<i32>} : memref<128xi32, #tpu.memory_space<vmem>>, vector<16xi32>,
    tpu.vector_store %swap3A_132[%swap3A_133], %shift_right_logical3A_128 {strides = array<i32>} : memref<128xi32, #tpu.memory_space<vmem>>, vector<16xi32>,
    %get3A_135 = arith.constant 1 : i32
    %get3A_136 = arith.constant 0 : i32
    %get3A_137 = tpu.memref_slice %arg8[%get3A_135, %get3A_136] : memref<4x128xi32, #tpu.memory_space<vmem>> -> memref<1x128xi32, #tpu.memory_space<vmem>>
    %get3A_138 = tpu.memref_squeeze %get3A_137 : memref<1x128xi32, #tpu.memory_space<vmem>> -> memref<128xi32, #tpu.memory_space<vmem>>
    %get3A_139 = arith.constant 16 : index
    %get3A_140 = tpu.vector_load %get3A_138[%get3A_139] {strides = array<i32>} : memref<128xi32, #tpu.memory_space<vmem>>, vector<16xi32>,
    %shift_right_logical3A_141 = arith.constant 2 : i32
    %shift_right_logical3A_142 = vector.broadcast %shift_right_logical3A_141 : i32 to vector<16xi32>
    %shift_right_logical3A_143 = arith.shrui %get3A_140, %shift_right_logical3A_142 : vector<16xi32>
    %swap3A_144 = arith.constant 1 : i32
    %swap3A_145 = arith.constant 0 : i32
    %swap3A_146 = tpu.memref_slice %arg11[%swap3A_144, %swap3A_145] : memref<4x128xi32, #tpu.memory_space<vmem>> -> memref<1x128xi32, #tpu.memory_space<vmem>>
    %swap3A_147 = tpu.memref_squeeze %swap3A_146 : memref<1x128xi32, #tpu.memory_space<vmem>> -> memref<128xi32, #tpu.memory_space<vmem>>
    %swap3A_148 = arith.constant 16 : index
    %swap3A_149 = tpu.vector_load %swap3A_147[%swap3A_148] {strides = array<i32>} : memref<128xi32, #tpu.memory_space<vmem>>, vector<16xi32>,
    tpu.vector_store %swap3A_147[%swap3A_148], %shift_right_logical3A_143 {strides = array<i32>} : memref<128xi32, #tpu.memory_space<vmem>>, vector<16xi32>,
    %get3A_150 = arith.constant 1 : i32
    %get3A_151 = arith.constant 0 : i32
    %get3A_152 = tpu.memref_slice %arg8[%get3A_150, %get3A_151] : memref<4x128xi32, #tpu.memory_space<vmem>> -> memref<1x128xi32, #tpu.memory_space<vmem>>
    %get3A_153 = tpu.memref_squeeze %get3A_152 : memref<1x128xi32, #tpu.memory_space<vmem>> -> memref<128xi32, #tpu.memory_space<vmem>>
    %get3A_154 = arith.constant 32 : index
    %get3A_155 = tpu.vector_load %get3A_153[%get3A_154] {strides = array<i32>} : memref<128xi32, #tpu.memory_space<vmem>>, vector<16xi32>,
    %shift_right_logical3A_156 = arith.constant 2 : i32
    %shift_right_logical3A_157 = vector.broadcast %shift_right_logical3A_156 : i32 to vector<16xi32>
    %shift_right_logical3A_158 = arith.shrui %get3A_155, %shift_right_logical3A_157 : vector<16xi32>
    %swap3A_159 = arith.constant 1 : i32
    %swap3A_160 = arith.constant 0 : i32
    %swap3A_161 = tpu.memref_slice %arg11[%swap3A_159, %swap3A_160] : memref<4x128xi32, #tpu.memory_space<vmem>> -> memref<1x128xi32, #tpu.memory_space<vmem>>
    %swap3A_162 = tpu.memref_squeeze %swap3A_161 : memref<1x128xi32, #tpu.memory_space<vmem>> -> memref<128xi32, #tpu.memory_space<vmem>>
    %swap3A_163 = arith.constant 32 : index
    %swap3A_164 = tpu.vector_load %swap3A_162[%swap3A_163] {strides = array<i32>} : memref<128xi32, #tpu.memory_space<vmem>>, vector<16xi32>,
    tpu.vector_store %swap3A_162[%swap3A_163], %shift_right_logical3A_158 {strides = array<i32>} : memref<128xi32, #tpu.memory_space<vmem>>, vector<16xi32>,
    %get3A_165 = arith.constant 1 : i32
    %get3A_166 = arith.constant 0 : i32
    %get3A_167 = tpu.memref_slice %arg8[%get3A_165, %get3A_166] : memref<4x128xi32, #tpu.memory_space<vmem>> -> memref<1x128xi32, #tpu.memory_space<vmem>>
    %get3A_168 = tpu.memref_squeeze %get3A_167 : memref<1x128xi32, #tpu.memory_space<vmem>> -> memref<128xi32, #tpu.memory_space<vmem>>
    %get3A_169 = arith.constant 48 : index
    %get3A_170 = tpu.vector_load %get3A_168[%get3A_169] {strides = array<i32>} : memref<128xi32, #tpu.memory_space<vmem>>, vector<16xi32>,
    %shift_right_logical3A_171 = arith.constant 2 : i32
    %shift_right_logical3A_172 = vector.broadcast %shift_right_logical3A_171 : i32 to vector<16xi32>
    %shift_right_logical3A_173 = arith.shrui %get3A_170, %shift_right_logical3A_172 : vector<16xi32>
    %swap3A_174 = arith.constant 1 : i32
    %swap3A_175 = arith.constant 0 : i32
    %swap3A_176 = tpu.memref_slice %arg11[%swap3A_174, %swap3A_175] : memref<4x128xi32, #tpu.memory_space<vmem>> -> memref<1x128xi32, #tpu.memory_space<vmem>>
    %swap3A_177 = tpu.memref_squeeze %swap3A_176 : memref<1x128xi32, #tpu.memory_space<vmem>> -> memref<128xi32, #tpu.memory_space<vmem>>
    %swap3A_178 = arith.constant 48 : index
    %swap3A_179 = tpu.vector_load %swap3A_177[%swap3A_178] {strides = array<i32>} : memref<128xi32, #tpu.memory_space<vmem>>, vector<16xi32>,
    tpu.vector_store %swap3A_177[%swap3A_178], %shift_right_logical3A_173 {strides = array<i32>} : memref<128xi32, #tpu.memory_space<vmem>>, vector<16xi32>,
    %get3A_180 = arith.constant 1 : i32
    %get3A_181 = arith.constant 0 : i32
    %get3A_182 = tpu.memref_slice %arg8[%get3A_180, %get3A_181] : memref<4x128xi32, #tpu.memory_space<vmem>> -> memref<1x128xi32, #tpu.memory_space<vmem>>
    %get3A_183 = tpu.memref_squeeze %get3A_182 : memref<1x128xi32, #tpu.memory_space<vmem>> -> memref<128xi32, #tpu.memory_space<vmem>>
    %get3A_184 = arith.constant 64 : index
    %get3A_185 = tpu.vector_load %get3A_183[%get3A_184] {strides = array<i32>} : memref<128xi32, #tpu.memory_space<vmem>>, vector<16xi32>,
    %shift_right_logical3A_186 = arith.constant 2 : i32
    %shift_right_logical3A_187 = vector.broadcast %shift_right_logical3A_186 : i32 to vector<16xi32>
    %shift_right_logical3A_188 = arith.shrui %get3A_185, %shift_right_logical3A_187 : vector<16xi32>
    %swap3A_189 = arith.constant 1 : i32
    %swap3A_190 = arith.constant 0 : i32
    %swap3A_191 = tpu.memref_slice %arg11[%swap3A_189, %swap3A_190] : memref<4x128xi32, #tpu.memory_space<vmem>> -> memref<1x128xi32, #tpu.memory_space<vmem>>
    %swap3A_192 = tpu.memref_squeeze %swap3A_191 : memref<1x128xi32, #tpu.memory_space<vmem>> -> memref<128xi32, #tpu.memory_space<vmem>>
    %swap3A_193 = arith.constant 64 : index
    %swap3A_194 = tpu.vector_load %swap3A_192[%swap3A_193] {strides = array<i32>} : memref<128xi32, #tpu.memory_space<vmem>>, vector<16xi32>,
    tpu.vector_store %swap3A_192[%swap3A_193], %shift_right_logical3A_188 {strides = array<i32>} : memref<128xi32, #tpu.memory_space<vmem>>, vector<16xi32>,
    %get3A_195 = arith.constant 1 : i32
    %get3A_196 = arith.constant 0 : i32
    %get3A_197 = tpu.memref_slice %arg8[%get3A_195, %get3A_196] : memref<4x128xi32, #tpu.memory_space<vmem>> -> memref<1x128xi32, #tpu.memory_space<vmem>>
    %get3A_198 = tpu.memref_squeeze %get3A_197 : memref<1x128xi32, #tpu.memory_space<vmem>> -> memref<128xi32, #tpu.memory_space<vmem>>
    %get3A_199 = arith.constant 80 : index
    %get3A_200 = tpu.vector_load %get3A_198[%get3A_199] {strides = array<i32>} : memref<128xi32, #tpu.memory_space<vmem>>, vector<16xi32>,
    %shift_right_logical3A_201 = arith.constant 2 : i32
    %shift_right_logical3A_202 = vector.broadcast %shift_right_logical3A_201 : i32 to vector<16xi32>
    %shift_right_logical3A_203 = arith.shrui %get3A_200, %shift_right_logical3A_202 : vector<16xi32>
    %swap3A_204 = arith.constant 1 : i32
    %swap3A_205 = arith.constant 0 : i32
    %swap3A_206 = tpu.memref_slice %arg11[%swap3A_204, %swap3A_205] : memref<4x128xi32, #tpu.memory_space<vmem>> -> memref<1x128xi32, #tpu.memory_space<vmem>>
    %swap3A_207 = tpu.memref_squeeze %swap3A_206 : memref<1x128xi32, #tpu.memory_space<vmem>> -> memref<128xi32, #tpu.memory_space<vmem>>
    %swap3A_208 = arith.constant 80 : index
    %swap3A_209 = tpu.vector_load %swap3A_207[%swap3A_208] {strides = array<i32>} : memref<128xi32, #tpu.memory_space<vmem>>, vector<16xi32>,
    tpu.vector_store %swap3A_207[%swap3A_208], %shift_right_logical3A_203 {strides = array<i32>} : memref<128xi32, #tpu.memory_space<vmem>>, vector<16xi32>,
    %get3A_210 = arith.constant 1 : i32
    %get3A_211 = arith.constant 0 : i32
    %get3A_212 = tpu.memref_slice %arg8[%get3A_210, %get3A_211] : memref<4x128xi32, #tpu.memory_space<vmem>> -> memref<1x128xi32, #tpu.memory_space<vmem>>
    %get3A_213 = tpu.memref_squeeze %get3A_212 : memref<1x128xi32, #tpu.memory_space<vmem>> -> memref<128xi32, #tpu.memory_space<vmem>>
    %get3A_214 = arith.constant 96 : index
    %get3A_215 = tpu.vector_load %get3A_213[%get3A_214] {strides = array<i32>} : memref<128xi32, #tpu.memory_space<vmem>>, vector<16xi32>,
    %shift_right_logical3A_216 = arith.constant 2 : i32
    %shift_right_logical3A_217 = vector.broadcast %shift_right_logical3A_216 : i32 to vector<16xi32>
    %shift_right_logical3A_218 = arith.shrui %get3A_215, %shift_right_logical3A_217 : vector<16xi32>
    %swap3A_219 = arith.constant 1 : i32
    %swap3A_220 = arith.constant 0 : i32
    %swap3A_221 = tpu.memref_slice %arg11[%swap3A_219, %swap3A_220] : memref<4x128xi32, #tpu.memory_space<vmem>> -> memref<1x128xi32, #tpu.memory_space<vmem>>
    %swap3A_222 = tpu.memref_squeeze %swap3A_221 : memref<1x128xi32, #tpu.memory_space<vmem>> -> memref<128xi32, #tpu.memory_space<vmem>>
    %swap3A_223 = arith.constant 96 : index
    %swap3A_224 = tpu.vector_load %swap3A_222[%swap3A_223] {strides = array<i32>} : memref<128xi32, #tpu.memory_space<vmem>>, vector<16xi32>,
    tpu.vector_store %swap3A_222[%swap3A_223], %shift_right_logical3A_218 {strides = array<i32>} : memref<128xi32, #tpu.memory_space<vmem>>, vector<16xi32>,
    %get3A_225 = arith.constant 1 : i32
    %get3A_226 = arith.constant 0 : i32
    %get3A_227 = tpu.memref_slice %arg8[%get3A_225, %get3A_226] : memref<4x128xi32, #tpu.memory_space<vmem>> -> memref<1x128xi32, #tpu.memory_space<vmem>>
    %get3A_228 = tpu.memref_squeeze %get3A_227 : memref<1x128xi32, #tpu.memory_space<vmem>> -> memref<128xi32, #tpu.memory_space<vmem>>
    %get3A_229 = arith.constant 112 : index
    %get3A_230 = tpu.vector_load %get3A_228[%get3A_229] {strides = array<i32>} : memref<128xi32, #tpu.memory_space<vmem>>, vector<16xi32>,
    %shift_right_logical3A_231 = arith.constant 2 : i32
    %shift_right_logical3A_232 = vector.broadcast %shift_right_logical3A_231 : i32 to vector<16xi32>
    %shift_right_logical3A_233 = arith.shrui %get3A_230, %shift_right_logical3A_232 : vector<16xi32>
    %swap3A_234 = arith.constant 1 : i32
    %swap3A_235 = arith.constant 0 : i32
    %swap3A_236 = tpu.memref_slice %arg11[%swap3A_234, %swap3A_235] : memref<4x128xi32, #tpu.memory_space<vmem>> -> memref<1x128xi32, #tpu.memory_space<vmem>>
    %swap3A_237 = tpu.memref_squeeze %swap3A_236 : memref<1x128xi32, #tpu.memory_space<vmem>> -> memref<128xi32, #tpu.memory_space<vmem>>
    %swap3A_238 = arith.constant 112 : index
    %swap3A_239 = tpu.vector_load %swap3A_237[%swap3A_238] {strides = array<i32>} : memref<128xi32, #tpu.memory_space<vmem>>, vector<16xi32>,
    tpu.vector_store %swap3A_237[%swap3A_238], %shift_right_logical3A_233 {strides = array<i32>} : memref<128xi32, #tpu.memory_space<vmem>>, vector<16xi32>,
    %get3A_240 = arith.constant 2 : i32
    %get3A_241 = arith.constant 0 : i32
    %get3A_242 = tpu.memref_slice %arg8[%get3A_240, %get3A_241] : memref<4x128xi32, #tpu.memory_space<vmem>> -> memref<1x128xi32, #tpu.memory_space<vmem>>
    %get3A_243 = tpu.memref_squeeze %get3A_242 : memref<1x128xi32, #tpu.memory_space<vmem>> -> memref<128xi32, #tpu.memory_space<vmem>>
    %get3A_244 = arith.constant 0 : index
    %get3A_245 = tpu.vector_load %get3A_243[%get3A_244] {strides = array<i32>} : memref<128xi32, #tpu.memory_space<vmem>>, vector<16xi32>,
    %shift_right_logical3A_246 = arith.constant 2 : i32
    %shift_right_logical3A_247 = vector.broadcast %shift_right_logical3A_246 : i32 to vector<16xi32>
    %shift_right_logical3A_248 = arith.shrui %get3A_245, %shift_right_logical3A_247 : vector<16xi32>
    %swap3A_249 = arith.constant 2 : i32
    %swap3A_250 = arith.constant 0 : i32
    %swap3A_251 = tpu.memref_slice %arg11[%swap3A_249, %swap3A_250] : memref<4x128xi32, #tpu.memory_space<vmem>> -> memref<1x128xi32, #tpu.memory_space<vmem>>
    %swap3A_252 = tpu.memref_squeeze %swap3A_251 : memref<1x128xi32, #tpu.memory_space<vmem>> -> memref<128xi32, #tpu.memory_space<vmem>>
    %swap3A_253 = arith.constant 0 : index
    %swap3A_254 = tpu.vector_load %swap3A_252[%swap3A_253] {strides = array<i32>} : memref<128xi32, #tpu.memory_space<vmem>>, vector<16xi32>,
    tpu.vector_store %swap3A_252[%swap3A_253], %shift_right_logical3A_248 {strides = array<i32>} : memref<128xi32, #tpu.memory_space<vmem>>, vector<16xi32>,
    %get3A_255 = arith.constant 2 : i32
    %get3A_256 = arith.constant 0 : i32
    %get3A_257 = tpu.memref_slice %arg8[%get3A_255, %get3A_256] : memref<4x128xi32, #tpu.memory_space<vmem>> -> memref<1x128xi32, #tpu.memory_space<vmem>>
    %get3A_258 = tpu.memref_squeeze %get3A_257 : memref<1x128xi32, #tpu.memory_space<vmem>> -> memref<128xi32, #tpu.memory_space<vmem>>
    %get3A_259 = arith.constant 16 : index
    %get3A_260 = tpu.vector_load %get3A_258[%get3A_259] {strides = array<i32>} : memref<128xi32, #tpu.memory_space<vmem>>, vector<16xi32>,
    %shift_right_logical3A_261 = arith.constant 2 : i32
    %shift_right_logical3A_262 = vector.broadcast %shift_right_logical3A_261 : i32 to vector<16xi32>
    %shift_right_logical3A_263 = arith.shrui %get3A_260, %shift_right_logical3A_262 : vector<16xi32>
    %swap3A_264 = arith.constant 2 : i32
    %swap3A_265 = arith.constant 0 : i32
    %swap3A_266 = tpu.memref_slice %arg11[%swap3A_264, %swap3A_265] : memref<4x128xi32, #tpu.memory_space<vmem>> -> memref<1x128xi32, #tpu.memory_space<vmem>>
    %swap3A_267 = tpu.memref_squeeze %swap3A_266 : memref<1x128xi32, #tpu.memory_space<vmem>> -> memref<128xi32, #tpu.memory_space<vmem>>
    %swap3A_268 = arith.constant 16 : index
    %swap3A_269 = tpu.vector_load %swap3A_267[%swap3A_268] {strides = array<i32>} : memref<128xi32, #tpu.memory_space<vmem>>, vector<16xi32>,
    tpu.vector_store %swap3A_267[%swap3A_268], %shift_right_logical3A_263 {strides = array<i32>} : memref<128xi32, #tpu.memory_space<vmem>>, vector<16xi32>,
    %get3A_270 = arith.constant 2 : i32
    %get3A_271 = arith.constant 0 : i32
    %get3A_272 = tpu.memref_slice %arg8[%get3A_270, %get3A_271] : memref<4x128xi32, #tpu.memory_space<vmem>> -> memref<1x128xi32, #tpu.memory_space<vmem>>
    %get3A_273 = tpu.memref_squeeze %get3A_272 : memref<1x128xi32, #tpu.memory_space<vmem>> -> memref<128xi32, #tpu.memory_space<vmem>>
    %get3A_274 = arith.constant 32 : index
    %get3A_275 = tpu.vector_load %get3A_273[%get3A_274] {strides = array<i32>} : memref<128xi32, #tpu.memory_space<vmem>>, vector<16xi32>,
    %shift_right_logical3A_276 = arith.constant 2 : i32
    %shift_right_logical3A_277 = vector.broadcast %shift_right_logical3A_276 : i32 to vector<16xi32>
    %shift_right_logical3A_278 = arith.shrui %get3A_275, %shift_right_logical3A_277 : vector<16xi32>
    %swap3A_279 = arith.constant 2 : i32
    %swap3A_280 = arith.constant 0 : i32
    %swap3A_281 = tpu.memref_slice %arg11[%swap3A_279, %swap3A_280] : memref<4x128xi32, #tpu.memory_space<vmem>> -> memref<1x128xi32, #tpu.memory_space<vmem>>
    %swap3A_282 = tpu.memref_squeeze %swap3A_281 : memref<1x128xi32, #tpu.memory_space<vmem>> -> memref<128xi32, #tpu.memory_space<vmem>>
    %swap3A_283 = arith.constant 32 : index
    %swap3A_284 = tpu.vector_load %swap3A_282[%swap3A_283] {strides = array<i32>} : memref<128xi32, #tpu.memory_space<vmem>>, vector<16xi32>,
    tpu.vector_store %swap3A_282[%swap3A_283], %shift_right_logical3A_278 {strides = array<i32>} : memref<128xi32, #tpu.memory_space<vmem>>, vector<16xi32>,
    %get3A_285 = arith.constant 2 : i32
    %get3A_286 = arith.constant 0 : i32
    %get3A_287 = tpu.memref_slice %arg8[%get3A_285, %get3A_286] : memref<4x128xi32, #tpu.memory_space<vmem>> -> memref<1x128xi32, #tpu.memory_space<vmem>>
    %get3A_288 = tpu.memref_squeeze %get3A_287 : memref<1x128xi32, #tpu.memory_space<vmem>> -> memref<128xi32, #tpu.memory_space<vmem>>
    %get3A_289 = arith.constant 48 : index
    %get3A_290 = tpu.vector_load %get3A_288[%get3A_289] {strides = array<i32>} : memref<128xi32, #tpu.memory_space<vmem>>, vector<16xi32>,
    %shift_right_logical3A_291 = arith.constant 2 : i32
    %shift_right_logical3A_292 = vector.broadcast %shift_right_logical3A_291 : i32 to vector<16xi32>
    %shift_right_logical3A_293 = arith.shrui %get3A_290, %shift_right_logical3A_292 : vector<16xi32>
    %swap3A_294 = arith.constant 2 : i32
    %swap3A_295 = arith.constant 0 : i32
    %swap3A_296 = tpu.memref_slice %arg11[%swap3A_294, %swap3A_295] : memref<4x128xi32, #tpu.memory_space<vmem>> -> memref<1x128xi32, #tpu.memory_space<vmem>>
    %swap3A_297 = tpu.memref_squeeze %swap3A_296 : memref<1x128xi32, #tpu.memory_space<vmem>> -> memref<128xi32, #tpu.memory_space<vmem>>
    %swap3A_298 = arith.constant 48 : index
    %swap3A_299 = tpu.vector_load %swap3A_297[%swap3A_298] {strides = array<i32>} : memref<128xi32, #tpu.memory_space<vmem>>, vector<16xi32>,
    tpu.vector_store %swap3A_297[%swap3A_298], %shift_right_logical3A_293 {strides = array<i32>} : memref<128xi32, #tpu.memory_space<vmem>>, vector<16xi32>,
    %get3A_300 = arith.constant 2 : i32
    %get3A_301 = arith.constant 0 : i32
    %get3A_302 = tpu.memref_slice %arg8[%get3A_300, %get3A_301] : memref<4x128xi32, #tpu.memory_space<vmem>> -> memref<1x128xi32, #tpu.memory_space<vmem>>
    %get3A_303 = tpu.memref_squeeze %get3A_302 : memref<1x128xi32, #tpu.memory_space<vmem>> -> memref<128xi32, #tpu.memory_space<vmem>>
    %get3A_304 = arith.constant 64 : index
    %get3A_305 = tpu.vector_load %get3A_303[%get3A_304] {strides = array<i32>} : memref<128xi32, #tpu.memory_space<vmem>>, vector<16xi32>,
    %shift_right_logical3A_306 = arith.constant 2 : i32
    %shift_right_logical3A_307 = vector.broadcast %shift_right_logical3A_306 : i32 to vector<16xi32>
    %shift_right_logical3A_308 = arith.shrui %get3A_305, %shift_right_logical3A_307 : vector<16xi32>
    %swap3A_309 = arith.constant 2 : i32
    %swap3A_310 = arith.constant 0 : i32
    %swap3A_311 = tpu.memref_slice %arg11[%swap3A_309, %swap3A_310] : memref<4x128xi32, #tpu.memory_space<vmem>> -> memref<1x128xi32, #tpu.memory_space<vmem>>
    %swap3A_312 = tpu.memref_squeeze %swap3A_311 : memref<1x128xi32, #tpu.memory_space<vmem>> -> memref<128xi32, #tpu.memory_space<vmem>>
    %swap3A_313 = arith.constant 64 : index
    %swap3A_314 = tpu.vector_load %swap3A_312[%swap3A_313] {strides = array<i32>} : memref<128xi32, #tpu.memory_space<vmem>>, vector<16xi32>,
    tpu.vector_store %swap3A_312[%swap3A_313], %shift_right_logical3A_308 {strides = array<i32>} : memref<128xi32, #tpu.memory_space<vmem>>, vector<16xi32>,
    %get3A_315 = arith.constant 2 : i32
    %get3A_316 = arith.constant 0 : i32
    %get3A_317 = tpu.memref_slice %arg8[%get3A_315, %get3A_316] : memref<4x128xi32, #tpu.memory_space<vmem>> -> memref<1x128xi32, #tpu.memory_space<vmem>>
    %get3A_318 = tpu.memref_squeeze %get3A_317 : memref<1x128xi32, #tpu.memory_space<vmem>> -> memref<128xi32, #tpu.memory_space<vmem>>
    %get3A_319 = arith.constant 80 : index
    %get3A_320 = tpu.vector_load %get3A_318[%get3A_319] {strides = array<i32>} : memref<128xi32, #tpu.memory_space<vmem>>, vector<16xi32>,
    %shift_right_logical3A_321 = arith.constant 2 : i32
    %shift_right_logical3A_322 = vector.broadcast %shift_right_logical3A_321 : i32 to vector<16xi32>
    %shift_right_logical3A_323 = arith.shrui %get3A_320, %shift_right_logical3A_322 : vector<16xi32>
    %swap3A_324 = arith.constant 2 : i32
    %swap3A_325 = arith.constant 0 : i32
    %swap3A_326 = tpu.memref_slice %arg11[%swap3A_324, %swap3A_325] : memref<4x128xi32, #tpu.memory_space<vmem>> -> memref<1x128xi32, #tpu.memory_space<vmem>>
    %swap3A_327 = tpu.memref_squeeze %swap3A_326 : memref<1x128xi32, #tpu.memory_space<vmem>> -> memref<128xi32, #tpu.memory_space<vmem>>
    %swap3A_328 = arith.constant 80 : index
    %swap3A_329 = tpu.vector_load %swap3A_327[%swap3A_328] {strides = array<i32>} : memref<128xi32, #tpu.memory_space<vmem>>, vector<16xi32>,
    tpu.vector_store %swap3A_327[%swap3A_328], %shift_right_logical3A_323 {strides = array<i32>} : memref<128xi32, #tpu.memory_space<vmem>>, vector<16xi32>,
    %get3A_330 = arith.constant 2 : i32
    %get3A_331 = arith.constant 0 : i32
    %get3A_332 = tpu.memref_slice %arg8[%get3A_330, %get3A_331] : memref<4x128xi32, #tpu.memory_space<vmem>> -> memref<1x128xi32, #tpu.memory_space<vmem>>
    %get3A_333 = tpu.memref_squeeze %get3A_332 : memref<1x128xi32, #tpu.memory_space<vmem>> -> memref<128xi32, #tpu.memory_space<vmem>>
    %get3A_334 = arith.constant 96 : index
    %get3A_335 = tpu.vector_load %get3A_333[%get3A_334] {strides = array<i32>} : memref<128xi32, #tpu.memory_space<vmem>>, vector<16xi32>,
    %shift_right_logical3A_336 = arith.constant 2 : i32
    %shift_right_logical3A_337 = vector.broadcast %shift_right_logical3A_336 : i32 to vector<16xi32>
    %shift_right_logical3A_338 = arith.shrui %get3A_335, %shift_right_logical3A_337 : vector<16xi32>
    %swap3A_339 = arith.constant 2 : i32
    %swap3A_340 = arith.constant 0 : i32
    %swap3A_341 = tpu.memref_slice %arg11[%swap3A_339, %swap3A_340] : memref<4x128xi32, #tpu.memory_space<vmem>> -> memref<1x128xi32, #tpu.memory_space<vmem>>
    %swap3A_342 = tpu.memref_squeeze %swap3A_341 : memref<1x128xi32, #tpu.memory_space<vmem>> -> memref<128xi32, #tpu.memory_space<vmem>>
    %swap3A_343 = arith.constant 96 : index
    %swap3A_344 = tpu.vector_load %swap3A_342[%swap3A_343] {strides = array<i32>} : memref<128xi32, #tpu.memory_space<vmem>>, vector<16xi32>,
    tpu.vector_store %swap3A_342[%swap3A_343], %shift_right_logical3A_338 {strides = array<i32>} : memref<128xi32, #tpu.memory_space<vmem>>, vector<16xi32>,
    %get3A_345 = arith.constant 2 : i32
    %get3A_346 = arith.constant 0 : i32
    %get3A_347 = tpu.memref_slice %arg8[%get3A_345, %get3A_346] : memref<4x128xi32, #tpu.memory_space<vmem>> -> memref<1x128xi32, #tpu.memory_space<vmem>>
    %get3A_348 = tpu.memref_squeeze %get3A_347 : memref<1x128xi32, #tpu.memory_space<vmem>> -> memref<128xi32, #tpu.memory_space<vmem>>
    %get3A_349 = arith.constant 112 : index
    %get3A_350 = tpu.vector_load %get3A_348[%get3A_349] {strides = array<i32>} : memref<128xi32, #tpu.memory_space<vmem>>, vector<16xi32>,
    %shift_right_logical3A_351 = arith.constant 2 : i32
    %shift_right_logical3A_352 = vector.broadcast %shift_right_logical3A_351 : i32 to vector<16xi32>
    %shift_right_logical3A_353 = arith.shrui %get3A_350, %shift_right_logical3A_352 : vector<16xi32>
    %swap3A_354 = arith.constant 2 : i32
    %swap3A_355 = arith.constant 0 : i32
    %swap3A_356 = tpu.memref_slice %arg11[%swap3A_354, %swap3A_355] : memref<4x128xi32, #tpu.memory_space<vmem>> -> memref<1x128xi32, #tpu.memory_space<vmem>>
    %swap3A_357 = tpu.memref_squeeze %swap3A_356 : memref<1x128xi32, #tpu.memory_space<vmem>> -> memref<128xi32, #tpu.memory_space<vmem>>
    %swap3A_358 = arith.constant 112 : index
    %swap3A_359 = tpu.vector_load %swap3A_357[%swap3A_358] {strides = array<i32>} : memref<128xi32, #tpu.memory_space<vmem>>, vector<16xi32>,
    tpu.vector_store %swap3A_357[%swap3A_358], %shift_right_logical3A_353 {strides = array<i32>} : memref<128xi32, #tpu.memory_space<vmem>>, vector<16xi32>,
    %get3A_360 = arith.constant 3 : i32
    %get3A_361 = arith.constant 0 : i32
    %get3A_362 = tpu.memref_slice %arg8[%get3A_360, %get3A_361] : memref<4x128xi32, #tpu.memory_space<vmem>> -> memref<1x128xi32, #tpu.memory_space<vmem>>
    %get3A_363 = tpu.memref_squeeze %get3A_362 : memref<1x128xi32, #tpu.memory_space<vmem>> -> memref<128xi32, #tpu.memory_space<vmem>>
    %get3A_364 = arith.constant 0 : index
    %get3A_365 = tpu.vector_load %get3A_363[%get3A_364] {strides = array<i32>} : memref<128xi32, #tpu.memory_space<vmem>>, vector<16xi32>,
    %shift_right_logical3A_366 = arith.constant 2 : i32
    %shift_right_logical3A_367 = vector.broadcast %shift_right_logical3A_366 : i32 to vector<16xi32>
    %shift_right_logical3A_368 = arith.shrui %get3A_365, %shift_right_logical3A_367 : vector<16xi32>
    %swap3A_369 = arith.constant 3 : i32
    %swap3A_370 = arith.constant 0 : i32
    %swap3A_371 = tpu.memref_slice %arg11[%swap3A_369, %swap3A_370] : memref<4x128xi32, #tpu.memory_space<vmem>> -> memref<1x128xi32, #tpu.memory_space<vmem>>
    %swap3A_372 = tpu.memref_squeeze %swap3A_371 : memref<1x128xi32, #tpu.memory_space<vmem>> -> memref<128xi32, #tpu.memory_space<vmem>>
    %swap3A_373 = arith.constant 0 : index
    %swap3A_374 = tpu.vector_load %swap3A_372[%swap3A_373] {strides = array<i32>} : memref<128xi32, #tpu.memory_space<vmem>>, vector<16xi32>,
    tpu.vector_store %swap3A_372[%swap3A_373], %shift_right_logical3A_368 {strides = array<i32>} : memref<128xi32, #tpu.memory_space<vmem>>, vector<16xi32>,
    %get3A_375 = arith.constant 3 : i32
    %get3A_376 = arith.constant 0 : i32
    %get3A_377 = tpu.memref_slice %arg8[%get3A_375, %get3A_376] : memref<4x128xi32, #tpu.memory_space<vmem>> -> memref<1x128xi32, #tpu.memory_space<vmem>>
    %get3A_378 = tpu.memref_squeeze %get3A_377 : memref<1x128xi32, #tpu.memory_space<vmem>> -> memref<128xi32, #tpu.memory_space<vmem>>
    %get3A_379 = arith.constant 16 : index
    %get3A_380 = tpu.vector_load %get3A_378[%get3A_379] {strides = array<i32>} : memref<128xi32, #tpu.memory_space<vmem>>, vector<16xi32>,
    %shift_right_logical3A_381 = arith.constant 2 : i32
    %shift_right_logical3A_382 = vector.broadcast %shift_right_logical3A_381 : i32 to vector<16xi32>
    %shift_right_logical3A_383 = arith.shrui %get3A_380, %shift_right_logical3A_382 : vector<16xi32>
    %swap3A_384 = arith.constant 3 : i32
    %swap3A_385 = arith.constant 0 : i32
    %swap3A_386 = tpu.memref_slice %arg11[%swap3A_384, %swap3A_385] : memref<4x128xi32, #tpu.memory_space<vmem>> -> memref<1x128xi32, #tpu.memory_space<vmem>>
    %swap3A_387 = tpu.memref_squeeze %swap3A_386 : memref<1x128xi32, #tpu.memory_space<vmem>> -> memref<128xi32, #tpu.memory_space<vmem>>
    %swap3A_388 = arith.constant 16 : index
    %swap3A_389 = tpu.vector_load %swap3A_387[%swap3A_388] {strides = array<i32>} : memref<128xi32, #tpu.memory_space<vmem>>, vector<16xi32>,
    tpu.vector_store %swap3A_387[%swap3A_388], %shift_right_logical3A_383 {strides = array<i32>} : memref<128xi32, #tpu.memory_space<vmem>>, vector<16xi32>,
    %get3A_390 = arith.constant 3 : i32
    %get3A_391 = arith.constant 0 : i32
    %get3A_392 = tpu.memref_slice %arg8[%get3A_390, %get3A_391] : memref<4x128xi32, #tpu.memory_space<vmem>> -> memref<1x128xi32, #tpu.memory_space<vmem>>
    %get3A_393 = tpu.memref_squeeze %get3A_392 : memref<1x128xi32, #tpu.memory_space<vmem>> -> memref<128xi32, #tpu.memory_space<vmem>>
    %get3A_394 = arith.constant 32 : index
    %get3A_395 = tpu.vector_load %get3A_393[%get3A_394] {strides = array<i32>} : memref<128xi32, #tpu.memory_space<vmem>>, vector<16xi32>,
    %shift_right_logical3A_396 = arith.constant 2 : i32
    %shift_right_logical3A_397 = vector.broadcast %shift_right_logical3A_396 : i32 to vector<16xi32>
    %shift_right_logical3A_398 = arith.shrui %get3A_395, %shift_right_logical3A_397 : vector<16xi32>
    %swap3A_399 = arith.constant 3 : i32
    %swap3A_400 = arith.constant 0 : i32
    %swap3A_401 = tpu.memref_slice %arg11[%swap3A_399, %swap3A_400] : memref<4x128xi32, #tpu.memory_space<vmem>> -> memref<1x128xi32, #tpu.memory_space<vmem>>
    %swap3A_402 = tpu.memref_squeeze %swap3A_401 : memref<1x128xi32, #tpu.memory_space<vmem>> -> memref<128xi32, #tpu.memory_space<vmem>>
    %swap3A_403 = arith.constant 32 : index
    %swap3A_404 = tpu.vector_load %swap3A_402[%swap3A_403] {strides = array<i32>} : memref<128xi32, #tpu.memory_space<vmem>>, vector<16xi32>,
    tpu.vector_store %swap3A_402[%swap3A_403], %shift_right_logical3A_398 {strides = array<i32>} : memref<128xi32, #tpu.memory_space<vmem>>, vector<16xi32>,
    %get3A_405 = arith.constant 3 : i32
    %get3A_406 = arith.constant 0 : i32
    %get3A_407 = tpu.memref_slice %arg8[%get3A_405, %get3A_406] : memref<4x128xi32, #tpu.memory_space<vmem>> -> memref<1x128xi32, #tpu.memory_space<vmem>>
    %get3A_408 = tpu.memref_squeeze %get3A_407 : memref<1x128xi32, #tpu.memory_space<vmem>> -> memref<128xi32, #tpu.memory_space<vmem>>
    %get3A_409 = arith.constant 48 : index
    %get3A_410 = tpu.vector_load %get3A_408[%get3A_409] {strides = array<i32>} : memref<128xi32, #tpu.memory_space<vmem>>, vector<16xi32>,
    %shift_right_logical3A_411 = arith.constant 2 : i32
    %shift_right_logical3A_412 = vector.broadcast %shift_right_logical3A_411 : i32 to vector<16xi32>
    %shift_right_logical3A_413 = arith.shrui %get3A_410, %shift_right_logical3A_412 : vector<16xi32>
    %swap3A_414 = arith.constant 3 : i32
    %swap3A_415 = arith.constant 0 : i32
    %swap3A_416 = tpu.memref_slice %arg11[%swap3A_414, %swap3A_415] : memref<4x128xi32, #tpu.memory_space<vmem>> -> memref<1x128xi32, #tpu.memory_space<vmem>>
    %swap3A_417 = tpu.memref_squeeze %swap3A_416 : memref<1x128xi32, #tpu.memory_space<vmem>> -> memref<128xi32, #tpu.memory_space<vmem>>
    %swap3A_418 = arith.constant 48 : index
    %swap3A_419 = tpu.vector_load %swap3A_417[%swap3A_418] {strides = array<i32>} : memref<128xi32, #tpu.memory_space<vmem>>, vector<16xi32>,
    tpu.vector_store %swap3A_417[%swap3A_418], %shift_right_logical3A_413 {strides = array<i32>} : memref<128xi32, #tpu.memory_space<vmem>>, vector<16xi32>,
    %get3A_420 = arith.constant 3 : i32
    %get3A_421 = arith.constant 0 : i32
    %get3A_422 = tpu.memref_slice %arg8[%get3A_420, %get3A_421] : memref<4x128xi32, #tpu.memory_space<vmem>> -> memref<1x128xi32, #tpu.memory_space<vmem>>
    %get3A_423 = tpu.memref_squeeze %get3A_422 : memref<1x128xi32, #tpu.memory_space<vmem>> -> memref<128xi32, #tpu.memory_space<vmem>>
    %get3A_424 = arith.constant 64 : index
    %get3A_425 = tpu.vector_load %get3A_423[%get3A_424] {strides = array<i32>} : memref<128xi32, #tpu.memory_space<vmem>>, vector<16xi32>,
    %shift_right_logical3A_426 = arith.constant 2 : i32
    %shift_right_logical3A_427 = vector.broadcast %shift_right_logical3A_426 : i32 to vector<16xi32>
    %shift_right_logical3A_428 = arith.shrui %get3A_425, %shift_right_logical3A_427 : vector<16xi32>
    %swap3A_429 = arith.constant 3 : i32
    %swap3A_430 = arith.constant 0 : i32
    %swap3A_431 = tpu.memref_slice %arg11[%swap3A_429, %swap3A_430] : memref<4x128xi32, #tpu.memory_space<vmem>> -> memref<1x128xi32, #tpu.memory_space<vmem>>
    %swap3A_432 = tpu.memref_squeeze %swap3A_431 : memref<1x128xi32, #tpu.memory_space<vmem>> -> memref<128xi32, #tpu.memory_space<vmem>>
    %swap3A_433 = arith.constant 64 : index
    %swap3A_434 = tpu.vector_load %swap3A_432[%swap3A_433] {strides = array<i32>} : memref<128xi32, #tpu.memory_space<vmem>>, vector<16xi32>,
    tpu.vector_store %swap3A_432[%swap3A_433], %shift_right_logical3A_428 {strides = array<i32>} : memref<128xi32, #tpu.memory_space<vmem>>, vector<16xi32>,
    %get3A_435 = arith.constant 3 : i32
    %get3A_436 = arith.constant 0 : i32
    %get3A_437 = tpu.memref_slice %arg8[%get3A_435, %get3A_436] : memref<4x128xi32, #tpu.memory_space<vmem>> -> memref<1x128xi32, #tpu.memory_space<vmem>>
    %get3A_438 = tpu.memref_squeeze %get3A_437 : memref<1x128xi32, #tpu.memory_space<vmem>> -> memref<128xi32, #tpu.memory_space<vmem>>
    %get3A_439 = arith.constant 80 : index
    %get3A_440 = tpu.vector_load %get3A_438[%get3A_439] {strides = array<i32>} : memref<128xi32, #tpu.memory_space<vmem>>, vector<16xi32>,
    %shift_right_logical3A_441 = arith.constant 2 : i32
    %shift_right_logical3A_442 = vector.broadcast %shift_right_logical3A_441 : i32 to vector<16xi32>
    %shift_right_logical3A_443 = arith.shrui %get3A_440, %shift_right_logical3A_442 : vector<16xi32>
    %swap3A_444 = arith.constant 3 : i32
    %swap3A_445 = arith.constant 0 : i32
    %swap3A_446 = tpu.memref_slice %arg11[%swap3A_444, %swap3A_445] : memref<4x128xi32, #tpu.memory_space<vmem>> -> memref<1x128xi32, #tpu.memory_space<vmem>>
    %swap3A_447 = tpu.memref_squeeze %swap3A_446 : memref<1x128xi32, #tpu.memory_space<vmem>> -> memref<128xi32, #tpu.memory_space<vmem>>
    %swap3A_448 = arith.constant 80 : index
    %swap3A_449 = tpu.vector_load %swap3A_447[%swap3A_448] {strides = array<i32>} : memref<128xi32, #tpu.memory_space<vmem>>, vector<16xi32>,
    tpu.vector_store %swap3A_447[%swap3A_448], %shift_right_logical3A_443 {strides = array<i32>} : memref<128xi32, #tpu.memory_space<vmem>>, vector<16xi32>,
    %get3A_450 = arith.constant 3 : i32
    %get3A_451 = arith.constant 0 : i32
    %get3A_452 = tpu.memref_slice %arg8[%get3A_450, %get3A_451] : memref<4x128xi32, #tpu.memory_space<vmem>> -> memref<1x128xi32, #tpu.memory_space<vmem>>
    %get3A_453 = tpu.memref_squeeze %get3A_452 : memref<1x128xi32, #tpu.memory_space<vmem>> -> memref<128xi32, #tpu.memory_space<vmem>>
    %get3A_454 = arith.constant 96 : index
    %get3A_455 = tpu.vector_load %get3A_453[%get3A_454] {strides = array<i32>} : memref<128xi32, #tpu.memory_space<vmem>>, vector<16xi32>,
    %shift_right_logical3A_456 = arith.constant 2 : i32
    %shift_right_logical3A_457 = vector.broadcast %shift_right_logical3A_456 : i32 to vector<16xi32>
    %shift_right_logical3A_458 = arith.shrui %get3A_455, %shift_right_logical3A_457 : vector<16xi32>
    %swap3A_459 = arith.constant 3 : i32
    %swap3A_460 = arith.constant 0 : i32
    %swap3A_461 = tpu.memref_slice %arg11[%swap3A_459, %swap3A_460] : memref<4x128xi32, #tpu.memory_space<vmem>> -> memref<1x128xi32, #tpu.memory_space<vmem>>
    %swap3A_462 = tpu.memref_squeeze %swap3A_461 : memref<1x128xi32, #tpu.memory_space<vmem>> -> memref<128xi32, #tpu.memory_space<vmem>>
    %swap3A_463 = arith.constant 96 : index
    %swap3A_464 = tpu.vector_load %swap3A_462[%swap3A_463] {strides = array<i32>} : memref<128xi32, #tpu.memory_space<vmem>>, vector<16xi32>,
    tpu.vector_store %swap3A_462[%swap3A_463], %shift_right_logical3A_458 {strides = array<i32>} : memref<128xi32, #tpu.memory_space<vmem>>, vector<16xi32>,
    %get3A_465 = arith.constant 3 : i32
    %get3A_466 = arith.constant 0 : i32
    %get3A_467 = tpu.memref_slice %arg8[%get3A_465, %get3A_466] : memref<4x128xi32, #tpu.memory_space<vmem>> -> memref<1x128xi32, #tpu.memory_space<vmem>>
    %get3A_468 = tpu.memref_squeeze %get3A_467 : memref<1x128xi32, #tpu.memory_space<vmem>> -> memref<128xi32, #tpu.memory_space<vmem>>
    %get3A_469 = arith.constant 112 : index
    %get3A_470 = tpu.vector_load %get3A_468[%get3A_469] {strides = array<i32>} : memref<128xi32, #tpu.memory_space<vmem>>, vector<16xi32>,
    %shift_right_logical3A_471 = arith.constant 2 : i32
    %shift_right_logical3A_472 = vector.broadcast %shift_right_logical3A_471 : i32 to vector<16xi32>
    %shift_right_logical3A_473 = arith.shrui %get3A_470, %shift_right_logical3A_472 : vector<16xi32>
    %swap3A_474 = arith.constant 3 : i32
    %swap3A_475 = arith.constant 0 : i32
    %swap3A_476 = tpu.memref_slice %arg11[%swap3A_474, %swap3A_475] : memref<4x128xi32, #tpu.memory_space<vmem>> -> memref<1x128xi32, #tpu.memory_space<vmem>>
    %swap3A_477 = tpu.memref_squeeze %swap3A_476 : memref<1x128xi32, #tpu.memory_space<vmem>> -> memref<128xi32, #tpu.memory_space<vmem>>
    %swap3A_478 = arith.constant 112 : index
    %swap3A_479 = tpu.vector_load %swap3A_477[%swap3A_478] {strides = array<i32>} : memref<128xi32, #tpu.memory_space<vmem>>, vector<16xi32>,
    tpu.vector_store %swap3A_477[%swap3A_478], %shift_right_logical3A_473 {strides = array<i32>} : memref<128xi32, #tpu.memory_space<vmem>>, vector<16xi32>,
    %get3A_480 = arith.constant 0 : i32
    %get3A_481 = arith.constant 0 : i32
    %get3A_482 = tpu.memref_slice %arg9[%get3A_480, %get3A_481] : memref<4x128xi32, #tpu.memory_space<vmem>> -> memref<1x128xi32, #tpu.memory_space<vmem>>
    %get3A_483 = tpu.memref_squeeze %get3A_482 : memref<1x128xi32, #tpu.memory_space<vmem>> -> memref<128xi32, #tpu.memory_space<vmem>>
    %get3A_484 = arith.constant 0 : index
    %get3A_485 = tpu.vector_load %get3A_483[%get3A_484] {strides = array<i32>} : memref<128xi32, #tpu.memory_space<vmem>>, vector<16xi32>,
    %shift_right_logical3A_486 = arith.constant 2 : i32
    %shift_right_logical3A_487 = vector.broadcast %shift_right_logical3A_486 : i32 to vector<16xi32>
    %shift_right_logical3A_488 = arith.shrui %get3A_485, %shift_right_logical3A_487 : vector<16xi32>
    %swap3A_489 = arith.constant 0 : i32
    %swap3A_490 = arith.constant 0 : i32
    %swap3A_491 = tpu.memref_slice %arg12[%swap3A_489, %swap3A_490] : memref<4x128xi32, #tpu.memory_space<vmem>> -> memref<1x128xi32, #tpu.memory_space<vmem>>
    %swap3A_492 = tpu.memref_squeeze %swap3A_491 : memref<1x128xi32, #tpu.memory_space<vmem>> -> memref<128xi32, #tpu.memory_space<vmem>>
    %swap3A_493 = arith.constant 0 : index
    %swap3A_494 = tpu.vector_load %swap3A_492[%swap3A_493] {strides = array<i32>} : memref<128xi32, #tpu.memory_space<vmem>>, vector<16xi32>,
    tpu.vector_store %swap3A_492[%swap3A_493], %shift_right_logical3A_488 {strides = array<i32>} : memref<128xi32, #tpu.memory_space<vmem>>, vector<16xi32>,
    %get3A_495 = arith.constant 0 : i32
    %get3A_496 = arith.constant 0 : i32
    %get3A_497 = tpu.memref_slice %arg9[%get3A_495, %get3A_496] : memref<4x128xi32, #tpu.memory_space<vmem>> -> memref<1x128xi32, #tpu.memory_space<vmem>>
    %get3A_498 = tpu.memref_squeeze %get3A_497 : memref<1x128xi32, #tpu.memory_space<vmem>> -> memref<128xi32, #tpu.memory_space<vmem>>
    %get3A_499 = arith.constant 16 : index
    %get3A_500 = tpu.vector_load %get3A_498[%get3A_499] {strides = array<i32>} : memref<128xi32, #tpu.memory_space<vmem>>, vector<16xi32>,
    %shift_right_logical3A_501 = arith.constant 2 : i32
    %shift_right_logical3A_502 = vector.broadcast %shift_right_logical3A_501 : i32 to vector<16xi32>
    %shift_right_logical3A_503 = arith.shrui %get3A_500, %shift_right_logical3A_502 : vector<16xi32>
    %swap3A_504 = arith.constant 0 : i32
    %swap3A_505 = arith.constant 0 : i32
    %swap3A_506 = tpu.memref_slice %arg12[%swap3A_504, %swap3A_505] : memref<4x128xi32, #tpu.memory_space<vmem>> -> memref<1x128xi32, #tpu.memory_space<vmem>>
    %swap3A_507 = tpu.memref_squeeze %swap3A_506 : memref<1x128xi32, #tpu.memory_space<vmem>> -> memref<128xi32, #tpu.memory_space<vmem>>
    %swap3A_508 = arith.constant 16 : index
    %swap3A_509 = tpu.vector_load %swap3A_507[%swap3A_508] {strides = array<i32>} : memref<128xi32, #tpu.memory_space<vmem>>, vector<16xi32>,
    tpu.vector_store %swap3A_507[%swap3A_508], %shift_right_logical3A_503 {strides = array<i32>} : memref<128xi32, #tpu.memory_space<vmem>>, vector<16xi32>,
    %get3A_510 = arith.constant 0 : i32
    %get3A_511 = arith.constant 0 : i32
    %get3A_512 = tpu.memref_slice %arg9[%get3A_510, %get3A_511] : memref<4x128xi32, #tpu.memory_space<vmem>> -> memref<1x128xi32, #tpu.memory_space<vmem>>
    %get3A_513 = tpu.memref_squeeze %get3A_512 : memref<1x128xi32, #tpu.memory_space<vmem>> -> memref<128xi32, #tpu.memory_space<vmem>>
    %get3A_514 = arith.constant 32 : index
    %get3A_515 = tpu.vector_load %get3A_513[%get3A_514] {strides = array<i32>} : memref<128xi32, #tpu.memory_space<vmem>>, vector<16xi32>,
    %shift_right_logical3A_516 = arith.constant 2 : i32
    %shift_right_logical3A_517 = vector.broadcast %shift_right_logical3A_516 : i32 to vector<16xi32>
    %shift_right_logical3A_518 = arith.shrui %get3A_515, %shift_right_logical3A_517 : vector<16xi32>
    %swap3A_519 = arith.constant 0 : i32
    %swap3A_520 = arith.constant 0 : i32
    %swap3A_521 = tpu.memref_slice %arg12[%swap3A_519, %swap3A_520] : memref<4x128xi32, #tpu.memory_space<vmem>> -> memref<1x128xi32, #tpu.memory_space<vmem>>
    %swap3A_522 = tpu.memref_squeeze %swap3A_521 : memref<1x128xi32, #tpu.memory_space<vmem>> -> memref<128xi32, #tpu.memory_space<vmem>>
    %swap3A_523 = arith.constant 32 : index
    %swap3A_524 = tpu.vector_load %swap3A_522[%swap3A_523] {strides = array<i32>} : memref<128xi32, #tpu.memory_space<vmem>>, vector<16xi32>,
    tpu.vector_store %swap3A_522[%swap3A_523], %shift_right_logical3A_518 {strides = array<i32>} : memref<128xi32, #tpu.memory_space<vmem>>, vector<16xi32>,
    %get3A_525 = arith.constant 0 : i32
    %get3A_526 = arith.constant 0 : i32
    %get3A_527 = tpu.memref_slice %arg9[%get3A_525, %get3A_526] : memref<4x128xi32, #tpu.memory_space<vmem>> -> memref<1x128xi32, #tpu.memory_space<vmem>>
    %get3A_528 = tpu.memref_squeeze %get3A_527 : memref<1x128xi32, #tpu.memory_space<vmem>> -> memref<128xi32, #tpu.memory_space<vmem>>
    %get3A_529 = arith.constant 48 : index
    %get3A_530 = tpu.vector_load %get3A_528[%get3A_529] {strides = array<i32>} : memref<128xi32, #tpu.memory_space<vmem>>, vector<16xi32>,
    %shift_right_logical3A_531 = arith.constant 2 : i32
    %shift_right_logical3A_532 = vector.broadcast %shift_right_logical3A_531 : i32 to vector<16xi32>
    %shift_right_logical3A_533 = arith.shrui %get3A_530, %shift_right_logical3A_532 : vector<16xi32>
    %swap3A_534 = arith.constant 0 : i32
    %swap3A_535 = arith.constant 0 : i32
    %swap3A_536 = tpu.memref_slice %arg12[%swap3A_534, %swap3A_535] : memref<4x128xi32, #tpu.memory_space<vmem>> -> memref<1x128xi32, #tpu.memory_space<vmem>>
    %swap3A_537 = tpu.memref_squeeze %swap3A_536 : memref<1x128xi32, #tpu.memory_space<vmem>> -> memref<128xi32, #tpu.memory_space<vmem>>
    %swap3A_538 = arith.constant 48 : index
    %swap3A_539 = tpu.vector_load %swap3A_537[%swap3A_538] {strides = array<i32>} : memref<128xi32, #tpu.memory_space<vmem>>, vector<16xi32>,
    tpu.vector_store %swap3A_537[%swap3A_538], %shift_right_logical3A_533 {strides = array<i32>} : memref<128xi32, #tpu.memory_space<vmem>>, vector<16xi32>,
    %get3A_540 = arith.constant 0 : i32
    %get3A_541 = arith.constant 0 : i32
    %get3A_542 = tpu.memref_slice %arg9[%get3A_540, %get3A_541] : memref<4x128xi32, #tpu.memory_space<vmem>> -> memref<1x128xi32, #tpu.memory_space<vmem>>
    %get3A_543 = tpu.memref_squeeze %get3A_542 : memref<1x128xi32, #tpu.memory_space<vmem>> -> memref<128xi32, #tpu.memory_space<vmem>>
    %get3A_544 = arith.constant 64 : index
    %get3A_545 = tpu.vector_load %get3A_543[%get3A_544] {strides = array<i32>} : memref<128xi32, #tpu.memory_space<vmem>>, vector<16xi32>,
    %shift_right_logical3A_546 = arith.constant 2 : i32
    %shift_right_logical3A_547 = vector.broadcast %shift_right_logical3A_546 : i32 to vector<16xi32>
    %shift_right_logical3A_548 = arith.shrui %get3A_545, %shift_right_logical3A_547 : vector<16xi32>
    %swap3A_549 = arith.constant 0 : i32
    %swap3A_550 = arith.constant 0 : i32
    %swap3A_551 = tpu.memref_slice %arg12[%swap3A_549, %swap3A_550] : memref<4x128xi32, #tpu.memory_space<vmem>> -> memref<1x128xi32, #tpu.memory_space<vmem>>
    %swap3A_552 = tpu.memref_squeeze %swap3A_551 : memref<1x128xi32, #tpu.memory_space<vmem>> -> memref<128xi32, #tpu.memory_space<vmem>>
    %swap3A_553 = arith.constant 64 : index
    %swap3A_554 = tpu.vector_load %swap3A_552[%swap3A_553] {strides = array<i32>} : memref<128xi32, #tpu.memory_space<vmem>>, vector<16xi32>,
    tpu.vector_store %swap3A_552[%swap3A_553], %shift_right_logical3A_548 {strides = array<i32>} : memref<128xi32, #tpu.memory_space<vmem>>, vector<16xi32>,
    %get3A_555 = arith.constant 0 : i32
    %get3A_556 = arith.constant 0 : i32
    %get3A_557 = tpu.memref_slice %arg9[%get3A_555, %get3A_556] : memref<4x128xi32, #tpu.memory_space<vmem>> -> memref<1x128xi32, #tpu.memory_space<vmem>>
    %get3A_558 = tpu.memref_squeeze %get3A_557 : memref<1x128xi32, #tpu.memory_space<vmem>> -> memref<128xi32, #tpu.memory_space<vmem>>
    %get3A_559 = arith.constant 80 : index
    %get3A_560 = tpu.vector_load %get3A_558[%get3A_559] {strides = array<i32>} : memref<128xi32, #tpu.memory_space<vmem>>, vector<16xi32>,
    %shift_right_logical3A_561 = arith.constant 2 : i32
    %shift_right_logical3A_562 = vector.broadcast %shift_right_logical3A_561 : i32 to vector<16xi32>
    %shift_right_logical3A_563 = arith.shrui %get3A_560, %shift_right_logical3A_562 : vector<16xi32>
    %swap3A_564 = arith.constant 0 : i32
    %swap3A_565 = arith.constant 0 : i32
    %swap3A_566 = tpu.memref_slice %arg12[%swap3A_564, %swap3A_565] : memref<4x128xi32, #tpu.memory_space<vmem>> -> memref<1x128xi32, #tpu.memory_space<vmem>>
    %swap3A_567 = tpu.memref_squeeze %swap3A_566 : memref<1x128xi32, #tpu.memory_space<vmem>> -> memref<128xi32, #tpu.memory_space<vmem>>
    %swap3A_568 = arith.constant 80 : index
    %swap3A_569 = tpu.vector_load %swap3A_567[%swap3A_568] {strides = array<i32>} : memref<128xi32, #tpu.memory_space<vmem>>, vector<16xi32>,
    tpu.vector_store %swap3A_567[%swap3A_568], %shift_right_logical3A_563 {strides = array<i32>} : memref<128xi32, #tpu.memory_space<vmem>>, vector<16xi32>,
    %get3A_570 = arith.constant 0 : i32
    %get3A_571 = arith.constant 0 : i32
    %get3A_572 = tpu.memref_slice %arg9[%get3A_570, %get3A_571] : memref<4x128xi32, #tpu.memory_space<vmem>> -> memref<1x128xi32, #tpu.memory_space<vmem>>
    %get3A_573 = tpu.memref_squeeze %get3A_572 : memref<1x128xi32, #tpu.memory_space<vmem>> -> memref<128xi32, #tpu.memory_space<vmem>>
    %get3A_574 = arith.constant 96 : index
    %get3A_575 = tpu.vector_load %get3A_573[%get3A_574] {strides = array<i32>} : memref<128xi32, #tpu.memory_space<vmem>>, vector<16xi32>,
    %shift_right_logical3A_576 = arith.constant 2 : i32
    %shift_right_logical3A_577 = vector.broadcast %shift_right_logical3A_576 : i32 to vector<16xi32>
    %shift_right_logical3A_578 = arith.shrui %get3A_575, %shift_right_logical3A_577 : vector<16xi32>
    %swap3A_579 = arith.constant 0 : i32
    %swap3A_580 = arith.constant 0 : i32
    %swap3A_581 = tpu.memref_slice %arg12[%swap3A_579, %swap3A_580] : memref<4x128xi32, #tpu.memory_space<vmem>> -> memref<1x128xi32, #tpu.memory_space<vmem>>
    %swap3A_582 = tpu.memref_squeeze %swap3A_581 : memref<1x128xi32, #tpu.memory_space<vmem>> -> memref<128xi32, #tpu.memory_space<vmem>>
    %swap3A_583 = arith.constant 96 : index
    %swap3A_584 = tpu.vector_load %swap3A_582[%swap3A_583] {strides = array<i32>} : memref<128xi32, #tpu.memory_space<vmem>>, vector<16xi32>,
    tpu.vector_store %swap3A_582[%swap3A_583], %shift_right_logical3A_578 {strides = array<i32>} : memref<128xi32, #tpu.memory_space<vmem>>, vector<16xi32>,
    %get3A_585 = arith.constant 0 : i32
    %get3A_586 = arith.constant 0 : i32
    %get3A_587 = tpu.memref_slice %arg9[%get3A_585, %get3A_586] : memref<4x128xi32, #tpu.memory_space<vmem>> -> memref<1x128xi32, #tpu.memory_space<vmem>>
    %get3A_588 = tpu.memref_squeeze %get3A_587 : memref<1x128xi32, #tpu.memory_space<vmem>> -> memref<128xi32, #tpu.memory_space<vmem>>
    %get3A_589 = arith.constant 112 : index
    %get3A_590 = tpu.vector_load %get3A_588[%get3A_589] {strides = array<i32>} : memref<128xi32, #tpu.memory_space<vmem>>, vector<16xi32>,
    %shift_right_logical3A_591 = arith.constant 2 : i32
    %shift_right_logical3A_592 = vector.broadcast %shift_right_logical3A_591 : i32 to vector<16xi32>
    %shift_right_logical3A_593 = arith.shrui %get3A_590, %shift_right_logical3A_592 : vector<16xi32>
    %swap3A_594 = arith.constant 0 : i32
    %swap3A_595 = arith.constant 0 : i32
    %swap3A_596 = tpu.memref_slice %arg12[%swap3A_594, %swap3A_595] : memref<4x128xi32, #tpu.memory_space<vmem>> -> memref<1x128xi32, #tpu.memory_space<vmem>>
    %swap3A_597 = tpu.memref_squeeze %swap3A_596 : memref<1x128xi32, #tpu.memory_space<vmem>> -> memref<128xi32, #tpu.memory_space<vmem>>
    %swap3A_598 = arith.constant 112 : index
    %swap3A_599 = tpu.vector_load %swap3A_597[%swap3A_598] {strides = array<i32>} : memref<128xi32, #tpu.memory_space<vmem>>, vector<16xi32>,
    tpu.vector_store %swap3A_597[%swap3A_598], %shift_right_logical3A_593 {strides = array<i32>} : memref<128xi32, #tpu.memory_space<vmem>>, vector<16xi32>,
    %get3A_600 = arith.constant 1 : i32
    %get3A_601 = arith.constant 0 : i32
    %get3A_602 = tpu.memref_slice %arg9[%get3A_600, %get3A_601] : memref<4x128xi32, #tpu.memory_space<vmem>> -> memref<1x128xi32, #tpu.memory_space<vmem>>
    %get3A_603 = tpu.memref_squeeze %get3A_602 : memref<1x128xi32, #tpu.memory_space<vmem>> -> memref<128xi32, #tpu.memory_space<vmem>>
    %get3A_604 = arith.constant 0 : index
    %get3A_605 = tpu.vector_load %get3A_603[%get3A_604] {strides = array<i32>} : memref<128xi32, #tpu.memory_space<vmem>>, vector<16xi32>,
    %shift_right_logical3A_606 = arith.constant 2 : i32
    %shift_right_logical3A_607 = vector.broadcast %shift_right_logical3A_606 : i32 to vector<16xi32>
    %shift_right_logical3A_608 = arith.shrui %get3A_605, %shift_right_logical3A_607 : vector<16xi32>
    %swap3A_609 = arith.constant 1 : i32
    %swap3A_610 = arith.constant 0 : i32
    %swap3A_611 = tpu.memref_slice %arg12[%swap3A_609, %swap3A_610] : memref<4x128xi32, #tpu.memory_space<vmem>> -> memref<1x128xi32, #tpu.memory_space<vmem>>
    %swap3A_612 = tpu.memref_squeeze %swap3A_611 : memref<1x128xi32, #tpu.memory_space<vmem>> -> memref<128xi32, #tpu.memory_space<vmem>>
    %swap3A_613 = arith.constant 0 : index
    %swap3A_614 = tpu.vector_load %swap3A_612[%swap3A_613] {strides = array<i32>} : memref<128xi32, #tpu.memory_space<vmem>>, vector<16xi32>,
    tpu.vector_store %swap3A_612[%swap3A_613], %shift_right_logical3A_608 {strides = array<i32>} : memref<128xi32, #tpu.memory_space<vmem>>, vector<16xi32>,
    %get3A_615 = arith.constant 1 : i32
    %get3A_616 = arith.constant 0 : i32
    %get3A_617 = tpu.memref_slice %arg9[%get3A_615, %get3A_616] : memref<4x128xi32, #tpu.memory_space<vmem>> -> memref<1x128xi32, #tpu.memory_space<vmem>>
    %get3A_618 = tpu.memref_squeeze %get3A_617 : memref<1x128xi32, #tpu.memory_space<vmem>> -> memref<128xi32, #tpu.memory_space<vmem>>
    %get3A_619 = arith.constant 16 : index
    %get3A_620 = tpu.vector_load %get3A_618[%get3A_619] {strides = array<i32>} : memref<128xi32, #tpu.memory_space<vmem>>, vector<16xi32>,
    %shift_right_logical3A_621 = arith.constant 2 : i32
    %shift_right_logical3A_622 = vector.broadcast %shift_right_logical3A_621 : i32 to vector<16xi32>
    %shift_right_logical3A_623 = arith.shrui %get3A_620, %shift_right_logical3A_622 : vector<16xi32>
    %swap3A_624 = arith.constant 1 : i32
    %swap3A_625 = arith.constant 0 : i32
    %swap3A_626 = tpu.memref_slice %arg12[%swap3A_624, %swap3A_625] : memref<4x128xi32, #tpu.memory_space<vmem>> -> memref<1x128xi32, #tpu.memory_space<vmem>>
    %swap3A_627 = tpu.memref_squeeze %swap3A_626 : memref<1x128xi32, #tpu.memory_space<vmem>> -> memref<128xi32, #tpu.memory_space<vmem>>
    %swap3A_628 = arith.constant 16 : index
    %swap3A_629 = tpu.vector_load %swap3A_627[%swap3A_628] {strides = array<i32>} : memref<128xi32, #tpu.memory_space<vmem>>, vector<16xi32>,
    tpu.vector_store %swap3A_627[%swap3A_628], %shift_right_logical3A_623 {strides = array<i32>} : memref<128xi32, #tpu.memory_space<vmem>>, vector<16xi32>,
    %get3A_630 = arith.constant 1 : i32
    %get3A_631 = arith.constant 0 : i32
    %get3A_632 = tpu.memref_slice %arg9[%get3A_630, %get3A_631] : memref<4x128xi32, #tpu.memory_space<vmem>> -> memref<1x128xi32, #tpu.memory_space<vmem>>
    %get3A_633 = tpu.memref_squeeze %get3A_632 : memref<1x128xi32, #tpu.memory_space<vmem>> -> memref<128xi32, #tpu.memory_space<vmem>>
    %get3A_634 = arith.constant 32 : index
    %get3A_635 = tpu.vector_load %get3A_633[%get3A_634] {strides = array<i32>} : memref<128xi32, #tpu.memory_space<vmem>>, vector<16xi32>,
    %shift_right_logical3A_636 = arith.constant 2 : i32
    %shift_right_logical3A_637 = vector.broadcast %shift_right_logical3A_636 : i32 to vector<16xi32>
    %shift_right_logical3A_638 = arith.shrui %get3A_635, %shift_right_logical3A_637 : vector<16xi32>
    %swap3A_639 = arith.constant 1 : i32
    %swap3A_640 = arith.constant 0 : i32
    %swap3A_641 = tpu.memref_slice %arg12[%swap3A_639, %swap3A_640] : memref<4x128xi32, #tpu.memory_space<vmem>> -> memref<1x128xi32, #tpu.memory_space<vmem>>
    %swap3A_642 = tpu.memref_squeeze %swap3A_641 : memref<1x128xi32, #tpu.memory_space<vmem>> -> memref<128xi32, #tpu.memory_space<vmem>>
    %swap3A_643 = arith.constant 32 : index
    %swap3A_644 = tpu.vector_load %swap3A_642[%swap3A_643] {strides = array<i32>} : memref<128xi32, #tpu.memory_space<vmem>>, vector<16xi32>,
    tpu.vector_store %swap3A_642[%swap3A_643], %shift_right_logical3A_638 {strides = array<i32>} : memref<128xi32, #tpu.memory_space<vmem>>, vector<16xi32>,
    %get3A_645 = arith.constant 1 : i32
    %get3A_646 = arith.constant 0 : i32
    %get3A_647 = tpu.memref_slice %arg9[%get3A_645, %get3A_646] : memref<4x128xi32, #tpu.memory_space<vmem>> -> memref<1x128xi32, #tpu.memory_space<vmem>>
    %get3A_648 = tpu.memref_squeeze %get3A_647 : memref<1x128xi32, #tpu.memory_space<vmem>> -> memref<128xi32, #tpu.memory_space<vmem>>
    %get3A_649 = arith.constant 48 : index
    %get3A_650 = tpu.vector_load %get3A_648[%get3A_649] {strides = array<i32>} : memref<128xi32, #tpu.memory_space<vmem>>, vector<16xi32>,
    %shift_right_logical3A_651 = arith.constant 2 : i32
    %shift_right_logical3A_652 = vector.broadcast %shift_right_logical3A_651 : i32 to vector<16xi32>
    %shift_right_logical3A_653 = arith.shrui %get3A_650, %shift_right_logical3A_652 : vector<16xi32>
    %swap3A_654 = arith.constant 1 : i32
    %swap3A_655 = arith.constant 0 : i32
    %swap3A_656 = tpu.memref_slice %arg12[%swap3A_654, %swap3A_655] : memref<4x128xi32, #tpu.memory_space<vmem>> -> memref<1x128xi32, #tpu.memory_space<vmem>>
    %swap3A_657 = tpu.memref_squeeze %swap3A_656 : memref<1x128xi32, #tpu.memory_space<vmem>> -> memref<128xi32, #tpu.memory_space<vmem>>
    %swap3A_658 = arith.constant 48 : index
    %swap3A_659 = tpu.vector_load %swap3A_657[%swap3A_658] {strides = array<i32>} : memref<128xi32, #tpu.memory_space<vmem>>, vector<16xi32>,
    tpu.vector_store %swap3A_657[%swap3A_658], %shift_right_logical3A_653 {strides = array<i32>} : memref<128xi32, #tpu.memory_space<vmem>>, vector<16xi32>,
    %get3A_660 = arith.constant 1 : i32
    %get3A_661 = arith.constant 0 : i32
    %get3A_662 = tpu.memref_slice %arg9[%get3A_660, %get3A_661] : memref<4x128xi32, #tpu.memory_space<vmem>> -> memref<1x128xi32, #tpu.memory_space<vmem>>
    %get3A_663 = tpu.memref_squeeze %get3A_662 : memref<1x128xi32, #tpu.memory_space<vmem>> -> memref<128xi32, #tpu.memory_space<vmem>>
    %get3A_664 = arith.constant 64 : index
    %get3A_665 = tpu.vector_load %get3A_663[%get3A_664] {strides = array<i32>} : memref<128xi32, #tpu.memory_space<vmem>>, vector<16xi32>,
    %shift_right_logical3A_666 = arith.constant 2 : i32
    %shift_right_logical3A_667 = vector.broadcast %shift_right_logical3A_666 : i32 to vector<16xi32>
    %shift_right_logical3A_668 = arith.shrui %get3A_665, %shift_right_logical3A_667 : vector<16xi32>
    %swap3A_669 = arith.constant 1 : i32
    %swap3A_670 = arith.constant 0 : i32
    %swap3A_671 = tpu.memref_slice %arg12[%swap3A_669, %swap3A_670] : memref<4x128xi32, #tpu.memory_space<vmem>> -> memref<1x128xi32, #tpu.memory_space<vmem>>
    %swap3A_672 = tpu.memref_squeeze %swap3A_671 : memref<1x128xi32, #tpu.memory_space<vmem>> -> memref<128xi32, #tpu.memory_space<vmem>>
    %swap3A_673 = arith.constant 64 : index
    %swap3A_674 = tpu.vector_load %swap3A_672[%swap3A_673] {strides = array<i32>} : memref<128xi32, #tpu.memory_space<vmem>>, vector<16xi32>,
    tpu.vector_store %swap3A_672[%swap3A_673], %shift_right_logical3A_668 {strides = array<i32>} : memref<128xi32, #tpu.memory_space<vmem>>, vector<16xi32>,
    %get3A_675 = arith.constant 1 : i32
    %get3A_676 = arith.constant 0 : i32
    %get3A_677 = tpu.memref_slice %arg9[%get3A_675, %get3A_676] : memref<4x128xi32, #tpu.memory_space<vmem>> -> memref<1x128xi32, #tpu.memory_space<vmem>>
    %get3A_678 = tpu.memref_squeeze %get3A_677 : memref<1x128xi32, #tpu.memory_space<vmem>> -> memref<128xi32, #tpu.memory_space<vmem>>
    %get3A_679 = arith.constant 80 : index
    %get3A_680 = tpu.vector_load %get3A_678[%get3A_679] {strides = array<i32>} : memref<128xi32, #tpu.memory_space<vmem>>, vector<16xi32>,
    %shift_right_logical3A_681 = arith.constant 2 : i32
    %shift_right_logical3A_682 = vector.broadcast %shift_right_logical3A_681 : i32 to vector<16xi32>
    %shift_right_logical3A_683 = arith.shrui %get3A_680, %shift_right_logical3A_682 : vector<16xi32>
    %swap3A_684 = arith.constant 1 : i32
    %swap3A_685 = arith.constant 0 : i32
    %swap3A_686 = tpu.memref_slice %arg12[%swap3A_684, %swap3A_685] : memref<4x128xi32, #tpu.memory_space<vmem>> -> memref<1x128xi32, #tpu.memory_space<vmem>>
    %swap3A_687 = tpu.memref_squeeze %swap3A_686 : memref<1x128xi32, #tpu.memory_space<vmem>> -> memref<128xi32, #tpu.memory_space<vmem>>
    %swap3A_688 = arith.constant 80 : index
    %swap3A_689 = tpu.vector_load %swap3A_687[%swap3A_688] {strides = array<i32>} : memref<128xi32, #tpu.memory_space<vmem>>, vector<16xi32>,
    tpu.vector_store %swap3A_687[%swap3A_688], %shift_right_logical3A_683 {strides = array<i32>} : memref<128xi32, #tpu.memory_space<vmem>>, vector<16xi32>,
    %get3A_690 = arith.constant 1 : i32
    %get3A_691 = arith.constant 0 : i32
    %get3A_692 = tpu.memref_slice %arg9[%get3A_690, %get3A_691] : memref<4x128xi32, #tpu.memory_space<vmem>> -> memref<1x128xi32, #tpu.memory_space<vmem>>
    %get3A_693 = tpu.memref_squeeze %get3A_692 : memref<1x128xi32, #tpu.memory_space<vmem>> -> memref<128xi32, #tpu.memory_space<vmem>>
    %get3A_694 = arith.constant 96 : index
    %get3A_695 = tpu.vector_load %get3A_693[%get3A_694] {strides = array<i32>} : memref<128xi32, #tpu.memory_space<vmem>>, vector<16xi32>,
    %shift_right_logical3A_696 = arith.constant 2 : i32
    %shift_right_logical3A_697 = vector.broadcast %shift_right_logical3A_696 : i32 to vector<16xi32>
    %shift_right_logical3A_698 = arith.shrui %get3A_695, %shift_right_logical3A_697 : vector<16xi32>
    %swap3A_699 = arith.constant 1 : i32
    %swap3A_700 = arith.constant 0 : i32
    %swap3A_701 = tpu.memref_slice %arg12[%swap3A_699, %swap3A_700] : memref<4x128xi32, #tpu.memory_space<vmem>> -> memref<1x128xi32, #tpu.memory_space<vmem>>
    %swap3A_702 = tpu.memref_squeeze %swap3A_701 : memref<1x128xi32, #tpu.memory_space<vmem>> -> memref<128xi32, #tpu.memory_space<vmem>>
    %swap3A_703 = arith.constant 96 : index
    %swap3A_704 = tpu.vector_load %swap3A_702[%swap3A_703] {strides = array<i32>} : memref<128xi32, #tpu.memory_space<vmem>>, vector<16xi32>,
    tpu.vector_store %swap3A_702[%swap3A_703], %shift_right_logical3A_698 {strides = array<i32>} : memref<128xi32, #tpu.memory_space<vmem>>, vector<16xi32>,
    %get3A_705 = arith.constant 1 : i32
    %get3A_706 = arith.constant 0 : i32
    %get3A_707 = tpu.memref_slice %arg9[%get3A_705, %get3A_706] : memref<4x128xi32, #tpu.memory_space<vmem>> -> memref<1x128xi32, #tpu.memory_space<vmem>>
    %get3A_708 = tpu.memref_squeeze %get3A_707 : memref<1x128xi32, #tpu.memory_space<vmem>> -> memref<128xi32, #tpu.memory_space<vmem>>
    %get3A_709 = arith.constant 112 : index
    %get3A_710 = tpu.vector_load %get3A_708[%get3A_709] {strides = array<i32>} : memref<128xi32, #tpu.memory_space<vmem>>, vector<16xi32>,
    %shift_right_logical3A_711 = arith.constant 2 : i32
    %shift_right_logical3A_712 = vector.broadcast %shift_right_logical3A_711 : i32 to vector<16xi32>
    %shift_right_logical3A_713 = arith.shrui %get3A_710, %shift_right_logical3A_712 : vector<16xi32>
    %swap3A_714 = arith.constant 1 : i32
    %swap3A_715 = arith.constant 0 : i32
    %swap3A_716 = tpu.memref_slice %arg12[%swap3A_714, %swap3A_715] : memref<4x128xi32, #tpu.memory_space<vmem>> -> memref<1x128xi32, #tpu.memory_space<vmem>>
    %swap3A_717 = tpu.memref_squeeze %swap3A_716 : memref<1x128xi32, #tpu.memory_space<vmem>> -> memref<128xi32, #tpu.memory_space<vmem>>
    %swap3A_718 = arith.constant 112 : index
    %swap3A_719 = tpu.vector_load %swap3A_717[%swap3A_718] {strides = array<i32>} : memref<128xi32, #tpu.memory_space<vmem>>, vector<16xi32>,
    tpu.vector_store %swap3A_717[%swap3A_718], %shift_right_logical3A_713 {strides = array<i32>} : memref<128xi32, #tpu.memory_space<vmem>>, vector<16xi32>,
    %get3A_720 = arith.constant 2 : i32
    %get3A_721 = arith.constant 0 : i32
    %get3A_722 = tpu.memref_slice %arg9[%get3A_720, %get3A_721] : memref<4x128xi32, #tpu.memory_space<vmem>> -> memref<1x128xi32, #tpu.memory_space<vmem>>
    %get3A_723 = tpu.memref_squeeze %get3A_722 : memref<1x128xi32, #tpu.memory_space<vmem>> -> memref<128xi32, #tpu.memory_space<vmem>>
    %get3A_724 = arith.constant 0 : index
    %get3A_725 = tpu.vector_load %get3A_723[%get3A_724] {strides = array<i32>} : memref<128xi32, #tpu.memory_space<vmem>>, vector<16xi32>,
    %shift_right_logical3A_726 = arith.constant 2 : i32
    %shift_right_logical3A_727 = vector.broadcast %shift_right_logical3A_726 : i32 to vector<16xi32>
    %shift_right_logical3A_728 = arith.shrui %get3A_725, %shift_right_logical3A_727 : vector<16xi32>
    %swap3A_729 = arith.constant 2 : i32
    %swap3A_730 = arith.constant 0 : i32
    %swap3A_731 = tpu.memref_slice %arg12[%swap3A_729, %swap3A_730] : memref<4x128xi32, #tpu.memory_space<vmem>> -> memref<1x128xi32, #tpu.memory_space<vmem>>
    %swap3A_732 = tpu.memref_squeeze %swap3A_731 : memref<1x128xi32, #tpu.memory_space<vmem>> -> memref<128xi32, #tpu.memory_space<vmem>>
    %swap3A_733 = arith.constant 0 : index
    %swap3A_734 = tpu.vector_load %swap3A_732[%swap3A_733] {strides = array<i32>} : memref<128xi32, #tpu.memory_space<vmem>>, vector<16xi32>,
    tpu.vector_store %swap3A_732[%swap3A_733], %shift_right_logical3A_728 {strides = array<i32>} : memref<128xi32, #tpu.memory_space<vmem>>, vector<16xi32>,
    %get3A_735 = arith.constant 2 : i32
    %get3A_736 = arith.constant 0 : i32
    %get3A_737 = tpu.memref_slice %arg9[%get3A_735, %get3A_736] : memref<4x128xi32, #tpu.memory_space<vmem>> -> memref<1x128xi32, #tpu.memory_space<vmem>>
    %get3A_738 = tpu.memref_squeeze %get3A_737 : memref<1x128xi32, #tpu.memory_space<vmem>> -> memref<128xi32, #tpu.memory_space<vmem>>
    %get3A_739 = arith.constant 16 : index
    %get3A_740 = tpu.vector_load %get3A_738[%get3A_739] {strides = array<i32>} : memref<128xi32, #tpu.memory_space<vmem>>, vector<16xi32>,
    %shift_right_logical3A_741 = arith.constant 2 : i32
    %shift_right_logical3A_742 = vector.broadcast %shift_right_logical3A_741 : i32 to vector<16xi32>
    %shift_right_logical3A_743 = arith.shrui %get3A_740, %shift_right_logical3A_742 : vector<16xi32>
    %swap3A_744 = arith.constant 2 : i32
    %swap3A_745 = arith.constant 0 : i32
    %swap3A_746 = tpu.memref_slice %arg12[%swap3A_744, %swap3A_745] : memref<4x128xi32, #tpu.memory_space<vmem>> -> memref<1x128xi32, #tpu.memory_space<vmem>>
    %swap3A_747 = tpu.memref_squeeze %swap3A_746 : memref<1x128xi32, #tpu.memory_space<vmem>> -> memref<128xi32, #tpu.memory_space<vmem>>
    %swap3A_748 = arith.constant 16 : index
    %swap3A_749 = tpu.vector_load %swap3A_747[%swap3A_748] {strides = array<i32>} : memref<128xi32, #tpu.memory_space<vmem>>, vector<16xi32>,
    tpu.vector_store %swap3A_747[%swap3A_748], %shift_right_logical3A_743 {strides = array<i32>} : memref<128xi32, #tpu.memory_space<vmem>>, vector<16xi32>,
    %get3A_750 = arith.constant 2 : i32
    %get3A_751 = arith.constant 0 : i32
    %get3A_752 = tpu.memref_slice %arg9[%get3A_750, %get3A_751] : memref<4x128xi32, #tpu.memory_space<vmem>> -> memref<1x128xi32, #tpu.memory_space<vmem>>
    %get3A_753 = tpu.memref_squeeze %get3A_752 : memref<1x128xi32, #tpu.memory_space<vmem>> -> memref<128xi32, #tpu.memory_space<vmem>>
    %get3A_754 = arith.constant 32 : index
    %get3A_755 = tpu.vector_load %get3A_753[%get3A_754] {strides = array<i32>} : memref<128xi32, #tpu.memory_space<vmem>>, vector<16xi32>,
    %shift_right_logical3A_756 = arith.constant 2 : i32
    %shift_right_logical3A_757 = vector.broadcast %shift_right_logical3A_756 : i32 to vector<16xi32>
    %shift_right_logical3A_758 = arith.shrui %get3A_755, %shift_right_logical3A_757 : vector<16xi32>
    %swap3A_759 = arith.constant 2 : i32
    %swap3A_760 = arith.constant 0 : i32
    %swap3A_761 = tpu.memref_slice %arg12[%swap3A_759, %swap3A_760] : memref<4x128xi32, #tpu.memory_space<vmem>> -> memref<1x128xi32, #tpu.memory_space<vmem>>
    %swap3A_762 = tpu.memref_squeeze %swap3A_761 : memref<1x128xi32, #tpu.memory_space<vmem>> -> memref<128xi32, #tpu.memory_space<vmem>>
    %swap3A_763 = arith.constant 32 : index
    %swap3A_764 = tpu.vector_load %swap3A_762[%swap3A_763] {strides = array<i32>} : memref<128xi32, #tpu.memory_space<vmem>>, vector<16xi32>,
    tpu.vector_store %swap3A_762[%swap3A_763], %shift_right_logical3A_758 {strides = array<i32>} : memref<128xi32, #tpu.memory_space<vmem>>, vector<16xi32>,
    %get3A_765 = arith.constant 2 : i32
    %get3A_766 = arith.constant 0 : i32
    %get3A_767 = tpu.memref_slice %arg9[%get3A_765, %get3A_766] : memref<4x128xi32, #tpu.memory_space<vmem>> -> memref<1x128xi32, #tpu.memory_space<vmem>>
    %get3A_768 = tpu.memref_squeeze %get3A_767 : memref<1x128xi32, #tpu.memory_space<vmem>> -> memref<128xi32, #tpu.memory_space<vmem>>
    %get3A_769 = arith.constant 48 : index
    %get3A_770 = tpu.vector_load %get3A_768[%get3A_769] {strides = array<i32>} : memref<128xi32, #tpu.memory_space<vmem>>, vector<16xi32>,
    %shift_right_logical3A_771 = arith.constant 2 : i32
    %shift_right_logical3A_772 = vector.broadcast %shift_right_logical3A_771 : i32 to vector<16xi32>
    %shift_right_logical3A_773 = arith.shrui %get3A_770, %shift_right_logical3A_772 : vector<16xi32>
    %swap3A_774 = arith.constant 2 : i32
    %swap3A_775 = arith.constant 0 : i32
    %swap3A_776 = tpu.memref_slice %arg12[%swap3A_774, %swap3A_775] : memref<4x128xi32, #tpu.memory_space<vmem>> -> memref<1x128xi32, #tpu.memory_space<vmem>>
    %swap3A_777 = tpu.memref_squeeze %swap3A_776 : memref<1x128xi32, #tpu.memory_space<vmem>> -> memref<128xi32, #tpu.memory_space<vmem>>
    %swap3A_778 = arith.constant 48 : index
    %swap3A_779 = tpu.vector_load %swap3A_777[%swap3A_778] {strides = array<i32>} : memref<128xi32, #tpu.memory_space<vmem>>, vector<16xi32>,
    tpu.vector_store %swap3A_777[%swap3A_778], %shift_right_logical3A_773 {strides = array<i32>} : memref<128xi32, #tpu.memory_space<vmem>>, vector<16xi32>,
    %get3A_780 = arith.constant 2 : i32
    %get3A_781 = arith.constant 0 : i32
    %get3A_782 = tpu.memref_slice %arg9[%get3A_780, %get3A_781] : memref<4x128xi32, #tpu.memory_space<vmem>> -> memref<1x128xi32, #tpu.memory_space<vmem>>
    %get3A_783 = tpu.memref_squeeze %get3A_782 : memref<1x128xi32, #tpu.memory_space<vmem>> -> memref<128xi32, #tpu.memory_space<vmem>>
    %get3A_784 = arith.constant 64 : index
    %get3A_785 = tpu.vector_load %get3A_783[%get3A_784] {strides = array<i32>} : memref<128xi32, #tpu.memory_space<vmem>>, vector<16xi32>,
    %shift_right_logical3A_786 = arith.constant 2 : i32
    %shift_right_logical3A_787 = vector.broadcast %shift_right_logical3A_786 : i32 to vector<16xi32>
    %shift_right_logical3A_788 = arith.shrui %get3A_785, %shift_right_logical3A_787 : vector<16xi32>
    %swap3A_789 = arith.constant 2 : i32
    %swap3A_790 = arith.constant 0 : i32
    %swap3A_791 = tpu.memref_slice %arg12[%swap3A_789, %swap3A_790] : memref<4x128xi32, #tpu.memory_space<vmem>> -> memref<1x128xi32, #tpu.memory_space<vmem>>
    %swap3A_792 = tpu.memref_squeeze %swap3A_791 : memref<1x128xi32, #tpu.memory_space<vmem>> -> memref<128xi32, #tpu.memory_space<vmem>>
    %swap3A_793 = arith.constant 64 : index
    %swap3A_794 = tpu.vector_load %swap3A_792[%swap3A_793] {strides = array<i32>} : memref<128xi32, #tpu.memory_space<vmem>>, vector<16xi32>,
    tpu.vector_store %swap3A_792[%swap3A_793], %shift_right_logical3A_788 {strides = array<i32>} : memref<128xi32, #tpu.memory_space<vmem>>, vector<16xi32>,
    %get3A_795 = arith.constant 2 : i32
    %get3A_796 = arith.constant 0 : i32
    %get3A_797 = tpu.memref_slice %arg9[%get3A_795, %get3A_796] : memref<4x128xi32, #tpu.memory_space<vmem>> -> memref<1x128xi32, #tpu.memory_space<vmem>>
    %get3A_798 = tpu.memref_squeeze %get3A_797 : memref<1x128xi32, #tpu.memory_space<vmem>> -> memref<128xi32, #tpu.memory_space<vmem>>
    %get3A_799 = arith.constant 80 : index
    %get3A_800 = tpu.vector_load %get3A_798[%get3A_799] {strides = array<i32>} : memref<128xi32, #tpu.memory_space<vmem>>, vector<16xi32>,
    %shift_right_logical3A_801 = arith.constant 2 : i32
    %shift_right_logical3A_802 = vector.broadcast %shift_right_logical3A_801 : i32 to vector<16xi32>
    %shift_right_logical3A_803 = arith.shrui %get3A_800, %shift_right_logical3A_802 : vector<16xi32>
    %swap3A_804 = arith.constant 2 : i32
    %swap3A_805 = arith.constant 0 : i32
    %swap3A_806 = tpu.memref_slice %arg12[%swap3A_804, %swap3A_805] : memref<4x128xi32, #tpu.memory_space<vmem>> -> memref<1x128xi32, #tpu.memory_space<vmem>>
    %swap3A_807 = tpu.memref_squeeze %swap3A_806 : memref<1x128xi32, #tpu.memory_space<vmem>> -> memref<128xi32, #tpu.memory_space<vmem>>
    %swap3A_808 = arith.constant 80 : index
    %swap3A_809 = tpu.vector_load %swap3A_807[%swap3A_808] {strides = array<i32>} : memref<128xi32, #tpu.memory_space<vmem>>, vector<16xi32>,
    tpu.vector_store %swap3A_807[%swap3A_808], %shift_right_logical3A_803 {strides = array<i32>} : memref<128xi32, #tpu.memory_space<vmem>>, vector<16xi32>,
    %get3A_810 = arith.constant 2 : i32
    %get3A_811 = arith.constant 0 : i32
    %get3A_812 = tpu.memref_slice %arg9[%get3A_810, %get3A_811] : memref<4x128xi32, #tpu.memory_space<vmem>> -> memref<1x128xi32, #tpu.memory_space<vmem>>
    %get3A_813 = tpu.memref_squeeze %get3A_812 : memref<1x128xi32, #tpu.memory_space<vmem>> -> memref<128xi32, #tpu.memory_space<vmem>>
    %get3A_814 = arith.constant 96 : index
    %get3A_815 = tpu.vector_load %get3A_813[%get3A_814] {strides = array<i32>} : memref<128xi32, #tpu.memory_space<vmem>>, vector<16xi32>,
    %shift_right_logical3A_816 = arith.constant 2 : i32
    %shift_right_logical3A_817 = vector.broadcast %shift_right_logical3A_816 : i32 to vector<16xi32>
    %shift_right_logical3A_818 = arith.shrui %get3A_815, %shift_right_logical3A_817 : vector<16xi32>
    %swap3A_819 = arith.constant 2 : i32
    %swap3A_820 = arith.constant 0 : i32
    %swap3A_821 = tpu.memref_slice %arg12[%swap3A_819, %swap3A_820] : memref<4x128xi32, #tpu.memory_space<vmem>> -> memref<1x128xi32, #tpu.memory_space<vmem>>
    %swap3A_822 = tpu.memref_squeeze %swap3A_821 : memref<1x128xi32, #tpu.memory_space<vmem>> -> memref<128xi32, #tpu.memory_space<vmem>>
    %swap3A_823 = arith.constant 96 : index
    %swap3A_824 = tpu.vector_load %swap3A_822[%swap3A_823] {strides = array<i32>} : memref<128xi32, #tpu.memory_space<vmem>>, vector<16xi32>,
    tpu.vector_store %swap3A_822[%swap3A_823], %shift_right_logical3A_818 {strides = array<i32>} : memref<128xi32, #tpu.memory_space<vmem>>, vector<16xi32>,
    %get3A_825 = arith.constant 2 : i32
    %get3A_826 = arith.constant 0 : i32
    %get3A_827 = tpu.memref_slice %arg9[%get3A_825, %get3A_826] : memref<4x128xi32, #tpu.memory_space<vmem>> -> memref<1x128xi32, #tpu.memory_space<vmem>>
    %get3A_828 = tpu.memref_squeeze %get3A_827 : memref<1x128xi32, #tpu.memory_space<vmem>> -> memref<128xi32, #tpu.memory_space<vmem>>
    %get3A_829 = arith.constant 112 : index
    %get3A_830 = tpu.vector_load %get3A_828[%get3A_829] {strides = array<i32>} : memref<128xi32, #tpu.memory_space<vmem>>, vector<16xi32>,
    %shift_right_logical3A_831 = arith.constant 2 : i32
    %shift_right_logical3A_832 = vector.broadcast %shift_right_logical3A_831 : i32 to vector<16xi32>
    %shift_right_logical3A_833 = arith.shrui %get3A_830, %shift_right_logical3A_832 : vector<16xi32>
    %swap3A_834 = arith.constant 2 : i32
    %swap3A_835 = arith.constant 0 : i32
    %swap3A_836 = tpu.memref_slice %arg12[%swap3A_834, %swap3A_835] : memref<4x128xi32, #tpu.memory_space<vmem>> -> memref<1x128xi32, #tpu.memory_space<vmem>>
    %swap3A_837 = tpu.memref_squeeze %swap3A_836 : memref<1x128xi32, #tpu.memory_space<vmem>> -> memref<128xi32, #tpu.memory_space<vmem>>
    %swap3A_838 = arith.constant 112 : index
    %swap3A_839 = tpu.vector_load %swap3A_837[%swap3A_838] {strides = array<i32>} : memref<128xi32, #tpu.memory_space<vmem>>, vector<16xi32>,
    tpu.vector_store %swap3A_837[%swap3A_838], %shift_right_logical3A_833 {strides = array<i32>} : memref<128xi32, #tpu.memory_space<vmem>>, vector<16xi32>,
    %get3A_840 = arith.constant 3 : i32
    %get3A_841 = arith.constant 0 : i32
    %get3A_842 = tpu.memref_slice %arg9[%get3A_840, %get3A_841] : memref<4x128xi32, #tpu.memory_space<vmem>> -> memref<1x128xi32, #tpu.memory_space<vmem>>
    %get3A_843 = tpu.memref_squeeze %get3A_842 : memref<1x128xi32, #tpu.memory_space<vmem>> -> memref<128xi32, #tpu.memory_space<vmem>>
    %get3A_844 = arith.constant 0 : index
    %get3A_845 = tpu.vector_load %get3A_843[%get3A_844] {strides = array<i32>} : memref<128xi32, #tpu.memory_space<vmem>>, vector<16xi32>,
    %shift_right_logical3A_846 = arith.constant 2 : i32
    %shift_right_logical3A_847 = vector.broadcast %shift_right_logical3A_846 : i32 to vector<16xi32>
    %shift_right_logical3A_848 = arith.shrui %get3A_845, %shift_right_logical3A_847 : vector<16xi32>
    %swap3A_849 = arith.constant 3 : i32
    %swap3A_850 = arith.constant 0 : i32
    %swap3A_851 = tpu.memref_slice %arg12[%swap3A_849, %swap3A_850] : memref<4x128xi32, #tpu.memory_space<vmem>> -> memref<1x128xi32, #tpu.memory_space<vmem>>
    %swap3A_852 = tpu.memref_squeeze %swap3A_851 : memref<1x128xi32, #tpu.memory_space<vmem>> -> memref<128xi32, #tpu.memory_space<vmem>>
    %swap3A_853 = arith.constant 0 : index
    %swap3A_854 = tpu.vector_load %swap3A_852[%swap3A_853] {strides = array<i32>} : memref<128xi32, #tpu.memory_space<vmem>>, vector<16xi32>,
    tpu.vector_store %swap3A_852[%swap3A_853], %shift_right_logical3A_848 {strides = array<i32>} : memref<128xi32, #tpu.memory_space<vmem>>, vector<16xi32>,
    %get3A_855 = arith.constant 3 : i32
    %get3A_856 = arith.constant 0 : i32
    %get3A_857 = tpu.memref_slice %arg9[%get3A_855, %get3A_856] : memref<4x128xi32, #tpu.memory_space<vmem>> -> memref<1x128xi32, #tpu.memory_space<vmem>>
    %get3A_858 = tpu.memref_squeeze %get3A_857 : memref<1x128xi32, #tpu.memory_space<vmem>> -> memref<128xi32, #tpu.memory_space<vmem>>
    %get3A_859 = arith.constant 16 : index
    %get3A_860 = tpu.vector_load %get3A_858[%get3A_859] {strides = array<i32>} : memref<128xi32, #tpu.memory_space<vmem>>, vector<16xi32>,
    %shift_right_logical3A_861 = arith.constant 2 : i32
    %shift_right_logical3A_862 = vector.broadcast %shift_right_logical3A_861 : i32 to vector<16xi32>
    %shift_right_logical3A_863 = arith.shrui %get3A_860, %shift_right_logical3A_862 : vector<16xi32>
    %swap3A_864 = arith.constant 3 : i32
    %swap3A_865 = arith.constant 0 : i32
    %swap3A_866 = tpu.memref_slice %arg12[%swap3A_864, %swap3A_865] : memref<4x128xi32, #tpu.memory_space<vmem>> -> memref<1x128xi32, #tpu.memory_space<vmem>>
    %swap3A_867 = tpu.memref_squeeze %swap3A_866 : memref<1x128xi32, #tpu.memory_space<vmem>> -> memref<128xi32, #tpu.memory_space<vmem>>
    %swap3A_868 = arith.constant 16 : index
    %swap3A_869 = tpu.vector_load %swap3A_867[%swap3A_868] {strides = array<i32>} : memref<128xi32, #tpu.memory_space<vmem>>, vector<16xi32>,
    tpu.vector_store %swap3A_867[%swap3A_868], %shift_right_logical3A_863 {strides = array<i32>} : memref<128xi32, #tpu.memory_space<vmem>>, vector<16xi32>,
    %get3A_870 = arith.constant 3 : i32
    %get3A_871 = arith.constant 0 : i32
    %get3A_872 = tpu.memref_slice %arg9[%get3A_870, %get3A_871] : memref<4x128xi32, #tpu.memory_space<vmem>> -> memref<1x128xi32, #tpu.memory_space<vmem>>
    %get3A_873 = tpu.memref_squeeze %get3A_872 : memref<1x128xi32, #tpu.memory_space<vmem>> -> memref<128xi32, #tpu.memory_space<vmem>>
    %get3A_874 = arith.constant 32 : index
    %get3A_875 = tpu.vector_load %get3A_873[%get3A_874] {strides = array<i32>} : memref<128xi32, #tpu.memory_space<vmem>>, vector<16xi32>,
    %shift_right_logical3A_876 = arith.constant 2 : i32
    %shift_right_logical3A_877 = vector.broadcast %shift_right_logical3A_876 : i32 to vector<16xi32>
    %shift_right_logical3A_878 = arith.shrui %get3A_875, %shift_right_logical3A_877 : vector<16xi32>
    %swap3A_879 = arith.constant 3 : i32
    %swap3A_880 = arith.constant 0 : i32
    %swap3A_881 = tpu.memref_slice %arg12[%swap3A_879, %swap3A_880] : memref<4x128xi32, #tpu.memory_space<vmem>> -> memref<1x128xi32, #tpu.memory_space<vmem>>
    %swap3A_882 = tpu.memref_squeeze %swap3A_881 : memref<1x128xi32, #tpu.memory_space<vmem>> -> memref<128xi32, #tpu.memory_space<vmem>>
    %swap3A_883 = arith.constant 32 : index
    %swap3A_884 = tpu.vector_load %swap3A_882[%swap3A_883] {strides = array<i32>} : memref<128xi32, #tpu.memory_space<vmem>>, vector<16xi32>,
    tpu.vector_store %swap3A_882[%swap3A_883], %shift_right_logical3A_878 {strides = array<i32>} : memref<128xi32, #tpu.memory_space<vmem>>, vector<16xi32>,
    %get3A_885 = arith.constant 3 : i32
    %get3A_886 = arith.constant 0 : i32
    %get3A_887 = tpu.memref_slice %arg9[%get3A_885, %get3A_886] : memref<4x128xi32, #tpu.memory_space<vmem>> -> memref<1x128xi32, #tpu.memory_space<vmem>>
    %get3A_888 = tpu.memref_squeeze %get3A_887 : memref<1x128xi32, #tpu.memory_space<vmem>> -> memref<128xi32, #tpu.memory_space<vmem>>
    %get3A_889 = arith.constant 48 : index
    %get3A_890 = tpu.vector_load %get3A_888[%get3A_889] {strides = array<i32>} : memref<128xi32, #tpu.memory_space<vmem>>, vector<16xi32>,
    %shift_right_logical3A_891 = arith.constant 2 : i32
    %shift_right_logical3A_892 = vector.broadcast %shift_right_logical3A_891 : i32 to vector<16xi32>
    %shift_right_logical3A_893 = arith.shrui %get3A_890, %shift_right_logical3A_892 : vector<16xi32>
    %swap3A_894 = arith.constant 3 : i32
    %swap3A_895 = arith.constant 0 : i32
    %swap3A_896 = tpu.memref_slice %arg12[%swap3A_894, %swap3A_895] : memref<4x128xi32, #tpu.memory_space<vmem>> -> memref<1x128xi32, #tpu.memory_space<vmem>>
    %swap3A_897 = tpu.memref_squeeze %swap3A_896 : memref<1x128xi32, #tpu.memory_space<vmem>> -> memref<128xi32, #tpu.memory_space<vmem>>
    %swap3A_898 = arith.constant 48 : index
    %swap3A_899 = tpu.vector_load %swap3A_897[%swap3A_898] {strides = array<i32>} : memref<128xi32, #tpu.memory_space<vmem>>, vector<16xi32>,
    tpu.vector_store %swap3A_897[%swap3A_898], %shift_right_logical3A_893 {strides = array<i32>} : memref<128xi32, #tpu.memory_space<vmem>>, vector<16xi32>,
    %get3A_900 = arith.constant 3 : i32
    %get3A_901 = arith.constant 0 : i32
    %get3A_902 = tpu.memref_slice %arg9[%get3A_900, %get3A_901] : memref<4x128xi32, #tpu.memory_space<vmem>> -> memref<1x128xi32, #tpu.memory_space<vmem>>
    %get3A_903 = tpu.memref_squeeze %get3A_902 : memref<1x128xi32, #tpu.memory_space<vmem>> -> memref<128xi32, #tpu.memory_space<vmem>>
    %get3A_904 = arith.constant 64 : index
    %get3A_905 = tpu.vector_load %get3A_903[%get3A_904] {strides = array<i32>} : memref<128xi32, #tpu.memory_space<vmem>>, vector<16xi32>,
    %shift_right_logical3A_906 = arith.constant 2 : i32
    %shift_right_logical3A_907 = vector.broadcast %shift_right_logical3A_906 : i32 to vector<16xi32>
    %shift_right_logical3A_908 = arith.shrui %get3A_905, %shift_right_logical3A_907 : vector<16xi32>
    %swap3A_909 = arith.constant 3 : i32
    %swap3A_910 = arith.constant 0 : i32
    %swap3A_911 = tpu.memref_slice %arg12[%swap3A_909, %swap3A_910] : memref<4x128xi32, #tpu.memory_space<vmem>> -> memref<1x128xi32, #tpu.memory_space<vmem>>
    %swap3A_912 = tpu.memref_squeeze %swap3A_911 : memref<1x128xi32, #tpu.memory_space<vmem>> -> memref<128xi32, #tpu.memory_space<vmem>>
    %swap3A_913 = arith.constant 64 : index
    %swap3A_914 = tpu.vector_load %swap3A_912[%swap3A_913] {strides = array<i32>} : memref<128xi32, #tpu.memory_space<vmem>>, vector<16xi32>,
    tpu.vector_store %swap3A_912[%swap3A_913], %shift_right_logical3A_908 {strides = array<i32>} : memref<128xi32, #tpu.memory_space<vmem>>, vector<16xi32>,
    %get3A_915 = arith.constant 3 : i32
    %get3A_916 = arith.constant 0 : i32
    %get3A_917 = tpu.memref_slice %arg9[%get3A_915, %get3A_916] : memref<4x128xi32, #tpu.memory_space<vmem>> -> memref<1x128xi32, #tpu.memory_space<vmem>>
    %get3A_918 = tpu.memref_squeeze %get3A_917 : memref<1x128xi32, #tpu.memory_space<vmem>> -> memref<128xi32, #tpu.memory_space<vmem>>
    %get3A_919 = arith.constant 80 : index
    %get3A_920 = tpu.vector_load %get3A_918[%get3A_919] {strides = array<i32>} : memref<128xi32, #tpu.memory_space<vmem>>, vector<16xi32>,
    %shift_right_logical3A_921 = arith.constant 2 : i32
    %shift_right_logical3A_922 = vector.broadcast %shift_right_logical3A_921 : i32 to vector<16xi32>
    %shift_right_logical3A_923 = arith.shrui %get3A_920, %shift_right_logical3A_922 : vector<16xi32>
    %swap3A_924 = arith.constant 3 : i32
    %swap3A_925 = arith.constant 0 : i32
    %swap3A_926 = tpu.memref_slice %arg12[%swap3A_924, %swap3A_925] : memref<4x128xi32, #tpu.memory_space<vmem>> -> memref<1x128xi32, #tpu.memory_space<vmem>>
    %swap3A_927 = tpu.memref_squeeze %swap3A_926 : memref<1x128xi32, #tpu.memory_space<vmem>> -> memref<128xi32, #tpu.memory_space<vmem>>
    %swap3A_928 = arith.constant 80 : index
    %swap3A_929 = tpu.vector_load %swap3A_927[%swap3A_928] {strides = array<i32>} : memref<128xi32, #tpu.memory_space<vmem>>, vector<16xi32>,
    tpu.vector_store %swap3A_927[%swap3A_928], %shift_right_logical3A_923 {strides = array<i32>} : memref<128xi32, #tpu.memory_space<vmem>>, vector<16xi32>,
    %get3A_930 = arith.constant 3 : i32
    %get3A_931 = arith.constant 0 : i32
    %get3A_932 = tpu.memref_slice %arg9[%get3A_930, %get3A_931] : memref<4x128xi32, #tpu.memory_space<vmem>> -> memref<1x128xi32, #tpu.memory_space<vmem>>
    %get3A_933 = tpu.memref_squeeze %get3A_932 : memref<1x128xi32, #tpu.memory_space<vmem>> -> memref<128xi32, #tpu.memory_space<vmem>>
    %get3A_934 = arith.constant 96 : index
    %get3A_935 = tpu.vector_load %get3A_933[%get3A_934] {strides = array<i32>} : memref<128xi32, #tpu.memory_space<vmem>>, vector<16xi32>,
    %shift_right_logical3A_936 = arith.constant 2 : i32
    %shift_right_logical3A_937 = vector.broadcast %shift_right_logical3A_936 : i32 to vector<16xi32>
    %shift_right_logical3A_938 = arith.shrui %get3A_935, %shift_right_logical3A_937 : vector<16xi32>
    %swap3A_939 = arith.constant 3 : i32
    %swap3A_940 = arith.constant 0 : i32
    %swap3A_941 = tpu.memref_slice %arg12[%swap3A_939, %swap3A_940] : memref<4x128xi32, #tpu.memory_space<vmem>> -> memref<1x128xi32, #tpu.memory_space<vmem>>
    %swap3A_942 = tpu.memref_squeeze %swap3A_941 : memref<1x128xi32, #tpu.memory_space<vmem>> -> memref<128xi32, #tpu.memory_space<vmem>>
    %swap3A_943 = arith.constant 96 : index
    %swap3A_944 = tpu.vector_load %swap3A_942[%swap3A_943] {strides = array<i32>} : memref<128xi32, #tpu.memory_space<vmem>>, vector<16xi32>,
    tpu.vector_store %swap3A_942[%swap3A_943], %shift_right_logical3A_938 {strides = array<i32>} : memref<128xi32, #tpu.memory_space<vmem>>, vector<16xi32>,
    %get3A_945 = arith.constant 3 : i32
    %get3A_946 = arith.constant 0 : i32
    %get3A_947 = tpu.memref_slice %arg9[%get3A_945, %get3A_946] : memref<4x128xi32, #tpu.memory_space<vmem>> -> memref<1x128xi32, #tpu.memory_space<vmem>>
    %get3A_948 = tpu.memref_squeeze %get3A_947 : memref<1x128xi32, #tpu.memory_space<vmem>> -> memref<128xi32, #tpu.memory_space<vmem>>
    %get3A_949 = arith.constant 112 : index
    %get3A_950 = tpu.vector_load %get3A_948[%get3A_949] {strides = array<i32>} : memref<128xi32, #tpu.memory_space<vmem>>, vector<16xi32>,
    %shift_right_logical3A_951 = arith.constant 2 : i32
    %shift_right_logical3A_952 = vector.broadcast %shift_right_logical3A_951 : i32 to vector<16xi32>
    %shift_right_logical3A_953 = arith.shrui %get3A_950, %shift_right_logical3A_952 : vector<16xi32>
    %swap3A_954 = arith.constant 3 : i32
    %swap3A_955 = arith.constant 0 : i32
    %swap3A_956 = tpu.memref_slice %arg12[%swap3A_954, %swap3A_955] : memref<4x128xi32, #tpu.memory_space<vmem>> -> memref<1x128xi32, #tpu.memory_space<vmem>>
    %swap3A_957 = tpu.memref_squeeze %swap3A_956 : memref<1x128xi32, #tpu.memory_space<vmem>> -> memref<128xi32, #tpu.memory_space<vmem>>
    %swap3A_958 = arith.constant 112 : index
    %swap3A_959 = tpu.vector_load %swap3A_957[%swap3A_958] {strides = array<i32>} : memref<128xi32, #tpu.memory_space<vmem>>, vector<16xi32>,
    tpu.vector_store %swap3A_957[%swap3A_958], %shift_right_logical3A_953 {strides = array<i32>} : memref<128xi32, #tpu.memory_space<vmem>>, vector<16xi32>,
    %get3A_960 = arith.constant 0 : i32
    %get3A_961 = arith.constant 0 : i32
    %get3A_962 = tpu.memref_slice %arg10[%get3A_960, %get3A_961] : memref<4x128xi32, #tpu.memory_space<vmem>> -> memref<1x128xi32, #tpu.memory_space<vmem>>
    %get3A_963 = tpu.memref_squeeze %get3A_962 : memref<1x128xi32, #tpu.memory_space<vmem>> -> memref<128xi32, #tpu.memory_space<vmem>>
    %get3A_964 = arith.constant 0 : index
    %get3A_965 = tpu.vector_load %get3A_963[%get3A_964] {strides = array<i32>} : memref<128xi32, #tpu.memory_space<vmem>>, vector<16xi32>,
    %shift_right_logical3A_966 = arith.constant 2 : i32
    %shift_right_logical3A_967 = vector.broadcast %shift_right_logical3A_966 : i32 to vector<16xi32>
    %shift_right_logical3A_968 = arith.shrui %get3A_965, %shift_right_logical3A_967 : vector<16xi32>
    %swap3A_969 = arith.constant 0 : i32
    %swap3A_970 = arith.constant 0 : i32
    %swap3A_971 = tpu.memref_slice %arg13[%swap3A_969, %swap3A_970] : memref<4x128xi32, #tpu.memory_space<vmem>> -> memref<1x128xi32, #tpu.memory_space<vmem>>
    %swap3A_972 = tpu.memref_squeeze %swap3A_971 : memref<1x128xi32, #tpu.memory_space<vmem>> -> memref<128xi32, #tpu.memory_space<vmem>>
    %swap3A_973 = arith.constant 0 : index
    %swap3A_974 = tpu.vector_load %swap3A_972[%swap3A_973] {strides = array<i32>} : memref<128xi32, #tpu.memory_space<vmem>>, vector<16xi32>,
    tpu.vector_store %swap3A_972[%swap3A_973], %shift_right_logical3A_968 {strides = array<i32>} : memref<128xi32, #tpu.memory_space<vmem>>, vector<16xi32>,
    %get3A_975 = arith.constant 0 : i32
    %get3A_976 = arith.constant 0 : i32
    %get3A_977 = tpu.memref_slice %arg10[%get3A_975, %get3A_976] : memref<4x128xi32, #tpu.memory_space<vmem>> -> memref<1x128xi32, #tpu.memory_space<vmem>>
    %get3A_978 = tpu.memref_squeeze %get3A_977 : memref<1x128xi32, #tpu.memory_space<vmem>> -> memref<128xi32, #tpu.memory_space<vmem>>
    %get3A_979 = arith.constant 16 : index
    %get3A_980 = tpu.vector_load %get3A_978[%get3A_979] {strides = array<i32>} : memref<128xi32, #tpu.memory_space<vmem>>, vector<16xi32>,
    %shift_right_logical3A_981 = arith.constant 2 : i32
    %shift_right_logical3A_982 = vector.broadcast %shift_right_logical3A_981 : i32 to vector<16xi32>
    %shift_right_logical3A_983 = arith.shrui %get3A_980, %shift_right_logical3A_982 : vector<16xi32>
    %swap3A_984 = arith.constant 0 : i32
    %swap3A_985 = arith.constant 0 : i32
    %swap3A_986 = tpu.memref_slice %arg13[%swap3A_984, %swap3A_985] : memref<4x128xi32, #tpu.memory_space<vmem>> -> memref<1x128xi32, #tpu.memory_space<vmem>>
    %swap3A_987 = tpu.memref_squeeze %swap3A_986 : memref<1x128xi32, #tpu.memory_space<vmem>> -> memref<128xi32, #tpu.memory_space<vmem>>
    %swap3A_988 = arith.constant 16 : index
    %swap3A_989 = tpu.vector_load %swap3A_987[%swap3A_988] {strides = array<i32>} : memref<128xi32, #tpu.memory_space<vmem>>, vector<16xi32>,
    tpu.vector_store %swap3A_987[%swap3A_988], %shift_right_logical3A_983 {strides = array<i32>} : memref<128xi32, #tpu.memory_space<vmem>>, vector<16xi32>,
    %get3A_990 = arith.constant 0 : i32
    %get3A_991 = arith.constant 0 : i32
    %get3A_992 = tpu.memref_slice %arg10[%get3A_990, %get3A_991] : memref<4x128xi32, #tpu.memory_space<vmem>> -> memref<1x128xi32, #tpu.memory_space<vmem>>
    %get3A_993 = tpu.memref_squeeze %get3A_992 : memref<1x128xi32, #tpu.memory_space<vmem>> -> memref<128xi32, #tpu.memory_space<vmem>>
    %get3A_994 = arith.constant 32 : index
    %get3A_995 = tpu.vector_load %get3A_993[%get3A_994] {strides = array<i32>} : memref<128xi32, #tpu.memory_space<vmem>>, vector<16xi32>,
    %shift_right_logical3A_996 = arith.constant 2 : i32
    %shift_right_logical3A_997 = vector.broadcast %shift_right_logical3A_996 : i32 to vector<16xi32>
    %shift_right_logical3A_998 = arith.shrui %get3A_995, %shift_right_logical3A_997 : vector<16xi32>
    %swap3A_999 = arith.constant 0 : i32
    %swap3A_1000 = arith.constant 0 : i32
    %swap3A_1001 = tpu.memref_slice %arg13[%swap3A_999, %swap3A_1000] : memref<4x128xi32, #tpu.memory_space<vmem>> -> memref<1x128xi32, #tpu.memory_space<vmem>>
    %swap3A_1002 = tpu.memref_squeeze %swap3A_1001 : memref<1x128xi32, #tpu.memory_space<vmem>> -> memref<128xi32, #tpu.memory_space<vmem>>
    %swap3A_1003 = arith.constant 32 : index
    %swap3A_1004 = tpu.vector_load %swap3A_1002[%swap3A_1003] {strides = array<i32>} : memref<128xi32, #tpu.memory_space<vmem>>, vector<16xi32>,
    tpu.vector_store %swap3A_1002[%swap3A_1003], %shift_right_logical3A_998 {strides = array<i32>} : memref<128xi32, #tpu.memory_space<vmem>>, vector<16xi32>,
    %get3A_1005 = arith.constant 0 : i32
    %get3A_1006 = arith.constant 0 : i32
    %get3A_1007 = tpu.memref_slice %arg10[%get3A_1005, %get3A_1006] : memref<4x128xi32, #tpu.memory_space<vmem>> -> memref<1x128xi32, #tpu.memory_space<vmem>>
    %get3A_1008 = tpu.memref_squeeze %get3A_1007 : memref<1x128xi32, #tpu.memory_space<vmem>> -> memref<128xi32, #tpu.memory_space<vmem>>
    %get3A_1009 = arith.constant 48 : index
    %get3A_1010 = tpu.vector_load %get3A_1008[%get3A_1009] {strides = array<i32>} : memref<128xi32, #tpu.memory_space<vmem>>, vector<16xi32>,
    %shift_right_logical3A_1011 = arith.constant 2 : i32
    %shift_right_logical3A_1012 = vector.broadcast %shift_right_logical3A_1011 : i32 to vector<16xi32>
    %shift_right_logical3A_1013 = arith.shrui %get3A_1010, %shift_right_logical3A_1012 : vector<16xi32>
    %swap3A_1014 = arith.constant 0 : i32
    %swap3A_1015 = arith.constant 0 : i32
    %swap3A_1016 = tpu.memref_slice %arg13[%swap3A_1014, %swap3A_1015] : memref<4x128xi32, #tpu.memory_space<vmem>> -> memref<1x128xi32, #tpu.memory_space<vmem>>
    %swap3A_1017 = tpu.memref_squeeze %swap3A_1016 : memref<1x128xi32, #tpu.memory_space<vmem>> -> memref<128xi32, #tpu.memory_space<vmem>>
    %swap3A_1018 = arith.constant 48 : index
    %swap3A_1019 = tpu.vector_load %swap3A_1017[%swap3A_1018] {strides = array<i32>} : memref<128xi32, #tpu.memory_space<vmem>>, vector<16xi32>,
    tpu.vector_store %swap3A_1017[%swap3A_1018], %shift_right_logical3A_1013 {strides = array<i32>} : memref<128xi32, #tpu.memory_space<vmem>>, vector<16xi32>,
    %get3A_1020 = arith.constant 0 : i32
    %get3A_1021 = arith.constant 0 : i32
    %get3A_1022 = tpu.memref_slice %arg10[%get3A_1020, %get3A_1021] : memref<4x128xi32, #tpu.memory_space<vmem>> -> memref<1x128xi32, #tpu.memory_space<vmem>>
    %get3A_1023 = tpu.memref_squeeze %get3A_1022 : memref<1x128xi32, #tpu.memory_space<vmem>> -> memref<128xi32, #tpu.memory_space<vmem>>
    %get3A_1024 = arith.constant 64 : index
    %get3A_1025 = tpu.vector_load %get3A_1023[%get3A_1024] {strides = array<i32>} : memref<128xi32, #tpu.memory_space<vmem>>, vector<16xi32>,
    %shift_right_logical3A_1026 = arith.constant 2 : i32
    %shift_right_logical3A_1027 = vector.broadcast %shift_right_logical3A_1026 : i32 to vector<16xi32>
    %shift_right_logical3A_1028 = arith.shrui %get3A_1025, %shift_right_logical3A_1027 : vector<16xi32>
    %swap3A_1029 = arith.constant 0 : i32
    %swap3A_1030 = arith.constant 0 : i32
    %swap3A_1031 = tpu.memref_slice %arg13[%swap3A_1029, %swap3A_1030] : memref<4x128xi32, #tpu.memory_space<vmem>> -> memref<1x128xi32, #tpu.memory_space<vmem>>
    %swap3A_1032 = tpu.memref_squeeze %swap3A_1031 : memref<1x128xi32, #tpu.memory_space<vmem>> -> memref<128xi32, #tpu.memory_space<vmem>>
    %swap3A_1033 = arith.constant 64 : index
    %swap3A_1034 = tpu.vector_load %swap3A_1032[%swap3A_1033] {strides = array<i32>} : memref<128xi32, #tpu.memory_space<vmem>>, vector<16xi32>,
    tpu.vector_store %swap3A_1032[%swap3A_1033], %shift_right_logical3A_1028 {strides = array<i32>} : memref<128xi32, #tpu.memory_space<vmem>>, vector<16xi32>,
    %get3A_1035 = arith.constant 0 : i32
    %get3A_1036 = arith.constant 0 : i32
    %get3A_1037 = tpu.memref_slice %arg10[%get3A_1035, %get3A_1036] : memref<4x128xi32, #tpu.memory_space<vmem>> -> memref<1x128xi32, #tpu.memory_space<vmem>>
    %get3A_1038 = tpu.memref_squeeze %get3A_1037 : memref<1x128xi32, #tpu.memory_space<vmem>> -> memref<128xi32, #tpu.memory_space<vmem>>
    %get3A_1039 = arith.constant 80 : index
    %get3A_1040 = tpu.vector_load %get3A_1038[%get3A_1039] {strides = array<i32>} : memref<128xi32, #tpu.memory_space<vmem>>, vector<16xi32>,
    %shift_right_logical3A_1041 = arith.constant 2 : i32
    %shift_right_logical3A_1042 = vector.broadcast %shift_right_logical3A_1041 : i32 to vector<16xi32>
    %shift_right_logical3A_1043 = arith.shrui %get3A_1040, %shift_right_logical3A_1042 : vector<16xi32>
    %swap3A_1044 = arith.constant 0 : i32
    %swap3A_1045 = arith.constant 0 : i32
    %swap3A_1046 = tpu.memref_slice %arg13[%swap3A_1044, %swap3A_1045] : memref<4x128xi32, #tpu.memory_space<vmem>> -> memref<1x128xi32, #tpu.memory_space<vmem>>
    %swap3A_1047 = tpu.memref_squeeze %swap3A_1046 : memref<1x128xi32, #tpu.memory_space<vmem>> -> memref<128xi32, #tpu.memory_space<vmem>>
    %swap3A_1048 = arith.constant 80 : index
    %swap3A_1049 = tpu.vector_load %swap3A_1047[%swap3A_1048] {strides = array<i32>} : memref<128xi32, #tpu.memory_space<vmem>>, vector<16xi32>,
    tpu.vector_store %swap3A_1047[%swap3A_1048], %shift_right_logical3A_1043 {strides = array<i32>} : memref<128xi32, #tpu.memory_space<vmem>>, vector<16xi32>,
    %get3A_1050 = arith.constant 0 : i32
    %get3A_1051 = arith.constant 0 : i32
    %get3A_1052 = tpu.memref_slice %arg10[%get3A_1050, %get3A_1051] : memref<4x128xi32, #tpu.memory_space<vmem>> -> memref<1x128xi32, #tpu.memory_space<vmem>>
    %get3A_1053 = tpu.memref_squeeze %get3A_1052 : memref<1x128xi32, #tpu.memory_space<vmem>> -> memref<128xi32, #tpu.memory_space<vmem>>
    %get3A_1054 = arith.constant 96 : index
    %get3A_1055 = tpu.vector_load %get3A_1053[%get3A_1054] {strides = array<i32>} : memref<128xi32, #tpu.memory_space<vmem>>, vector<16xi32>,
    %shift_right_logical3A_1056 = arith.constant 2 : i32
    %shift_right_logical3A_1057 = vector.broadcast %shift_right_logical3A_1056 : i32 to vector<16xi32>
    %shift_right_logical3A_1058 = arith.shrui %get3A_1055, %shift_right_logical3A_1057 : vector<16xi32>
    %swap3A_1059 = arith.constant 0 : i32
    %swap3A_1060 = arith.constant 0 : i32
    %swap3A_1061 = tpu.memref_slice %arg13[%swap3A_1059, %swap3A_1060] : memref<4x128xi32, #tpu.memory_space<vmem>> -> memref<1x128xi32, #tpu.memory_space<vmem>>
    %swap3A_1062 = tpu.memref_squeeze %swap3A_1061 : memref<1x128xi32, #tpu.memory_space<vmem>> -> memref<128xi32, #tpu.memory_space<vmem>>
    %swap3A_1063 = arith.constant 96 : index
    %swap3A_1064 = tpu.vector_load %swap3A_1062[%swap3A_1063] {strides = array<i32>} : memref<128xi32, #tpu.memory_space<vmem>>, vector<16xi32>,
    tpu.vector_store %swap3A_1062[%swap3A_1063], %shift_right_logical3A_1058 {strides = array<i32>} : memref<128xi32, #tpu.memory_space<vmem>>, vector<16xi32>,
    %get3A_1065 = arith.constant 0 : i32
    %get3A_1066 = arith.constant 0 : i32
    %get3A_1067 = tpu.memref_slice %arg10[%get3A_1065, %get3A_1066] : memref<4x128xi32, #tpu.memory_space<vmem>> -> memref<1x128xi32, #tpu.memory_space<vmem>>
    %get3A_1068 = tpu.memref_squeeze %get3A_1067 : memref<1x128xi32, #tpu.memory_space<vmem>> -> memref<128xi32, #tpu.memory_space<vmem>>
    %get3A_1069 = arith.constant 112 : index
    %get3A_1070 = tpu.vector_load %get3A_1068[%get3A_1069] {strides = array<i32>} : memref<128xi32, #tpu.memory_space<vmem>>, vector<16xi32>,
    %shift_right_logical3A_1071 = arith.constant 2 : i32
    %shift_right_logical3A_1072 = vector.broadcast %shift_right_logical3A_1071 : i32 to vector<16xi32>
    %shift_right_logical3A_1073 = arith.shrui %get3A_1070, %shift_right_logical3A_1072 : vector<16xi32>
    %swap3A_1074 = arith.constant 0 : i32
    %swap3A_1075 = arith.constant 0 : i32
    %swap3A_1076 = tpu.memref_slice %arg13[%swap3A_1074, %swap3A_1075] : memref<4x128xi32, #tpu.memory_space<vmem>> -> memref<1x128xi32, #tpu.memory_space<vmem>>
    %swap3A_1077 = tpu.memref_squeeze %swap3A_1076 : memref<1x128xi32, #tpu.memory_space<vmem>> -> memref<128xi32, #tpu.memory_space<vmem>>
    %swap3A_1078 = arith.constant 112 : index
    %swap3A_1079 = tpu.vector_load %swap3A_1077[%swap3A_1078] {strides = array<i32>} : memref<128xi32, #tpu.memory_space<vmem>>, vector<16xi32>,
    tpu.vector_store %swap3A_1077[%swap3A_1078], %shift_right_logical3A_1073 {strides = array<i32>} : memref<128xi32, #tpu.memory_space<vmem>>, vector<16xi32>,
    %get3A_1080 = arith.constant 1 : i32
    %get3A_1081 = arith.constant 0 : i32
    %get3A_1082 = tpu.memref_slice %arg10[%get3A_1080, %get3A_1081] : memref<4x128xi32, #tpu.memory_space<vmem>> -> memref<1x128xi32, #tpu.memory_space<vmem>>
    %get3A_1083 = tpu.memref_squeeze %get3A_1082 : memref<1x128xi32, #tpu.memory_space<vmem>> -> memref<128xi32, #tpu.memory_space<vmem>>
    %get3A_1084 = arith.constant 0 : index
    %get3A_1085 = tpu.vector_load %get3A_1083[%get3A_1084] {strides = array<i32>} : memref<128xi32, #tpu.memory_space<vmem>>, vector<16xi32>,
    %shift_right_logical3A_1086 = arith.constant 2 : i32
    %shift_right_logical3A_1087 = vector.broadcast %shift_right_logical3A_1086 : i32 to vector<16xi32>
    %shift_right_logical3A_1088 = arith.shrui %get3A_1085, %shift_right_logical3A_1087 : vector<16xi32>
    %swap3A_1089 = arith.constant 1 : i32
    %swap3A_1090 = arith.constant 0 : i32
    %swap3A_1091 = tpu.memref_slice %arg13[%swap3A_1089, %swap3A_1090] : memref<4x128xi32, #tpu.memory_space<vmem>> -> memref<1x128xi32, #tpu.memory_space<vmem>>
    %swap3A_1092 = tpu.memref_squeeze %swap3A_1091 : memref<1x128xi32, #tpu.memory_space<vmem>> -> memref<128xi32, #tpu.memory_space<vmem>>
    %swap3A_1093 = arith.constant 0 : index
    %swap3A_1094 = tpu.vector_load %swap3A_1092[%swap3A_1093] {strides = array<i32>} : memref<128xi32, #tpu.memory_space<vmem>>, vector<16xi32>,
    tpu.vector_store %swap3A_1092[%swap3A_1093], %shift_right_logical3A_1088 {strides = array<i32>} : memref<128xi32, #tpu.memory_space<vmem>>, vector<16xi32>,
    %get3A_1095 = arith.constant 1 : i32
    %get3A_1096 = arith.constant 0 : i32
    %get3A_1097 = tpu.memref_slice %arg10[%get3A_1095, %get3A_1096] : memref<4x128xi32, #tpu.memory_space<vmem>> -> memref<1x128xi32, #tpu.memory_space<vmem>>
    %get3A_1098 = tpu.memref_squeeze %get3A_1097 : memref<1x128xi32, #tpu.memory_space<vmem>> -> memref<128xi32, #tpu.memory_space<vmem>>
    %get3A_1099 = arith.constant 16 : index
    %get3A_1100 = tpu.vector_load %get3A_1098[%get3A_1099] {strides = array<i32>} : memref<128xi32, #tpu.memory_space<vmem>>, vector<16xi32>,
    %shift_right_logical3A_1101 = arith.constant 2 : i32
    %shift_right_logical3A_1102 = vector.broadcast %shift_right_logical3A_1101 : i32 to vector<16xi32>
    %shift_right_logical3A_1103 = arith.shrui %get3A_1100, %shift_right_logical3A_1102 : vector<16xi32>
    %swap3A_1104 = arith.constant 1 : i32
    %swap3A_1105 = arith.constant 0 : i32
    %swap3A_1106 = tpu.memref_slice %arg13[%swap3A_1104, %swap3A_1105] : memref<4x128xi32, #tpu.memory_space<vmem>> -> memref<1x128xi32, #tpu.memory_space<vmem>>
    %swap3A_1107 = tpu.memref_squeeze %swap3A_1106 : memref<1x128xi32, #tpu.memory_space<vmem>> -> memref<128xi32, #tpu.memory_space<vmem>>
    %swap3A_1108 = arith.constant 16 : index
    %swap3A_1109 = tpu.vector_load %swap3A_1107[%swap3A_1108] {strides = array<i32>} : memref<128xi32, #tpu.memory_space<vmem>>, vector<16xi32>,
    tpu.vector_store %swap3A_1107[%swap3A_1108], %shift_right_logical3A_1103 {strides = array<i32>} : memref<128xi32, #tpu.memory_space<vmem>>, vector<16xi32>,
    %get3A_1110 = arith.constant 1 : i32
    %get3A_1111 = arith.constant 0 : i32
    %get3A_1112 = tpu.memref_slice %arg10[%get3A_1110, %get3A_1111] : memref<4x128xi32, #tpu.memory_space<vmem>> -> memref<1x128xi32, #tpu.memory_space<vmem>>
    %get3A_1113 = tpu.memref_squeeze %get3A_1112 : memref<1x128xi32, #tpu.memory_space<vmem>> -> memref<128xi32, #tpu.memory_space<vmem>>
    %get3A_1114 = arith.constant 32 : index
    %get3A_1115 = tpu.vector_load %get3A_1113[%get3A_1114] {strides = array<i32>} : memref<128xi32, #tpu.memory_space<vmem>>, vector<16xi32>,
    %shift_right_logical3A_1116 = arith.constant 2 : i32
    %shift_right_logical3A_1117 = vector.broadcast %shift_right_logical3A_1116 : i32 to vector<16xi32>
    %shift_right_logical3A_1118 = arith.shrui %get3A_1115, %shift_right_logical3A_1117 : vector<16xi32>
    %swap3A_1119 = arith.constant 1 : i32
    %swap3A_1120 = arith.constant 0 : i32
    %swap3A_1121 = tpu.memref_slice %arg13[%swap3A_1119, %swap3A_1120] : memref<4x128xi32, #tpu.memory_space<vmem>> -> memref<1x128xi32, #tpu.memory_space<vmem>>
    %swap3A_1122 = tpu.memref_squeeze %swap3A_1121 : memref<1x128xi32, #tpu.memory_space<vmem>> -> memref<128xi32, #tpu.memory_space<vmem>>
    %swap3A_1123 = arith.constant 32 : index
    %swap3A_1124 = tpu.vector_load %swap3A_1122[%swap3A_1123] {strides = array<i32>} : memref<128xi32, #tpu.memory_space<vmem>>, vector<16xi32>,
    tpu.vector_store %swap3A_1122[%swap3A_1123], %shift_right_logical3A_1118 {strides = array<i32>} : memref<128xi32, #tpu.memory_space<vmem>>, vector<16xi32>,
    %get3A_1125 = arith.constant 1 : i32
    %get3A_1126 = arith.constant 0 : i32
    %get3A_1127 = tpu.memref_slice %arg10[%get3A_1125, %get3A_1126] : memref<4x128xi32, #tpu.memory_space<vmem>> -> memref<1x128xi32, #tpu.memory_space<vmem>>
    %get3A_1128 = tpu.memref_squeeze %get3A_1127 : memref<1x128xi32, #tpu.memory_space<vmem>> -> memref<128xi32, #tpu.memory_space<vmem>>
    %get3A_1129 = arith.constant 48 : index
    %get3A_1130 = tpu.vector_load %get3A_1128[%get3A_1129] {strides = array<i32>} : memref<128xi32, #tpu.memory_space<vmem>>, vector<16xi32>,
    %shift_right_logical3A_1131 = arith.constant 2 : i32
    %shift_right_logical3A_1132 = vector.broadcast %shift_right_logical3A_1131 : i32 to vector<16xi32>
    %shift_right_logical3A_1133 = arith.shrui %get3A_1130, %shift_right_logical3A_1132 : vector<16xi32>
    %swap3A_1134 = arith.constant 1 : i32
    %swap3A_1135 = arith.constant 0 : i32
    %swap3A_1136 = tpu.memref_slice %arg13[%swap3A_1134, %swap3A_1135] : memref<4x128xi32, #tpu.memory_space<vmem>> -> memref<1x128xi32, #tpu.memory_space<vmem>>
    %swap3A_1137 = tpu.memref_squeeze %swap3A_1136 : memref<1x128xi32, #tpu.memory_space<vmem>> -> memref<128xi32, #tpu.memory_space<vmem>>
    %swap3A_1138 = arith.constant 48 : index
    %swap3A_1139 = tpu.vector_load %swap3A_1137[%swap3A_1138] {strides = array<i32>} : memref<128xi32, #tpu.memory_space<vmem>>, vector<16xi32>,
    tpu.vector_store %swap3A_1137[%swap3A_1138], %shift_right_logical3A_1133 {strides = array<i32>} : memref<128xi32, #tpu.memory_space<vmem>>, vector<16xi32>,
    %get3A_1140 = arith.constant 1 : i32
    %get3A_1141 = arith.constant 0 : i32
    %get3A_1142 = tpu.memref_slice %arg10[%get3A_1140, %get3A_1141] : memref<4x128xi32, #tpu.memory_space<vmem>> -> memref<1x128xi32, #tpu.memory_space<vmem>>
    %get3A_1143 = tpu.memref_squeeze %get3A_1142 : memref<1x128xi32, #tpu.memory_space<vmem>> -> memref<128xi32, #tpu.memory_space<vmem>>
    %get3A_1144 = arith.constant 64 : index
    %get3A_1145 = tpu.vector_load %get3A_1143[%get3A_1144] {strides = array<i32>} : memref<128xi32, #tpu.memory_space<vmem>>, vector<16xi32>,
    %shift_right_logical3A_1146 = arith.constant 2 : i32
    %shift_right_logical3A_1147 = vector.broadcast %shift_right_logical3A_1146 : i32 to vector<16xi32>
    %shift_right_logical3A_1148 = arith.shrui %get3A_1145, %shift_right_logical3A_1147 : vector<16xi32>
    %swap3A_1149 = arith.constant 1 : i32
    %swap3A_1150 = arith.constant 0 : i32
    %swap3A_1151 = tpu.memref_slice %arg13[%swap3A_1149, %swap3A_1150] : memref<4x128xi32, #tpu.memory_space<vmem>> -> memref<1x128xi32, #tpu.memory_space<vmem>>
    %swap3A_1152 = tpu.memref_squeeze %swap3A_1151 : memref<1x128xi32, #tpu.memory_space<vmem>> -> memref<128xi32, #tpu.memory_space<vmem>>
    %swap3A_1153 = arith.constant 64 : index
    %swap3A_1154 = tpu.vector_load %swap3A_1152[%swap3A_1153] {strides = array<i32>} : memref<128xi32, #tpu.memory_space<vmem>>, vector<16xi32>,
    tpu.vector_store %swap3A_1152[%swap3A_1153], %shift_right_logical3A_1148 {strides = array<i32>} : memref<128xi32, #tpu.memory_space<vmem>>, vector<16xi32>,
    %get3A_1155 = arith.constant 1 : i32
    %get3A_1156 = arith.constant 0 : i32
    %get3A_1157 = tpu.memref_slice %arg10[%get3A_1155, %get3A_1156] : memref<4x128xi32, #tpu.memory_space<vmem>> -> memref<1x128xi32, #tpu.memory_space<vmem>>
    %get3A_1158 = tpu.memref_squeeze %get3A_1157 : memref<1x128xi32, #tpu.memory_space<vmem>> -> memref<128xi32, #tpu.memory_space<vmem>>
    %get3A_1159 = arith.constant 80 : index
    %get3A_1160 = tpu.vector_load %get3A_1158[%get3A_1159] {strides = array<i32>} : memref<128xi32, #tpu.memory_space<vmem>>, vector<16xi32>,
    %shift_right_logical3A_1161 = arith.constant 2 : i32
    %shift_right_logical3A_1162 = vector.broadcast %shift_right_logical3A_1161 : i32 to vector<16xi32>
    %shift_right_logical3A_1163 = arith.shrui %get3A_1160, %shift_right_logical3A_1162 : vector<16xi32>
    %swap3A_1164 = arith.constant 1 : i32
    %swap3A_1165 = arith.constant 0 : i32
    %swap3A_1166 = tpu.memref_slice %arg13[%swap3A_1164, %swap3A_1165] : memref<4x128xi32, #tpu.memory_space<vmem>> -> memref<1x128xi32, #tpu.memory_space<vmem>>
    %swap3A_1167 = tpu.memref_squeeze %swap3A_1166 : memref<1x128xi32, #tpu.memory_space<vmem>> -> memref<128xi32, #tpu.memory_space<vmem>>
    %swap3A_1168 = arith.constant 80 : index
    %swap3A_1169 = tpu.vector_load %swap3A_1167[%swap3A_1168] {strides = array<i32>} : memref<128xi32, #tpu.memory_space<vmem>>, vector<16xi32>,
    tpu.vector_store %swap3A_1167[%swap3A_1168], %shift_right_logical3A_1163 {strides = array<i32>} : memref<128xi32, #tpu.memory_space<vmem>>, vector<16xi32>,
    %get3A_1170 = arith.constant 1 : i32
    %get3A_1171 = arith.constant 0 : i32
    %get3A_1172 = tpu.memref_slice %arg10[%get3A_1170, %get3A_1171] : memref<4x128xi32, #tpu.memory_space<vmem>> -> memref<1x128xi32, #tpu.memory_space<vmem>>
    %get3A_1173 = tpu.memref_squeeze %get3A_1172 : memref<1x128xi32, #tpu.memory_space<vmem>> -> memref<128xi32, #tpu.memory_space<vmem>>
    %get3A_1174 = arith.constant 96 : index
    %get3A_1175 = tpu.vector_load %get3A_1173[%get3A_1174] {strides = array<i32>} : memref<128xi32, #tpu.memory_space<vmem>>, vector<16xi32>,
    %shift_right_logical3A_1176 = arith.constant 2 : i32
    %shift_right_logical3A_1177 = vector.broadcast %shift_right_logical3A_1176 : i32 to vector<16xi32>
    %shift_right_logical3A_1178 = arith.shrui %get3A_1175, %shift_right_logical3A_1177 : vector<16xi32>
    %swap3A_1179 = arith.constant 1 : i32
    %swap3A_1180 = arith.constant 0 : i32
    %swap3A_1181 = tpu.memref_slice %arg13[%swap3A_1179, %swap3A_1180] : memref<4x128xi32, #tpu.memory_space<vmem>> -> memref<1x128xi32, #tpu.memory_space<vmem>>
    %swap3A_1182 = tpu.memref_squeeze %swap3A_1181 : memref<1x128xi32, #tpu.memory_space<vmem>> -> memref<128xi32, #tpu.memory_space<vmem>>
    %swap3A_1183 = arith.constant 96 : index
    %swap3A_1184 = tpu.vector_load %swap3A_1182[%swap3A_1183] {strides = array<i32>} : memref<128xi32, #tpu.memory_space<vmem>>, vector<16xi32>,
    tpu.vector_store %swap3A_1182[%swap3A_1183], %shift_right_logical3A_1178 {strides = array<i32>} : memref<128xi32, #tpu.memory_space<vmem>>, vector<16xi32>,
    %get3A_1185 = arith.constant 1 : i32
    %get3A_1186 = arith.constant 0 : i32
    %get3A_1187 = tpu.memref_slice %arg10[%get3A_1185, %get3A_1186] : memref<4x128xi32, #tpu.memory_space<vmem>> -> memref<1x128xi32, #tpu.memory_space<vmem>>
    %get3A_1188 = tpu.memref_squeeze %get3A_1187 : memref<1x128xi32, #tpu.memory_space<vmem>> -> memref<128xi32, #tpu.memory_space<vmem>>
    %get3A_1189 = arith.constant 112 : index
    %get3A_1190 = tpu.vector_load %get3A_1188[%get3A_1189] {strides = array<i32>} : memref<128xi32, #tpu.memory_space<vmem>>, vector<16xi32>,
    %shift_right_logical3A_1191 = arith.constant 2 : i32
    %shift_right_logical3A_1192 = vector.broadcast %shift_right_logical3A_1191 : i32 to vector<16xi32>
    %shift_right_logical3A_1193 = arith.shrui %get3A_1190, %shift_right_logical3A_1192 : vector<16xi32>
    %swap3A_1194 = arith.constant 1 : i32
    %swap3A_1195 = arith.constant 0 : i32
    %swap3A_1196 = tpu.memref_slice %arg13[%swap3A_1194, %swap3A_1195] : memref<4x128xi32, #tpu.memory_space<vmem>> -> memref<1x128xi32, #tpu.memory_space<vmem>>
    %swap3A_1197 = tpu.memref_squeeze %swap3A_1196 : memref<1x128xi32, #tpu.memory_space<vmem>> -> memref<128xi32, #tpu.memory_space<vmem>>
    %swap3A_1198 = arith.constant 112 : index
    %swap3A_1199 = tpu.vector_load %swap3A_1197[%swap3A_1198] {strides = array<i32>} : memref<128xi32, #tpu.memory_space<vmem>>, vector<16xi32>,
    tpu.vector_store %swap3A_1197[%swap3A_1198], %shift_right_logical3A_1193 {strides = array<i32>} : memref<128xi32, #tpu.memory_space<vmem>>, vector<16xi32>,
    %get3A_1200 = arith.constant 2 : i32
    %get3A_1201 = arith.constant 0 : i32
    %get3A_1202 = tpu.memref_slice %arg10[%get3A_1200, %get3A_1201] : memref<4x128xi32, #tpu.memory_space<vmem>> -> memref<1x128xi32, #tpu.memory_space<vmem>>
    %get3A_1203 = tpu.memref_squeeze %get3A_1202 : memref<1x128xi32, #tpu.memory_space<vmem>> -> memref<128xi32, #tpu.memory_space<vmem>>
    %get3A_1204 = arith.constant 0 : index
    %get3A_1205 = tpu.vector_load %get3A_1203[%get3A_1204] {strides = array<i32>} : memref<128xi32, #tpu.memory_space<vmem>>, vector<16xi32>,
    %shift_right_logical3A_1206 = arith.constant 2 : i32
    %shift_right_logical3A_1207 = vector.broadcast %shift_right_logical3A_1206 : i32 to vector<16xi32>
    %shift_right_logical3A_1208 = arith.shrui %get3A_1205, %shift_right_logical3A_1207 : vector<16xi32>
    %swap3A_1209 = arith.constant 2 : i32
    %swap3A_1210 = arith.constant 0 : i32
    %swap3A_1211 = tpu.memref_slice %arg13[%swap3A_1209, %swap3A_1210] : memref<4x128xi32, #tpu.memory_space<vmem>> -> memref<1x128xi32, #tpu.memory_space<vmem>>
    %swap3A_1212 = tpu.memref_squeeze %swap3A_1211 : memref<1x128xi32, #tpu.memory_space<vmem>> -> memref<128xi32, #tpu.memory_space<vmem>>
    %swap3A_1213 = arith.constant 0 : index
    %swap3A_1214 = tpu.vector_load %swap3A_1212[%swap3A_1213] {strides = array<i32>} : memref<128xi32, #tpu.memory_space<vmem>>, vector<16xi32>,
    tpu.vector_store %swap3A_1212[%swap3A_1213], %shift_right_logical3A_1208 {strides = array<i32>} : memref<128xi32, #tpu.memory_space<vmem>>, vector<16xi32>,
    %get3A_1215 = arith.constant 2 : i32
    %get3A_1216 = arith.constant 0 : i32
    %get3A_1217 = tpu.memref_slice %arg10[%get3A_1215, %get3A_1216] : memref<4x128xi32, #tpu.memory_space<vmem>> -> memref<1x128xi32, #tpu.memory_space<vmem>>
    %get3A_1218 = tpu.memref_squeeze %get3A_1217 : memref<1x128xi32, #tpu.memory_space<vmem>> -> memref<128xi32, #tpu.memory_space<vmem>>
    %get3A_1219 = arith.constant 16 : index
    %get3A_1220 = tpu.vector_load %get3A_1218[%get3A_1219] {strides = array<i32>} : memref<128xi32, #tpu.memory_space<vmem>>, vector<16xi32>,
    %shift_right_logical3A_1221 = arith.constant 2 : i32
    %shift_right_logical3A_1222 = vector.broadcast %shift_right_logical3A_1221 : i32 to vector<16xi32>
    %shift_right_logical3A_1223 = arith.shrui %get3A_1220, %shift_right_logical3A_1222 : vector<16xi32>
    %swap3A_1224 = arith.constant 2 : i32
    %swap3A_1225 = arith.constant 0 : i32
    %swap3A_1226 = tpu.memref_slice %arg13[%swap3A_1224, %swap3A_1225] : memref<4x128xi32, #tpu.memory_space<vmem>> -> memref<1x128xi32, #tpu.memory_space<vmem>>
    %swap3A_1227 = tpu.memref_squeeze %swap3A_1226 : memref<1x128xi32, #tpu.memory_space<vmem>> -> memref<128xi32, #tpu.memory_space<vmem>>
    %swap3A_1228 = arith.constant 16 : index
    %swap3A_1229 = tpu.vector_load %swap3A_1227[%swap3A_1228] {strides = array<i32>} : memref<128xi32, #tpu.memory_space<vmem>>, vector<16xi32>,
    tpu.vector_store %swap3A_1227[%swap3A_1228], %shift_right_logical3A_1223 {strides = array<i32>} : memref<128xi32, #tpu.memory_space<vmem>>, vector<16xi32>,
    %get3A_1230 = arith.constant 2 : i32
    %get3A_1231 = arith.constant 0 : i32
    %get3A_1232 = tpu.memref_slice %arg10[%get3A_1230, %get3A_1231] : memref<4x128xi32, #tpu.memory_space<vmem>> -> memref<1x128xi32, #tpu.memory_space<vmem>>
    %get3A_1233 = tpu.memref_squeeze %get3A_1232 : memref<1x128xi32, #tpu.memory_space<vmem>> -> memref<128xi32, #tpu.memory_space<vmem>>
    %get3A_1234 = arith.constant 32 : index
    %get3A_1235 = tpu.vector_load %get3A_1233[%get3A_1234] {strides = array<i32>} : memref<128xi32, #tpu.memory_space<vmem>>, vector<16xi32>,
    %shift_right_logical3A_1236 = arith.constant 2 : i32
    %shift_right_logical3A_1237 = vector.broadcast %shift_right_logical3A_1236 : i32 to vector<16xi32>
    %shift_right_logical3A_1238 = arith.shrui %get3A_1235, %shift_right_logical3A_1237 : vector<16xi32>
    %swap3A_1239 = arith.constant 2 : i32
    %swap3A_1240 = arith.constant 0 : i32
    %swap3A_1241 = tpu.memref_slice %arg13[%swap3A_1239, %swap3A_1240] : memref<4x128xi32, #tpu.memory_space<vmem>> -> memref<1x128xi32, #tpu.memory_space<vmem>>
    %swap3A_1242 = tpu.memref_squeeze %swap3A_1241 : memref<1x128xi32, #tpu.memory_space<vmem>> -> memref<128xi32, #tpu.memory_space<vmem>>
    %swap3A_1243 = arith.constant 32 : index
    %swap3A_1244 = tpu.vector_load %swap3A_1242[%swap3A_1243] {strides = array<i32>} : memref<128xi32, #tpu.memory_space<vmem>>, vector<16xi32>,
    tpu.vector_store %swap3A_1242[%swap3A_1243], %shift_right_logical3A_1238 {strides = array<i32>} : memref<128xi32, #tpu.memory_space<vmem>>, vector<16xi32>,
    %get3A_1245 = arith.constant 2 : i32
    %get3A_1246 = arith.constant 0 : i32
    %get3A_1247 = tpu.memref_slice %arg10[%get3A_1245, %get3A_1246] : memref<4x128xi32, #tpu.memory_space<vmem>> -> memref<1x128xi32, #tpu.memory_space<vmem>>
    %get3A_1248 = tpu.memref_squeeze %get3A_1247 : memref<1x128xi32, #tpu.memory_space<vmem>> -> memref<128xi32, #tpu.memory_space<vmem>>
    %get3A_1249 = arith.constant 48 : index
    %get3A_1250 = tpu.vector_load %get3A_1248[%get3A_1249] {strides = array<i32>} : memref<128xi32, #tpu.memory_space<vmem>>, vector<16xi32>,
    %shift_right_logical3A_1251 = arith.constant 2 : i32
    %shift_right_logical3A_1252 = vector.broadcast %shift_right_logical3A_1251 : i32 to vector<16xi32>
    %shift_right_logical3A_1253 = arith.shrui %get3A_1250, %shift_right_logical3A_1252 : vector<16xi32>
    %swap3A_1254 = arith.constant 2 : i32
    %swap3A_1255 = arith.constant 0 : i32
    %swap3A_1256 = tpu.memref_slice %arg13[%swap3A_1254, %swap3A_1255] : memref<4x128xi32, #tpu.memory_space<vmem>> -> memref<1x128xi32, #tpu.memory_space<vmem>>
    %swap3A_1257 = tpu.memref_squeeze %swap3A_1256 : memref<1x128xi32, #tpu.memory_space<vmem>> -> memref<128xi32, #tpu.memory_space<vmem>>
    %swap3A_1258 = arith.constant 48 : index
    %swap3A_1259 = tpu.vector_load %swap3A_1257[%swap3A_1258] {strides = array<i32>} : memref<128xi32, #tpu.memory_space<vmem>>, vector<16xi32>,
    tpu.vector_store %swap3A_1257[%swap3A_1258], %shift_right_logical3A_1253 {strides = array<i32>} : memref<128xi32, #tpu.memory_space<vmem>>, vector<16xi32>,
    %get3A_1260 = arith.constant 2 : i32
    %get3A_1261 = arith.constant 0 : i32
    %get3A_1262 = tpu.memref_slice %arg10[%get3A_1260, %get3A_1261] : memref<4x128xi32, #tpu.memory_space<vmem>> -> memref<1x128xi32, #tpu.memory_space<vmem>>
    %get3A_1263 = tpu.memref_squeeze %get3A_1262 : memref<1x128xi32, #tpu.memory_space<vmem>> -> memref<128xi32, #tpu.memory_space<vmem>>
    %get3A_1264 = arith.constant 64 : index
    %get3A_1265 = tpu.vector_load %get3A_1263[%get3A_1264] {strides = array<i32>} : memref<128xi32, #tpu.memory_space<vmem>>, vector<16xi32>,
    %shift_right_logical3A_1266 = arith.constant 2 : i32
    %shift_right_logical3A_1267 = vector.broadcast %shift_right_logical3A_1266 : i32 to vector<16xi32>
    %shift_right_logical3A_1268 = arith.shrui %get3A_1265, %shift_right_logical3A_1267 : vector<16xi32>
    %swap3A_1269 = arith.constant 2 : i32
    %swap3A_1270 = arith.constant 0 : i32
    %swap3A_1271 = tpu.memref_slice %arg13[%swap3A_1269, %swap3A_1270] : memref<4x128xi32, #tpu.memory_space<vmem>> -> memref<1x128xi32, #tpu.memory_space<vmem>>
    %swap3A_1272 = tpu.memref_squeeze %swap3A_1271 : memref<1x128xi32, #tpu.memory_space<vmem>> -> memref<128xi32, #tpu.memory_space<vmem>>
    %swap3A_1273 = arith.constant 64 : index
    %swap3A_1274 = tpu.vector_load %swap3A_1272[%swap3A_1273] {strides = array<i32>} : memref<128xi32, #tpu.memory_space<vmem>>, vector<16xi32>,
    tpu.vector_store %swap3A_1272[%swap3A_1273], %shift_right_logical3A_1268 {strides = array<i32>} : memref<128xi32, #tpu.memory_space<vmem>>, vector<16xi32>,
    %get3A_1275 = arith.constant 2 : i32
    %get3A_1276 = arith.constant 0 : i32
    %get3A_1277 = tpu.memref_slice %arg10[%get3A_1275, %get3A_1276] : memref<4x128xi32, #tpu.memory_space<vmem>> -> memref<1x128xi32, #tpu.memory_space<vmem>>
    %get3A_1278 = tpu.memref_squeeze %get3A_1277 : memref<1x128xi32, #tpu.memory_space<vmem>> -> memref<128xi32, #tpu.memory_space<vmem>>
    %get3A_1279 = arith.constant 80 : index
    %get3A_1280 = tpu.vector_load %get3A_1278[%get3A_1279] {strides = array<i32>} : memref<128xi32, #tpu.memory_space<vmem>>, vector<16xi32>,
    %shift_right_logical3A_1281 = arith.constant 2 : i32
    %shift_right_logical3A_1282 = vector.broadcast %shift_right_logical3A_1281 : i32 to vector<16xi32>
    %shift_right_logical3A_1283 = arith.shrui %get3A_1280, %shift_right_logical3A_1282 : vector<16xi32>
    %swap3A_1284 = arith.constant 2 : i32
    %swap3A_1285 = arith.constant 0 : i32
    %swap3A_1286 = tpu.memref_slice %arg13[%swap3A_1284, %swap3A_1285] : memref<4x128xi32, #tpu.memory_space<vmem>> -> memref<1x128xi32, #tpu.memory_space<vmem>>
    %swap3A_1287 = tpu.memref_squeeze %swap3A_1286 : memref<1x128xi32, #tpu.memory_space<vmem>> -> memref<128xi32, #tpu.memory_space<vmem>>
    %swap3A_1288 = arith.constant 80 : index
    %swap3A_1289 = tpu.vector_load %swap3A_1287[%swap3A_1288] {strides = array<i32>} : memref<128xi32, #tpu.memory_space<vmem>>, vector<16xi32>,
    tpu.vector_store %swap3A_1287[%swap3A_1288], %shift_right_logical3A_1283 {strides = array<i32>} : memref<128xi32, #tpu.memory_space<vmem>>, vector<16xi32>,
    %get3A_1290 = arith.constant 2 : i32
    %get3A_1291 = arith.constant 0 : i32
    %get3A_1292 = tpu.memref_slice %arg10[%get3A_1290, %get3A_1291] : memref<4x128xi32, #tpu.memory_space<vmem>> -> memref<1x128xi32, #tpu.memory_space<vmem>>
    %get3A_1293 = tpu.memref_squeeze %get3A_1292 : memref<1x128xi32, #tpu.memory_space<vmem>> -> memref<128xi32, #tpu.memory_space<vmem>>
    %get3A_1294 = arith.constant 96 : index
    %get3A_1295 = tpu.vector_load %get3A_1293[%get3A_1294] {strides = array<i32>} : memref<128xi32, #tpu.memory_space<vmem>>, vector<16xi32>,
    %shift_right_logical3A_1296 = arith.constant 2 : i32
    %shift_right_logical3A_1297 = vector.broadcast %shift_right_logical3A_1296 : i32 to vector<16xi32>
    %shift_right_logical3A_1298 = arith.shrui %get3A_1295, %shift_right_logical3A_1297 : vector<16xi32>
    %swap3A_1299 = arith.constant 2 : i32
    %swap3A_1300 = arith.constant 0 : i32
    %swap3A_1301 = tpu.memref_slice %arg13[%swap3A_1299, %swap3A_1300] : memref<4x128xi32, #tpu.memory_space<vmem>> -> memref<1x128xi32, #tpu.memory_space<vmem>>
    %swap3A_1302 = tpu.memref_squeeze %swap3A_1301 : memref<1x128xi32, #tpu.memory_space<vmem>> -> memref<128xi32, #tpu.memory_space<vmem>>
    %swap3A_1303 = arith.constant 96 : index
    %swap3A_1304 = tpu.vector_load %swap3A_1302[%swap3A_1303] {strides = array<i32>} : memref<128xi32, #tpu.memory_space<vmem>>, vector<16xi32>,
    tpu.vector_store %swap3A_1302[%swap3A_1303], %shift_right_logical3A_1298 {strides = array<i32>} : memref<128xi32, #tpu.memory_space<vmem>>, vector<16xi32>,
    %get3A_1305 = arith.constant 2 : i32
    %get3A_1306 = arith.constant 0 : i32
    %get3A_1307 = tpu.memref_slice %arg10[%get3A_1305, %get3A_1306] : memref<4x128xi32, #tpu.memory_space<vmem>> -> memref<1x128xi32, #tpu.memory_space<vmem>>
    %get3A_1308 = tpu.memref_squeeze %get3A_1307 : memref<1x128xi32, #tpu.memory_space<vmem>> -> memref<128xi32, #tpu.memory_space<vmem>>
    %get3A_1309 = arith.constant 112 : index
    %get3A_1310 = tpu.vector_load %get3A_1308[%get3A_1309] {strides = array<i32>} : memref<128xi32, #tpu.memory_space<vmem>>, vector<16xi32>,
    %shift_right_logical3A_1311 = arith.constant 2 : i32
    %shift_right_logical3A_1312 = vector.broadcast %shift_right_logical3A_1311 : i32 to vector<16xi32>
    %shift_right_logical3A_1313 = arith.shrui %get3A_1310, %shift_right_logical3A_1312 : vector<16xi32>
    %swap3A_1314 = arith.constant 2 : i32
    %swap3A_1315 = arith.constant 0 : i32
    %swap3A_1316 = tpu.memref_slice %arg13[%swap3A_1314, %swap3A_1315] : memref<4x128xi32, #tpu.memory_space<vmem>> -> memref<1x128xi32, #tpu.memory_space<vmem>>
    %swap3A_1317 = tpu.memref_squeeze %swap3A_1316 : memref<1x128xi32, #tpu.memory_space<vmem>> -> memref<128xi32, #tpu.memory_space<vmem>>
    %swap3A_1318 = arith.constant 112 : index
    %swap3A_1319 = tpu.vector_load %swap3A_1317[%swap3A_1318] {strides = array<i32>} : memref<128xi32, #tpu.memory_space<vmem>>, vector<16xi32>,
    tpu.vector_store %swap3A_1317[%swap3A_1318], %shift_right_logical3A_1313 {strides = array<i32>} : memref<128xi32, #tpu.memory_space<vmem>>, vector<16xi32>,
    %get3A_1320 = arith.constant 3 : i32
    %get3A_1321 = arith.constant 0 : i32
    %get3A_1322 = tpu.memref_slice %arg10[%get3A_1320, %get3A_1321] : memref<4x128xi32, #tpu.memory_space<vmem>> -> memref<1x128xi32, #tpu.memory_space<vmem>>
    %get3A_1323 = tpu.memref_squeeze %get3A_1322 : memref<1x128xi32, #tpu.memory_space<vmem>> -> memref<128xi32, #tpu.memory_space<vmem>>
    %get3A_1324 = arith.constant 0 : index
    %get3A_1325 = tpu.vector_load %get3A_1323[%get3A_1324] {strides = array<i32>} : memref<128xi32, #tpu.memory_space<vmem>>, vector<16xi32>,
    %shift_right_logical3A_1326 = arith.constant 2 : i32
    %shift_right_logical3A_1327 = vector.broadcast %shift_right_logical3A_1326 : i32 to vector<16xi32>
    %shift_right_logical3A_1328 = arith.shrui %get3A_1325, %shift_right_logical3A_1327 : vector<16xi32>
    %swap3A_1329 = arith.constant 3 : i32
    %swap3A_1330 = arith.constant 0 : i32
    %swap3A_1331 = tpu.memref_slice %arg13[%swap3A_1329, %swap3A_1330] : memref<4x128xi32, #tpu.memory_space<vmem>> -> memref<1x128xi32, #tpu.memory_space<vmem>>
    %swap3A_1332 = tpu.memref_squeeze %swap3A_1331 : memref<1x128xi32, #tpu.memory_space<vmem>> -> memref<128xi32, #tpu.memory_space<vmem>>
    %swap3A_1333 = arith.constant 0 : index
    %swap3A_1334 = tpu.vector_load %swap3A_1332[%swap3A_1333] {strides = array<i32>} : memref<128xi32, #tpu.memory_space<vmem>>, vector<16xi32>,
    tpu.vector_store %swap3A_1332[%swap3A_1333], %shift_right_logical3A_1328 {strides = array<i32>} : memref<128xi32, #tpu.memory_space<vmem>>, vector<16xi32>,
    %get3A_1335 = arith.constant 3 : i32
    %get3A_1336 = arith.constant 0 : i32
    %get3A_1337 = tpu.memref_slice %arg10[%get3A_1335, %get3A_1336] : memref<4x128xi32, #tpu.memory_space<vmem>> -> memref<1x128xi32, #tpu.memory_space<vmem>>
    %get3A_1338 = tpu.memref_squeeze %get3A_1337 : memref<1x128xi32, #tpu.memory_space<vmem>> -> memref<128xi32, #tpu.memory_space<vmem>>
    %get3A_1339 = arith.constant 16 : index
    %get3A_1340 = tpu.vector_load %get3A_1338[%get3A_1339] {strides = array<i32>} : memref<128xi32, #tpu.memory_space<vmem>>, vector<16xi32>,
    %shift_right_logical3A_1341 = arith.constant 2 : i32
    %shift_right_logical3A_1342 = vector.broadcast %shift_right_logical3A_1341 : i32 to vector<16xi32>
    %shift_right_logical3A_1343 = arith.shrui %get3A_1340, %shift_right_logical3A_1342 : vector<16xi32>
    %swap3A_1344 = arith.constant 3 : i32
    %swap3A_1345 = arith.constant 0 : i32
    %swap3A_1346 = tpu.memref_slice %arg13[%swap3A_1344, %swap3A_1345] : memref<4x128xi32, #tpu.memory_space<vmem>> -> memref<1x128xi32, #tpu.memory_space<vmem>>
    %swap3A_1347 = tpu.memref_squeeze %swap3A_1346 : memref<1x128xi32, #tpu.memory_space<vmem>> -> memref<128xi32, #tpu.memory_space<vmem>>
    %swap3A_1348 = arith.constant 16 : index
    %swap3A_1349 = tpu.vector_load %swap3A_1347[%swap3A_1348] {strides = array<i32>} : memref<128xi32, #tpu.memory_space<vmem>>, vector<16xi32>,
    tpu.vector_store %swap3A_1347[%swap3A_1348], %shift_right_logical3A_1343 {strides = array<i32>} : memref<128xi32, #tpu.memory_space<vmem>>, vector<16xi32>,
    %get3A_1350 = arith.constant 3 : i32
    %get3A_1351 = arith.constant 0 : i32
    %get3A_1352 = tpu.memref_slice %arg10[%get3A_1350, %get3A_1351] : memref<4x128xi32, #tpu.memory_space<vmem>> -> memref<1x128xi32, #tpu.memory_space<vmem>>
    %get3A_1353 = tpu.memref_squeeze %get3A_1352 : memref<1x128xi32, #tpu.memory_space<vmem>> -> memref<128xi32, #tpu.memory_space<vmem>>
    %get3A_1354 = arith.constant 32 : index
    %get3A_1355 = tpu.vector_load %get3A_1353[%get3A_1354] {strides = array<i32>} : memref<128xi32, #tpu.memory_space<vmem>>, vector<16xi32>,
    %shift_right_logical3A_1356 = arith.constant 2 : i32
    %shift_right_logical3A_1357 = vector.broadcast %shift_right_logical3A_1356 : i32 to vector<16xi32>
    %shift_right_logical3A_1358 = arith.shrui %get3A_1355, %shift_right_logical3A_1357 : vector<16xi32>
    %swap3A_1359 = arith.constant 3 : i32
    %swap3A_1360 = arith.constant 0 : i32
    %swap3A_1361 = tpu.memref_slice %arg13[%swap3A_1359, %swap3A_1360] : memref<4x128xi32, #tpu.memory_space<vmem>> -> memref<1x128xi32, #tpu.memory_space<vmem>>
    %swap3A_1362 = tpu.memref_squeeze %swap3A_1361 : memref<1x128xi32, #tpu.memory_space<vmem>> -> memref<128xi32, #tpu.memory_space<vmem>>
    %swap3A_1363 = arith.constant 32 : index
    %swap3A_1364 = tpu.vector_load %swap3A_1362[%swap3A_1363] {strides = array<i32>} : memref<128xi32, #tpu.memory_space<vmem>>, vector<16xi32>,
    tpu.vector_store %swap3A_1362[%swap3A_1363], %shift_right_logical3A_1358 {strides = array<i32>} : memref<128xi32, #tpu.memory_space<vmem>>, vector<16xi32>,
    %get3A_1365 = arith.constant 3 : i32
    %get3A_1366 = arith.constant 0 : i32
    %get3A_1367 = tpu.memref_slice %arg10[%get3A_1365, %get3A_1366] : memref<4x128xi32, #tpu.memory_space<vmem>> -> memref<1x128xi32, #tpu.memory_space<vmem>>
    %get3A_1368 = tpu.memref_squeeze %get3A_1367 : memref<1x128xi32, #tpu.memory_space<vmem>> -> memref<128xi32, #tpu.memory_space<vmem>>
    %get3A_1369 = arith.constant 48 : index
    %get3A_1370 = tpu.vector_load %get3A_1368[%get3A_1369] {strides = array<i32>} : memref<128xi32, #tpu.memory_space<vmem>>, vector<16xi32>,
    %shift_right_logical3A_1371 = arith.constant 2 : i32
    %shift_right_logical3A_1372 = vector.broadcast %shift_right_logical3A_1371 : i32 to vector<16xi32>
    %shift_right_logical3A_1373 = arith.shrui %get3A_1370, %shift_right_logical3A_1372 : vector<16xi32>
    %swap3A_1374 = arith.constant 3 : i32
    %swap3A_1375 = arith.constant 0 : i32
    %swap3A_1376 = tpu.memref_slice %arg13[%swap3A_1374, %swap3A_1375] : memref<4x128xi32, #tpu.memory_space<vmem>> -> memref<1x128xi32, #tpu.memory_space<vmem>>
    %swap3A_1377 = tpu.memref_squeeze %swap3A_1376 : memref<1x128xi32, #tpu.memory_space<vmem>> -> memref<128xi32, #tpu.memory_space<vmem>>
    %swap3A_1378 = arith.constant 48 : index
    %swap3A_1379 = tpu.vector_load %swap3A_1377[%swap3A_1378] {strides = array<i32>} : memref<128xi32, #tpu.memory_space<vmem>>, vector<16xi32>,
    tpu.vector_store %swap3A_1377[%swap3A_1378], %shift_right_logical3A_1373 {strides = array<i32>} : memref<128xi32, #tpu.memory_space<vmem>>, vector<16xi32>,
    %get3A_1380 = arith.constant 3 : i32
    %get3A_1381 = arith.constant 0 : i32
    %get3A_1382 = tpu.memref_slice %arg10[%get3A_1380, %get3A_1381] : memref<4x128xi32, #tpu.memory_space<vmem>> -> memref<1x128xi32, #tpu.memory_space<vmem>>
    %get3A_1383 = tpu.memref_squeeze %get3A_1382 : memref<1x128xi32, #tpu.memory_space<vmem>> -> memref<128xi32, #tpu.memory_space<vmem>>
    %get3A_1384 = arith.constant 64 : index
    %get3A_1385 = tpu.vector_load %get3A_1383[%get3A_1384] {strides = array<i32>} : memref<128xi32, #tpu.memory_space<vmem>>, vector<16xi32>,
    %shift_right_logical3A_1386 = arith.constant 2 : i32
    %shift_right_logical3A_1387 = vector.broadcast %shift_right_logical3A_1386 : i32 to vector<16xi32>
    %shift_right_logical3A_1388 = arith.shrui %get3A_1385, %shift_right_logical3A_1387 : vector<16xi32>
    %swap3A_1389 = arith.constant 3 : i32
    %swap3A_1390 = arith.constant 0 : i32
    %swap3A_1391 = tpu.memref_slice %arg13[%swap3A_1389, %swap3A_1390] : memref<4x128xi32, #tpu.memory_space<vmem>> -> memref<1x128xi32, #tpu.memory_space<vmem>>
    %swap3A_1392 = tpu.memref_squeeze %swap3A_1391 : memref<1x128xi32, #tpu.memory_space<vmem>> -> memref<128xi32, #tpu.memory_space<vmem>>
    %swap3A_1393 = arith.constant 64 : index
    %swap3A_1394 = tpu.vector_load %swap3A_1392[%swap3A_1393] {strides = array<i32>} : memref<128xi32, #tpu.memory_space<vmem>>, vector<16xi32>,
    tpu.vector_store %swap3A_1392[%swap3A_1393], %shift_right_logical3A_1388 {strides = array<i32>} : memref<128xi32, #tpu.memory_space<vmem>>, vector<16xi32>,
    %get3A_1395 = arith.constant 3 : i32
    %get3A_1396 = arith.constant 0 : i32
    %get3A_1397 = tpu.memref_slice %arg10[%get3A_1395, %get3A_1396] : memref<4x128xi32, #tpu.memory_space<vmem>> -> memref<1x128xi32, #tpu.memory_space<vmem>>
    %get3A_1398 = tpu.memref_squeeze %get3A_1397 : memref<1x128xi32, #tpu.memory_space<vmem>> -> memref<128xi32, #tpu.memory_space<vmem>>
    %get3A_1399 = arith.constant 80 : index
    %get3A_1400 = tpu.vector_load %get3A_1398[%get3A_1399] {strides = array<i32>} : memref<128xi32, #tpu.memory_space<vmem>>, vector<16xi32>,
    %shift_right_logical3A_1401 = arith.constant 2 : i32
    %shift_right_logical3A_1402 = vector.broadcast %shift_right_logical3A_1401 : i32 to vector<16xi32>
    %shift_right_logical3A_1403 = arith.shrui %get3A_1400, %shift_right_logical3A_1402 : vector<16xi32>
    %swap3A_1404 = arith.constant 3 : i32
    %swap3A_1405 = arith.constant 0 : i32
    %swap3A_1406 = tpu.memref_slice %arg13[%swap3A_1404, %swap3A_1405] : memref<4x128xi32, #tpu.memory_space<vmem>> -> memref<1x128xi32, #tpu.memory_space<vmem>>
    %swap3A_1407 = tpu.memref_squeeze %swap3A_1406 : memref<1x128xi32, #tpu.memory_space<vmem>> -> memref<128xi32, #tpu.memory_space<vmem>>
    %swap3A_1408 = arith.constant 80 : index
    %swap3A_1409 = tpu.vector_load %swap3A_1407[%swap3A_1408] {strides = array<i32>} : memref<128xi32, #tpu.memory_space<vmem>>, vector<16xi32>,
    tpu.vector_store %swap3A_1407[%swap3A_1408], %shift_right_logical3A_1403 {strides = array<i32>} : memref<128xi32, #tpu.memory_space<vmem>>, vector<16xi32>,
    %get3A_1410 = arith.constant 3 : i32
    %get3A_1411 = arith.constant 0 : i32
    %get3A_1412 = tpu.memref_slice %arg10[%get3A_1410, %get3A_1411] : memref<4x128xi32, #tpu.memory_space<vmem>> -> memref<1x128xi32, #tpu.memory_space<vmem>>
    %get3A_1413 = tpu.memref_squeeze %get3A_1412 : memref<1x128xi32, #tpu.memory_space<vmem>> -> memref<128xi32, #tpu.memory_space<vmem>>
    %get3A_1414 = arith.constant 96 : index
    %get3A_1415 = tpu.vector_load %get3A_1413[%get3A_1414] {strides = array<i32>} : memref<128xi32, #tpu.memory_space<vmem>>, vector<16xi32>,
    %shift_right_logical3A_1416 = arith.constant 2 : i32
    %shift_right_logical3A_1417 = vector.broadcast %shift_right_logical3A_1416 : i32 to vector<16xi32>
    %shift_right_logical3A_1418 = arith.shrui %get3A_1415, %shift_right_logical3A_1417 : vector<16xi32>
    %swap3A_1419 = arith.constant 3 : i32
    %swap3A_1420 = arith.constant 0 : i32
    %swap3A_1421 = tpu.memref_slice %arg13[%swap3A_1419, %swap3A_1420] : memref<4x128xi32, #tpu.memory_space<vmem>> -> memref<1x128xi32, #tpu.memory_space<vmem>>
    %swap3A_1422 = tpu.memref_squeeze %swap3A_1421 : memref<1x128xi32, #tpu.memory_space<vmem>> -> memref<128xi32, #tpu.memory_space<vmem>>
    %swap3A_1423 = arith.constant 96 : index
    %swap3A_1424 = tpu.vector_load %swap3A_1422[%swap3A_1423] {strides = array<i32>} : memref<128xi32, #tpu.memory_space<vmem>>, vector<16xi32>,
    tpu.vector_store %swap3A_1422[%swap3A_1423], %shift_right_logical3A_1418 {strides = array<i32>} : memref<128xi32, #tpu.memory_space<vmem>>, vector<16xi32>,
    %get3A_1425 = arith.constant 3 : i32
    %get3A_1426 = arith.constant 0 : i32
    %get3A_1427 = tpu.memref_slice %arg10[%get3A_1425, %get3A_1426] : memref<4x128xi32, #tpu.memory_space<vmem>> -> memref<1x128xi32, #tpu.memory_space<vmem>>
    %get3A_1428 = tpu.memref_squeeze %get3A_1427 : memref<1x128xi32, #tpu.memory_space<vmem>> -> memref<128xi32, #tpu.memory_space<vmem>>
    %get3A_1429 = arith.constant 112 : index
    %get3A_1430 = tpu.vector_load %get3A_1428[%get3A_1429] {strides = array<i32>} : memref<128xi32, #tpu.memory_space<vmem>>, vector<16xi32>,
    %shift_right_logical3A_1431 = arith.constant 2 : i32
    %shift_right_logical3A_1432 = vector.broadcast %shift_right_logical3A_1431 : i32 to vector<16xi32>
    %shift_right_logical3A_1433 = arith.shrui %get3A_1430, %shift_right_logical3A_1432 : vector<16xi32>
    %swap3A_1434 = arith.constant 3 : i32
    %swap3A_1435 = arith.constant 0 : i32
    %swap3A_1436 = tpu.memref_slice %arg13[%swap3A_1434, %swap3A_1435] : memref<4x128xi32, #tpu.memory_space<vmem>> -> memref<1x128xi32, #tpu.memory_space<vmem>>
    %swap3A_1437 = tpu.memref_squeeze %swap3A_1436 : memref<1x128xi32, #tpu.memory_space<vmem>> -> memref<128xi32, #tpu.memory_space<vmem>>
    %swap3A_1438 = arith.constant 112 : index
    %swap3A_1439 = tpu.vector_load %swap3A_1437[%swap3A_1438] {strides = array<i32>} : memref<128xi32, #tpu.memory_space<vmem>>, vector<16xi32>,
    tpu.vector_store %swap3A_1437[%swap3A_1438], %shift_right_logical3A_1433 {strides = array<i32>} : memref<128xi32, #tpu.memory_space<vmem>>, vector<16xi32>,
    %iota3A = tpu.iota {dimensions = array<i32: 0>} : vector<16xi32>
    %dma_start3A = arith.constant 0 : i32
    %dma_start3A_1440 = arith.constant 0 : i32
    %dma_start3A_1441 = tpu.memref_slice %arg11[%dma_start3A, %dma_start3A_1440] : memref<4x128xi32, #tpu.memory_space<vmem>> -> memref<1x128xi32, #tpu.memory_space<vmem>>
    %dma_start3A_1442 = tpu.memref_squeeze %dma_start3A_1441 : memref<1x128xi32, #tpu.memory_space<vmem>> -> memref<128xi32, #tpu.memory_space<vmem>>
    %dma_start3A_1443 = arith.constant 0 : i32
    %dma_start3A_1444 = arith.constant 0 : i32
    %dma_start3A_1445 = tpu.memref_slice %arg2[%dma_start3A_1443, %dma_start3A_1444] : memref<250000x128xf32, #tpu.memory_space<hbm>> -> memref<250000x128xf32, #tpu.memory_space<hbm>>
    tpu.enqueue_indirect_dma source(%dma_start3A_1445 : memref<250000x128xf32, #tpu.memory_space<hbm>>) target(%arg14 : memref<128x128xf32, #tpu.memory_space<vmem>>) offsets(%dma_start3A_1442 : memref<128xi32, #tpu.memory_space<vmem>>) semaphore(%arg22 : memref<!tpu.dma_semaphore, #tpu.memory_space<semaphore_mem>>)
    %dma_start3A_1446 = arith.constant 0 : i32
    %dma_start3A_1447 = arith.constant 0 : i32
    %dma_start3A_1448 = tpu.memref_slice %arg12[%dma_start3A_1446, %dma_start3A_1447] : memref<4x128xi32, #tpu.memory_space<vmem>> -> memref<1x128xi32, #tpu.memory_space<vmem>>
    %dma_start3A_1449 = tpu.memref_squeeze %dma_start3A_1448 : memref<1x128xi32, #tpu.memory_space<vmem>> -> memref<128xi32, #tpu.memory_space<vmem>>
    %dma_start3A_1450 = arith.constant 0 : i32
    %dma_start3A_1451 = arith.constant 0 : i32
    %dma_start3A_1452 = tpu.memref_slice %arg2[%dma_start3A_1450, %dma_start3A_1451] : memref<250000x128xf32, #tpu.memory_space<hbm>> -> memref<250000x128xf32, #tpu.memory_space<hbm>>
    tpu.enqueue_indirect_dma source(%dma_start3A_1452 : memref<250000x128xf32, #tpu.memory_space<hbm>>) target(%arg16 : memref<128x128xf32, #tpu.memory_space<vmem>>) offsets(%dma_start3A_1449 : memref<128xi32, #tpu.memory_space<vmem>>) semaphore(%arg22 : memref<!tpu.dma_semaphore, #tpu.memory_space<semaphore_mem>>)
    %dma_start3A_1453 = arith.constant 0 : i32
    %dma_start3A_1454 = arith.constant 0 : i32
    %dma_start3A_1455 = tpu.memref_slice %arg13[%dma_start3A_1453, %dma_start3A_1454] : memref<4x128xi32, #tpu.memory_space<vmem>> -> memref<1x128xi32, #tpu.memory_space<vmem>>
    %dma_start3A_1456 = tpu.memref_squeeze %dma_start3A_1455 : memref<1x128xi32, #tpu.memory_space<vmem>> -> memref<128xi32, #tpu.memory_space<vmem>>
    %dma_start3A_1457 = arith.constant 0 : i32
    %dma_start3A_1458 = arith.constant 0 : i32
    %dma_start3A_1459 = tpu.memref_slice %arg2[%dma_start3A_1457, %dma_start3A_1458] : memref<250000x128xf32, #tpu.memory_space<hbm>> -> memref<250000x128xf32, #tpu.memory_space<hbm>>
    tpu.enqueue_indirect_dma source(%dma_start3A_1459 : memref<250000x128xf32, #tpu.memory_space<hbm>>) target(%arg18 : memref<128x128xf32, #tpu.memory_space<vmem>>) offsets(%dma_start3A_1456 : memref<128xi32, #tpu.memory_space<vmem>>) semaphore(%arg22 : memref<!tpu.dma_semaphore, #tpu.memory_space<semaphore_mem>>)
    %dma_wait3A = arith.constant 0 : i32
    %dma_wait3A_1460 = arith.constant 0 : i32
    %dma_wait3A_1461 = tpu.memref_slice %arg11[%dma_wait3A, %dma_wait3A_1460] : memref<4x128xi32, #tpu.memory_space<vmem>> -> memref<1x128xi32, #tpu.memory_space<vmem>>
    %dma_wait3A_1462 = tpu.memref_squeeze %dma_wait3A_1461 : memref<1x128xi32, #tpu.memory_space<vmem>> -> memref<128xi32, #tpu.memory_space<vmem>>
    %dma_wait3A_1463 = arith.constant 0 : i32
    %dma_wait3A_1464 = arith.constant 0 : i32
    %dma_wait3A_1465 = tpu.memref_slice %arg2[%dma_wait3A_1463, %dma_wait3A_1464] : memref<250000x128xf32, #tpu.memory_space<hbm>> -> memref<250000x128xf32, #tpu.memory_space<hbm>>
    tpu.wait_indirect_dma semaphore(%arg22 : memref<!tpu.dma_semaphore, #tpu.memory_space<semaphore_mem>>) src(%dma_wait3A_1465 : memref<250000x128xf32, #tpu.memory_space<hbm>>) dst(%arg14 : memref<128x128xf32, #tpu.memory_space<vmem>>)
    %dma_wait3A_1466 = arith.constant 0 : i32
    %dma_wait3A_1467 = arith.constant 0 : i32
    %dma_wait3A_1468 = tpu.memref_slice %arg12[%dma_wait3A_1466, %dma_wait3A_1467] : memref<4x128xi32, #tpu.memory_space<vmem>> -> memref<1x128xi32, #tpu.memory_space<vmem>>
    %dma_wait3A_1469 = tpu.memref_squeeze %dma_wait3A_1468 : memref<1x128xi32, #tpu.memory_space<vmem>> -> memref<128xi32, #tpu.memory_space<vmem>>
    %dma_wait3A_1470 = arith.constant 0 : i32
    %dma_wait3A_1471 = arith.constant 0 : i32
    %dma_wait3A_1472 = tpu.memref_slice %arg2[%dma_wait3A_1470, %dma_wait3A_1471] : memref<250000x128xf32, #tpu.memory_space<hbm>> -> memref<250000x128xf32, #tpu.memory_space<hbm>>
    tpu.wait_indirect_dma semaphore(%arg22 : memref<!tpu.dma_semaphore, #tpu.memory_space<semaphore_mem>>) src(%dma_wait3A_1472 : memref<250000x128xf32, #tpu.memory_space<hbm>>) dst(%arg16 : memref<128x128xf32, #tpu.memory_space<vmem>>)
    %dma_wait3A_1473 = arith.constant 0 : i32
    %dma_wait3A_1474 = arith.constant 0 : i32
    %dma_wait3A_1475 = tpu.memref_slice %arg13[%dma_wait3A_1473, %dma_wait3A_1474] : memref<4x128xi32, #tpu.memory_space<vmem>> -> memref<1x128xi32, #tpu.memory_space<vmem>>
    %dma_wait3A_1476 = tpu.memref_squeeze %dma_wait3A_1475 : memref<1x128xi32, #tpu.memory_space<vmem>> -> memref<128xi32, #tpu.memory_space<vmem>>
    %dma_wait3A_1477 = arith.constant 0 : i32
    %dma_wait3A_1478 = arith.constant 0 : i32
    %dma_wait3A_1479 = tpu.memref_slice %arg2[%dma_wait3A_1477, %dma_wait3A_1478] : memref<250000x128xf32, #tpu.memory_space<hbm>> -> memref<250000x128xf32, #tpu.memory_space<hbm>>
    tpu.wait_indirect_dma semaphore(%arg22 : memref<!tpu.dma_semaphore, #tpu.memory_space<semaphore_mem>>) src(%dma_wait3A_1479 : memref<250000x128xf32, #tpu.memory_space<hbm>>) dst(%arg18 : memref<128x128xf32, #tpu.memory_space<vmem>>)
    %dma_start3A_1480 = arith.constant 1 : i32
    %dma_start3A_1481 = arith.constant 0 : i32
    %dma_start3A_1482 = tpu.memref_slice %arg11[%dma_start3A_1480, %dma_start3A_1481] : memref<4x128xi32, #tpu.memory_space<vmem>> -> memref<1x128xi32, #tpu.memory_space<vmem>>
    %dma_start3A_1483 = tpu.memref_squeeze %dma_start3A_1482 : memref<1x128xi32, #tpu.memory_space<vmem>> -> memref<128xi32, #tpu.memory_space<vmem>>
    %dma_start3A_1484 = arith.constant 0 : i32
    %dma_start3A_1485 = arith.constant 0 : i32
    %dma_start3A_1486 = tpu.memref_slice %arg2[%dma_start3A_1484, %dma_start3A_1485] : memref<250000x128xf32, #tpu.memory_space<hbm>> -> memref<250000x128xf32, #tpu.memory_space<hbm>>
    tpu.enqueue_indirect_dma source(%dma_start3A_1486 : memref<250000x128xf32, #tpu.memory_space<hbm>>) target(%arg15 : memref<128x128xf32, #tpu.memory_space<vmem>>) offsets(%dma_start3A_1483 : memref<128xi32, #tpu.memory_space<vmem>>) semaphore(%arg22 : memref<!tpu.dma_semaphore, #tpu.memory_space<semaphore_mem>>)
    %dma_start3A_1487 = arith.constant 1 : i32
    %dma_start3A_1488 = arith.constant 0 : i32
    %dma_start3A_1489 = tpu.memref_slice %arg12[%dma_start3A_1487, %dma_start3A_1488] : memref<4x128xi32, #tpu.memory_space<vmem>> -> memref<1x128xi32, #tpu.memory_space<vmem>>
    %dma_start3A_1490 = tpu.memref_squeeze %dma_start3A_1489 : memref<1x128xi32, #tpu.memory_space<vmem>> -> memref<128xi32, #tpu.memory_space<vmem>>
    %dma_start3A_1491 = arith.constant 0 : i32
    %dma_start3A_1492 = arith.constant 0 : i32
    %dma_start3A_1493 = tpu.memref_slice %arg2[%dma_start3A_1491, %dma_start3A_1492] : memref<250000x128xf32, #tpu.memory_space<hbm>> -> memref<250000x128xf32, #tpu.memory_space<hbm>>
    tpu.enqueue_indirect_dma source(%dma_start3A_1493 : memref<250000x128xf32, #tpu.memory_space<hbm>>) target(%arg17 : memref<128x128xf32, #tpu.memory_space<vmem>>) offsets(%dma_start3A_1490 : memref<128xi32, #tpu.memory_space<vmem>>) semaphore(%arg22 : memref<!tpu.dma_semaphore, #tpu.memory_space<semaphore_mem>>)
    %dma_start3A_1494 = arith.constant 1 : i32
    %dma_start3A_1495 = arith.constant 0 : i32
    %dma_start3A_1496 = tpu.memref_slice %arg13[%dma_start3A_1494, %dma_start3A_1495] : memref<4x128xi32, #tpu.memory_space<vmem>> -> memref<1x128xi32, #tpu.memory_space<vmem>>
    %dma_start3A_1497 = tpu.memref_squeeze %dma_start3A_1496 : memref<1x128xi32, #tpu.memory_space<vmem>> -> memref<128xi32, #tpu.memory_space<vmem>>
    %dma_start3A_1498 = arith.constant 0 : i32
    %dma_start3A_1499 = arith.constant 0 : i32
    %dma_start3A_1500 = tpu.memref_slice %arg2[%dma_start3A_1498, %dma_start3A_1499] : memref<250000x128xf32, #tpu.memory_space<hbm>> -> memref<250000x128xf32, #tpu.memory_space<hbm>>
    tpu.enqueue_indirect_dma source(%dma_start3A_1500 : memref<250000x128xf32, #tpu.memory_space<hbm>>) target(%arg19 : memref<128x128xf32, #tpu.memory_space<vmem>>) offsets(%dma_start3A_1497 : memref<128xi32, #tpu.memory_space<vmem>>) semaphore(%arg22 : memref<!tpu.dma_semaphore, #tpu.memory_space<semaphore_mem>>)
    %broadcast_in_dim3A = arith.constant 0 : i32
    %broadcast_in_dim3A_1501 = vector.broadcast %broadcast_in_dim3A : i32 to vector<16xi32>
    %add3A_1502 = arith.addi %broadcast_in_dim3A_1501, %iota3A : vector<16xi32>
    %get3A_1503 = arith.constant 0 : i32
    %get3A_1504 = arith.constant 0 : i32
    %get3A_1505 = tpu.memref_slice %arg8[%get3A_1503, %get3A_1504] : memref<4x128xi32, #tpu.memory_space<vmem>> -> memref<1x128xi32, #tpu.memory_space<vmem>>
    %get3A_1506 = tpu.memref_squeeze %get3A_1505 : memref<1x128xi32, #tpu.memory_space<vmem>> -> memref<128xi32, #tpu.memory_space<vmem>>
    %get3A_1507 = arith.constant 0 : index
    %get3A_1508 = tpu.vector_load %get3A_1506[%get3A_1507] {strides = array<i32>} : memref<128xi32, #tpu.memory_space<vmem>>, vector<16xi32>,
    %and3A = arith.constant 3 : i32
    %and3A_1509 = vector.broadcast %and3A : i32 to vector<16xi32>
    %and3A_1510 = arith.andi %get3A_1508, %and3A_1509 : vector<16xi32>
    %shift_left3A = arith.constant 5 : i32
    %shift_left3A_1511 = vector.broadcast %shift_left3A : i32 to vector<16xi32>
    %shift_left3A_1512 = arith.shli %and3A_1510, %shift_left3A_1511 : vector<16xi32>
    %get3A_1513 = arith.constant 0 : i32
    %get3A_1514 = arith.constant 0 : i32
    %get3A_1515 = tpu.memref_slice %arg9[%get3A_1513, %get3A_1514] : memref<4x128xi32, #tpu.memory_space<vmem>> -> memref<1x128xi32, #tpu.memory_space<vmem>>
    %get3A_1516 = tpu.memref_squeeze %get3A_1515 : memref<1x128xi32, #tpu.memory_space<vmem>> -> memref<128xi32, #tpu.memory_space<vmem>>
    %get3A_1517 = arith.constant 0 : index
    %get3A_1518 = tpu.vector_load %get3A_1516[%get3A_1517] {strides = array<i32>} : memref<128xi32, #tpu.memory_space<vmem>>, vector<16xi32>,
    %and3A_1519 = arith.constant 3 : i32
    %and3A_1520 = vector.broadcast %and3A_1519 : i32 to vector<16xi32>
    %and3A_1521 = arith.andi %get3A_1518, %and3A_1520 : vector<16xi32>
    %shift_left3A_1522 = arith.constant 5 : i32
    %shift_left3A_1523 = vector.broadcast %shift_left3A_1522 : i32 to vector<16xi32>
    %shift_left3A_1524 = arith.shli %and3A_1521, %shift_left3A_1523 : vector<16xi32>
    %get3A_1525 = arith.constant 0 : i32
    %get3A_1526 = arith.constant 0 : i32
    %get3A_1527 = tpu.memref_slice %arg10[%get3A_1525, %get3A_1526] : memref<4x128xi32, #tpu.memory_space<vmem>> -> memref<1x128xi32, #tpu.memory_space<vmem>>
    %get3A_1528 = tpu.memref_squeeze %get3A_1527 : memref<1x128xi32, #tpu.memory_space<vmem>> -> memref<128xi32, #tpu.memory_space<vmem>>
    %get3A_1529 = arith.constant 0 : index
    %get3A_1530 = tpu.vector_load %get3A_1528[%get3A_1529] {strides = array<i32>} : memref<128xi32, #tpu.memory_space<vmem>>, vector<16xi32>,
    %and3A_1531 = arith.constant 3 : i32
    %and3A_1532 = vector.broadcast %and3A_1531 : i32 to vector<16xi32>
    %and3A_1533 = arith.andi %get3A_1530, %and3A_1532 : vector<16xi32>
    %shift_left3A_1534 = arith.constant 5 : i32
    %shift_left3A_1535 = vector.broadcast %shift_left3A_1534 : i32 to vector<16xi32>
    %shift_left3A_1536 = arith.shli %and3A_1533, %shift_left3A_1535 : vector<16xi32>
    %gather3A = tpu.vector_load_idx %arg14[%add3A_1502, %shift_left3A_1512] : memref<128x128xf32, #tpu.memory_space<vmem>>[vector<16xi32>, vector<16xi32>], vector<16xf32>,
    %gather3A_1537 = tpu.vector_load_idx %arg16[%add3A_1502, %shift_left3A_1524] : memref<128x128xf32, #tpu.memory_space<vmem>>[vector<16xi32>, vector<16xi32>], vector<16xf32>,
    %gather3A_1538 = tpu.vector_load_idx %arg18[%add3A_1502, %shift_left3A_1536] : memref<128x128xf32, #tpu.memory_space<vmem>>[vector<16xi32>, vector<16xi32>], vector<16xf32>,
    %mul3A_1539 = arith.mulf %gather3A, %gather3A_1537 : vector<16xf32>
    %mul3A_1540 = arith.mulf %gather3A, %gather3A_1538 : vector<16xf32>
    %scan3A = arith.constant 1 : i32
    %scan3A_1541 = arith.constant 31 : i32
    %scan3A_1542 = arith.addi %scan3A, %scan3A_1541 : i32
    %scan3A_1543 = arith.constant 1 : i32
    %scan3A_1544:2 = scf.for %scan3A_3333 = %scan3A to %scan3A_1542 step %scan3A_1543 iter_args(%scan3A_3334 = %mul3A_1539, %scan3A_3335 = %mul3A_1540) -> (vector<16xf32>, vector<16xf32>)  : i32 {
      %add3A_3336 = vector.broadcast %scan3A_3333 : i32 to vector<16xi32>
      %add3A_3337 = arith.addi %shift_left3A_1512, %add3A_3336 : vector<16xi32>
      %gather3A_3338 = tpu.vector_load_idx %arg14[%add3A_1502, %add3A_3337] : memref<128x128xf32, #tpu.memory_space<vmem>>[vector<16xi32>, vector<16xi32>], vector<16xf32>,
      %add3A_3339 = vector.broadcast %scan3A_3333 : i32 to vector<16xi32>
      %add3A_3340 = arith.addi %shift_left3A_1524, %add3A_3339 : vector<16xi32>
      %gather3A_3341 = tpu.vector_load_idx %arg16[%add3A_1502, %add3A_3340] : memref<128x128xf32, #tpu.memory_space<vmem>>[vector<16xi32>, vector<16xi32>], vector<16xf32>,
      %add3A_3342 = vector.broadcast %scan3A_3333 : i32 to vector<16xi32>
      %add3A_3343 = arith.addi %shift_left3A_1536, %add3A_3342 : vector<16xi32>
      %gather3A_3344 = tpu.vector_load_idx %arg18[%add3A_1502, %add3A_3343] : memref<128x128xf32, #tpu.memory_space<vmem>>[vector<16xi32>, vector<16xi32>], vector<16xf32>,
      %mul3A_3345 = arith.mulf %gather3A_3338, %gather3A_3341 : vector<16xf32>
      %sub3A = arith.subf %scan3A_3334, %mul3A_3345 : vector<16xf32>
      %mul3A_3346 = arith.mulf %gather3A_3338, %gather3A_3344 : vector<16xf32>
      %sub3A_3347 = arith.subf %scan3A_3335, %mul3A_3346 : vector<16xf32>
      scf.yield %sub3A, %sub3A_3347 : vector<16xf32>, vector<16xf32>
    }
    %scan3A_1545 = arith.constant 31 : i32
    %swap3A_1546 = arith.constant 0 : index
    %swap3A_1547 = tpu.vector_load %arg20[%swap3A_1546] {strides = array<i32>} : memref<512xf32, #tpu.memory_space<vmem>>, vector<16xf32>,
    tpu.vector_store %arg20[%swap3A_1546], %scan3A_1544#0 {strides = array<i32>} : memref<512xf32, #tpu.memory_space<vmem>>, vector<16xf32>,
    %swap3A_1548 = arith.constant 0 : index
    %swap3A_1549 = tpu.vector_load %arg21[%swap3A_1548] {strides = array<i32>} : memref<512xf32, #tpu.memory_space<vmem>>, vector<16xf32>,
    tpu.vector_store %arg21[%swap3A_1548], %scan3A_1544#1 {strides = array<i32>} : memref<512xf32, #tpu.memory_space<vmem>>, vector<16xf32>,
    %broadcast_in_dim3A_1550 = arith.constant 16 : i32
    %broadcast_in_dim3A_1551 = vector.broadcast %broadcast_in_dim3A_1550 : i32 to vector<16xi32>
    %add3A_1552 = arith.addi %broadcast_in_dim3A_1551, %iota3A : vector<16xi32>
    %get3A_1553 = arith.constant 0 : i32
    %get3A_1554 = arith.constant 0 : i32
    %get3A_1555 = tpu.memref_slice %arg8[%get3A_1553, %get3A_1554] : memref<4x128xi32, #tpu.memory_space<vmem>> -> memref<1x128xi32, #tpu.memory_space<vmem>>
    %get3A_1556 = tpu.memref_squeeze %get3A_1555 : memref<1x128xi32, #tpu.memory_space<vmem>> -> memref<128xi32, #tpu.memory_space<vmem>>
    %get3A_1557 = arith.constant 16 : index
    %get3A_1558 = tpu.vector_load %get3A_1556[%get3A_1557] {strides = array<i32>} : memref<128xi32, #tpu.memory_space<vmem>>, vector<16xi32>,
    %and3A_1559 = arith.constant 3 : i32
    %and3A_1560 = vector.broadcast %and3A_1559 : i32 to vector<16xi32>
    %and3A_1561 = arith.andi %get3A_1558, %and3A_1560 : vector<16xi32>
    %shift_left3A_1562 = arith.constant 5 : i32
    %shift_left3A_1563 = vector.broadcast %shift_left3A_1562 : i32 to vector<16xi32>
    %shift_left3A_1564 = arith.shli %and3A_1561, %shift_left3A_1563 : vector<16xi32>
    %get3A_1565 = arith.constant 0 : i32
    %get3A_1566 = arith.constant 0 : i32
    %get3A_1567 = tpu.memref_slice %arg9[%get3A_1565, %get3A_1566] : memref<4x128xi32, #tpu.memory_space<vmem>> -> memref<1x128xi32, #tpu.memory_space<vmem>>
    %get3A_1568 = tpu.memref_squeeze %get3A_1567 : memref<1x128xi32, #tpu.memory_space<vmem>> -> memref<128xi32, #tpu.memory_space<vmem>>
    %get3A_1569 = arith.constant 16 : index
    %get3A_1570 = tpu.vector_load %get3A_1568[%get3A_1569] {strides = array<i32>} : memref<128xi32, #tpu.memory_space<vmem>>, vector<16xi32>,
    %and3A_1571 = arith.constant 3 : i32
    %and3A_1572 = vector.broadcast %and3A_1571 : i32 to vector<16xi32>
    %and3A_1573 = arith.andi %get3A_1570, %and3A_1572 : vector<16xi32>
    %shift_left3A_1574 = arith.constant 5 : i32
    %shift_left3A_1575 = vector.broadcast %shift_left3A_1574 : i32 to vector<16xi32>
    %shift_left3A_1576 = arith.shli %and3A_1573, %shift_left3A_1575 : vector<16xi32>
    %get3A_1577 = arith.constant 0 : i32
    %get3A_1578 = arith.constant 0 : i32
    %get3A_1579 = tpu.memref_slice %arg10[%get3A_1577, %get3A_1578] : memref<4x128xi32, #tpu.memory_space<vmem>> -> memref<1x128xi32, #tpu.memory_space<vmem>>
    %get3A_1580 = tpu.memref_squeeze %get3A_1579 : memref<1x128xi32, #tpu.memory_space<vmem>> -> memref<128xi32, #tpu.memory_space<vmem>>
    %get3A_1581 = arith.constant 16 : index
    %get3A_1582 = tpu.vector_load %get3A_1580[%get3A_1581] {strides = array<i32>} : memref<128xi32, #tpu.memory_space<vmem>>, vector<16xi32>,
    %and3A_1583 = arith.constant 3 : i32
    %and3A_1584 = vector.broadcast %and3A_1583 : i32 to vector<16xi32>
    %and3A_1585 = arith.andi %get3A_1582, %and3A_1584 : vector<16xi32>
    %shift_left3A_1586 = arith.constant 5 : i32
    %shift_left3A_1587 = vector.broadcast %shift_left3A_1586 : i32 to vector<16xi32>
    %shift_left3A_1588 = arith.shli %and3A_1585, %shift_left3A_1587 : vector<16xi32>
    %gather3A_1589 = tpu.vector_load_idx %arg14[%add3A_1552, %shift_left3A_1564] : memref<128x128xf32, #tpu.memory_space<vmem>>[vector<16xi32>, vector<16xi32>], vector<16xf32>,
    %gather3A_1590 = tpu.vector_load_idx %arg16[%add3A_1552, %shift_left3A_1576] : memref<128x128xf32, #tpu.memory_space<vmem>>[vector<16xi32>, vector<16xi32>], vector<16xf32>,
    %gather3A_1591 = tpu.vector_load_idx %arg18[%add3A_1552, %shift_left3A_1588] : memref<128x128xf32, #tpu.memory_space<vmem>>[vector<16xi32>, vector<16xi32>], vector<16xf32>,
    %mul3A_1592 = arith.mulf %gather3A_1589, %gather3A_1590 : vector<16xf32>
    %mul3A_1593 = arith.mulf %gather3A_1589, %gather3A_1591 : vector<16xf32>
    %scan3A_1594 = arith.constant 1 : i32
    %scan3A_1595 = arith.constant 31 : i32
    %scan3A_1596 = arith.addi %scan3A_1594, %scan3A_1595 : i32
    %scan3A_1597 = arith.constant 1 : i32
    %scan3A_1598:2 = scf.for %scan3A_3333 = %scan3A_1594 to %scan3A_1596 step %scan3A_1597 iter_args(%scan3A_3334 = %mul3A_1592, %scan3A_3335 = %mul3A_1593) -> (vector<16xf32>, vector<16xf32>)  : i32 {
      %add3A_3336 = vector.broadcast %scan3A_3333 : i32 to vector<16xi32>
      %add3A_3337 = arith.addi %shift_left3A_1564, %add3A_3336 : vector<16xi32>
      %gather3A_3338 = tpu.vector_load_idx %arg14[%add3A_1552, %add3A_3337] : memref<128x128xf32, #tpu.memory_space<vmem>>[vector<16xi32>, vector<16xi32>], vector<16xf32>,
      %add3A_3339 = vector.broadcast %scan3A_3333 : i32 to vector<16xi32>
      %add3A_3340 = arith.addi %shift_left3A_1576, %add3A_3339 : vector<16xi32>
      %gather3A_3341 = tpu.vector_load_idx %arg16[%add3A_1552, %add3A_3340] : memref<128x128xf32, #tpu.memory_space<vmem>>[vector<16xi32>, vector<16xi32>], vector<16xf32>,
      %add3A_3342 = vector.broadcast %scan3A_3333 : i32 to vector<16xi32>
      %add3A_3343 = arith.addi %shift_left3A_1588, %add3A_3342 : vector<16xi32>
      %gather3A_3344 = tpu.vector_load_idx %arg18[%add3A_1552, %add3A_3343] : memref<128x128xf32, #tpu.memory_space<vmem>>[vector<16xi32>, vector<16xi32>], vector<16xf32>,
      %mul3A_3345 = arith.mulf %gather3A_3338, %gather3A_3341 : vector<16xf32>
      %sub3A = arith.subf %scan3A_3334, %mul3A_3345 : vector<16xf32>
      %mul3A_3346 = arith.mulf %gather3A_3338, %gather3A_3344 : vector<16xf32>
      %sub3A_3347 = arith.subf %scan3A_3335, %mul3A_3346 : vector<16xf32>
      scf.yield %sub3A, %sub3A_3347 : vector<16xf32>, vector<16xf32>
    }
    %scan3A_1599 = arith.constant 31 : i32
    %swap3A_1600 = arith.constant 16 : index
    %swap3A_1601 = tpu.vector_load %arg20[%swap3A_1600] {strides = array<i32>} : memref<512xf32, #tpu.memory_space<vmem>>, vector<16xf32>,
    tpu.vector_store %arg20[%swap3A_1600], %scan3A_1598#0 {strides = array<i32>} : memref<512xf32, #tpu.memory_space<vmem>>, vector<16xf32>,
    %swap3A_1602 = arith.constant 16 : index
    %swap3A_1603 = tpu.vector_load %arg21[%swap3A_1602] {strides = array<i32>} : memref<512xf32, #tpu.memory_space<vmem>>, vector<16xf32>,
    tpu.vector_store %arg21[%swap3A_1602], %scan3A_1598#1 {strides = array<i32>} : memref<512xf32, #tpu.memory_space<vmem>>, vector<16xf32>,
    %broadcast_in_dim3A_1604 = arith.constant 32 : i32
    %broadcast_in_dim3A_1605 = vector.broadcast %broadcast_in_dim3A_1604 : i32 to vector<16xi32>
    %add3A_1606 = arith.addi %broadcast_in_dim3A_1605, %iota3A : vector<16xi32>
    %get3A_1607 = arith.constant 0 : i32
    %get3A_1608 = arith.constant 0 : i32
    %get3A_1609 = tpu.memref_slice %arg8[%get3A_1607, %get3A_1608] : memref<4x128xi32, #tpu.memory_space<vmem>> -> memref<1x128xi32, #tpu.memory_space<vmem>>
    %get3A_1610 = tpu.memref_squeeze %get3A_1609 : memref<1x128xi32, #tpu.memory_space<vmem>> -> memref<128xi32, #tpu.memory_space<vmem>>
    %get3A_1611 = arith.constant 32 : index
    %get3A_1612 = tpu.vector_load %get3A_1610[%get3A_1611] {strides = array<i32>} : memref<128xi32, #tpu.memory_space<vmem>>, vector<16xi32>,
    %and3A_1613 = arith.constant 3 : i32
    %and3A_1614 = vector.broadcast %and3A_1613 : i32 to vector<16xi32>
    %and3A_1615 = arith.andi %get3A_1612, %and3A_1614 : vector<16xi32>
    %shift_left3A_1616 = arith.constant 5 : i32
    %shift_left3A_1617 = vector.broadcast %shift_left3A_1616 : i32 to vector<16xi32>
    %shift_left3A_1618 = arith.shli %and3A_1615, %shift_left3A_1617 : vector<16xi32>
    %get3A_1619 = arith.constant 0 : i32
    %get3A_1620 = arith.constant 0 : i32
    %get3A_1621 = tpu.memref_slice %arg9[%get3A_1619, %get3A_1620] : memref<4x128xi32, #tpu.memory_space<vmem>> -> memref<1x128xi32, #tpu.memory_space<vmem>>
    %get3A_1622 = tpu.memref_squeeze %get3A_1621 : memref<1x128xi32, #tpu.memory_space<vmem>> -> memref<128xi32, #tpu.memory_space<vmem>>
    %get3A_1623 = arith.constant 32 : index
    %get3A_1624 = tpu.vector_load %get3A_1622[%get3A_1623] {strides = array<i32>} : memref<128xi32, #tpu.memory_space<vmem>>, vector<16xi32>,
    %and3A_1625 = arith.constant 3 : i32
    %and3A_1626 = vector.broadcast %and3A_1625 : i32 to vector<16xi32>
    %and3A_1627 = arith.andi %get3A_1624, %and3A_1626 : vector<16xi32>
    %shift_left3A_1628 = arith.constant 5 : i32
    %shift_left3A_1629 = vector.broadcast %shift_left3A_1628 : i32 to vector<16xi32>
    %shift_left3A_1630 = arith.shli %and3A_1627, %shift_left3A_1629 : vector<16xi32>
    %get3A_1631 = arith.constant 0 : i32
    %get3A_1632 = arith.constant 0 : i32
    %get3A_1633 = tpu.memref_slice %arg10[%get3A_1631, %get3A_1632] : memref<4x128xi32, #tpu.memory_space<vmem>> -> memref<1x128xi32, #tpu.memory_space<vmem>>
    %get3A_1634 = tpu.memref_squeeze %get3A_1633 : memref<1x128xi32, #tpu.memory_space<vmem>> -> memref<128xi32, #tpu.memory_space<vmem>>
    %get3A_1635 = arith.constant 32 : index
    %get3A_1636 = tpu.vector_load %get3A_1634[%get3A_1635] {strides = array<i32>} : memref<128xi32, #tpu.memory_space<vmem>>, vector<16xi32>,
    %and3A_1637 = arith.constant 3 : i32
    %and3A_1638 = vector.broadcast %and3A_1637 : i32 to vector<16xi32>
    %and3A_1639 = arith.andi %get3A_1636, %and3A_1638 : vector<16xi32>
    %shift_left3A_1640 = arith.constant 5 : i32
    %shift_left3A_1641 = vector.broadcast %shift_left3A_1640 : i32 to vector<16xi32>
    %shift_left3A_1642 = arith.shli %and3A_1639, %shift_left3A_1641 : vector<16xi32>
    %gather3A_1643 = tpu.vector_load_idx %arg14[%add3A_1606, %shift_left3A_1618] : memref<128x128xf32, #tpu.memory_space<vmem>>[vector<16xi32>, vector<16xi32>], vector<16xf32>,
    %gather3A_1644 = tpu.vector_load_idx %arg16[%add3A_1606, %shift_left3A_1630] : memref<128x128xf32, #tpu.memory_space<vmem>>[vector<16xi32>, vector<16xi32>], vector<16xf32>,
    %gather3A_1645 = tpu.vector_load_idx %arg18[%add3A_1606, %shift_left3A_1642] : memref<128x128xf32, #tpu.memory_space<vmem>>[vector<16xi32>, vector<16xi32>], vector<16xf32>,
    %mul3A_1646 = arith.mulf %gather3A_1643, %gather3A_1644 : vector<16xf32>
    %mul3A_1647 = arith.mulf %gather3A_1643, %gather3A_1645 : vector<16xf32>
    %scan3A_1648 = arith.constant 1 : i32
    %scan3A_1649 = arith.constant 31 : i32
    %scan3A_1650 = arith.addi %scan3A_1648, %scan3A_1649 : i32
    %scan3A_1651 = arith.constant 1 : i32
    %scan3A_1652:2 = scf.for %scan3A_3333 = %scan3A_1648 to %scan3A_1650 step %scan3A_1651 iter_args(%scan3A_3334 = %mul3A_1646, %scan3A_3335 = %mul3A_1647) -> (vector<16xf32>, vector<16xf32>)  : i32 {
      %add3A_3336 = vector.broadcast %scan3A_3333 : i32 to vector<16xi32>
      %add3A_3337 = arith.addi %shift_left3A_1618, %add3A_3336 : vector<16xi32>
      %gather3A_3338 = tpu.vector_load_idx %arg14[%add3A_1606, %add3A_3337] : memref<128x128xf32, #tpu.memory_space<vmem>>[vector<16xi32>, vector<16xi32>], vector<16xf32>,
      %add3A_3339 = vector.broadcast %scan3A_3333 : i32 to vector<16xi32>
      %add3A_3340 = arith.addi %shift_left3A_1630, %add3A_3339 : vector<16xi32>
      %gather3A_3341 = tpu.vector_load_idx %arg16[%add3A_1606, %add3A_3340] : memref<128x128xf32, #tpu.memory_space<vmem>>[vector<16xi32>, vector<16xi32>], vector<16xf32>,
      %add3A_3342 = vector.broadcast %scan3A_3333 : i32 to vector<16xi32>
      %add3A_3343 = arith.addi %shift_left3A_1642, %add3A_3342 : vector<16xi32>
      %gather3A_3344 = tpu.vector_load_idx %arg18[%add3A_1606, %add3A_3343] : memref<128x128xf32, #tpu.memory_space<vmem>>[vector<16xi32>, vector<16xi32>], vector<16xf32>,
      %mul3A_3345 = arith.mulf %gather3A_3338, %gather3A_3341 : vector<16xf32>
      %sub3A = arith.subf %scan3A_3334, %mul3A_3345 : vector<16xf32>
      %mul3A_3346 = arith.mulf %gather3A_3338, %gather3A_3344 : vector<16xf32>
      %sub3A_3347 = arith.subf %scan3A_3335, %mul3A_3346 : vector<16xf32>
      scf.yield %sub3A, %sub3A_3347 : vector<16xf32>, vector<16xf32>
    }
    %scan3A_1653 = arith.constant 31 : i32
    %swap3A_1654 = arith.constant 32 : index
    %swap3A_1655 = tpu.vector_load %arg20[%swap3A_1654] {strides = array<i32>} : memref<512xf32, #tpu.memory_space<vmem>>, vector<16xf32>,
    tpu.vector_store %arg20[%swap3A_1654], %scan3A_1652#0 {strides = array<i32>} : memref<512xf32, #tpu.memory_space<vmem>>, vector<16xf32>,
    %swap3A_1656 = arith.constant 32 : index
    %swap3A_1657 = tpu.vector_load %arg21[%swap3A_1656] {strides = array<i32>} : memref<512xf32, #tpu.memory_space<vmem>>, vector<16xf32>,
    tpu.vector_store %arg21[%swap3A_1656], %scan3A_1652#1 {strides = array<i32>} : memref<512xf32, #tpu.memory_space<vmem>>, vector<16xf32>,
    %broadcast_in_dim3A_1658 = arith.constant 48 : i32
    %broadcast_in_dim3A_1659 = vector.broadcast %broadcast_in_dim3A_1658 : i32 to vector<16xi32>
    %add3A_1660 = arith.addi %broadcast_in_dim3A_1659, %iota3A : vector<16xi32>
    %get3A_1661 = arith.constant 0 : i32
    %get3A_1662 = arith.constant 0 : i32
    %get3A_1663 = tpu.memref_slice %arg8[%get3A_1661, %get3A_1662] : memref<4x128xi32, #tpu.memory_space<vmem>> -> memref<1x128xi32, #tpu.memory_space<vmem>>
    %get3A_1664 = tpu.memref_squeeze %get3A_1663 : memref<1x128xi32, #tpu.memory_space<vmem>> -> memref<128xi32, #tpu.memory_space<vmem>>
    %get3A_1665 = arith.constant 48 : index
    %get3A_1666 = tpu.vector_load %get3A_1664[%get3A_1665] {strides = array<i32>} : memref<128xi32, #tpu.memory_space<vmem>>, vector<16xi32>,
    %and3A_1667 = arith.constant 3 : i32
    %and3A_1668 = vector.broadcast %and3A_1667 : i32 to vector<16xi32>
    %and3A_1669 = arith.andi %get3A_1666, %and3A_1668 : vector<16xi32>
    %shift_left3A_1670 = arith.constant 5 : i32
    %shift_left3A_1671 = vector.broadcast %shift_left3A_1670 : i32 to vector<16xi32>
    %shift_left3A_1672 = arith.shli %and3A_1669, %shift_left3A_1671 : vector<16xi32>
    %get3A_1673 = arith.constant 0 : i32
    %get3A_1674 = arith.constant 0 : i32
    %get3A_1675 = tpu.memref_slice %arg9[%get3A_1673, %get3A_1674] : memref<4x128xi32, #tpu.memory_space<vmem>> -> memref<1x128xi32, #tpu.memory_space<vmem>>
    %get3A_1676 = tpu.memref_squeeze %get3A_1675 : memref<1x128xi32, #tpu.memory_space<vmem>> -> memref<128xi32, #tpu.memory_space<vmem>>
    %get3A_1677 = arith.constant 48 : index
    %get3A_1678 = tpu.vector_load %get3A_1676[%get3A_1677] {strides = array<i32>} : memref<128xi32, #tpu.memory_space<vmem>>, vector<16xi32>,
    %and3A_1679 = arith.constant 3 : i32
    %and3A_1680 = vector.broadcast %and3A_1679 : i32 to vector<16xi32>
    %and3A_1681 = arith.andi %get3A_1678, %and3A_1680 : vector<16xi32>
    %shift_left3A_1682 = arith.constant 5 : i32
    %shift_left3A_1683 = vector.broadcast %shift_left3A_1682 : i32 to vector<16xi32>
    %shift_left3A_1684 = arith.shli %and3A_1681, %shift_left3A_1683 : vector<16xi32>
    %get3A_1685 = arith.constant 0 : i32
    %get3A_1686 = arith.constant 0 : i32
    %get3A_1687 = tpu.memref_slice %arg10[%get3A_1685, %get3A_1686] : memref<4x128xi32, #tpu.memory_space<vmem>> -> memref<1x128xi32, #tpu.memory_space<vmem>>
    %get3A_1688 = tpu.memref_squeeze %get3A_1687 : memref<1x128xi32, #tpu.memory_space<vmem>> -> memref<128xi32, #tpu.memory_space<vmem>>
    %get3A_1689 = arith.constant 48 : index
    %get3A_1690 = tpu.vector_load %get3A_1688[%get3A_1689] {strides = array<i32>} : memref<128xi32, #tpu.memory_space<vmem>>, vector<16xi32>,
    %and3A_1691 = arith.constant 3 : i32
    %and3A_1692 = vector.broadcast %and3A_1691 : i32 to vector<16xi32>
    %and3A_1693 = arith.andi %get3A_1690, %and3A_1692 : vector<16xi32>
    %shift_left3A_1694 = arith.constant 5 : i32
    %shift_left3A_1695 = vector.broadcast %shift_left3A_1694 : i32 to vector<16xi32>
    %shift_left3A_1696 = arith.shli %and3A_1693, %shift_left3A_1695 : vector<16xi32>
    %gather3A_1697 = tpu.vector_load_idx %arg14[%add3A_1660, %shift_left3A_1672] : memref<128x128xf32, #tpu.memory_space<vmem>>[vector<16xi32>, vector<16xi32>], vector<16xf32>,
    %gather3A_1698 = tpu.vector_load_idx %arg16[%add3A_1660, %shift_left3A_1684] : memref<128x128xf32, #tpu.memory_space<vmem>>[vector<16xi32>, vector<16xi32>], vector<16xf32>,
    %gather3A_1699 = tpu.vector_load_idx %arg18[%add3A_1660, %shift_left3A_1696] : memref<128x128xf32, #tpu.memory_space<vmem>>[vector<16xi32>, vector<16xi32>], vector<16xf32>,
    %mul3A_1700 = arith.mulf %gather3A_1697, %gather3A_1698 : vector<16xf32>
    %mul3A_1701 = arith.mulf %gather3A_1697, %gather3A_1699 : vector<16xf32>
    %scan3A_1702 = arith.constant 1 : i32
    %scan3A_1703 = arith.constant 31 : i32
    %scan3A_1704 = arith.addi %scan3A_1702, %scan3A_1703 : i32
    %scan3A_1705 = arith.constant 1 : i32
    %scan3A_1706:2 = scf.for %scan3A_3333 = %scan3A_1702 to %scan3A_1704 step %scan3A_1705 iter_args(%scan3A_3334 = %mul3A_1700, %scan3A_3335 = %mul3A_1701) -> (vector<16xf32>, vector<16xf32>)  : i32 {
      %add3A_3336 = vector.broadcast %scan3A_3333 : i32 to vector<16xi32>
      %add3A_3337 = arith.addi %shift_left3A_1672, %add3A_3336 : vector<16xi32>
      %gather3A_3338 = tpu.vector_load_idx %arg14[%add3A_1660, %add3A_3337] : memref<128x128xf32, #tpu.memory_space<vmem>>[vector<16xi32>, vector<16xi32>], vector<16xf32>,
      %add3A_3339 = vector.broadcast %scan3A_3333 : i32 to vector<16xi32>
      %add3A_3340 = arith.addi %shift_left3A_1684, %add3A_3339 : vector<16xi32>
      %gather3A_3341 = tpu.vector_load_idx %arg16[%add3A_1660, %add3A_3340] : memref<128x128xf32, #tpu.memory_space<vmem>>[vector<16xi32>, vector<16xi32>], vector<16xf32>,
      %add3A_3342 = vector.broadcast %scan3A_3333 : i32 to vector<16xi32>
      %add3A_3343 = arith.addi %shift_left3A_1696, %add3A_3342 : vector<16xi32>
      %gather3A_3344 = tpu.vector_load_idx %arg18[%add3A_1660, %add3A_3343] : memref<128x128xf32, #tpu.memory_space<vmem>>[vector<16xi32>, vector<16xi32>], vector<16xf32>,
      %mul3A_3345 = arith.mulf %gather3A_3338, %gather3A_3341 : vector<16xf32>
      %sub3A = arith.subf %scan3A_3334, %mul3A_3345 : vector<16xf32>
      %mul3A_3346 = arith.mulf %gather3A_3338, %gather3A_3344 : vector<16xf32>
      %sub3A_3347 = arith.subf %scan3A_3335, %mul3A_3346 : vector<16xf32>
      scf.yield %sub3A, %sub3A_3347 : vector<16xf32>, vector<16xf32>
    }
    %scan3A_1707 = arith.constant 31 : i32
    %swap3A_1708 = arith.constant 48 : index
    %swap3A_1709 = tpu.vector_load %arg20[%swap3A_1708] {strides = array<i32>} : memref<512xf32, #tpu.memory_space<vmem>>, vector<16xf32>,
    tpu.vector_store %arg20[%swap3A_1708], %scan3A_1706#0 {strides = array<i32>} : memref<512xf32, #tpu.memory_space<vmem>>, vector<16xf32>,
    %swap3A_1710 = arith.constant 48 : index
    %swap3A_1711 = tpu.vector_load %arg21[%swap3A_1710] {strides = array<i32>} : memref<512xf32, #tpu.memory_space<vmem>>, vector<16xf32>,
    tpu.vector_store %arg21[%swap3A_1710], %scan3A_1706#1 {strides = array<i32>} : memref<512xf32, #tpu.memory_space<vmem>>, vector<16xf32>,
    %broadcast_in_dim3A_1712 = arith.constant 64 : i32
    %broadcast_in_dim3A_1713 = vector.broadcast %broadcast_in_dim3A_1712 : i32 to vector<16xi32>
    %add3A_1714 = arith.addi %broadcast_in_dim3A_1713, %iota3A : vector<16xi32>
    %get3A_1715 = arith.constant 0 : i32
    %get3A_1716 = arith.constant 0 : i32
    %get3A_1717 = tpu.memref_slice %arg8[%get3A_1715, %get3A_1716] : memref<4x128xi32, #tpu.memory_space<vmem>> -> memref<1x128xi32, #tpu.memory_space<vmem>>
    %get3A_1718 = tpu.memref_squeeze %get3A_1717 : memref<1x128xi32, #tpu.memory_space<vmem>> -> memref<128xi32, #tpu.memory_space<vmem>>
    %get3A_1719 = arith.constant 64 : index
    %get3A_1720 = tpu.vector_load %get3A_1718[%get3A_1719] {strides = array<i32>} : memref<128xi32, #tpu.memory_space<vmem>>, vector<16xi32>,
    %and3A_1721 = arith.constant 3 : i32
    %and3A_1722 = vector.broadcast %and3A_1721 : i32 to vector<16xi32>
    %and3A_1723 = arith.andi %get3A_1720, %and3A_1722 : vector<16xi32>
    %shift_left3A_1724 = arith.constant 5 : i32
    %shift_left3A_1725 = vector.broadcast %shift_left3A_1724 : i32 to vector<16xi32>
    %shift_left3A_1726 = arith.shli %and3A_1723, %shift_left3A_1725 : vector<16xi32>
    %get3A_1727 = arith.constant 0 : i32
    %get3A_1728 = arith.constant 0 : i32
    %get3A_1729 = tpu.memref_slice %arg9[%get3A_1727, %get3A_1728] : memref<4x128xi32, #tpu.memory_space<vmem>> -> memref<1x128xi32, #tpu.memory_space<vmem>>
    %get3A_1730 = tpu.memref_squeeze %get3A_1729 : memref<1x128xi32, #tpu.memory_space<vmem>> -> memref<128xi32, #tpu.memory_space<vmem>>
    %get3A_1731 = arith.constant 64 : index
    %get3A_1732 = tpu.vector_load %get3A_1730[%get3A_1731] {strides = array<i32>} : memref<128xi32, #tpu.memory_space<vmem>>, vector<16xi32>,
    %and3A_1733 = arith.constant 3 : i32
    %and3A_1734 = vector.broadcast %and3A_1733 : i32 to vector<16xi32>
    %and3A_1735 = arith.andi %get3A_1732, %and3A_1734 : vector<16xi32>
    %shift_left3A_1736 = arith.constant 5 : i32
    %shift_left3A_1737 = vector.broadcast %shift_left3A_1736 : i32 to vector<16xi32>
    %shift_left3A_1738 = arith.shli %and3A_1735, %shift_left3A_1737 : vector<16xi32>
    %get3A_1739 = arith.constant 0 : i32
    %get3A_1740 = arith.constant 0 : i32
    %get3A_1741 = tpu.memref_slice %arg10[%get3A_1739, %get3A_1740] : memref<4x128xi32, #tpu.memory_space<vmem>> -> memref<1x128xi32, #tpu.memory_space<vmem>>
    %get3A_1742 = tpu.memref_squeeze %get3A_1741 : memref<1x128xi32, #tpu.memory_space<vmem>> -> memref<128xi32, #tpu.memory_space<vmem>>
    %get3A_1743 = arith.constant 64 : index
    %get3A_1744 = tpu.vector_load %get3A_1742[%get3A_1743] {strides = array<i32>} : memref<128xi32, #tpu.memory_space<vmem>>, vector<16xi32>,
    %and3A_1745 = arith.constant 3 : i32
    %and3A_1746 = vector.broadcast %and3A_1745 : i32 to vector<16xi32>
    %and3A_1747 = arith.andi %get3A_1744, %and3A_1746 : vector<16xi32>
    %shift_left3A_1748 = arith.constant 5 : i32
    %shift_left3A_1749 = vector.broadcast %shift_left3A_1748 : i32 to vector<16xi32>
    %shift_left3A_1750 = arith.shli %and3A_1747, %shift_left3A_1749 : vector<16xi32>
    %gather3A_1751 = tpu.vector_load_idx %arg14[%add3A_1714, %shift_left3A_1726] : memref<128x128xf32, #tpu.memory_space<vmem>>[vector<16xi32>, vector<16xi32>], vector<16xf32>,
    %gather3A_1752 = tpu.vector_load_idx %arg16[%add3A_1714, %shift_left3A_1738] : memref<128x128xf32, #tpu.memory_space<vmem>>[vector<16xi32>, vector<16xi32>], vector<16xf32>,
    %gather3A_1753 = tpu.vector_load_idx %arg18[%add3A_1714, %shift_left3A_1750] : memref<128x128xf32, #tpu.memory_space<vmem>>[vector<16xi32>, vector<16xi32>], vector<16xf32>,
    %mul3A_1754 = arith.mulf %gather3A_1751, %gather3A_1752 : vector<16xf32>
    %mul3A_1755 = arith.mulf %gather3A_1751, %gather3A_1753 : vector<16xf32>
    %scan3A_1756 = arith.constant 1 : i32
    %scan3A_1757 = arith.constant 31 : i32
    %scan3A_1758 = arith.addi %scan3A_1756, %scan3A_1757 : i32
    %scan3A_1759 = arith.constant 1 : i32
    %scan3A_1760:2 = scf.for %scan3A_3333 = %scan3A_1756 to %scan3A_1758 step %scan3A_1759 iter_args(%scan3A_3334 = %mul3A_1754, %scan3A_3335 = %mul3A_1755) -> (vector<16xf32>, vector<16xf32>)  : i32 {
      %add3A_3336 = vector.broadcast %scan3A_3333 : i32 to vector<16xi32>
      %add3A_3337 = arith.addi %shift_left3A_1726, %add3A_3336 : vector<16xi32>
      %gather3A_3338 = tpu.vector_load_idx %arg14[%add3A_1714, %add3A_3337] : memref<128x128xf32, #tpu.memory_space<vmem>>[vector<16xi32>, vector<16xi32>], vector<16xf32>,
      %add3A_3339 = vector.broadcast %scan3A_3333 : i32 to vector<16xi32>
      %add3A_3340 = arith.addi %shift_left3A_1738, %add3A_3339 : vector<16xi32>
      %gather3A_3341 = tpu.vector_load_idx %arg16[%add3A_1714, %add3A_3340] : memref<128x128xf32, #tpu.memory_space<vmem>>[vector<16xi32>, vector<16xi32>], vector<16xf32>,
      %add3A_3342 = vector.broadcast %scan3A_3333 : i32 to vector<16xi32>
      %add3A_3343 = arith.addi %shift_left3A_1750, %add3A_3342 : vector<16xi32>
      %gather3A_3344 = tpu.vector_load_idx %arg18[%add3A_1714, %add3A_3343] : memref<128x128xf32, #tpu.memory_space<vmem>>[vector<16xi32>, vector<16xi32>], vector<16xf32>,
      %mul3A_3345 = arith.mulf %gather3A_3338, %gather3A_3341 : vector<16xf32>
      %sub3A = arith.subf %scan3A_3334, %mul3A_3345 : vector<16xf32>
      %mul3A_3346 = arith.mulf %gather3A_3338, %gather3A_3344 : vector<16xf32>
      %sub3A_3347 = arith.subf %scan3A_3335, %mul3A_3346 : vector<16xf32>
      scf.yield %sub3A, %sub3A_3347 : vector<16xf32>, vector<16xf32>
    }
    %scan3A_1761 = arith.constant 31 : i32
    %swap3A_1762 = arith.constant 64 : index
    %swap3A_1763 = tpu.vector_load %arg20[%swap3A_1762] {strides = array<i32>} : memref<512xf32, #tpu.memory_space<vmem>>, vector<16xf32>,
    tpu.vector_store %arg20[%swap3A_1762], %scan3A_1760#0 {strides = array<i32>} : memref<512xf32, #tpu.memory_space<vmem>>, vector<16xf32>,
    %swap3A_1764 = arith.constant 64 : index
    %swap3A_1765 = tpu.vector_load %arg21[%swap3A_1764] {strides = array<i32>} : memref<512xf32, #tpu.memory_space<vmem>>, vector<16xf32>,
    tpu.vector_store %arg21[%swap3A_1764], %scan3A_1760#1 {strides = array<i32>} : memref<512xf32, #tpu.memory_space<vmem>>, vector<16xf32>,
    %broadcast_in_dim3A_1766 = arith.constant 80 : i32
    %broadcast_in_dim3A_1767 = vector.broadcast %broadcast_in_dim3A_1766 : i32 to vector<16xi32>
    %add3A_1768 = arith.addi %broadcast_in_dim3A_1767, %iota3A : vector<16xi32>
    %get3A_1769 = arith.constant 0 : i32
    %get3A_1770 = arith.constant 0 : i32
    %get3A_1771 = tpu.memref_slice %arg8[%get3A_1769, %get3A_1770] : memref<4x128xi32, #tpu.memory_space<vmem>> -> memref<1x128xi32, #tpu.memory_space<vmem>>
    %get3A_1772 = tpu.memref_squeeze %get3A_1771 : memref<1x128xi32, #tpu.memory_space<vmem>> -> memref<128xi32, #tpu.memory_space<vmem>>
    %get3A_1773 = arith.constant 80 : index
    %get3A_1774 = tpu.vector_load %get3A_1772[%get3A_1773] {strides = array<i32>} : memref<128xi32, #tpu.memory_space<vmem>>, vector<16xi32>,
    %and3A_1775 = arith.constant 3 : i32
    %and3A_1776 = vector.broadcast %and3A_1775 : i32 to vector<16xi32>
    %and3A_1777 = arith.andi %get3A_1774, %and3A_1776 : vector<16xi32>
    %shift_left3A_1778 = arith.constant 5 : i32
    %shift_left3A_1779 = vector.broadcast %shift_left3A_1778 : i32 to vector<16xi32>
    %shift_left3A_1780 = arith.shli %and3A_1777, %shift_left3A_1779 : vector<16xi32>
    %get3A_1781 = arith.constant 0 : i32
    %get3A_1782 = arith.constant 0 : i32
    %get3A_1783 = tpu.memref_slice %arg9[%get3A_1781, %get3A_1782] : memref<4x128xi32, #tpu.memory_space<vmem>> -> memref<1x128xi32, #tpu.memory_space<vmem>>
    %get3A_1784 = tpu.memref_squeeze %get3A_1783 : memref<1x128xi32, #tpu.memory_space<vmem>> -> memref<128xi32, #tpu.memory_space<vmem>>
    %get3A_1785 = arith.constant 80 : index
    %get3A_1786 = tpu.vector_load %get3A_1784[%get3A_1785] {strides = array<i32>} : memref<128xi32, #tpu.memory_space<vmem>>, vector<16xi32>,
    %and3A_1787 = arith.constant 3 : i32
    %and3A_1788 = vector.broadcast %and3A_1787 : i32 to vector<16xi32>
    %and3A_1789 = arith.andi %get3A_1786, %and3A_1788 : vector<16xi32>
    %shift_left3A_1790 = arith.constant 5 : i32
    %shift_left3A_1791 = vector.broadcast %shift_left3A_1790 : i32 to vector<16xi32>
    %shift_left3A_1792 = arith.shli %and3A_1789, %shift_left3A_1791 : vector<16xi32>
    %get3A_1793 = arith.constant 0 : i32
    %get3A_1794 = arith.constant 0 : i32
    %get3A_1795 = tpu.memref_slice %arg10[%get3A_1793, %get3A_1794] : memref<4x128xi32, #tpu.memory_space<vmem>> -> memref<1x128xi32, #tpu.memory_space<vmem>>
    %get3A_1796 = tpu.memref_squeeze %get3A_1795 : memref<1x128xi32, #tpu.memory_space<vmem>> -> memref<128xi32, #tpu.memory_space<vmem>>
    %get3A_1797 = arith.constant 80 : index
    %get3A_1798 = tpu.vector_load %get3A_1796[%get3A_1797] {strides = array<i32>} : memref<128xi32, #tpu.memory_space<vmem>>, vector<16xi32>,
    %and3A_1799 = arith.constant 3 : i32
    %and3A_1800 = vector.broadcast %and3A_1799 : i32 to vector<16xi32>
    %and3A_1801 = arith.andi %get3A_1798, %and3A_1800 : vector<16xi32>
    %shift_left3A_1802 = arith.constant 5 : i32
    %shift_left3A_1803 = vector.broadcast %shift_left3A_1802 : i32 to vector<16xi32>
    %shift_left3A_1804 = arith.shli %and3A_1801, %shift_left3A_1803 : vector<16xi32>
    %gather3A_1805 = tpu.vector_load_idx %arg14[%add3A_1768, %shift_left3A_1780] : memref<128x128xf32, #tpu.memory_space<vmem>>[vector<16xi32>, vector<16xi32>], vector<16xf32>,
    %gather3A_1806 = tpu.vector_load_idx %arg16[%add3A_1768, %shift_left3A_1792] : memref<128x128xf32, #tpu.memory_space<vmem>>[vector<16xi32>, vector<16xi32>], vector<16xf32>,
    %gather3A_1807 = tpu.vector_load_idx %arg18[%add3A_1768, %shift_left3A_1804] : memref<128x128xf32, #tpu.memory_space<vmem>>[vector<16xi32>, vector<16xi32>], vector<16xf32>,
    %mul3A_1808 = arith.mulf %gather3A_1805, %gather3A_1806 : vector<16xf32>
    %mul3A_1809 = arith.mulf %gather3A_1805, %gather3A_1807 : vector<16xf32>
    %scan3A_1810 = arith.constant 1 : i32
    %scan3A_1811 = arith.constant 31 : i32
    %scan3A_1812 = arith.addi %scan3A_1810, %scan3A_1811 : i32
    %scan3A_1813 = arith.constant 1 : i32
    %scan3A_1814:2 = scf.for %scan3A_3333 = %scan3A_1810 to %scan3A_1812 step %scan3A_1813 iter_args(%scan3A_3334 = %mul3A_1808, %scan3A_3335 = %mul3A_1809) -> (vector<16xf32>, vector<16xf32>)  : i32 {
      %add3A_3336 = vector.broadcast %scan3A_3333 : i32 to vector<16xi32>
      %add3A_3337 = arith.addi %shift_left3A_1780, %add3A_3336 : vector<16xi32>
      %gather3A_3338 = tpu.vector_load_idx %arg14[%add3A_1768, %add3A_3337] : memref<128x128xf32, #tpu.memory_space<vmem>>[vector<16xi32>, vector<16xi32>], vector<16xf32>,
      %add3A_3339 = vector.broadcast %scan3A_3333 : i32 to vector<16xi32>
      %add3A_3340 = arith.addi %shift_left3A_1792, %add3A_3339 : vector<16xi32>
      %gather3A_3341 = tpu.vector_load_idx %arg16[%add3A_1768, %add3A_3340] : memref<128x128xf32, #tpu.memory_space<vmem>>[vector<16xi32>, vector<16xi32>], vector<16xf32>,
      %add3A_3342 = vector.broadcast %scan3A_3333 : i32 to vector<16xi32>
      %add3A_3343 = arith.addi %shift_left3A_1804, %add3A_3342 : vector<16xi32>
      %gather3A_3344 = tpu.vector_load_idx %arg18[%add3A_1768, %add3A_3343] : memref<128x128xf32, #tpu.memory_space<vmem>>[vector<16xi32>, vector<16xi32>], vector<16xf32>,
      %mul3A_3345 = arith.mulf %gather3A_3338, %gather3A_3341 : vector<16xf32>
      %sub3A = arith.subf %scan3A_3334, %mul3A_3345 : vector<16xf32>
      %mul3A_3346 = arith.mulf %gather3A_3338, %gather3A_3344 : vector<16xf32>
      %sub3A_3347 = arith.subf %scan3A_3335, %mul3A_3346 : vector<16xf32>
      scf.yield %sub3A, %sub3A_3347 : vector<16xf32>, vector<16xf32>
    }
    %scan3A_1815 = arith.constant 31 : i32
    %swap3A_1816 = arith.constant 80 : index
    %swap3A_1817 = tpu.vector_load %arg20[%swap3A_1816] {strides = array<i32>} : memref<512xf32, #tpu.memory_space<vmem>>, vector<16xf32>,
    tpu.vector_store %arg20[%swap3A_1816], %scan3A_1814#0 {strides = array<i32>} : memref<512xf32, #tpu.memory_space<vmem>>, vector<16xf32>,
    %swap3A_1818 = arith.constant 80 : index
    %swap3A_1819 = tpu.vector_load %arg21[%swap3A_1818] {strides = array<i32>} : memref<512xf32, #tpu.memory_space<vmem>>, vector<16xf32>,
    tpu.vector_store %arg21[%swap3A_1818], %scan3A_1814#1 {strides = array<i32>} : memref<512xf32, #tpu.memory_space<vmem>>, vector<16xf32>,
    %broadcast_in_dim3A_1820 = arith.constant 96 : i32
    %broadcast_in_dim3A_1821 = vector.broadcast %broadcast_in_dim3A_1820 : i32 to vector<16xi32>
    %add3A_1822 = arith.addi %broadcast_in_dim3A_1821, %iota3A : vector<16xi32>
    %get3A_1823 = arith.constant 0 : i32
    %get3A_1824 = arith.constant 0 : i32
    %get3A_1825 = tpu.memref_slice %arg8[%get3A_1823, %get3A_1824] : memref<4x128xi32, #tpu.memory_space<vmem>> -> memref<1x128xi32, #tpu.memory_space<vmem>>
    %get3A_1826 = tpu.memref_squeeze %get3A_1825 : memref<1x128xi32, #tpu.memory_space<vmem>> -> memref<128xi32, #tpu.memory_space<vmem>>
    %get3A_1827 = arith.constant 96 : index
    %get3A_1828 = tpu.vector_load %get3A_1826[%get3A_1827] {strides = array<i32>} : memref<128xi32, #tpu.memory_space<vmem>>, vector<16xi32>,
    %and3A_1829 = arith.constant 3 : i32
    %and3A_1830 = vector.broadcast %and3A_1829 : i32 to vector<16xi32>
    %and3A_1831 = arith.andi %get3A_1828, %and3A_1830 : vector<16xi32>
    %shift_left3A_1832 = arith.constant 5 : i32
    %shift_left3A_1833 = vector.broadcast %shift_left3A_1832 : i32 to vector<16xi32>
    %shift_left3A_1834 = arith.shli %and3A_1831, %shift_left3A_1833 : vector<16xi32>
    %get3A_1835 = arith.constant 0 : i32
    %get3A_1836 = arith.constant 0 : i32
    %get3A_1837 = tpu.memref_slice %arg9[%get3A_1835, %get3A_1836] : memref<4x128xi32, #tpu.memory_space<vmem>> -> memref<1x128xi32, #tpu.memory_space<vmem>>
    %get3A_1838 = tpu.memref_squeeze %get3A_1837 : memref<1x128xi32, #tpu.memory_space<vmem>> -> memref<128xi32, #tpu.memory_space<vmem>>
    %get3A_1839 = arith.constant 96 : index
    %get3A_1840 = tpu.vector_load %get3A_1838[%get3A_1839] {strides = array<i32>} : memref<128xi32, #tpu.memory_space<vmem>>, vector<16xi32>,
    %and3A_1841 = arith.constant 3 : i32
    %and3A_1842 = vector.broadcast %and3A_1841 : i32 to vector<16xi32>
    %and3A_1843 = arith.andi %get3A_1840, %and3A_1842 : vector<16xi32>
    %shift_left3A_1844 = arith.constant 5 : i32
    %shift_left3A_1845 = vector.broadcast %shift_left3A_1844 : i32 to vector<16xi32>
    %shift_left3A_1846 = arith.shli %and3A_1843, %shift_left3A_1845 : vector<16xi32>
    %get3A_1847 = arith.constant 0 : i32
    %get3A_1848 = arith.constant 0 : i32
    %get3A_1849 = tpu.memref_slice %arg10[%get3A_1847, %get3A_1848] : memref<4x128xi32, #tpu.memory_space<vmem>> -> memref<1x128xi32, #tpu.memory_space<vmem>>
    %get3A_1850 = tpu.memref_squeeze %get3A_1849 : memref<1x128xi32, #tpu.memory_space<vmem>> -> memref<128xi32, #tpu.memory_space<vmem>>
    %get3A_1851 = arith.constant 96 : index
    %get3A_1852 = tpu.vector_load %get3A_1850[%get3A_1851] {strides = array<i32>} : memref<128xi32, #tpu.memory_space<vmem>>, vector<16xi32>,
    %and3A_1853 = arith.constant 3 : i32
    %and3A_1854 = vector.broadcast %and3A_1853 : i32 to vector<16xi32>
    %and3A_1855 = arith.andi %get3A_1852, %and3A_1854 : vector<16xi32>
    %shift_left3A_1856 = arith.constant 5 : i32
    %shift_left3A_1857 = vector.broadcast %shift_left3A_1856 : i32 to vector<16xi32>
    %shift_left3A_1858 = arith.shli %and3A_1855, %shift_left3A_1857 : vector<16xi32>
    %gather3A_1859 = tpu.vector_load_idx %arg14[%add3A_1822, %shift_left3A_1834] : memref<128x128xf32, #tpu.memory_space<vmem>>[vector<16xi32>, vector<16xi32>], vector<16xf32>,
    %gather3A_1860 = tpu.vector_load_idx %arg16[%add3A_1822, %shift_left3A_1846] : memref<128x128xf32, #tpu.memory_space<vmem>>[vector<16xi32>, vector<16xi32>], vector<16xf32>,
    %gather3A_1861 = tpu.vector_load_idx %arg18[%add3A_1822, %shift_left3A_1858] : memref<128x128xf32, #tpu.memory_space<vmem>>[vector<16xi32>, vector<16xi32>], vector<16xf32>,
    %mul3A_1862 = arith.mulf %gather3A_1859, %gather3A_1860 : vector<16xf32>
    %mul3A_1863 = arith.mulf %gather3A_1859, %gather3A_1861 : vector<16xf32>
    %scan3A_1864 = arith.constant 1 : i32
    %scan3A_1865 = arith.constant 31 : i32
    %scan3A_1866 = arith.addi %scan3A_1864, %scan3A_1865 : i32
    %scan3A_1867 = arith.constant 1 : i32
    %scan3A_1868:2 = scf.for %scan3A_3333 = %scan3A_1864 to %scan3A_1866 step %scan3A_1867 iter_args(%scan3A_3334 = %mul3A_1862, %scan3A_3335 = %mul3A_1863) -> (vector<16xf32>, vector<16xf32>)  : i32 {
      %add3A_3336 = vector.broadcast %scan3A_3333 : i32 to vector<16xi32>
      %add3A_3337 = arith.addi %shift_left3A_1834, %add3A_3336 : vector<16xi32>
      %gather3A_3338 = tpu.vector_load_idx %arg14[%add3A_1822, %add3A_3337] : memref<128x128xf32, #tpu.memory_space<vmem>>[vector<16xi32>, vector<16xi32>], vector<16xf32>,
      %add3A_3339 = vector.broadcast %scan3A_3333 : i32 to vector<16xi32>
      %add3A_3340 = arith.addi %shift_left3A_1846, %add3A_3339 : vector<16xi32>
      %gather3A_3341 = tpu.vector_load_idx %arg16[%add3A_1822, %add3A_3340] : memref<128x128xf32, #tpu.memory_space<vmem>>[vector<16xi32>, vector<16xi32>], vector<16xf32>,
      %add3A_3342 = vector.broadcast %scan3A_3333 : i32 to vector<16xi32>
      %add3A_3343 = arith.addi %shift_left3A_1858, %add3A_3342 : vector<16xi32>
      %gather3A_3344 = tpu.vector_load_idx %arg18[%add3A_1822, %add3A_3343] : memref<128x128xf32, #tpu.memory_space<vmem>>[vector<16xi32>, vector<16xi32>], vector<16xf32>,
      %mul3A_3345 = arith.mulf %gather3A_3338, %gather3A_3341 : vector<16xf32>
      %sub3A = arith.subf %scan3A_3334, %mul3A_3345 : vector<16xf32>
      %mul3A_3346 = arith.mulf %gather3A_3338, %gather3A_3344 : vector<16xf32>
      %sub3A_3347 = arith.subf %scan3A_3335, %mul3A_3346 : vector<16xf32>
      scf.yield %sub3A, %sub3A_3347 : vector<16xf32>, vector<16xf32>
    }
    %scan3A_1869 = arith.constant 31 : i32
    %swap3A_1870 = arith.constant 96 : index
    %swap3A_1871 = tpu.vector_load %arg20[%swap3A_1870] {strides = array<i32>} : memref<512xf32, #tpu.memory_space<vmem>>, vector<16xf32>,
    tpu.vector_store %arg20[%swap3A_1870], %scan3A_1868#0 {strides = array<i32>} : memref<512xf32, #tpu.memory_space<vmem>>, vector<16xf32>,
    %swap3A_1872 = arith.constant 96 : index
    %swap3A_1873 = tpu.vector_load %arg21[%swap3A_1872] {strides = array<i32>} : memref<512xf32, #tpu.memory_space<vmem>>, vector<16xf32>,
    tpu.vector_store %arg21[%swap3A_1872], %scan3A_1868#1 {strides = array<i32>} : memref<512xf32, #tpu.memory_space<vmem>>, vector<16xf32>,
    %broadcast_in_dim3A_1874 = arith.constant 112 : i32
    %broadcast_in_dim3A_1875 = vector.broadcast %broadcast_in_dim3A_1874 : i32 to vector<16xi32>
    %add3A_1876 = arith.addi %broadcast_in_dim3A_1875, %iota3A : vector<16xi32>
    %get3A_1877 = arith.constant 0 : i32
    %get3A_1878 = arith.constant 0 : i32
    %get3A_1879 = tpu.memref_slice %arg8[%get3A_1877, %get3A_1878] : memref<4x128xi32, #tpu.memory_space<vmem>> -> memref<1x128xi32, #tpu.memory_space<vmem>>
    %get3A_1880 = tpu.memref_squeeze %get3A_1879 : memref<1x128xi32, #tpu.memory_space<vmem>> -> memref<128xi32, #tpu.memory_space<vmem>>
    %get3A_1881 = arith.constant 112 : index
    %get3A_1882 = tpu.vector_load %get3A_1880[%get3A_1881] {strides = array<i32>} : memref<128xi32, #tpu.memory_space<vmem>>, vector<16xi32>,
    %and3A_1883 = arith.constant 3 : i32
    %and3A_1884 = vector.broadcast %and3A_1883 : i32 to vector<16xi32>
    %and3A_1885 = arith.andi %get3A_1882, %and3A_1884 : vector<16xi32>
    %shift_left3A_1886 = arith.constant 5 : i32
    %shift_left3A_1887 = vector.broadcast %shift_left3A_1886 : i32 to vector<16xi32>
    %shift_left3A_1888 = arith.shli %and3A_1885, %shift_left3A_1887 : vector<16xi32>
    %get3A_1889 = arith.constant 0 : i32
    %get3A_1890 = arith.constant 0 : i32
    %get3A_1891 = tpu.memref_slice %arg9[%get3A_1889, %get3A_1890] : memref<4x128xi32, #tpu.memory_space<vmem>> -> memref<1x128xi32, #tpu.memory_space<vmem>>
    %get3A_1892 = tpu.memref_squeeze %get3A_1891 : memref<1x128xi32, #tpu.memory_space<vmem>> -> memref<128xi32, #tpu.memory_space<vmem>>
    %get3A_1893 = arith.constant 112 : index
    %get3A_1894 = tpu.vector_load %get3A_1892[%get3A_1893] {strides = array<i32>} : memref<128xi32, #tpu.memory_space<vmem>>, vector<16xi32>,
    %and3A_1895 = arith.constant 3 : i32
    %and3A_1896 = vector.broadcast %and3A_1895 : i32 to vector<16xi32>
    %and3A_1897 = arith.andi %get3A_1894, %and3A_1896 : vector<16xi32>
    %shift_left3A_1898 = arith.constant 5 : i32
    %shift_left3A_1899 = vector.broadcast %shift_left3A_1898 : i32 to vector<16xi32>
    %shift_left3A_1900 = arith.shli %and3A_1897, %shift_left3A_1899 : vector<16xi32>
    %get3A_1901 = arith.constant 0 : i32
    %get3A_1902 = arith.constant 0 : i32
    %get3A_1903 = tpu.memref_slice %arg10[%get3A_1901, %get3A_1902] : memref<4x128xi32, #tpu.memory_space<vmem>> -> memref<1x128xi32, #tpu.memory_space<vmem>>
    %get3A_1904 = tpu.memref_squeeze %get3A_1903 : memref<1x128xi32, #tpu.memory_space<vmem>> -> memref<128xi32, #tpu.memory_space<vmem>>
    %get3A_1905 = arith.constant 112 : index
    %get3A_1906 = tpu.vector_load %get3A_1904[%get3A_1905] {strides = array<i32>} : memref<128xi32, #tpu.memory_space<vmem>>, vector<16xi32>,
    %and3A_1907 = arith.constant 3 : i32
    %and3A_1908 = vector.broadcast %and3A_1907 : i32 to vector<16xi32>
    %and3A_1909 = arith.andi %get3A_1906, %and3A_1908 : vector<16xi32>
    %shift_left3A_1910 = arith.constant 5 : i32
    %shift_left3A_1911 = vector.broadcast %shift_left3A_1910 : i32 to vector<16xi32>
    %shift_left3A_1912 = arith.shli %and3A_1909, %shift_left3A_1911 : vector<16xi32>
    %gather3A_1913 = tpu.vector_load_idx %arg14[%add3A_1876, %shift_left3A_1888] : memref<128x128xf32, #tpu.memory_space<vmem>>[vector<16xi32>, vector<16xi32>], vector<16xf32>,
    %gather3A_1914 = tpu.vector_load_idx %arg16[%add3A_1876, %shift_left3A_1900] : memref<128x128xf32, #tpu.memory_space<vmem>>[vector<16xi32>, vector<16xi32>], vector<16xf32>,
    %gather3A_1915 = tpu.vector_load_idx %arg18[%add3A_1876, %shift_left3A_1912] : memref<128x128xf32, #tpu.memory_space<vmem>>[vector<16xi32>, vector<16xi32>], vector<16xf32>,
    %mul3A_1916 = arith.mulf %gather3A_1913, %gather3A_1914 : vector<16xf32>
    %mul3A_1917 = arith.mulf %gather3A_1913, %gather3A_1915 : vector<16xf32>
    %scan3A_1918 = arith.constant 1 : i32
    %scan3A_1919 = arith.constant 31 : i32
    %scan3A_1920 = arith.addi %scan3A_1918, %scan3A_1919 : i32
    %scan3A_1921 = arith.constant 1 : i32
    %scan3A_1922:2 = scf.for %scan3A_3333 = %scan3A_1918 to %scan3A_1920 step %scan3A_1921 iter_args(%scan3A_3334 = %mul3A_1916, %scan3A_3335 = %mul3A_1917) -> (vector<16xf32>, vector<16xf32>)  : i32 {
      %add3A_3336 = vector.broadcast %scan3A_3333 : i32 to vector<16xi32>
      %add3A_3337 = arith.addi %shift_left3A_1888, %add3A_3336 : vector<16xi32>
      %gather3A_3338 = tpu.vector_load_idx %arg14[%add3A_1876, %add3A_3337] : memref<128x128xf32, #tpu.memory_space<vmem>>[vector<16xi32>, vector<16xi32>], vector<16xf32>,
      %add3A_3339 = vector.broadcast %scan3A_3333 : i32 to vector<16xi32>
      %add3A_3340 = arith.addi %shift_left3A_1900, %add3A_3339 : vector<16xi32>
      %gather3A_3341 = tpu.vector_load_idx %arg16[%add3A_1876, %add3A_3340] : memref<128x128xf32, #tpu.memory_space<vmem>>[vector<16xi32>, vector<16xi32>], vector<16xf32>,
      %add3A_3342 = vector.broadcast %scan3A_3333 : i32 to vector<16xi32>
      %add3A_3343 = arith.addi %shift_left3A_1912, %add3A_3342 : vector<16xi32>
      %gather3A_3344 = tpu.vector_load_idx %arg18[%add3A_1876, %add3A_3343] : memref<128x128xf32, #tpu.memory_space<vmem>>[vector<16xi32>, vector<16xi32>], vector<16xf32>,
      %mul3A_3345 = arith.mulf %gather3A_3338, %gather3A_3341 : vector<16xf32>
      %sub3A = arith.subf %scan3A_3334, %mul3A_3345 : vector<16xf32>
      %mul3A_3346 = arith.mulf %gather3A_3338, %gather3A_3344 : vector<16xf32>
      %sub3A_3347 = arith.subf %scan3A_3335, %mul3A_3346 : vector<16xf32>
      scf.yield %sub3A, %sub3A_3347 : vector<16xf32>, vector<16xf32>
    }
    %scan3A_1923 = arith.constant 31 : i32
    %swap3A_1924 = arith.constant 112 : index
    %swap3A_1925 = tpu.vector_load %arg20[%swap3A_1924] {strides = array<i32>} : memref<512xf32, #tpu.memory_space<vmem>>, vector<16xf32>,
    tpu.vector_store %arg20[%swap3A_1924], %scan3A_1922#0 {strides = array<i32>} : memref<512xf32, #tpu.memory_space<vmem>>, vector<16xf32>,
    %swap3A_1926 = arith.constant 112 : index
    %swap3A_1927 = tpu.vector_load %arg21[%swap3A_1926] {strides = array<i32>} : memref<512xf32, #tpu.memory_space<vmem>>, vector<16xf32>,
    tpu.vector_store %arg21[%swap3A_1926], %scan3A_1922#1 {strides = array<i32>} : memref<512xf32, #tpu.memory_space<vmem>>, vector<16xf32>,
    %dma_wait3A_1928 = arith.constant 1 : i32
    %dma_wait3A_1929 = arith.constant 0 : i32
    %dma_wait3A_1930 = tpu.memref_slice %arg11[%dma_wait3A_1928, %dma_wait3A_1929] : memref<4x128xi32, #tpu.memory_space<vmem>> -> memref<1x128xi32, #tpu.memory_space<vmem>>
    %dma_wait3A_1931 = tpu.memref_squeeze %dma_wait3A_1930 : memref<1x128xi32, #tpu.memory_space<vmem>> -> memref<128xi32, #tpu.memory_space<vmem>>
    %dma_wait3A_1932 = arith.constant 0 : i32
    %dma_wait3A_1933 = arith.constant 0 : i32
    %dma_wait3A_1934 = tpu.memref_slice %arg2[%dma_wait3A_1932, %dma_wait3A_1933] : memref<250000x128xf32, #tpu.memory_space<hbm>> -> memref<250000x128xf32, #tpu.memory_space<hbm>>
    tpu.wait_indirect_dma semaphore(%arg22 : memref<!tpu.dma_semaphore, #tpu.memory_space<semaphore_mem>>) src(%dma_wait3A_1934 : memref<250000x128xf32, #tpu.memory_space<hbm>>) dst(%arg15 : memref<128x128xf32, #tpu.memory_space<vmem>>)
    %dma_wait3A_1935 = arith.constant 1 : i32
    %dma_wait3A_1936 = arith.constant 0 : i32
    %dma_wait3A_1937 = tpu.memref_slice %arg12[%dma_wait3A_1935, %dma_wait3A_1936] : memref<4x128xi32, #tpu.memory_space<vmem>> -> memref<1x128xi32, #tpu.memory_space<vmem>>
    %dma_wait3A_1938 = tpu.memref_squeeze %dma_wait3A_1937 : memref<1x128xi32, #tpu.memory_space<vmem>> -> memref<128xi32, #tpu.memory_space<vmem>>
    %dma_wait3A_1939 = arith.constant 0 : i32
    %dma_wait3A_1940 = arith.constant 0 : i32
    %dma_wait3A_1941 = tpu.memref_slice %arg2[%dma_wait3A_1939, %dma_wait3A_1940] : memref<250000x128xf32, #tpu.memory_space<hbm>> -> memref<250000x128xf32, #tpu.memory_space<hbm>>
    tpu.wait_indirect_dma semaphore(%arg22 : memref<!tpu.dma_semaphore, #tpu.memory_space<semaphore_mem>>) src(%dma_wait3A_1941 : memref<250000x128xf32, #tpu.memory_space<hbm>>) dst(%arg17 : memref<128x128xf32, #tpu.memory_space<vmem>>)
    %dma_wait3A_1942 = arith.constant 1 : i32
    %dma_wait3A_1943 = arith.constant 0 : i32
    %dma_wait3A_1944 = tpu.memref_slice %arg13[%dma_wait3A_1942, %dma_wait3A_1943] : memref<4x128xi32, #tpu.memory_space<vmem>> -> memref<1x128xi32, #tpu.memory_space<vmem>>
    %dma_wait3A_1945 = tpu.memref_squeeze %dma_wait3A_1944 : memref<1x128xi32, #tpu.memory_space<vmem>> -> memref<128xi32, #tpu.memory_space<vmem>>
    %dma_wait3A_1946 = arith.constant 0 : i32
    %dma_wait3A_1947 = arith.constant 0 : i32
    %dma_wait3A_1948 = tpu.memref_slice %arg2[%dma_wait3A_1946, %dma_wait3A_1947] : memref<250000x128xf32, #tpu.memory_space<hbm>> -> memref<250000x128xf32, #tpu.memory_space<hbm>>
    tpu.wait_indirect_dma semaphore(%arg22 : memref<!tpu.dma_semaphore, #tpu.memory_space<semaphore_mem>>) src(%dma_wait3A_1948 : memref<250000x128xf32, #tpu.memory_space<hbm>>) dst(%arg19 : memref<128x128xf32, #tpu.memory_space<vmem>>)
    %dma_start3A_1949 = arith.constant 2 : i32
    %dma_start3A_1950 = arith.constant 0 : i32
    %dma_start3A_1951 = tpu.memref_slice %arg11[%dma_start3A_1949, %dma_start3A_1950] : memref<4x128xi32, #tpu.memory_space<vmem>> -> memref<1x128xi32, #tpu.memory_space<vmem>>
    %dma_start3A_1952 = tpu.memref_squeeze %dma_start3A_1951 : memref<1x128xi32, #tpu.memory_space<vmem>> -> memref<128xi32, #tpu.memory_space<vmem>>
    %dma_start3A_1953 = arith.constant 0 : i32
    %dma_start3A_1954 = arith.constant 0 : i32
    %dma_start3A_1955 = tpu.memref_slice %arg2[%dma_start3A_1953, %dma_start3A_1954] : memref<250000x128xf32, #tpu.memory_space<hbm>> -> memref<250000x128xf32, #tpu.memory_space<hbm>>
    tpu.enqueue_indirect_dma source(%dma_start3A_1955 : memref<250000x128xf32, #tpu.memory_space<hbm>>) target(%arg14 : memref<128x128xf32, #tpu.memory_space<vmem>>) offsets(%dma_start3A_1952 : memref<128xi32, #tpu.memory_space<vmem>>) semaphore(%arg22 : memref<!tpu.dma_semaphore, #tpu.memory_space<semaphore_mem>>)
    %dma_start3A_1956 = arith.constant 2 : i32
    %dma_start3A_1957 = arith.constant 0 : i32
    %dma_start3A_1958 = tpu.memref_slice %arg12[%dma_start3A_1956, %dma_start3A_1957] : memref<4x128xi32, #tpu.memory_space<vmem>> -> memref<1x128xi32, #tpu.memory_space<vmem>>
    %dma_start3A_1959 = tpu.memref_squeeze %dma_start3A_1958 : memref<1x128xi32, #tpu.memory_space<vmem>> -> memref<128xi32, #tpu.memory_space<vmem>>
    %dma_start3A_1960 = arith.constant 0 : i32
    %dma_start3A_1961 = arith.constant 0 : i32
    %dma_start3A_1962 = tpu.memref_slice %arg2[%dma_start3A_1960, %dma_start3A_1961] : memref<250000x128xf32, #tpu.memory_space<hbm>> -> memref<250000x128xf32, #tpu.memory_space<hbm>>
    tpu.enqueue_indirect_dma source(%dma_start3A_1962 : memref<250000x128xf32, #tpu.memory_space<hbm>>) target(%arg16 : memref<128x128xf32, #tpu.memory_space<vmem>>) offsets(%dma_start3A_1959 : memref<128xi32, #tpu.memory_space<vmem>>) semaphore(%arg22 : memref<!tpu.dma_semaphore, #tpu.memory_space<semaphore_mem>>)
    %dma_start3A_1963 = arith.constant 2 : i32
    %dma_start3A_1964 = arith.constant 0 : i32
    %dma_start3A_1965 = tpu.memref_slice %arg13[%dma_start3A_1963, %dma_start3A_1964] : memref<4x128xi32, #tpu.memory_space<vmem>> -> memref<1x128xi32, #tpu.memory_space<vmem>>
    %dma_start3A_1966 = tpu.memref_squeeze %dma_start3A_1965 : memref<1x128xi32, #tpu.memory_space<vmem>> -> memref<128xi32, #tpu.memory_space<vmem>>
    %dma_start3A_1967 = arith.constant 0 : i32
    %dma_start3A_1968 = arith.constant 0 : i32
    %dma_start3A_1969 = tpu.memref_slice %arg2[%dma_start3A_1967, %dma_start3A_1968] : memref<250000x128xf32, #tpu.memory_space<hbm>> -> memref<250000x128xf32, #tpu.memory_space<hbm>>
    tpu.enqueue_indirect_dma source(%dma_start3A_1969 : memref<250000x128xf32, #tpu.memory_space<hbm>>) target(%arg18 : memref<128x128xf32, #tpu.memory_space<vmem>>) offsets(%dma_start3A_1966 : memref<128xi32, #tpu.memory_space<vmem>>) semaphore(%arg22 : memref<!tpu.dma_semaphore, #tpu.memory_space<semaphore_mem>>)
    %broadcast_in_dim3A_1970 = arith.constant 0 : i32
    %broadcast_in_dim3A_1971 = vector.broadcast %broadcast_in_dim3A_1970 : i32 to vector<16xi32>
    %add3A_1972 = arith.addi %broadcast_in_dim3A_1971, %iota3A : vector<16xi32>
    %get3A_1973 = arith.constant 1 : i32
    %get3A_1974 = arith.constant 0 : i32
    %get3A_1975 = tpu.memref_slice %arg8[%get3A_1973, %get3A_1974] : memref<4x128xi32, #tpu.memory_space<vmem>> -> memref<1x128xi32, #tpu.memory_space<vmem>>
    %get3A_1976 = tpu.memref_squeeze %get3A_1975 : memref<1x128xi32, #tpu.memory_space<vmem>> -> memref<128xi32, #tpu.memory_space<vmem>>
    %get3A_1977 = arith.constant 0 : index
    %get3A_1978 = tpu.vector_load %get3A_1976[%get3A_1977] {strides = array<i32>} : memref<128xi32, #tpu.memory_space<vmem>>, vector<16xi32>,
    %and3A_1979 = arith.constant 3 : i32
    %and3A_1980 = vector.broadcast %and3A_1979 : i32 to vector<16xi32>
    %and3A_1981 = arith.andi %get3A_1978, %and3A_1980 : vector<16xi32>
    %shift_left3A_1982 = arith.constant 5 : i32
    %shift_left3A_1983 = vector.broadcast %shift_left3A_1982 : i32 to vector<16xi32>
    %shift_left3A_1984 = arith.shli %and3A_1981, %shift_left3A_1983 : vector<16xi32>
    %get3A_1985 = arith.constant 1 : i32
    %get3A_1986 = arith.constant 0 : i32
    %get3A_1987 = tpu.memref_slice %arg9[%get3A_1985, %get3A_1986] : memref<4x128xi32, #tpu.memory_space<vmem>> -> memref<1x128xi32, #tpu.memory_space<vmem>>
    %get3A_1988 = tpu.memref_squeeze %get3A_1987 : memref<1x128xi32, #tpu.memory_space<vmem>> -> memref<128xi32, #tpu.memory_space<vmem>>
    %get3A_1989 = arith.constant 0 : index
    %get3A_1990 = tpu.vector_load %get3A_1988[%get3A_1989] {strides = array<i32>} : memref<128xi32, #tpu.memory_space<vmem>>, vector<16xi32>,
    %and3A_1991 = arith.constant 3 : i32
    %and3A_1992 = vector.broadcast %and3A_1991 : i32 to vector<16xi32>
    %and3A_1993 = arith.andi %get3A_1990, %and3A_1992 : vector<16xi32>
    %shift_left3A_1994 = arith.constant 5 : i32
    %shift_left3A_1995 = vector.broadcast %shift_left3A_1994 : i32 to vector<16xi32>
    %shift_left3A_1996 = arith.shli %and3A_1993, %shift_left3A_1995 : vector<16xi32>
    %get3A_1997 = arith.constant 1 : i32
    %get3A_1998 = arith.constant 0 : i32
    %get3A_1999 = tpu.memref_slice %arg10[%get3A_1997, %get3A_1998] : memref<4x128xi32, #tpu.memory_space<vmem>> -> memref<1x128xi32, #tpu.memory_space<vmem>>
    %get3A_2000 = tpu.memref_squeeze %get3A_1999 : memref<1x128xi32, #tpu.memory_space<vmem>> -> memref<128xi32, #tpu.memory_space<vmem>>
    %get3A_2001 = arith.constant 0 : index
    %get3A_2002 = tpu.vector_load %get3A_2000[%get3A_2001] {strides = array<i32>} : memref<128xi32, #tpu.memory_space<vmem>>, vector<16xi32>,
    %and3A_2003 = arith.constant 3 : i32
    %and3A_2004 = vector.broadcast %and3A_2003 : i32 to vector<16xi32>
    %and3A_2005 = arith.andi %get3A_2002, %and3A_2004 : vector<16xi32>
    %shift_left3A_2006 = arith.constant 5 : i32
    %shift_left3A_2007 = vector.broadcast %shift_left3A_2006 : i32 to vector<16xi32>
    %shift_left3A_2008 = arith.shli %and3A_2005, %shift_left3A_2007 : vector<16xi32>
    %gather3A_2009 = tpu.vector_load_idx %arg15[%add3A_1972, %shift_left3A_1984] : memref<128x128xf32, #tpu.memory_space<vmem>>[vector<16xi32>, vector<16xi32>], vector<16xf32>,
    %gather3A_2010 = tpu.vector_load_idx %arg17[%add3A_1972, %shift_left3A_1996] : memref<128x128xf32, #tpu.memory_space<vmem>>[vector<16xi32>, vector<16xi32>], vector<16xf32>,
    %gather3A_2011 = tpu.vector_load_idx %arg19[%add3A_1972, %shift_left3A_2008] : memref<128x128xf32, #tpu.memory_space<vmem>>[vector<16xi32>, vector<16xi32>], vector<16xf32>,
    %mul3A_2012 = arith.mulf %gather3A_2009, %gather3A_2010 : vector<16xf32>
    %mul3A_2013 = arith.mulf %gather3A_2009, %gather3A_2011 : vector<16xf32>
    %scan3A_2014 = arith.constant 1 : i32
    %scan3A_2015 = arith.constant 31 : i32
    %scan3A_2016 = arith.addi %scan3A_2014, %scan3A_2015 : i32
    %scan3A_2017 = arith.constant 1 : i32
    %scan3A_2018:2 = scf.for %scan3A_3333 = %scan3A_2014 to %scan3A_2016 step %scan3A_2017 iter_args(%scan3A_3334 = %mul3A_2012, %scan3A_3335 = %mul3A_2013) -> (vector<16xf32>, vector<16xf32>)  : i32 {
      %add3A_3336 = vector.broadcast %scan3A_3333 : i32 to vector<16xi32>
      %add3A_3337 = arith.addi %shift_left3A_1984, %add3A_3336 : vector<16xi32>
      %gather3A_3338 = tpu.vector_load_idx %arg15[%add3A_1972, %add3A_3337] : memref<128x128xf32, #tpu.memory_space<vmem>>[vector<16xi32>, vector<16xi32>], vector<16xf32>,
      %add3A_3339 = vector.broadcast %scan3A_3333 : i32 to vector<16xi32>
      %add3A_3340 = arith.addi %shift_left3A_1996, %add3A_3339 : vector<16xi32>
      %gather3A_3341 = tpu.vector_load_idx %arg17[%add3A_1972, %add3A_3340] : memref<128x128xf32, #tpu.memory_space<vmem>>[vector<16xi32>, vector<16xi32>], vector<16xf32>,
      %add3A_3342 = vector.broadcast %scan3A_3333 : i32 to vector<16xi32>
      %add3A_3343 = arith.addi %shift_left3A_2008, %add3A_3342 : vector<16xi32>
      %gather3A_3344 = tpu.vector_load_idx %arg19[%add3A_1972, %add3A_3343] : memref<128x128xf32, #tpu.memory_space<vmem>>[vector<16xi32>, vector<16xi32>], vector<16xf32>,
      %mul3A_3345 = arith.mulf %gather3A_3338, %gather3A_3341 : vector<16xf32>
      %sub3A = arith.subf %scan3A_3334, %mul3A_3345 : vector<16xf32>
      %mul3A_3346 = arith.mulf %gather3A_3338, %gather3A_3344 : vector<16xf32>
      %sub3A_3347 = arith.subf %scan3A_3335, %mul3A_3346 : vector<16xf32>
      scf.yield %sub3A, %sub3A_3347 : vector<16xf32>, vector<16xf32>
    }
    %scan3A_2019 = arith.constant 31 : i32
    %swap3A_2020 = arith.constant 128 : index
    %swap3A_2021 = tpu.vector_load %arg20[%swap3A_2020] {strides = array<i32>} : memref<512xf32, #tpu.memory_space<vmem>>, vector<16xf32>,
    tpu.vector_store %arg20[%swap3A_2020], %scan3A_2018#0 {strides = array<i32>} : memref<512xf32, #tpu.memory_space<vmem>>, vector<16xf32>,
    %swap3A_2022 = arith.constant 128 : index
    %swap3A_2023 = tpu.vector_load %arg21[%swap3A_2022] {strides = array<i32>} : memref<512xf32, #tpu.memory_space<vmem>>, vector<16xf32>,
    tpu.vector_store %arg21[%swap3A_2022], %scan3A_2018#1 {strides = array<i32>} : memref<512xf32, #tpu.memory_space<vmem>>, vector<16xf32>,
    %broadcast_in_dim3A_2024 = arith.constant 16 : i32
    %broadcast_in_dim3A_2025 = vector.broadcast %broadcast_in_dim3A_2024 : i32 to vector<16xi32>
    %add3A_2026 = arith.addi %broadcast_in_dim3A_2025, %iota3A : vector<16xi32>
    %get3A_2027 = arith.constant 1 : i32
    %get3A_2028 = arith.constant 0 : i32
    %get3A_2029 = tpu.memref_slice %arg8[%get3A_2027, %get3A_2028] : memref<4x128xi32, #tpu.memory_space<vmem>> -> memref<1x128xi32, #tpu.memory_space<vmem>>
    %get3A_2030 = tpu.memref_squeeze %get3A_2029 : memref<1x128xi32, #tpu.memory_space<vmem>> -> memref<128xi32, #tpu.memory_space<vmem>>
    %get3A_2031 = arith.constant 16 : index
    %get3A_2032 = tpu.vector_load %get3A_2030[%get3A_2031] {strides = array<i32>} : memref<128xi32, #tpu.memory_space<vmem>>, vector<16xi32>,
    %and3A_2033 = arith.constant 3 : i32
    %and3A_2034 = vector.broadcast %and3A_2033 : i32 to vector<16xi32>
    %and3A_2035 = arith.andi %get3A_2032, %and3A_2034 : vector<16xi32>
    %shift_left3A_2036 = arith.constant 5 : i32
    %shift_left3A_2037 = vector.broadcast %shift_left3A_2036 : i32 to vector<16xi32>
    %shift_left3A_2038 = arith.shli %and3A_2035, %shift_left3A_2037 : vector<16xi32>
    %get3A_2039 = arith.constant 1 : i32
    %get3A_2040 = arith.constant 0 : i32
    %get3A_2041 = tpu.memref_slice %arg9[%get3A_2039, %get3A_2040] : memref<4x128xi32, #tpu.memory_space<vmem>> -> memref<1x128xi32, #tpu.memory_space<vmem>>
    %get3A_2042 = tpu.memref_squeeze %get3A_2041 : memref<1x128xi32, #tpu.memory_space<vmem>> -> memref<128xi32, #tpu.memory_space<vmem>>
    %get3A_2043 = arith.constant 16 : index
    %get3A_2044 = tpu.vector_load %get3A_2042[%get3A_2043] {strides = array<i32>} : memref<128xi32, #tpu.memory_space<vmem>>, vector<16xi32>,
    %and3A_2045 = arith.constant 3 : i32
    %and3A_2046 = vector.broadcast %and3A_2045 : i32 to vector<16xi32>
    %and3A_2047 = arith.andi %get3A_2044, %and3A_2046 : vector<16xi32>
    %shift_left3A_2048 = arith.constant 5 : i32
    %shift_left3A_2049 = vector.broadcast %shift_left3A_2048 : i32 to vector<16xi32>
    %shift_left3A_2050 = arith.shli %and3A_2047, %shift_left3A_2049 : vector<16xi32>
    %get3A_2051 = arith.constant 1 : i32
    %get3A_2052 = arith.constant 0 : i32
    %get3A_2053 = tpu.memref_slice %arg10[%get3A_2051, %get3A_2052] : memref<4x128xi32, #tpu.memory_space<vmem>> -> memref<1x128xi32, #tpu.memory_space<vmem>>
    %get3A_2054 = tpu.memref_squeeze %get3A_2053 : memref<1x128xi32, #tpu.memory_space<vmem>> -> memref<128xi32, #tpu.memory_space<vmem>>
    %get3A_2055 = arith.constant 16 : index
    %get3A_2056 = tpu.vector_load %get3A_2054[%get3A_2055] {strides = array<i32>} : memref<128xi32, #tpu.memory_space<vmem>>, vector<16xi32>,
    %and3A_2057 = arith.constant 3 : i32
    %and3A_2058 = vector.broadcast %and3A_2057 : i32 to vector<16xi32>
    %and3A_2059 = arith.andi %get3A_2056, %and3A_2058 : vector<16xi32>
    %shift_left3A_2060 = arith.constant 5 : i32
    %shift_left3A_2061 = vector.broadcast %shift_left3A_2060 : i32 to vector<16xi32>
    %shift_left3A_2062 = arith.shli %and3A_2059, %shift_left3A_2061 : vector<16xi32>
    %gather3A_2063 = tpu.vector_load_idx %arg15[%add3A_2026, %shift_left3A_2038] : memref<128x128xf32, #tpu.memory_space<vmem>>[vector<16xi32>, vector<16xi32>], vector<16xf32>,
    %gather3A_2064 = tpu.vector_load_idx %arg17[%add3A_2026, %shift_left3A_2050] : memref<128x128xf32, #tpu.memory_space<vmem>>[vector<16xi32>, vector<16xi32>], vector<16xf32>,
    %gather3A_2065 = tpu.vector_load_idx %arg19[%add3A_2026, %shift_left3A_2062] : memref<128x128xf32, #tpu.memory_space<vmem>>[vector<16xi32>, vector<16xi32>], vector<16xf32>,
    %mul3A_2066 = arith.mulf %gather3A_2063, %gather3A_2064 : vector<16xf32>
    %mul3A_2067 = arith.mulf %gather3A_2063, %gather3A_2065 : vector<16xf32>
    %scan3A_2068 = arith.constant 1 : i32
    %scan3A_2069 = arith.constant 31 : i32
    %scan3A_2070 = arith.addi %scan3A_2068, %scan3A_2069 : i32
    %scan3A_2071 = arith.constant 1 : i32
    %scan3A_2072:2 = scf.for %scan3A_3333 = %scan3A_2068 to %scan3A_2070 step %scan3A_2071 iter_args(%scan3A_3334 = %mul3A_2066, %scan3A_3335 = %mul3A_2067) -> (vector<16xf32>, vector<16xf32>)  : i32 {
      %add3A_3336 = vector.broadcast %scan3A_3333 : i32 to vector<16xi32>
      %add3A_3337 = arith.addi %shift_left3A_2038, %add3A_3336 : vector<16xi32>
      %gather3A_3338 = tpu.vector_load_idx %arg15[%add3A_2026, %add3A_3337] : memref<128x128xf32, #tpu.memory_space<vmem>>[vector<16xi32>, vector<16xi32>], vector<16xf32>,
      %add3A_3339 = vector.broadcast %scan3A_3333 : i32 to vector<16xi32>
      %add3A_3340 = arith.addi %shift_left3A_2050, %add3A_3339 : vector<16xi32>
      %gather3A_3341 = tpu.vector_load_idx %arg17[%add3A_2026, %add3A_3340] : memref<128x128xf32, #tpu.memory_space<vmem>>[vector<16xi32>, vector<16xi32>], vector<16xf32>,
      %add3A_3342 = vector.broadcast %scan3A_3333 : i32 to vector<16xi32>
      %add3A_3343 = arith.addi %shift_left3A_2062, %add3A_3342 : vector<16xi32>
      %gather3A_3344 = tpu.vector_load_idx %arg19[%add3A_2026, %add3A_3343] : memref<128x128xf32, #tpu.memory_space<vmem>>[vector<16xi32>, vector<16xi32>], vector<16xf32>,
      %mul3A_3345 = arith.mulf %gather3A_3338, %gather3A_3341 : vector<16xf32>
      %sub3A = arith.subf %scan3A_3334, %mul3A_3345 : vector<16xf32>
      %mul3A_3346 = arith.mulf %gather3A_3338, %gather3A_3344 : vector<16xf32>
      %sub3A_3347 = arith.subf %scan3A_3335, %mul3A_3346 : vector<16xf32>
      scf.yield %sub3A, %sub3A_3347 : vector<16xf32>, vector<16xf32>
    }
    %scan3A_2073 = arith.constant 31 : i32
    %swap3A_2074 = arith.constant 144 : index
    %swap3A_2075 = tpu.vector_load %arg20[%swap3A_2074] {strides = array<i32>} : memref<512xf32, #tpu.memory_space<vmem>>, vector<16xf32>,
    tpu.vector_store %arg20[%swap3A_2074], %scan3A_2072#0 {strides = array<i32>} : memref<512xf32, #tpu.memory_space<vmem>>, vector<16xf32>,
    %swap3A_2076 = arith.constant 144 : index
    %swap3A_2077 = tpu.vector_load %arg21[%swap3A_2076] {strides = array<i32>} : memref<512xf32, #tpu.memory_space<vmem>>, vector<16xf32>,
    tpu.vector_store %arg21[%swap3A_2076], %scan3A_2072#1 {strides = array<i32>} : memref<512xf32, #tpu.memory_space<vmem>>, vector<16xf32>,
    %broadcast_in_dim3A_2078 = arith.constant 32 : i32
    %broadcast_in_dim3A_2079 = vector.broadcast %broadcast_in_dim3A_2078 : i32 to vector<16xi32>
    %add3A_2080 = arith.addi %broadcast_in_dim3A_2079, %iota3A : vector<16xi32>
    %get3A_2081 = arith.constant 1 : i32
    %get3A_2082 = arith.constant 0 : i32
    %get3A_2083 = tpu.memref_slice %arg8[%get3A_2081, %get3A_2082] : memref<4x128xi32, #tpu.memory_space<vmem>> -> memref<1x128xi32, #tpu.memory_space<vmem>>
    %get3A_2084 = tpu.memref_squeeze %get3A_2083 : memref<1x128xi32, #tpu.memory_space<vmem>> -> memref<128xi32, #tpu.memory_space<vmem>>
    %get3A_2085 = arith.constant 32 : index
    %get3A_2086 = tpu.vector_load %get3A_2084[%get3A_2085] {strides = array<i32>} : memref<128xi32, #tpu.memory_space<vmem>>, vector<16xi32>,
    %and3A_2087 = arith.constant 3 : i32
    %and3A_2088 = vector.broadcast %and3A_2087 : i32 to vector<16xi32>
    %and3A_2089 = arith.andi %get3A_2086, %and3A_2088 : vector<16xi32>
    %shift_left3A_2090 = arith.constant 5 : i32
    %shift_left3A_2091 = vector.broadcast %shift_left3A_2090 : i32 to vector<16xi32>
    %shift_left3A_2092 = arith.shli %and3A_2089, %shift_left3A_2091 : vector<16xi32>
    %get3A_2093 = arith.constant 1 : i32
    %get3A_2094 = arith.constant 0 : i32
    %get3A_2095 = tpu.memref_slice %arg9[%get3A_2093, %get3A_2094] : memref<4x128xi32, #tpu.memory_space<vmem>> -> memref<1x128xi32, #tpu.memory_space<vmem>>
    %get3A_2096 = tpu.memref_squeeze %get3A_2095 : memref<1x128xi32, #tpu.memory_space<vmem>> -> memref<128xi32, #tpu.memory_space<vmem>>
    %get3A_2097 = arith.constant 32 : index
    %get3A_2098 = tpu.vector_load %get3A_2096[%get3A_2097] {strides = array<i32>} : memref<128xi32, #tpu.memory_space<vmem>>, vector<16xi32>,
    %and3A_2099 = arith.constant 3 : i32
    %and3A_2100 = vector.broadcast %and3A_2099 : i32 to vector<16xi32>
    %and3A_2101 = arith.andi %get3A_2098, %and3A_2100 : vector<16xi32>
    %shift_left3A_2102 = arith.constant 5 : i32
    %shift_left3A_2103 = vector.broadcast %shift_left3A_2102 : i32 to vector<16xi32>
    %shift_left3A_2104 = arith.shli %and3A_2101, %shift_left3A_2103 : vector<16xi32>
    %get3A_2105 = arith.constant 1 : i32
    %get3A_2106 = arith.constant 0 : i32
    %get3A_2107 = tpu.memref_slice %arg10[%get3A_2105, %get3A_2106] : memref<4x128xi32, #tpu.memory_space<vmem>> -> memref<1x128xi32, #tpu.memory_space<vmem>>
    %get3A_2108 = tpu.memref_squeeze %get3A_2107 : memref<1x128xi32, #tpu.memory_space<vmem>> -> memref<128xi32, #tpu.memory_space<vmem>>
    %get3A_2109 = arith.constant 32 : index
    %get3A_2110 = tpu.vector_load %get3A_2108[%get3A_2109] {strides = array<i32>} : memref<128xi32, #tpu.memory_space<vmem>>, vector<16xi32>,
    %and3A_2111 = arith.constant 3 : i32
    %and3A_2112 = vector.broadcast %and3A_2111 : i32 to vector<16xi32>
    %and3A_2113 = arith.andi %get3A_2110, %and3A_2112 : vector<16xi32>
    %shift_left3A_2114 = arith.constant 5 : i32
    %shift_left3A_2115 = vector.broadcast %shift_left3A_2114 : i32 to vector<16xi32>
    %shift_left3A_2116 = arith.shli %and3A_2113, %shift_left3A_2115 : vector<16xi32>
    %gather3A_2117 = tpu.vector_load_idx %arg15[%add3A_2080, %shift_left3A_2092] : memref<128x128xf32, #tpu.memory_space<vmem>>[vector<16xi32>, vector<16xi32>], vector<16xf32>,
    %gather3A_2118 = tpu.vector_load_idx %arg17[%add3A_2080, %shift_left3A_2104] : memref<128x128xf32, #tpu.memory_space<vmem>>[vector<16xi32>, vector<16xi32>], vector<16xf32>,
    %gather3A_2119 = tpu.vector_load_idx %arg19[%add3A_2080, %shift_left3A_2116] : memref<128x128xf32, #tpu.memory_space<vmem>>[vector<16xi32>, vector<16xi32>], vector<16xf32>,
    %mul3A_2120 = arith.mulf %gather3A_2117, %gather3A_2118 : vector<16xf32>
    %mul3A_2121 = arith.mulf %gather3A_2117, %gather3A_2119 : vector<16xf32>
    %scan3A_2122 = arith.constant 1 : i32
    %scan3A_2123 = arith.constant 31 : i32
    %scan3A_2124 = arith.addi %scan3A_2122, %scan3A_2123 : i32
    %scan3A_2125 = arith.constant 1 : i32
    %scan3A_2126:2 = scf.for %scan3A_3333 = %scan3A_2122 to %scan3A_2124 step %scan3A_2125 iter_args(%scan3A_3334 = %mul3A_2120, %scan3A_3335 = %mul3A_2121) -> (vector<16xf32>, vector<16xf32>)  : i32 {
      %add3A_3336 = vector.broadcast %scan3A_3333 : i32 to vector<16xi32>
      %add3A_3337 = arith.addi %shift_left3A_2092, %add3A_3336 : vector<16xi32>
      %gather3A_3338 = tpu.vector_load_idx %arg15[%add3A_2080, %add3A_3337] : memref<128x128xf32, #tpu.memory_space<vmem>>[vector<16xi32>, vector<16xi32>], vector<16xf32>,
      %add3A_3339 = vector.broadcast %scan3A_3333 : i32 to vector<16xi32>
      %add3A_3340 = arith.addi %shift_left3A_2104, %add3A_3339 : vector<16xi32>
      %gather3A_3341 = tpu.vector_load_idx %arg17[%add3A_2080, %add3A_3340] : memref<128x128xf32, #tpu.memory_space<vmem>>[vector<16xi32>, vector<16xi32>], vector<16xf32>,
      %add3A_3342 = vector.broadcast %scan3A_3333 : i32 to vector<16xi32>
      %add3A_3343 = arith.addi %shift_left3A_2116, %add3A_3342 : vector<16xi32>
      %gather3A_3344 = tpu.vector_load_idx %arg19[%add3A_2080, %add3A_3343] : memref<128x128xf32, #tpu.memory_space<vmem>>[vector<16xi32>, vector<16xi32>], vector<16xf32>,
      %mul3A_3345 = arith.mulf %gather3A_3338, %gather3A_3341 : vector<16xf32>
      %sub3A = arith.subf %scan3A_3334, %mul3A_3345 : vector<16xf32>
      %mul3A_3346 = arith.mulf %gather3A_3338, %gather3A_3344 : vector<16xf32>
      %sub3A_3347 = arith.subf %scan3A_3335, %mul3A_3346 : vector<16xf32>
      scf.yield %sub3A, %sub3A_3347 : vector<16xf32>, vector<16xf32>
    }
    %scan3A_2127 = arith.constant 31 : i32
    %swap3A_2128 = arith.constant 160 : index
    %swap3A_2129 = tpu.vector_load %arg20[%swap3A_2128] {strides = array<i32>} : memref<512xf32, #tpu.memory_space<vmem>>, vector<16xf32>,
    tpu.vector_store %arg20[%swap3A_2128], %scan3A_2126#0 {strides = array<i32>} : memref<512xf32, #tpu.memory_space<vmem>>, vector<16xf32>,
    %swap3A_2130 = arith.constant 160 : index
    %swap3A_2131 = tpu.vector_load %arg21[%swap3A_2130] {strides = array<i32>} : memref<512xf32, #tpu.memory_space<vmem>>, vector<16xf32>,
    tpu.vector_store %arg21[%swap3A_2130], %scan3A_2126#1 {strides = array<i32>} : memref<512xf32, #tpu.memory_space<vmem>>, vector<16xf32>,
    %broadcast_in_dim3A_2132 = arith.constant 48 : i32
    %broadcast_in_dim3A_2133 = vector.broadcast %broadcast_in_dim3A_2132 : i32 to vector<16xi32>
    %add3A_2134 = arith.addi %broadcast_in_dim3A_2133, %iota3A : vector<16xi32>
    %get3A_2135 = arith.constant 1 : i32
    %get3A_2136 = arith.constant 0 : i32
    %get3A_2137 = tpu.memref_slice %arg8[%get3A_2135, %get3A_2136] : memref<4x128xi32, #tpu.memory_space<vmem>> -> memref<1x128xi32, #tpu.memory_space<vmem>>
    %get3A_2138 = tpu.memref_squeeze %get3A_2137 : memref<1x128xi32, #tpu.memory_space<vmem>> -> memref<128xi32, #tpu.memory_space<vmem>>
    %get3A_2139 = arith.constant 48 : index
    %get3A_2140 = tpu.vector_load %get3A_2138[%get3A_2139] {strides = array<i32>} : memref<128xi32, #tpu.memory_space<vmem>>, vector<16xi32>,
    %and3A_2141 = arith.constant 3 : i32
    %and3A_2142 = vector.broadcast %and3A_2141 : i32 to vector<16xi32>
    %and3A_2143 = arith.andi %get3A_2140, %and3A_2142 : vector<16xi32>
    %shift_left3A_2144 = arith.constant 5 : i32
    %shift_left3A_2145 = vector.broadcast %shift_left3A_2144 : i32 to vector<16xi32>
    %shift_left3A_2146 = arith.shli %and3A_2143, %shift_left3A_2145 : vector<16xi32>
    %get3A_2147 = arith.constant 1 : i32
    %get3A_2148 = arith.constant 0 : i32
    %get3A_2149 = tpu.memref_slice %arg9[%get3A_2147, %get3A_2148] : memref<4x128xi32, #tpu.memory_space<vmem>> -> memref<1x128xi32, #tpu.memory_space<vmem>>
    %get3A_2150 = tpu.memref_squeeze %get3A_2149 : memref<1x128xi32, #tpu.memory_space<vmem>> -> memref<128xi32, #tpu.memory_space<vmem>>
    %get3A_2151 = arith.constant 48 : index
    %get3A_2152 = tpu.vector_load %get3A_2150[%get3A_2151] {strides = array<i32>} : memref<128xi32, #tpu.memory_space<vmem>>, vector<16xi32>,
    %and3A_2153 = arith.constant 3 : i32
    %and3A_2154 = vector.broadcast %and3A_2153 : i32 to vector<16xi32>
    %and3A_2155 = arith.andi %get3A_2152, %and3A_2154 : vector<16xi32>
    %shift_left3A_2156 = arith.constant 5 : i32
    %shift_left3A_2157 = vector.broadcast %shift_left3A_2156 : i32 to vector<16xi32>
    %shift_left3A_2158 = arith.shli %and3A_2155, %shift_left3A_2157 : vector<16xi32>
    %get3A_2159 = arith.constant 1 : i32
    %get3A_2160 = arith.constant 0 : i32
    %get3A_2161 = tpu.memref_slice %arg10[%get3A_2159, %get3A_2160] : memref<4x128xi32, #tpu.memory_space<vmem>> -> memref<1x128xi32, #tpu.memory_space<vmem>>
    %get3A_2162 = tpu.memref_squeeze %get3A_2161 : memref<1x128xi32, #tpu.memory_space<vmem>> -> memref<128xi32, #tpu.memory_space<vmem>>
    %get3A_2163 = arith.constant 48 : index
    %get3A_2164 = tpu.vector_load %get3A_2162[%get3A_2163] {strides = array<i32>} : memref<128xi32, #tpu.memory_space<vmem>>, vector<16xi32>,
    %and3A_2165 = arith.constant 3 : i32
    %and3A_2166 = vector.broadcast %and3A_2165 : i32 to vector<16xi32>
    %and3A_2167 = arith.andi %get3A_2164, %and3A_2166 : vector<16xi32>
    %shift_left3A_2168 = arith.constant 5 : i32
    %shift_left3A_2169 = vector.broadcast %shift_left3A_2168 : i32 to vector<16xi32>
    %shift_left3A_2170 = arith.shli %and3A_2167, %shift_left3A_2169 : vector<16xi32>
    %gather3A_2171 = tpu.vector_load_idx %arg15[%add3A_2134, %shift_left3A_2146] : memref<128x128xf32, #tpu.memory_space<vmem>>[vector<16xi32>, vector<16xi32>], vector<16xf32>,
    %gather3A_2172 = tpu.vector_load_idx %arg17[%add3A_2134, %shift_left3A_2158] : memref<128x128xf32, #tpu.memory_space<vmem>>[vector<16xi32>, vector<16xi32>], vector<16xf32>,
    %gather3A_2173 = tpu.vector_load_idx %arg19[%add3A_2134, %shift_left3A_2170] : memref<128x128xf32, #tpu.memory_space<vmem>>[vector<16xi32>, vector<16xi32>], vector<16xf32>,
    %mul3A_2174 = arith.mulf %gather3A_2171, %gather3A_2172 : vector<16xf32>
    %mul3A_2175 = arith.mulf %gather3A_2171, %gather3A_2173 : vector<16xf32>
    %scan3A_2176 = arith.constant 1 : i32
    %scan3A_2177 = arith.constant 31 : i32
    %scan3A_2178 = arith.addi %scan3A_2176, %scan3A_2177 : i32
    %scan3A_2179 = arith.constant 1 : i32
    %scan3A_2180:2 = scf.for %scan3A_3333 = %scan3A_2176 to %scan3A_2178 step %scan3A_2179 iter_args(%scan3A_3334 = %mul3A_2174, %scan3A_3335 = %mul3A_2175) -> (vector<16xf32>, vector<16xf32>)  : i32 {
      %add3A_3336 = vector.broadcast %scan3A_3333 : i32 to vector<16xi32>
      %add3A_3337 = arith.addi %shift_left3A_2146, %add3A_3336 : vector<16xi32>
      %gather3A_3338 = tpu.vector_load_idx %arg15[%add3A_2134, %add3A_3337] : memref<128x128xf32, #tpu.memory_space<vmem>>[vector<16xi32>, vector<16xi32>], vector<16xf32>,
      %add3A_3339 = vector.broadcast %scan3A_3333 : i32 to vector<16xi32>
      %add3A_3340 = arith.addi %shift_left3A_2158, %add3A_3339 : vector<16xi32>
      %gather3A_3341 = tpu.vector_load_idx %arg17[%add3A_2134, %add3A_3340] : memref<128x128xf32, #tpu.memory_space<vmem>>[vector<16xi32>, vector<16xi32>], vector<16xf32>,
      %add3A_3342 = vector.broadcast %scan3A_3333 : i32 to vector<16xi32>
      %add3A_3343 = arith.addi %shift_left3A_2170, %add3A_3342 : vector<16xi32>
      %gather3A_3344 = tpu.vector_load_idx %arg19[%add3A_2134, %add3A_3343] : memref<128x128xf32, #tpu.memory_space<vmem>>[vector<16xi32>, vector<16xi32>], vector<16xf32>,
      %mul3A_3345 = arith.mulf %gather3A_3338, %gather3A_3341 : vector<16xf32>
      %sub3A = arith.subf %scan3A_3334, %mul3A_3345 : vector<16xf32>
      %mul3A_3346 = arith.mulf %gather3A_3338, %gather3A_3344 : vector<16xf32>
      %sub3A_3347 = arith.subf %scan3A_3335, %mul3A_3346 : vector<16xf32>
      scf.yield %sub3A, %sub3A_3347 : vector<16xf32>, vector<16xf32>
    }
    %scan3A_2181 = arith.constant 31 : i32
    %swap3A_2182 = arith.constant 176 : index
    %swap3A_2183 = tpu.vector_load %arg20[%swap3A_2182] {strides = array<i32>} : memref<512xf32, #tpu.memory_space<vmem>>, vector<16xf32>,
    tpu.vector_store %arg20[%swap3A_2182], %scan3A_2180#0 {strides = array<i32>} : memref<512xf32, #tpu.memory_space<vmem>>, vector<16xf32>,
    %swap3A_2184 = arith.constant 176 : index
    %swap3A_2185 = tpu.vector_load %arg21[%swap3A_2184] {strides = array<i32>} : memref<512xf32, #tpu.memory_space<vmem>>, vector<16xf32>,
    tpu.vector_store %arg21[%swap3A_2184], %scan3A_2180#1 {strides = array<i32>} : memref<512xf32, #tpu.memory_space<vmem>>, vector<16xf32>,
    %broadcast_in_dim3A_2186 = arith.constant 64 : i32
    %broadcast_in_dim3A_2187 = vector.broadcast %broadcast_in_dim3A_2186 : i32 to vector<16xi32>
    %add3A_2188 = arith.addi %broadcast_in_dim3A_2187, %iota3A : vector<16xi32>
    %get3A_2189 = arith.constant 1 : i32
    %get3A_2190 = arith.constant 0 : i32
    %get3A_2191 = tpu.memref_slice %arg8[%get3A_2189, %get3A_2190] : memref<4x128xi32, #tpu.memory_space<vmem>> -> memref<1x128xi32, #tpu.memory_space<vmem>>
    %get3A_2192 = tpu.memref_squeeze %get3A_2191 : memref<1x128xi32, #tpu.memory_space<vmem>> -> memref<128xi32, #tpu.memory_space<vmem>>
    %get3A_2193 = arith.constant 64 : index
    %get3A_2194 = tpu.vector_load %get3A_2192[%get3A_2193] {strides = array<i32>} : memref<128xi32, #tpu.memory_space<vmem>>, vector<16xi32>,
    %and3A_2195 = arith.constant 3 : i32
    %and3A_2196 = vector.broadcast %and3A_2195 : i32 to vector<16xi32>
    %and3A_2197 = arith.andi %get3A_2194, %and3A_2196 : vector<16xi32>
    %shift_left3A_2198 = arith.constant 5 : i32
    %shift_left3A_2199 = vector.broadcast %shift_left3A_2198 : i32 to vector<16xi32>
    %shift_left3A_2200 = arith.shli %and3A_2197, %shift_left3A_2199 : vector<16xi32>
    %get3A_2201 = arith.constant 1 : i32
    %get3A_2202 = arith.constant 0 : i32
    %get3A_2203 = tpu.memref_slice %arg9[%get3A_2201, %get3A_2202] : memref<4x128xi32, #tpu.memory_space<vmem>> -> memref<1x128xi32, #tpu.memory_space<vmem>>
    %get3A_2204 = tpu.memref_squeeze %get3A_2203 : memref<1x128xi32, #tpu.memory_space<vmem>> -> memref<128xi32, #tpu.memory_space<vmem>>
    %get3A_2205 = arith.constant 64 : index
    %get3A_2206 = tpu.vector_load %get3A_2204[%get3A_2205] {strides = array<i32>} : memref<128xi32, #tpu.memory_space<vmem>>, vector<16xi32>,
    %and3A_2207 = arith.constant 3 : i32
    %and3A_2208 = vector.broadcast %and3A_2207 : i32 to vector<16xi32>
    %and3A_2209 = arith.andi %get3A_2206, %and3A_2208 : vector<16xi32>
    %shift_left3A_2210 = arith.constant 5 : i32
    %shift_left3A_2211 = vector.broadcast %shift_left3A_2210 : i32 to vector<16xi32>
    %shift_left3A_2212 = arith.shli %and3A_2209, %shift_left3A_2211 : vector<16xi32>
    %get3A_2213 = arith.constant 1 : i32
    %get3A_2214 = arith.constant 0 : i32
    %get3A_2215 = tpu.memref_slice %arg10[%get3A_2213, %get3A_2214] : memref<4x128xi32, #tpu.memory_space<vmem>> -> memref<1x128xi32, #tpu.memory_space<vmem>>
    %get3A_2216 = tpu.memref_squeeze %get3A_2215 : memref<1x128xi32, #tpu.memory_space<vmem>> -> memref<128xi32, #tpu.memory_space<vmem>>
    %get3A_2217 = arith.constant 64 : index
    %get3A_2218 = tpu.vector_load %get3A_2216[%get3A_2217] {strides = array<i32>} : memref<128xi32, #tpu.memory_space<vmem>>, vector<16xi32>,
    %and3A_2219 = arith.constant 3 : i32
    %and3A_2220 = vector.broadcast %and3A_2219 : i32 to vector<16xi32>
    %and3A_2221 = arith.andi %get3A_2218, %and3A_2220 : vector<16xi32>
    %shift_left3A_2222 = arith.constant 5 : i32
    %shift_left3A_2223 = vector.broadcast %shift_left3A_2222 : i32 to vector<16xi32>
    %shift_left3A_2224 = arith.shli %and3A_2221, %shift_left3A_2223 : vector<16xi32>
    %gather3A_2225 = tpu.vector_load_idx %arg15[%add3A_2188, %shift_left3A_2200] : memref<128x128xf32, #tpu.memory_space<vmem>>[vector<16xi32>, vector<16xi32>], vector<16xf32>,
    %gather3A_2226 = tpu.vector_load_idx %arg17[%add3A_2188, %shift_left3A_2212] : memref<128x128xf32, #tpu.memory_space<vmem>>[vector<16xi32>, vector<16xi32>], vector<16xf32>,
    %gather3A_2227 = tpu.vector_load_idx %arg19[%add3A_2188, %shift_left3A_2224] : memref<128x128xf32, #tpu.memory_space<vmem>>[vector<16xi32>, vector<16xi32>], vector<16xf32>,
    %mul3A_2228 = arith.mulf %gather3A_2225, %gather3A_2226 : vector<16xf32>
    %mul3A_2229 = arith.mulf %gather3A_2225, %gather3A_2227 : vector<16xf32>
    %scan3A_2230 = arith.constant 1 : i32
    %scan3A_2231 = arith.constant 31 : i32
    %scan3A_2232 = arith.addi %scan3A_2230, %scan3A_2231 : i32
    %scan3A_2233 = arith.constant 1 : i32
    %scan3A_2234:2 = scf.for %scan3A_3333 = %scan3A_2230 to %scan3A_2232 step %scan3A_2233 iter_args(%scan3A_3334 = %mul3A_2228, %scan3A_3335 = %mul3A_2229) -> (vector<16xf32>, vector<16xf32>)  : i32 {
      %add3A_3336 = vector.broadcast %scan3A_3333 : i32 to vector<16xi32>
      %add3A_3337 = arith.addi %shift_left3A_2200, %add3A_3336 : vector<16xi32>
      %gather3A_3338 = tpu.vector_load_idx %arg15[%add3A_2188, %add3A_3337] : memref<128x128xf32, #tpu.memory_space<vmem>>[vector<16xi32>, vector<16xi32>], vector<16xf32>,
      %add3A_3339 = vector.broadcast %scan3A_3333 : i32 to vector<16xi32>
      %add3A_3340 = arith.addi %shift_left3A_2212, %add3A_3339 : vector<16xi32>
      %gather3A_3341 = tpu.vector_load_idx %arg17[%add3A_2188, %add3A_3340] : memref<128x128xf32, #tpu.memory_space<vmem>>[vector<16xi32>, vector<16xi32>], vector<16xf32>,
      %add3A_3342 = vector.broadcast %scan3A_3333 : i32 to vector<16xi32>
      %add3A_3343 = arith.addi %shift_left3A_2224, %add3A_3342 : vector<16xi32>
      %gather3A_3344 = tpu.vector_load_idx %arg19[%add3A_2188, %add3A_3343] : memref<128x128xf32, #tpu.memory_space<vmem>>[vector<16xi32>, vector<16xi32>], vector<16xf32>,
      %mul3A_3345 = arith.mulf %gather3A_3338, %gather3A_3341 : vector<16xf32>
      %sub3A = arith.subf %scan3A_3334, %mul3A_3345 : vector<16xf32>
      %mul3A_3346 = arith.mulf %gather3A_3338, %gather3A_3344 : vector<16xf32>
      %sub3A_3347 = arith.subf %scan3A_3335, %mul3A_3346 : vector<16xf32>
      scf.yield %sub3A, %sub3A_3347 : vector<16xf32>, vector<16xf32>
    }
    %scan3A_2235 = arith.constant 31 : i32
    %swap3A_2236 = arith.constant 192 : index
    %swap3A_2237 = tpu.vector_load %arg20[%swap3A_2236] {strides = array<i32>} : memref<512xf32, #tpu.memory_space<vmem>>, vector<16xf32>,
    tpu.vector_store %arg20[%swap3A_2236], %scan3A_2234#0 {strides = array<i32>} : memref<512xf32, #tpu.memory_space<vmem>>, vector<16xf32>,
    %swap3A_2238 = arith.constant 192 : index
    %swap3A_2239 = tpu.vector_load %arg21[%swap3A_2238] {strides = array<i32>} : memref<512xf32, #tpu.memory_space<vmem>>, vector<16xf32>,
    tpu.vector_store %arg21[%swap3A_2238], %scan3A_2234#1 {strides = array<i32>} : memref<512xf32, #tpu.memory_space<vmem>>, vector<16xf32>,
    %broadcast_in_dim3A_2240 = arith.constant 80 : i32
    %broadcast_in_dim3A_2241 = vector.broadcast %broadcast_in_dim3A_2240 : i32 to vector<16xi32>
    %add3A_2242 = arith.addi %broadcast_in_dim3A_2241, %iota3A : vector<16xi32>
    %get3A_2243 = arith.constant 1 : i32
    %get3A_2244 = arith.constant 0 : i32
    %get3A_2245 = tpu.memref_slice %arg8[%get3A_2243, %get3A_2244] : memref<4x128xi32, #tpu.memory_space<vmem>> -> memref<1x128xi32, #tpu.memory_space<vmem>>
    %get3A_2246 = tpu.memref_squeeze %get3A_2245 : memref<1x128xi32, #tpu.memory_space<vmem>> -> memref<128xi32, #tpu.memory_space<vmem>>
    %get3A_2247 = arith.constant 80 : index
    %get3A_2248 = tpu.vector_load %get3A_2246[%get3A_2247] {strides = array<i32>} : memref<128xi32, #tpu.memory_space<vmem>>, vector<16xi32>,
    %and3A_2249 = arith.constant 3 : i32
    %and3A_2250 = vector.broadcast %and3A_2249 : i32 to vector<16xi32>
    %and3A_2251 = arith.andi %get3A_2248, %and3A_2250 : vector<16xi32>
    %shift_left3A_2252 = arith.constant 5 : i32
    %shift_left3A_2253 = vector.broadcast %shift_left3A_2252 : i32 to vector<16xi32>
    %shift_left3A_2254 = arith.shli %and3A_2251, %shift_left3A_2253 : vector<16xi32>
    %get3A_2255 = arith.constant 1 : i32
    %get3A_2256 = arith.constant 0 : i32
    %get3A_2257 = tpu.memref_slice %arg9[%get3A_2255, %get3A_2256] : memref<4x128xi32, #tpu.memory_space<vmem>> -> memref<1x128xi32, #tpu.memory_space<vmem>>
    %get3A_2258 = tpu.memref_squeeze %get3A_2257 : memref<1x128xi32, #tpu.memory_space<vmem>> -> memref<128xi32, #tpu.memory_space<vmem>>
    %get3A_2259 = arith.constant 80 : index
    %get3A_2260 = tpu.vector_load %get3A_2258[%get3A_2259] {strides = array<i32>} : memref<128xi32, #tpu.memory_space<vmem>>, vector<16xi32>,
    %and3A_2261 = arith.constant 3 : i32
    %and3A_2262 = vector.broadcast %and3A_2261 : i32 to vector<16xi32>
    %and3A_2263 = arith.andi %get3A_2260, %and3A_2262 : vector<16xi32>
    %shift_left3A_2264 = arith.constant 5 : i32
    %shift_left3A_2265 = vector.broadcast %shift_left3A_2264 : i32 to vector<16xi32>
    %shift_left3A_2266 = arith.shli %and3A_2263, %shift_left3A_2265 : vector<16xi32>
    %get3A_2267 = arith.constant 1 : i32
    %get3A_2268 = arith.constant 0 : i32
    %get3A_2269 = tpu.memref_slice %arg10[%get3A_2267, %get3A_2268] : memref<4x128xi32, #tpu.memory_space<vmem>> -> memref<1x128xi32, #tpu.memory_space<vmem>>
    %get3A_2270 = tpu.memref_squeeze %get3A_2269 : memref<1x128xi32, #tpu.memory_space<vmem>> -> memref<128xi32, #tpu.memory_space<vmem>>
    %get3A_2271 = arith.constant 80 : index
    %get3A_2272 = tpu.vector_load %get3A_2270[%get3A_2271] {strides = array<i32>} : memref<128xi32, #tpu.memory_space<vmem>>, vector<16xi32>,
    %and3A_2273 = arith.constant 3 : i32
    %and3A_2274 = vector.broadcast %and3A_2273 : i32 to vector<16xi32>
    %and3A_2275 = arith.andi %get3A_2272, %and3A_2274 : vector<16xi32>
    %shift_left3A_2276 = arith.constant 5 : i32
    %shift_left3A_2277 = vector.broadcast %shift_left3A_2276 : i32 to vector<16xi32>
    %shift_left3A_2278 = arith.shli %and3A_2275, %shift_left3A_2277 : vector<16xi32>
    %gather3A_2279 = tpu.vector_load_idx %arg15[%add3A_2242, %shift_left3A_2254] : memref<128x128xf32, #tpu.memory_space<vmem>>[vector<16xi32>, vector<16xi32>], vector<16xf32>,
    %gather3A_2280 = tpu.vector_load_idx %arg17[%add3A_2242, %shift_left3A_2266] : memref<128x128xf32, #tpu.memory_space<vmem>>[vector<16xi32>, vector<16xi32>], vector<16xf32>,
    %gather3A_2281 = tpu.vector_load_idx %arg19[%add3A_2242, %shift_left3A_2278] : memref<128x128xf32, #tpu.memory_space<vmem>>[vector<16xi32>, vector<16xi32>], vector<16xf32>,
    %mul3A_2282 = arith.mulf %gather3A_2279, %gather3A_2280 : vector<16xf32>
    %mul3A_2283 = arith.mulf %gather3A_2279, %gather3A_2281 : vector<16xf32>
    %scan3A_2284 = arith.constant 1 : i32
    %scan3A_2285 = arith.constant 31 : i32
    %scan3A_2286 = arith.addi %scan3A_2284, %scan3A_2285 : i32
    %scan3A_2287 = arith.constant 1 : i32
    %scan3A_2288:2 = scf.for %scan3A_3333 = %scan3A_2284 to %scan3A_2286 step %scan3A_2287 iter_args(%scan3A_3334 = %mul3A_2282, %scan3A_3335 = %mul3A_2283) -> (vector<16xf32>, vector<16xf32>)  : i32 {
      %add3A_3336 = vector.broadcast %scan3A_3333 : i32 to vector<16xi32>
      %add3A_3337 = arith.addi %shift_left3A_2254, %add3A_3336 : vector<16xi32>
      %gather3A_3338 = tpu.vector_load_idx %arg15[%add3A_2242, %add3A_3337] : memref<128x128xf32, #tpu.memory_space<vmem>>[vector<16xi32>, vector<16xi32>], vector<16xf32>,
      %add3A_3339 = vector.broadcast %scan3A_3333 : i32 to vector<16xi32>
      %add3A_3340 = arith.addi %shift_left3A_2266, %add3A_3339 : vector<16xi32>
      %gather3A_3341 = tpu.vector_load_idx %arg17[%add3A_2242, %add3A_3340] : memref<128x128xf32, #tpu.memory_space<vmem>>[vector<16xi32>, vector<16xi32>], vector<16xf32>,
      %add3A_3342 = vector.broadcast %scan3A_3333 : i32 to vector<16xi32>
      %add3A_3343 = arith.addi %shift_left3A_2278, %add3A_3342 : vector<16xi32>
      %gather3A_3344 = tpu.vector_load_idx %arg19[%add3A_2242, %add3A_3343] : memref<128x128xf32, #tpu.memory_space<vmem>>[vector<16xi32>, vector<16xi32>], vector<16xf32>,
      %mul3A_3345 = arith.mulf %gather3A_3338, %gather3A_3341 : vector<16xf32>
      %sub3A = arith.subf %scan3A_3334, %mul3A_3345 : vector<16xf32>
      %mul3A_3346 = arith.mulf %gather3A_3338, %gather3A_3344 : vector<16xf32>
      %sub3A_3347 = arith.subf %scan3A_3335, %mul3A_3346 : vector<16xf32>
      scf.yield %sub3A, %sub3A_3347 : vector<16xf32>, vector<16xf32>
    }
    %scan3A_2289 = arith.constant 31 : i32
    %swap3A_2290 = arith.constant 208 : index
    %swap3A_2291 = tpu.vector_load %arg20[%swap3A_2290] {strides = array<i32>} : memref<512xf32, #tpu.memory_space<vmem>>, vector<16xf32>,
    tpu.vector_store %arg20[%swap3A_2290], %scan3A_2288#0 {strides = array<i32>} : memref<512xf32, #tpu.memory_space<vmem>>, vector<16xf32>,
    %swap3A_2292 = arith.constant 208 : index
    %swap3A_2293 = tpu.vector_load %arg21[%swap3A_2292] {strides = array<i32>} : memref<512xf32, #tpu.memory_space<vmem>>, vector<16xf32>,
    tpu.vector_store %arg21[%swap3A_2292], %scan3A_2288#1 {strides = array<i32>} : memref<512xf32, #tpu.memory_space<vmem>>, vector<16xf32>,
    %broadcast_in_dim3A_2294 = arith.constant 96 : i32
    %broadcast_in_dim3A_2295 = vector.broadcast %broadcast_in_dim3A_2294 : i32 to vector<16xi32>
    %add3A_2296 = arith.addi %broadcast_in_dim3A_2295, %iota3A : vector<16xi32>
    %get3A_2297 = arith.constant 1 : i32
    %get3A_2298 = arith.constant 0 : i32
    %get3A_2299 = tpu.memref_slice %arg8[%get3A_2297, %get3A_2298] : memref<4x128xi32, #tpu.memory_space<vmem>> -> memref<1x128xi32, #tpu.memory_space<vmem>>
    %get3A_2300 = tpu.memref_squeeze %get3A_2299 : memref<1x128xi32, #tpu.memory_space<vmem>> -> memref<128xi32, #tpu.memory_space<vmem>>
    %get3A_2301 = arith.constant 96 : index
    %get3A_2302 = tpu.vector_load %get3A_2300[%get3A_2301] {strides = array<i32>} : memref<128xi32, #tpu.memory_space<vmem>>, vector<16xi32>,
    %and3A_2303 = arith.constant 3 : i32
    %and3A_2304 = vector.broadcast %and3A_2303 : i32 to vector<16xi32>
    %and3A_2305 = arith.andi %get3A_2302, %and3A_2304 : vector<16xi32>
    %shift_left3A_2306 = arith.constant 5 : i32
    %shift_left3A_2307 = vector.broadcast %shift_left3A_2306 : i32 to vector<16xi32>
    %shift_left3A_2308 = arith.shli %and3A_2305, %shift_left3A_2307 : vector<16xi32>
    %get3A_2309 = arith.constant 1 : i32
    %get3A_2310 = arith.constant 0 : i32
    %get3A_2311 = tpu.memref_slice %arg9[%get3A_2309, %get3A_2310] : memref<4x128xi32, #tpu.memory_space<vmem>> -> memref<1x128xi32, #tpu.memory_space<vmem>>
    %get3A_2312 = tpu.memref_squeeze %get3A_2311 : memref<1x128xi32, #tpu.memory_space<vmem>> -> memref<128xi32, #tpu.memory_space<vmem>>
    %get3A_2313 = arith.constant 96 : index
    %get3A_2314 = tpu.vector_load %get3A_2312[%get3A_2313] {strides = array<i32>} : memref<128xi32, #tpu.memory_space<vmem>>, vector<16xi32>,
    %and3A_2315 = arith.constant 3 : i32
    %and3A_2316 = vector.broadcast %and3A_2315 : i32 to vector<16xi32>
    %and3A_2317 = arith.andi %get3A_2314, %and3A_2316 : vector<16xi32>
    %shift_left3A_2318 = arith.constant 5 : i32
    %shift_left3A_2319 = vector.broadcast %shift_left3A_2318 : i32 to vector<16xi32>
    %shift_left3A_2320 = arith.shli %and3A_2317, %shift_left3A_2319 : vector<16xi32>
    %get3A_2321 = arith.constant 1 : i32
    %get3A_2322 = arith.constant 0 : i32
    %get3A_2323 = tpu.memref_slice %arg10[%get3A_2321, %get3A_2322] : memref<4x128xi32, #tpu.memory_space<vmem>> -> memref<1x128xi32, #tpu.memory_space<vmem>>
    %get3A_2324 = tpu.memref_squeeze %get3A_2323 : memref<1x128xi32, #tpu.memory_space<vmem>> -> memref<128xi32, #tpu.memory_space<vmem>>
    %get3A_2325 = arith.constant 96 : index
    %get3A_2326 = tpu.vector_load %get3A_2324[%get3A_2325] {strides = array<i32>} : memref<128xi32, #tpu.memory_space<vmem>>, vector<16xi32>,
    %and3A_2327 = arith.constant 3 : i32
    %and3A_2328 = vector.broadcast %and3A_2327 : i32 to vector<16xi32>
    %and3A_2329 = arith.andi %get3A_2326, %and3A_2328 : vector<16xi32>
    %shift_left3A_2330 = arith.constant 5 : i32
    %shift_left3A_2331 = vector.broadcast %shift_left3A_2330 : i32 to vector<16xi32>
    %shift_left3A_2332 = arith.shli %and3A_2329, %shift_left3A_2331 : vector<16xi32>
    %gather3A_2333 = tpu.vector_load_idx %arg15[%add3A_2296, %shift_left3A_2308] : memref<128x128xf32, #tpu.memory_space<vmem>>[vector<16xi32>, vector<16xi32>], vector<16xf32>,
    %gather3A_2334 = tpu.vector_load_idx %arg17[%add3A_2296, %shift_left3A_2320] : memref<128x128xf32, #tpu.memory_space<vmem>>[vector<16xi32>, vector<16xi32>], vector<16xf32>,
    %gather3A_2335 = tpu.vector_load_idx %arg19[%add3A_2296, %shift_left3A_2332] : memref<128x128xf32, #tpu.memory_space<vmem>>[vector<16xi32>, vector<16xi32>], vector<16xf32>,
    %mul3A_2336 = arith.mulf %gather3A_2333, %gather3A_2334 : vector<16xf32>
    %mul3A_2337 = arith.mulf %gather3A_2333, %gather3A_2335 : vector<16xf32>
    %scan3A_2338 = arith.constant 1 : i32
    %scan3A_2339 = arith.constant 31 : i32
    %scan3A_2340 = arith.addi %scan3A_2338, %scan3A_2339 : i32
    %scan3A_2341 = arith.constant 1 : i32
    %scan3A_2342:2 = scf.for %scan3A_3333 = %scan3A_2338 to %scan3A_2340 step %scan3A_2341 iter_args(%scan3A_3334 = %mul3A_2336, %scan3A_3335 = %mul3A_2337) -> (vector<16xf32>, vector<16xf32>)  : i32 {
      %add3A_3336 = vector.broadcast %scan3A_3333 : i32 to vector<16xi32>
      %add3A_3337 = arith.addi %shift_left3A_2308, %add3A_3336 : vector<16xi32>
      %gather3A_3338 = tpu.vector_load_idx %arg15[%add3A_2296, %add3A_3337] : memref<128x128xf32, #tpu.memory_space<vmem>>[vector<16xi32>, vector<16xi32>], vector<16xf32>,
      %add3A_3339 = vector.broadcast %scan3A_3333 : i32 to vector<16xi32>
      %add3A_3340 = arith.addi %shift_left3A_2320, %add3A_3339 : vector<16xi32>
      %gather3A_3341 = tpu.vector_load_idx %arg17[%add3A_2296, %add3A_3340] : memref<128x128xf32, #tpu.memory_space<vmem>>[vector<16xi32>, vector<16xi32>], vector<16xf32>,
      %add3A_3342 = vector.broadcast %scan3A_3333 : i32 to vector<16xi32>
      %add3A_3343 = arith.addi %shift_left3A_2332, %add3A_3342 : vector<16xi32>
      %gather3A_3344 = tpu.vector_load_idx %arg19[%add3A_2296, %add3A_3343] : memref<128x128xf32, #tpu.memory_space<vmem>>[vector<16xi32>, vector<16xi32>], vector<16xf32>,
      %mul3A_3345 = arith.mulf %gather3A_3338, %gather3A_3341 : vector<16xf32>
      %sub3A = arith.subf %scan3A_3334, %mul3A_3345 : vector<16xf32>
      %mul3A_3346 = arith.mulf %gather3A_3338, %gather3A_3344 : vector<16xf32>
      %sub3A_3347 = arith.subf %scan3A_3335, %mul3A_3346 : vector<16xf32>
      scf.yield %sub3A, %sub3A_3347 : vector<16xf32>, vector<16xf32>
    }
    %scan3A_2343 = arith.constant 31 : i32
    %swap3A_2344 = arith.constant 224 : index
    %swap3A_2345 = tpu.vector_load %arg20[%swap3A_2344] {strides = array<i32>} : memref<512xf32, #tpu.memory_space<vmem>>, vector<16xf32>,
    tpu.vector_store %arg20[%swap3A_2344], %scan3A_2342#0 {strides = array<i32>} : memref<512xf32, #tpu.memory_space<vmem>>, vector<16xf32>,
    %swap3A_2346 = arith.constant 224 : index
    %swap3A_2347 = tpu.vector_load %arg21[%swap3A_2346] {strides = array<i32>} : memref<512xf32, #tpu.memory_space<vmem>>, vector<16xf32>,
    tpu.vector_store %arg21[%swap3A_2346], %scan3A_2342#1 {strides = array<i32>} : memref<512xf32, #tpu.memory_space<vmem>>, vector<16xf32>,
    %broadcast_in_dim3A_2348 = arith.constant 112 : i32
    %broadcast_in_dim3A_2349 = vector.broadcast %broadcast_in_dim3A_2348 : i32 to vector<16xi32>
    %add3A_2350 = arith.addi %broadcast_in_dim3A_2349, %iota3A : vector<16xi32>
    %get3A_2351 = arith.constant 1 : i32
    %get3A_2352 = arith.constant 0 : i32
    %get3A_2353 = tpu.memref_slice %arg8[%get3A_2351, %get3A_2352] : memref<4x128xi32, #tpu.memory_space<vmem>> -> memref<1x128xi32, #tpu.memory_space<vmem>>
    %get3A_2354 = tpu.memref_squeeze %get3A_2353 : memref<1x128xi32, #tpu.memory_space<vmem>> -> memref<128xi32, #tpu.memory_space<vmem>>
    %get3A_2355 = arith.constant 112 : index
    %get3A_2356 = tpu.vector_load %get3A_2354[%get3A_2355] {strides = array<i32>} : memref<128xi32, #tpu.memory_space<vmem>>, vector<16xi32>,
    %and3A_2357 = arith.constant 3 : i32
    %and3A_2358 = vector.broadcast %and3A_2357 : i32 to vector<16xi32>
    %and3A_2359 = arith.andi %get3A_2356, %and3A_2358 : vector<16xi32>
    %shift_left3A_2360 = arith.constant 5 : i32
    %shift_left3A_2361 = vector.broadcast %shift_left3A_2360 : i32 to vector<16xi32>
    %shift_left3A_2362 = arith.shli %and3A_2359, %shift_left3A_2361 : vector<16xi32>
    %get3A_2363 = arith.constant 1 : i32
    %get3A_2364 = arith.constant 0 : i32
    %get3A_2365 = tpu.memref_slice %arg9[%get3A_2363, %get3A_2364] : memref<4x128xi32, #tpu.memory_space<vmem>> -> memref<1x128xi32, #tpu.memory_space<vmem>>
    %get3A_2366 = tpu.memref_squeeze %get3A_2365 : memref<1x128xi32, #tpu.memory_space<vmem>> -> memref<128xi32, #tpu.memory_space<vmem>>
    %get3A_2367 = arith.constant 112 : index
    %get3A_2368 = tpu.vector_load %get3A_2366[%get3A_2367] {strides = array<i32>} : memref<128xi32, #tpu.memory_space<vmem>>, vector<16xi32>,
    %and3A_2369 = arith.constant 3 : i32
    %and3A_2370 = vector.broadcast %and3A_2369 : i32 to vector<16xi32>
    %and3A_2371 = arith.andi %get3A_2368, %and3A_2370 : vector<16xi32>
    %shift_left3A_2372 = arith.constant 5 : i32
    %shift_left3A_2373 = vector.broadcast %shift_left3A_2372 : i32 to vector<16xi32>
    %shift_left3A_2374 = arith.shli %and3A_2371, %shift_left3A_2373 : vector<16xi32>
    %get3A_2375 = arith.constant 1 : i32
    %get3A_2376 = arith.constant 0 : i32
    %get3A_2377 = tpu.memref_slice %arg10[%get3A_2375, %get3A_2376] : memref<4x128xi32, #tpu.memory_space<vmem>> -> memref<1x128xi32, #tpu.memory_space<vmem>>
    %get3A_2378 = tpu.memref_squeeze %get3A_2377 : memref<1x128xi32, #tpu.memory_space<vmem>> -> memref<128xi32, #tpu.memory_space<vmem>>
    %get3A_2379 = arith.constant 112 : index
    %get3A_2380 = tpu.vector_load %get3A_2378[%get3A_2379] {strides = array<i32>} : memref<128xi32, #tpu.memory_space<vmem>>, vector<16xi32>,
    %and3A_2381 = arith.constant 3 : i32
    %and3A_2382 = vector.broadcast %and3A_2381 : i32 to vector<16xi32>
    %and3A_2383 = arith.andi %get3A_2380, %and3A_2382 : vector<16xi32>
    %shift_left3A_2384 = arith.constant 5 : i32
    %shift_left3A_2385 = vector.broadcast %shift_left3A_2384 : i32 to vector<16xi32>
    %shift_left3A_2386 = arith.shli %and3A_2383, %shift_left3A_2385 : vector<16xi32>
    %gather3A_2387 = tpu.vector_load_idx %arg15[%add3A_2350, %shift_left3A_2362] : memref<128x128xf32, #tpu.memory_space<vmem>>[vector<16xi32>, vector<16xi32>], vector<16xf32>,
    %gather3A_2388 = tpu.vector_load_idx %arg17[%add3A_2350, %shift_left3A_2374] : memref<128x128xf32, #tpu.memory_space<vmem>>[vector<16xi32>, vector<16xi32>], vector<16xf32>,
    %gather3A_2389 = tpu.vector_load_idx %arg19[%add3A_2350, %shift_left3A_2386] : memref<128x128xf32, #tpu.memory_space<vmem>>[vector<16xi32>, vector<16xi32>], vector<16xf32>,
    %mul3A_2390 = arith.mulf %gather3A_2387, %gather3A_2388 : vector<16xf32>
    %mul3A_2391 = arith.mulf %gather3A_2387, %gather3A_2389 : vector<16xf32>
    %scan3A_2392 = arith.constant 1 : i32
    %scan3A_2393 = arith.constant 31 : i32
    %scan3A_2394 = arith.addi %scan3A_2392, %scan3A_2393 : i32
    %scan3A_2395 = arith.constant 1 : i32
    %scan3A_2396:2 = scf.for %scan3A_3333 = %scan3A_2392 to %scan3A_2394 step %scan3A_2395 iter_args(%scan3A_3334 = %mul3A_2390, %scan3A_3335 = %mul3A_2391) -> (vector<16xf32>, vector<16xf32>)  : i32 {
      %add3A_3336 = vector.broadcast %scan3A_3333 : i32 to vector<16xi32>
      %add3A_3337 = arith.addi %shift_left3A_2362, %add3A_3336 : vector<16xi32>
      %gather3A_3338 = tpu.vector_load_idx %arg15[%add3A_2350, %add3A_3337] : memref<128x128xf32, #tpu.memory_space<vmem>>[vector<16xi32>, vector<16xi32>], vector<16xf32>,
      %add3A_3339 = vector.broadcast %scan3A_3333 : i32 to vector<16xi32>
      %add3A_3340 = arith.addi %shift_left3A_2374, %add3A_3339 : vector<16xi32>
      %gather3A_3341 = tpu.vector_load_idx %arg17[%add3A_2350, %add3A_3340] : memref<128x128xf32, #tpu.memory_space<vmem>>[vector<16xi32>, vector<16xi32>], vector<16xf32>,
      %add3A_3342 = vector.broadcast %scan3A_3333 : i32 to vector<16xi32>
      %add3A_3343 = arith.addi %shift_left3A_2386, %add3A_3342 : vector<16xi32>
      %gather3A_3344 = tpu.vector_load_idx %arg19[%add3A_2350, %add3A_3343] : memref<128x128xf32, #tpu.memory_space<vmem>>[vector<16xi32>, vector<16xi32>], vector<16xf32>,
      %mul3A_3345 = arith.mulf %gather3A_3338, %gather3A_3341 : vector<16xf32>
      %sub3A = arith.subf %scan3A_3334, %mul3A_3345 : vector<16xf32>
      %mul3A_3346 = arith.mulf %gather3A_3338, %gather3A_3344 : vector<16xf32>
      %sub3A_3347 = arith.subf %scan3A_3335, %mul3A_3346 : vector<16xf32>
      scf.yield %sub3A, %sub3A_3347 : vector<16xf32>, vector<16xf32>
    }
    %scan3A_2397 = arith.constant 31 : i32
    %swap3A_2398 = arith.constant 240 : index
    %swap3A_2399 = tpu.vector_load %arg20[%swap3A_2398] {strides = array<i32>} : memref<512xf32, #tpu.memory_space<vmem>>, vector<16xf32>,
    tpu.vector_store %arg20[%swap3A_2398], %scan3A_2396#0 {strides = array<i32>} : memref<512xf32, #tpu.memory_space<vmem>>, vector<16xf32>,
    %swap3A_2400 = arith.constant 240 : index
    %swap3A_2401 = tpu.vector_load %arg21[%swap3A_2400] {strides = array<i32>} : memref<512xf32, #tpu.memory_space<vmem>>, vector<16xf32>,
    tpu.vector_store %arg21[%swap3A_2400], %scan3A_2396#1 {strides = array<i32>} : memref<512xf32, #tpu.memory_space<vmem>>, vector<16xf32>,
    %dma_wait3A_2402 = arith.constant 2 : i32
    %dma_wait3A_2403 = arith.constant 0 : i32
    %dma_wait3A_2404 = tpu.memref_slice %arg11[%dma_wait3A_2402, %dma_wait3A_2403] : memref<4x128xi32, #tpu.memory_space<vmem>> -> memref<1x128xi32, #tpu.memory_space<vmem>>
    %dma_wait3A_2405 = tpu.memref_squeeze %dma_wait3A_2404 : memref<1x128xi32, #tpu.memory_space<vmem>> -> memref<128xi32, #tpu.memory_space<vmem>>
    %dma_wait3A_2406 = arith.constant 0 : i32
    %dma_wait3A_2407 = arith.constant 0 : i32
    %dma_wait3A_2408 = tpu.memref_slice %arg2[%dma_wait3A_2406, %dma_wait3A_2407] : memref<250000x128xf32, #tpu.memory_space<hbm>> -> memref<250000x128xf32, #tpu.memory_space<hbm>>
    tpu.wait_indirect_dma semaphore(%arg22 : memref<!tpu.dma_semaphore, #tpu.memory_space<semaphore_mem>>) src(%dma_wait3A_2408 : memref<250000x128xf32, #tpu.memory_space<hbm>>) dst(%arg14 : memref<128x128xf32, #tpu.memory_space<vmem>>)
    %dma_wait3A_2409 = arith.constant 2 : i32
    %dma_wait3A_2410 = arith.constant 0 : i32
    %dma_wait3A_2411 = tpu.memref_slice %arg12[%dma_wait3A_2409, %dma_wait3A_2410] : memref<4x128xi32, #tpu.memory_space<vmem>> -> memref<1x128xi32, #tpu.memory_space<vmem>>
    %dma_wait3A_2412 = tpu.memref_squeeze %dma_wait3A_2411 : memref<1x128xi32, #tpu.memory_space<vmem>> -> memref<128xi32, #tpu.memory_space<vmem>>
    %dma_wait3A_2413 = arith.constant 0 : i32
    %dma_wait3A_2414 = arith.constant 0 : i32
    %dma_wait3A_2415 = tpu.memref_slice %arg2[%dma_wait3A_2413, %dma_wait3A_2414] : memref<250000x128xf32, #tpu.memory_space<hbm>> -> memref<250000x128xf32, #tpu.memory_space<hbm>>
    tpu.wait_indirect_dma semaphore(%arg22 : memref<!tpu.dma_semaphore, #tpu.memory_space<semaphore_mem>>) src(%dma_wait3A_2415 : memref<250000x128xf32, #tpu.memory_space<hbm>>) dst(%arg16 : memref<128x128xf32, #tpu.memory_space<vmem>>)
    %dma_wait3A_2416 = arith.constant 2 : i32
    %dma_wait3A_2417 = arith.constant 0 : i32
    %dma_wait3A_2418 = tpu.memref_slice %arg13[%dma_wait3A_2416, %dma_wait3A_2417] : memref<4x128xi32, #tpu.memory_space<vmem>> -> memref<1x128xi32, #tpu.memory_space<vmem>>
    %dma_wait3A_2419 = tpu.memref_squeeze %dma_wait3A_2418 : memref<1x128xi32, #tpu.memory_space<vmem>> -> memref<128xi32, #tpu.memory_space<vmem>>
    %dma_wait3A_2420 = arith.constant 0 : i32
    %dma_wait3A_2421 = arith.constant 0 : i32
    %dma_wait3A_2422 = tpu.memref_slice %arg2[%dma_wait3A_2420, %dma_wait3A_2421] : memref<250000x128xf32, #tpu.memory_space<hbm>> -> memref<250000x128xf32, #tpu.memory_space<hbm>>
    tpu.wait_indirect_dma semaphore(%arg22 : memref<!tpu.dma_semaphore, #tpu.memory_space<semaphore_mem>>) src(%dma_wait3A_2422 : memref<250000x128xf32, #tpu.memory_space<hbm>>) dst(%arg18 : memref<128x128xf32, #tpu.memory_space<vmem>>)
    %dma_start3A_2423 = arith.constant 3 : i32
    %dma_start3A_2424 = arith.constant 0 : i32
    %dma_start3A_2425 = tpu.memref_slice %arg11[%dma_start3A_2423, %dma_start3A_2424] : memref<4x128xi32, #tpu.memory_space<vmem>> -> memref<1x128xi32, #tpu.memory_space<vmem>>
    %dma_start3A_2426 = tpu.memref_squeeze %dma_start3A_2425 : memref<1x128xi32, #tpu.memory_space<vmem>> -> memref<128xi32, #tpu.memory_space<vmem>>
    %dma_start3A_2427 = arith.constant 0 : i32
    %dma_start3A_2428 = arith.constant 0 : i32
    %dma_start3A_2429 = tpu.memref_slice %arg2[%dma_start3A_2427, %dma_start3A_2428] : memref<250000x128xf32, #tpu.memory_space<hbm>> -> memref<250000x128xf32, #tpu.memory_space<hbm>>
    tpu.enqueue_indirect_dma source(%dma_start3A_2429 : memref<250000x128xf32, #tpu.memory_space<hbm>>) target(%arg15 : memref<128x128xf32, #tpu.memory_space<vmem>>) offsets(%dma_start3A_2426 : memref<128xi32, #tpu.memory_space<vmem>>) semaphore(%arg22 : memref<!tpu.dma_semaphore, #tpu.memory_space<semaphore_mem>>)
    %dma_start3A_2430 = arith.constant 3 : i32
    %dma_start3A_2431 = arith.constant 0 : i32
    %dma_start3A_2432 = tpu.memref_slice %arg12[%dma_start3A_2430, %dma_start3A_2431] : memref<4x128xi32, #tpu.memory_space<vmem>> -> memref<1x128xi32, #tpu.memory_space<vmem>>
    %dma_start3A_2433 = tpu.memref_squeeze %dma_start3A_2432 : memref<1x128xi32, #tpu.memory_space<vmem>> -> memref<128xi32, #tpu.memory_space<vmem>>
    %dma_start3A_2434 = arith.constant 0 : i32
    %dma_start3A_2435 = arith.constant 0 : i32
    %dma_start3A_2436 = tpu.memref_slice %arg2[%dma_start3A_2434, %dma_start3A_2435] : memref<250000x128xf32, #tpu.memory_space<hbm>> -> memref<250000x128xf32, #tpu.memory_space<hbm>>
    tpu.enqueue_indirect_dma source(%dma_start3A_2436 : memref<250000x128xf32, #tpu.memory_space<hbm>>) target(%arg17 : memref<128x128xf32, #tpu.memory_space<vmem>>) offsets(%dma_start3A_2433 : memref<128xi32, #tpu.memory_space<vmem>>) semaphore(%arg22 : memref<!tpu.dma_semaphore, #tpu.memory_space<semaphore_mem>>)
    %dma_start3A_2437 = arith.constant 3 : i32
    %dma_start3A_2438 = arith.constant 0 : i32
    %dma_start3A_2439 = tpu.memref_slice %arg13[%dma_start3A_2437, %dma_start3A_2438] : memref<4x128xi32, #tpu.memory_space<vmem>> -> memref<1x128xi32, #tpu.memory_space<vmem>>
    %dma_start3A_2440 = tpu.memref_squeeze %dma_start3A_2439 : memref<1x128xi32, #tpu.memory_space<vmem>> -> memref<128xi32, #tpu.memory_space<vmem>>
    %dma_start3A_2441 = arith.constant 0 : i32
    %dma_start3A_2442 = arith.constant 0 : i32
    %dma_start3A_2443 = tpu.memref_slice %arg2[%dma_start3A_2441, %dma_start3A_2442] : memref<250000x128xf32, #tpu.memory_space<hbm>> -> memref<250000x128xf32, #tpu.memory_space<hbm>>
    tpu.enqueue_indirect_dma source(%dma_start3A_2443 : memref<250000x128xf32, #tpu.memory_space<hbm>>) target(%arg19 : memref<128x128xf32, #tpu.memory_space<vmem>>) offsets(%dma_start3A_2440 : memref<128xi32, #tpu.memory_space<vmem>>) semaphore(%arg22 : memref<!tpu.dma_semaphore, #tpu.memory_space<semaphore_mem>>)
    %broadcast_in_dim3A_2444 = arith.constant 0 : i32
    %broadcast_in_dim3A_2445 = vector.broadcast %broadcast_in_dim3A_2444 : i32 to vector<16xi32>
    %add3A_2446 = arith.addi %broadcast_in_dim3A_2445, %iota3A : vector<16xi32>
    %get3A_2447 = arith.constant 2 : i32
    %get3A_2448 = arith.constant 0 : i32
    %get3A_2449 = tpu.memref_slice %arg8[%get3A_2447, %get3A_2448] : memref<4x128xi32, #tpu.memory_space<vmem>> -> memref<1x128xi32, #tpu.memory_space<vmem>>
    %get3A_2450 = tpu.memref_squeeze %get3A_2449 : memref<1x128xi32, #tpu.memory_space<vmem>> -> memref<128xi32, #tpu.memory_space<vmem>>
    %get3A_2451 = arith.constant 0 : index
    %get3A_2452 = tpu.vector_load %get3A_2450[%get3A_2451] {strides = array<i32>} : memref<128xi32, #tpu.memory_space<vmem>>, vector<16xi32>,
    %and3A_2453 = arith.constant 3 : i32
    %and3A_2454 = vector.broadcast %and3A_2453 : i32 to vector<16xi32>
    %and3A_2455 = arith.andi %get3A_2452, %and3A_2454 : vector<16xi32>
    %shift_left3A_2456 = arith.constant 5 : i32
    %shift_left3A_2457 = vector.broadcast %shift_left3A_2456 : i32 to vector<16xi32>
    %shift_left3A_2458 = arith.shli %and3A_2455, %shift_left3A_2457 : vector<16xi32>
    %get3A_2459 = arith.constant 2 : i32
    %get3A_2460 = arith.constant 0 : i32
    %get3A_2461 = tpu.memref_slice %arg9[%get3A_2459, %get3A_2460] : memref<4x128xi32, #tpu.memory_space<vmem>> -> memref<1x128xi32, #tpu.memory_space<vmem>>
    %get3A_2462 = tpu.memref_squeeze %get3A_2461 : memref<1x128xi32, #tpu.memory_space<vmem>> -> memref<128xi32, #tpu.memory_space<vmem>>
    %get3A_2463 = arith.constant 0 : index
    %get3A_2464 = tpu.vector_load %get3A_2462[%get3A_2463] {strides = array<i32>} : memref<128xi32, #tpu.memory_space<vmem>>, vector<16xi32>,
    %and3A_2465 = arith.constant 3 : i32
    %and3A_2466 = vector.broadcast %and3A_2465 : i32 to vector<16xi32>
    %and3A_2467 = arith.andi %get3A_2464, %and3A_2466 : vector<16xi32>
    %shift_left3A_2468 = arith.constant 5 : i32
    %shift_left3A_2469 = vector.broadcast %shift_left3A_2468 : i32 to vector<16xi32>
    %shift_left3A_2470 = arith.shli %and3A_2467, %shift_left3A_2469 : vector<16xi32>
    %get3A_2471 = arith.constant 2 : i32
    %get3A_2472 = arith.constant 0 : i32
    %get3A_2473 = tpu.memref_slice %arg10[%get3A_2471, %get3A_2472] : memref<4x128xi32, #tpu.memory_space<vmem>> -> memref<1x128xi32, #tpu.memory_space<vmem>>
    %get3A_2474 = tpu.memref_squeeze %get3A_2473 : memref<1x128xi32, #tpu.memory_space<vmem>> -> memref<128xi32, #tpu.memory_space<vmem>>
    %get3A_2475 = arith.constant 0 : index
    %get3A_2476 = tpu.vector_load %get3A_2474[%get3A_2475] {strides = array<i32>} : memref<128xi32, #tpu.memory_space<vmem>>, vector<16xi32>,
    %and3A_2477 = arith.constant 3 : i32
    %and3A_2478 = vector.broadcast %and3A_2477 : i32 to vector<16xi32>
    %and3A_2479 = arith.andi %get3A_2476, %and3A_2478 : vector<16xi32>
    %shift_left3A_2480 = arith.constant 5 : i32
    %shift_left3A_2481 = vector.broadcast %shift_left3A_2480 : i32 to vector<16xi32>
    %shift_left3A_2482 = arith.shli %and3A_2479, %shift_left3A_2481 : vector<16xi32>
    %gather3A_2483 = tpu.vector_load_idx %arg14[%add3A_2446, %shift_left3A_2458] : memref<128x128xf32, #tpu.memory_space<vmem>>[vector<16xi32>, vector<16xi32>], vector<16xf32>,
    %gather3A_2484 = tpu.vector_load_idx %arg16[%add3A_2446, %shift_left3A_2470] : memref<128x128xf32, #tpu.memory_space<vmem>>[vector<16xi32>, vector<16xi32>], vector<16xf32>,
    %gather3A_2485 = tpu.vector_load_idx %arg18[%add3A_2446, %shift_left3A_2482] : memref<128x128xf32, #tpu.memory_space<vmem>>[vector<16xi32>, vector<16xi32>], vector<16xf32>,
    %mul3A_2486 = arith.mulf %gather3A_2483, %gather3A_2484 : vector<16xf32>
    %mul3A_2487 = arith.mulf %gather3A_2483, %gather3A_2485 : vector<16xf32>
    %scan3A_2488 = arith.constant 1 : i32
    %scan3A_2489 = arith.constant 31 : i32
    %scan3A_2490 = arith.addi %scan3A_2488, %scan3A_2489 : i32
    %scan3A_2491 = arith.constant 1 : i32
    %scan3A_2492:2 = scf.for %scan3A_3333 = %scan3A_2488 to %scan3A_2490 step %scan3A_2491 iter_args(%scan3A_3334 = %mul3A_2486, %scan3A_3335 = %mul3A_2487) -> (vector<16xf32>, vector<16xf32>)  : i32 {
      %add3A_3336 = vector.broadcast %scan3A_3333 : i32 to vector<16xi32>
      %add3A_3337 = arith.addi %shift_left3A_2458, %add3A_3336 : vector<16xi32>
      %gather3A_3338 = tpu.vector_load_idx %arg14[%add3A_2446, %add3A_3337] : memref<128x128xf32, #tpu.memory_space<vmem>>[vector<16xi32>, vector<16xi32>], vector<16xf32>,
      %add3A_3339 = vector.broadcast %scan3A_3333 : i32 to vector<16xi32>
      %add3A_3340 = arith.addi %shift_left3A_2470, %add3A_3339 : vector<16xi32>
      %gather3A_3341 = tpu.vector_load_idx %arg16[%add3A_2446, %add3A_3340] : memref<128x128xf32, #tpu.memory_space<vmem>>[vector<16xi32>, vector<16xi32>], vector<16xf32>,
      %add3A_3342 = vector.broadcast %scan3A_3333 : i32 to vector<16xi32>
      %add3A_3343 = arith.addi %shift_left3A_2482, %add3A_3342 : vector<16xi32>
      %gather3A_3344 = tpu.vector_load_idx %arg18[%add3A_2446, %add3A_3343] : memref<128x128xf32, #tpu.memory_space<vmem>>[vector<16xi32>, vector<16xi32>], vector<16xf32>,
      %mul3A_3345 = arith.mulf %gather3A_3338, %gather3A_3341 : vector<16xf32>
      %sub3A = arith.subf %scan3A_3334, %mul3A_3345 : vector<16xf32>
      %mul3A_3346 = arith.mulf %gather3A_3338, %gather3A_3344 : vector<16xf32>
      %sub3A_3347 = arith.subf %scan3A_3335, %mul3A_3346 : vector<16xf32>
      scf.yield %sub3A, %sub3A_3347 : vector<16xf32>, vector<16xf32>
    }
    %scan3A_2493 = arith.constant 31 : i32
    %swap3A_2494 = arith.constant 256 : index
    %swap3A_2495 = tpu.vector_load %arg20[%swap3A_2494] {strides = array<i32>} : memref<512xf32, #tpu.memory_space<vmem>>, vector<16xf32>,
    tpu.vector_store %arg20[%swap3A_2494], %scan3A_2492#0 {strides = array<i32>} : memref<512xf32, #tpu.memory_space<vmem>>, vector<16xf32>,
    %swap3A_2496 = arith.constant 256 : index
    %swap3A_2497 = tpu.vector_load %arg21[%swap3A_2496] {strides = array<i32>} : memref<512xf32, #tpu.memory_space<vmem>>, vector<16xf32>,
    tpu.vector_store %arg21[%swap3A_2496], %scan3A_2492#1 {strides = array<i32>} : memref<512xf32, #tpu.memory_space<vmem>>, vector<16xf32>,
    %broadcast_in_dim3A_2498 = arith.constant 16 : i32
    %broadcast_in_dim3A_2499 = vector.broadcast %broadcast_in_dim3A_2498 : i32 to vector<16xi32>
    %add3A_2500 = arith.addi %broadcast_in_dim3A_2499, %iota3A : vector<16xi32>
    %get3A_2501 = arith.constant 2 : i32
    %get3A_2502 = arith.constant 0 : i32
    %get3A_2503 = tpu.memref_slice %arg8[%get3A_2501, %get3A_2502] : memref<4x128xi32, #tpu.memory_space<vmem>> -> memref<1x128xi32, #tpu.memory_space<vmem>>
    %get3A_2504 = tpu.memref_squeeze %get3A_2503 : memref<1x128xi32, #tpu.memory_space<vmem>> -> memref<128xi32, #tpu.memory_space<vmem>>
    %get3A_2505 = arith.constant 16 : index
    %get3A_2506 = tpu.vector_load %get3A_2504[%get3A_2505] {strides = array<i32>} : memref<128xi32, #tpu.memory_space<vmem>>, vector<16xi32>,
    %and3A_2507 = arith.constant 3 : i32
    %and3A_2508 = vector.broadcast %and3A_2507 : i32 to vector<16xi32>
    %and3A_2509 = arith.andi %get3A_2506, %and3A_2508 : vector<16xi32>
    %shift_left3A_2510 = arith.constant 5 : i32
    %shift_left3A_2511 = vector.broadcast %shift_left3A_2510 : i32 to vector<16xi32>
    %shift_left3A_2512 = arith.shli %and3A_2509, %shift_left3A_2511 : vector<16xi32>
    %get3A_2513 = arith.constant 2 : i32
    %get3A_2514 = arith.constant 0 : i32
    %get3A_2515 = tpu.memref_slice %arg9[%get3A_2513, %get3A_2514] : memref<4x128xi32, #tpu.memory_space<vmem>> -> memref<1x128xi32, #tpu.memory_space<vmem>>
    %get3A_2516 = tpu.memref_squeeze %get3A_2515 : memref<1x128xi32, #tpu.memory_space<vmem>> -> memref<128xi32, #tpu.memory_space<vmem>>
    %get3A_2517 = arith.constant 16 : index
    %get3A_2518 = tpu.vector_load %get3A_2516[%get3A_2517] {strides = array<i32>} : memref<128xi32, #tpu.memory_space<vmem>>, vector<16xi32>,
    %and3A_2519 = arith.constant 3 : i32
    %and3A_2520 = vector.broadcast %and3A_2519 : i32 to vector<16xi32>
    %and3A_2521 = arith.andi %get3A_2518, %and3A_2520 : vector<16xi32>
    %shift_left3A_2522 = arith.constant 5 : i32
    %shift_left3A_2523 = vector.broadcast %shift_left3A_2522 : i32 to vector<16xi32>
    %shift_left3A_2524 = arith.shli %and3A_2521, %shift_left3A_2523 : vector<16xi32>
    %get3A_2525 = arith.constant 2 : i32
    %get3A_2526 = arith.constant 0 : i32
    %get3A_2527 = tpu.memref_slice %arg10[%get3A_2525, %get3A_2526] : memref<4x128xi32, #tpu.memory_space<vmem>> -> memref<1x128xi32, #tpu.memory_space<vmem>>
    %get3A_2528 = tpu.memref_squeeze %get3A_2527 : memref<1x128xi32, #tpu.memory_space<vmem>> -> memref<128xi32, #tpu.memory_space<vmem>>
    %get3A_2529 = arith.constant 16 : index
    %get3A_2530 = tpu.vector_load %get3A_2528[%get3A_2529] {strides = array<i32>} : memref<128xi32, #tpu.memory_space<vmem>>, vector<16xi32>,
    %and3A_2531 = arith.constant 3 : i32
    %and3A_2532 = vector.broadcast %and3A_2531 : i32 to vector<16xi32>
    %and3A_2533 = arith.andi %get3A_2530, %and3A_2532 : vector<16xi32>
    %shift_left3A_2534 = arith.constant 5 : i32
    %shift_left3A_2535 = vector.broadcast %shift_left3A_2534 : i32 to vector<16xi32>
    %shift_left3A_2536 = arith.shli %and3A_2533, %shift_left3A_2535 : vector<16xi32>
    %gather3A_2537 = tpu.vector_load_idx %arg14[%add3A_2500, %shift_left3A_2512] : memref<128x128xf32, #tpu.memory_space<vmem>>[vector<16xi32>, vector<16xi32>], vector<16xf32>,
    %gather3A_2538 = tpu.vector_load_idx %arg16[%add3A_2500, %shift_left3A_2524] : memref<128x128xf32, #tpu.memory_space<vmem>>[vector<16xi32>, vector<16xi32>], vector<16xf32>,
    %gather3A_2539 = tpu.vector_load_idx %arg18[%add3A_2500, %shift_left3A_2536] : memref<128x128xf32, #tpu.memory_space<vmem>>[vector<16xi32>, vector<16xi32>], vector<16xf32>,
    %mul3A_2540 = arith.mulf %gather3A_2537, %gather3A_2538 : vector<16xf32>
    %mul3A_2541 = arith.mulf %gather3A_2537, %gather3A_2539 : vector<16xf32>
    %scan3A_2542 = arith.constant 1 : i32
    %scan3A_2543 = arith.constant 31 : i32
    %scan3A_2544 = arith.addi %scan3A_2542, %scan3A_2543 : i32
    %scan3A_2545 = arith.constant 1 : i32
    %scan3A_2546:2 = scf.for %scan3A_3333 = %scan3A_2542 to %scan3A_2544 step %scan3A_2545 iter_args(%scan3A_3334 = %mul3A_2540, %scan3A_3335 = %mul3A_2541) -> (vector<16xf32>, vector<16xf32>)  : i32 {
      %add3A_3336 = vector.broadcast %scan3A_3333 : i32 to vector<16xi32>
      %add3A_3337 = arith.addi %shift_left3A_2512, %add3A_3336 : vector<16xi32>
      %gather3A_3338 = tpu.vector_load_idx %arg14[%add3A_2500, %add3A_3337] : memref<128x128xf32, #tpu.memory_space<vmem>>[vector<16xi32>, vector<16xi32>], vector<16xf32>,
      %add3A_3339 = vector.broadcast %scan3A_3333 : i32 to vector<16xi32>
      %add3A_3340 = arith.addi %shift_left3A_2524, %add3A_3339 : vector<16xi32>
      %gather3A_3341 = tpu.vector_load_idx %arg16[%add3A_2500, %add3A_3340] : memref<128x128xf32, #tpu.memory_space<vmem>>[vector<16xi32>, vector<16xi32>], vector<16xf32>,
      %add3A_3342 = vector.broadcast %scan3A_3333 : i32 to vector<16xi32>
      %add3A_3343 = arith.addi %shift_left3A_2536, %add3A_3342 : vector<16xi32>
      %gather3A_3344 = tpu.vector_load_idx %arg18[%add3A_2500, %add3A_3343] : memref<128x128xf32, #tpu.memory_space<vmem>>[vector<16xi32>, vector<16xi32>], vector<16xf32>,
      %mul3A_3345 = arith.mulf %gather3A_3338, %gather3A_3341 : vector<16xf32>
      %sub3A = arith.subf %scan3A_3334, %mul3A_3345 : vector<16xf32>
      %mul3A_3346 = arith.mulf %gather3A_3338, %gather3A_3344 : vector<16xf32>
      %sub3A_3347 = arith.subf %scan3A_3335, %mul3A_3346 : vector<16xf32>
      scf.yield %sub3A, %sub3A_3347 : vector<16xf32>, vector<16xf32>
    }
    %scan3A_2547 = arith.constant 31 : i32
    %swap3A_2548 = arith.constant 272 : index
    %swap3A_2549 = tpu.vector_load %arg20[%swap3A_2548] {strides = array<i32>} : memref<512xf32, #tpu.memory_space<vmem>>, vector<16xf32>,
    tpu.vector_store %arg20[%swap3A_2548], %scan3A_2546#0 {strides = array<i32>} : memref<512xf32, #tpu.memory_space<vmem>>, vector<16xf32>,
    %swap3A_2550 = arith.constant 272 : index
    %swap3A_2551 = tpu.vector_load %arg21[%swap3A_2550] {strides = array<i32>} : memref<512xf32, #tpu.memory_space<vmem>>, vector<16xf32>,
    tpu.vector_store %arg21[%swap3A_2550], %scan3A_2546#1 {strides = array<i32>} : memref<512xf32, #tpu.memory_space<vmem>>, vector<16xf32>,
    %broadcast_in_dim3A_2552 = arith.constant 32 : i32
    %broadcast_in_dim3A_2553 = vector.broadcast %broadcast_in_dim3A_2552 : i32 to vector<16xi32>
    %add3A_2554 = arith.addi %broadcast_in_dim3A_2553, %iota3A : vector<16xi32>
    %get3A_2555 = arith.constant 2 : i32
    %get3A_2556 = arith.constant 0 : i32
    %get3A_2557 = tpu.memref_slice %arg8[%get3A_2555, %get3A_2556] : memref<4x128xi32, #tpu.memory_space<vmem>> -> memref<1x128xi32, #tpu.memory_space<vmem>>
    %get3A_2558 = tpu.memref_squeeze %get3A_2557 : memref<1x128xi32, #tpu.memory_space<vmem>> -> memref<128xi32, #tpu.memory_space<vmem>>
    %get3A_2559 = arith.constant 32 : index
    %get3A_2560 = tpu.vector_load %get3A_2558[%get3A_2559] {strides = array<i32>} : memref<128xi32, #tpu.memory_space<vmem>>, vector<16xi32>,
    %and3A_2561 = arith.constant 3 : i32
    %and3A_2562 = vector.broadcast %and3A_2561 : i32 to vector<16xi32>
    %and3A_2563 = arith.andi %get3A_2560, %and3A_2562 : vector<16xi32>
    %shift_left3A_2564 = arith.constant 5 : i32
    %shift_left3A_2565 = vector.broadcast %shift_left3A_2564 : i32 to vector<16xi32>
    %shift_left3A_2566 = arith.shli %and3A_2563, %shift_left3A_2565 : vector<16xi32>
    %get3A_2567 = arith.constant 2 : i32
    %get3A_2568 = arith.constant 0 : i32
    %get3A_2569 = tpu.memref_slice %arg9[%get3A_2567, %get3A_2568] : memref<4x128xi32, #tpu.memory_space<vmem>> -> memref<1x128xi32, #tpu.memory_space<vmem>>
    %get3A_2570 = tpu.memref_squeeze %get3A_2569 : memref<1x128xi32, #tpu.memory_space<vmem>> -> memref<128xi32, #tpu.memory_space<vmem>>
    %get3A_2571 = arith.constant 32 : index
    %get3A_2572 = tpu.vector_load %get3A_2570[%get3A_2571] {strides = array<i32>} : memref<128xi32, #tpu.memory_space<vmem>>, vector<16xi32>,
    %and3A_2573 = arith.constant 3 : i32
    %and3A_2574 = vector.broadcast %and3A_2573 : i32 to vector<16xi32>
    %and3A_2575 = arith.andi %get3A_2572, %and3A_2574 : vector<16xi32>
    %shift_left3A_2576 = arith.constant 5 : i32
    %shift_left3A_2577 = vector.broadcast %shift_left3A_2576 : i32 to vector<16xi32>
    %shift_left3A_2578 = arith.shli %and3A_2575, %shift_left3A_2577 : vector<16xi32>
    %get3A_2579 = arith.constant 2 : i32
    %get3A_2580 = arith.constant 0 : i32
    %get3A_2581 = tpu.memref_slice %arg10[%get3A_2579, %get3A_2580] : memref<4x128xi32, #tpu.memory_space<vmem>> -> memref<1x128xi32, #tpu.memory_space<vmem>>
    %get3A_2582 = tpu.memref_squeeze %get3A_2581 : memref<1x128xi32, #tpu.memory_space<vmem>> -> memref<128xi32, #tpu.memory_space<vmem>>
    %get3A_2583 = arith.constant 32 : index
    %get3A_2584 = tpu.vector_load %get3A_2582[%get3A_2583] {strides = array<i32>} : memref<128xi32, #tpu.memory_space<vmem>>, vector<16xi32>,
    %and3A_2585 = arith.constant 3 : i32
    %and3A_2586 = vector.broadcast %and3A_2585 : i32 to vector<16xi32>
    %and3A_2587 = arith.andi %get3A_2584, %and3A_2586 : vector<16xi32>
    %shift_left3A_2588 = arith.constant 5 : i32
    %shift_left3A_2589 = vector.broadcast %shift_left3A_2588 : i32 to vector<16xi32>
    %shift_left3A_2590 = arith.shli %and3A_2587, %shift_left3A_2589 : vector<16xi32>
    %gather3A_2591 = tpu.vector_load_idx %arg14[%add3A_2554, %shift_left3A_2566] : memref<128x128xf32, #tpu.memory_space<vmem>>[vector<16xi32>, vector<16xi32>], vector<16xf32>,
    %gather3A_2592 = tpu.vector_load_idx %arg16[%add3A_2554, %shift_left3A_2578] : memref<128x128xf32, #tpu.memory_space<vmem>>[vector<16xi32>, vector<16xi32>], vector<16xf32>,
    %gather3A_2593 = tpu.vector_load_idx %arg18[%add3A_2554, %shift_left3A_2590] : memref<128x128xf32, #tpu.memory_space<vmem>>[vector<16xi32>, vector<16xi32>], vector<16xf32>,
    %mul3A_2594 = arith.mulf %gather3A_2591, %gather3A_2592 : vector<16xf32>
    %mul3A_2595 = arith.mulf %gather3A_2591, %gather3A_2593 : vector<16xf32>
    %scan3A_2596 = arith.constant 1 : i32
    %scan3A_2597 = arith.constant 31 : i32
    %scan3A_2598 = arith.addi %scan3A_2596, %scan3A_2597 : i32
    %scan3A_2599 = arith.constant 1 : i32
    %scan3A_2600:2 = scf.for %scan3A_3333 = %scan3A_2596 to %scan3A_2598 step %scan3A_2599 iter_args(%scan3A_3334 = %mul3A_2594, %scan3A_3335 = %mul3A_2595) -> (vector<16xf32>, vector<16xf32>)  : i32 {
      %add3A_3336 = vector.broadcast %scan3A_3333 : i32 to vector<16xi32>
      %add3A_3337 = arith.addi %shift_left3A_2566, %add3A_3336 : vector<16xi32>
      %gather3A_3338 = tpu.vector_load_idx %arg14[%add3A_2554, %add3A_3337] : memref<128x128xf32, #tpu.memory_space<vmem>>[vector<16xi32>, vector<16xi32>], vector<16xf32>,
      %add3A_3339 = vector.broadcast %scan3A_3333 : i32 to vector<16xi32>
      %add3A_3340 = arith.addi %shift_left3A_2578, %add3A_3339 : vector<16xi32>
      %gather3A_3341 = tpu.vector_load_idx %arg16[%add3A_2554, %add3A_3340] : memref<128x128xf32, #tpu.memory_space<vmem>>[vector<16xi32>, vector<16xi32>], vector<16xf32>,
      %add3A_3342 = vector.broadcast %scan3A_3333 : i32 to vector<16xi32>
      %add3A_3343 = arith.addi %shift_left3A_2590, %add3A_3342 : vector<16xi32>
      %gather3A_3344 = tpu.vector_load_idx %arg18[%add3A_2554, %add3A_3343] : memref<128x128xf32, #tpu.memory_space<vmem>>[vector<16xi32>, vector<16xi32>], vector<16xf32>,
      %mul3A_3345 = arith.mulf %gather3A_3338, %gather3A_3341 : vector<16xf32>
      %sub3A = arith.subf %scan3A_3334, %mul3A_3345 : vector<16xf32>
      %mul3A_3346 = arith.mulf %gather3A_3338, %gather3A_3344 : vector<16xf32>
      %sub3A_3347 = arith.subf %scan3A_3335, %mul3A_3346 : vector<16xf32>
      scf.yield %sub3A, %sub3A_3347 : vector<16xf32>, vector<16xf32>
    }
    %scan3A_2601 = arith.constant 31 : i32
    %swap3A_2602 = arith.constant 288 : index
    %swap3A_2603 = tpu.vector_load %arg20[%swap3A_2602] {strides = array<i32>} : memref<512xf32, #tpu.memory_space<vmem>>, vector<16xf32>,
    tpu.vector_store %arg20[%swap3A_2602], %scan3A_2600#0 {strides = array<i32>} : memref<512xf32, #tpu.memory_space<vmem>>, vector<16xf32>,
    %swap3A_2604 = arith.constant 288 : index
    %swap3A_2605 = tpu.vector_load %arg21[%swap3A_2604] {strides = array<i32>} : memref<512xf32, #tpu.memory_space<vmem>>, vector<16xf32>,
    tpu.vector_store %arg21[%swap3A_2604], %scan3A_2600#1 {strides = array<i32>} : memref<512xf32, #tpu.memory_space<vmem>>, vector<16xf32>,
    %broadcast_in_dim3A_2606 = arith.constant 48 : i32
    %broadcast_in_dim3A_2607 = vector.broadcast %broadcast_in_dim3A_2606 : i32 to vector<16xi32>
    %add3A_2608 = arith.addi %broadcast_in_dim3A_2607, %iota3A : vector<16xi32>
    %get3A_2609 = arith.constant 2 : i32
    %get3A_2610 = arith.constant 0 : i32
    %get3A_2611 = tpu.memref_slice %arg8[%get3A_2609, %get3A_2610] : memref<4x128xi32, #tpu.memory_space<vmem>> -> memref<1x128xi32, #tpu.memory_space<vmem>>
    %get3A_2612 = tpu.memref_squeeze %get3A_2611 : memref<1x128xi32, #tpu.memory_space<vmem>> -> memref<128xi32, #tpu.memory_space<vmem>>
    %get3A_2613 = arith.constant 48 : index
    %get3A_2614 = tpu.vector_load %get3A_2612[%get3A_2613] {strides = array<i32>} : memref<128xi32, #tpu.memory_space<vmem>>, vector<16xi32>,
    %and3A_2615 = arith.constant 3 : i32
    %and3A_2616 = vector.broadcast %and3A_2615 : i32 to vector<16xi32>
    %and3A_2617 = arith.andi %get3A_2614, %and3A_2616 : vector<16xi32>
    %shift_left3A_2618 = arith.constant 5 : i32
    %shift_left3A_2619 = vector.broadcast %shift_left3A_2618 : i32 to vector<16xi32>
    %shift_left3A_2620 = arith.shli %and3A_2617, %shift_left3A_2619 : vector<16xi32>
    %get3A_2621 = arith.constant 2 : i32
    %get3A_2622 = arith.constant 0 : i32
    %get3A_2623 = tpu.memref_slice %arg9[%get3A_2621, %get3A_2622] : memref<4x128xi32, #tpu.memory_space<vmem>> -> memref<1x128xi32, #tpu.memory_space<vmem>>
    %get3A_2624 = tpu.memref_squeeze %get3A_2623 : memref<1x128xi32, #tpu.memory_space<vmem>> -> memref<128xi32, #tpu.memory_space<vmem>>
    %get3A_2625 = arith.constant 48 : index
    %get3A_2626 = tpu.vector_load %get3A_2624[%get3A_2625] {strides = array<i32>} : memref<128xi32, #tpu.memory_space<vmem>>, vector<16xi32>,
    %and3A_2627 = arith.constant 3 : i32
    %and3A_2628 = vector.broadcast %and3A_2627 : i32 to vector<16xi32>
    %and3A_2629 = arith.andi %get3A_2626, %and3A_2628 : vector<16xi32>
    %shift_left3A_2630 = arith.constant 5 : i32
    %shift_left3A_2631 = vector.broadcast %shift_left3A_2630 : i32 to vector<16xi32>
    %shift_left3A_2632 = arith.shli %and3A_2629, %shift_left3A_2631 : vector<16xi32>
    %get3A_2633 = arith.constant 2 : i32
    %get3A_2634 = arith.constant 0 : i32
    %get3A_2635 = tpu.memref_slice %arg10[%get3A_2633, %get3A_2634] : memref<4x128xi32, #tpu.memory_space<vmem>> -> memref<1x128xi32, #tpu.memory_space<vmem>>
    %get3A_2636 = tpu.memref_squeeze %get3A_2635 : memref<1x128xi32, #tpu.memory_space<vmem>> -> memref<128xi32, #tpu.memory_space<vmem>>
    %get3A_2637 = arith.constant 48 : index
    %get3A_2638 = tpu.vector_load %get3A_2636[%get3A_2637] {strides = array<i32>} : memref<128xi32, #tpu.memory_space<vmem>>, vector<16xi32>,
    %and3A_2639 = arith.constant 3 : i32
    %and3A_2640 = vector.broadcast %and3A_2639 : i32 to vector<16xi32>
    %and3A_2641 = arith.andi %get3A_2638, %and3A_2640 : vector<16xi32>
    %shift_left3A_2642 = arith.constant 5 : i32
    %shift_left3A_2643 = vector.broadcast %shift_left3A_2642 : i32 to vector<16xi32>
    %shift_left3A_2644 = arith.shli %and3A_2641, %shift_left3A_2643 : vector<16xi32>
    %gather3A_2645 = tpu.vector_load_idx %arg14[%add3A_2608, %shift_left3A_2620] : memref<128x128xf32, #tpu.memory_space<vmem>>[vector<16xi32>, vector<16xi32>], vector<16xf32>,
    %gather3A_2646 = tpu.vector_load_idx %arg16[%add3A_2608, %shift_left3A_2632] : memref<128x128xf32, #tpu.memory_space<vmem>>[vector<16xi32>, vector<16xi32>], vector<16xf32>,
    %gather3A_2647 = tpu.vector_load_idx %arg18[%add3A_2608, %shift_left3A_2644] : memref<128x128xf32, #tpu.memory_space<vmem>>[vector<16xi32>, vector<16xi32>], vector<16xf32>,
    %mul3A_2648 = arith.mulf %gather3A_2645, %gather3A_2646 : vector<16xf32>
    %mul3A_2649 = arith.mulf %gather3A_2645, %gather3A_2647 : vector<16xf32>
    %scan3A_2650 = arith.constant 1 : i32
    %scan3A_2651 = arith.constant 31 : i32
    %scan3A_2652 = arith.addi %scan3A_2650, %scan3A_2651 : i32
    %scan3A_2653 = arith.constant 1 : i32
    %scan3A_2654:2 = scf.for %scan3A_3333 = %scan3A_2650 to %scan3A_2652 step %scan3A_2653 iter_args(%scan3A_3334 = %mul3A_2648, %scan3A_3335 = %mul3A_2649) -> (vector<16xf32>, vector<16xf32>)  : i32 {
      %add3A_3336 = vector.broadcast %scan3A_3333 : i32 to vector<16xi32>
      %add3A_3337 = arith.addi %shift_left3A_2620, %add3A_3336 : vector<16xi32>
      %gather3A_3338 = tpu.vector_load_idx %arg14[%add3A_2608, %add3A_3337] : memref<128x128xf32, #tpu.memory_space<vmem>>[vector<16xi32>, vector<16xi32>], vector<16xf32>,
      %add3A_3339 = vector.broadcast %scan3A_3333 : i32 to vector<16xi32>
      %add3A_3340 = arith.addi %shift_left3A_2632, %add3A_3339 : vector<16xi32>
      %gather3A_3341 = tpu.vector_load_idx %arg16[%add3A_2608, %add3A_3340] : memref<128x128xf32, #tpu.memory_space<vmem>>[vector<16xi32>, vector<16xi32>], vector<16xf32>,
      %add3A_3342 = vector.broadcast %scan3A_3333 : i32 to vector<16xi32>
      %add3A_3343 = arith.addi %shift_left3A_2644, %add3A_3342 : vector<16xi32>
      %gather3A_3344 = tpu.vector_load_idx %arg18[%add3A_2608, %add3A_3343] : memref<128x128xf32, #tpu.memory_space<vmem>>[vector<16xi32>, vector<16xi32>], vector<16xf32>,
      %mul3A_3345 = arith.mulf %gather3A_3338, %gather3A_3341 : vector<16xf32>
      %sub3A = arith.subf %scan3A_3334, %mul3A_3345 : vector<16xf32>
      %mul3A_3346 = arith.mulf %gather3A_3338, %gather3A_3344 : vector<16xf32>
      %sub3A_3347 = arith.subf %scan3A_3335, %mul3A_3346 : vector<16xf32>
      scf.yield %sub3A, %sub3A_3347 : vector<16xf32>, vector<16xf32>
    }
    %scan3A_2655 = arith.constant 31 : i32
    %swap3A_2656 = arith.constant 304 : index
    %swap3A_2657 = tpu.vector_load %arg20[%swap3A_2656] {strides = array<i32>} : memref<512xf32, #tpu.memory_space<vmem>>, vector<16xf32>,
    tpu.vector_store %arg20[%swap3A_2656], %scan3A_2654#0 {strides = array<i32>} : memref<512xf32, #tpu.memory_space<vmem>>, vector<16xf32>,
    %swap3A_2658 = arith.constant 304 : index
    %swap3A_2659 = tpu.vector_load %arg21[%swap3A_2658] {strides = array<i32>} : memref<512xf32, #tpu.memory_space<vmem>>, vector<16xf32>,
    tpu.vector_store %arg21[%swap3A_2658], %scan3A_2654#1 {strides = array<i32>} : memref<512xf32, #tpu.memory_space<vmem>>, vector<16xf32>,
    %broadcast_in_dim3A_2660 = arith.constant 64 : i32
    %broadcast_in_dim3A_2661 = vector.broadcast %broadcast_in_dim3A_2660 : i32 to vector<16xi32>
    %add3A_2662 = arith.addi %broadcast_in_dim3A_2661, %iota3A : vector<16xi32>
    %get3A_2663 = arith.constant 2 : i32
    %get3A_2664 = arith.constant 0 : i32
    %get3A_2665 = tpu.memref_slice %arg8[%get3A_2663, %get3A_2664] : memref<4x128xi32, #tpu.memory_space<vmem>> -> memref<1x128xi32, #tpu.memory_space<vmem>>
    %get3A_2666 = tpu.memref_squeeze %get3A_2665 : memref<1x128xi32, #tpu.memory_space<vmem>> -> memref<128xi32, #tpu.memory_space<vmem>>
    %get3A_2667 = arith.constant 64 : index
    %get3A_2668 = tpu.vector_load %get3A_2666[%get3A_2667] {strides = array<i32>} : memref<128xi32, #tpu.memory_space<vmem>>, vector<16xi32>,
    %and3A_2669 = arith.constant 3 : i32
    %and3A_2670 = vector.broadcast %and3A_2669 : i32 to vector<16xi32>
    %and3A_2671 = arith.andi %get3A_2668, %and3A_2670 : vector<16xi32>
    %shift_left3A_2672 = arith.constant 5 : i32
    %shift_left3A_2673 = vector.broadcast %shift_left3A_2672 : i32 to vector<16xi32>
    %shift_left3A_2674 = arith.shli %and3A_2671, %shift_left3A_2673 : vector<16xi32>
    %get3A_2675 = arith.constant 2 : i32
    %get3A_2676 = arith.constant 0 : i32
    %get3A_2677 = tpu.memref_slice %arg9[%get3A_2675, %get3A_2676] : memref<4x128xi32, #tpu.memory_space<vmem>> -> memref<1x128xi32, #tpu.memory_space<vmem>>
    %get3A_2678 = tpu.memref_squeeze %get3A_2677 : memref<1x128xi32, #tpu.memory_space<vmem>> -> memref<128xi32, #tpu.memory_space<vmem>>
    %get3A_2679 = arith.constant 64 : index
    %get3A_2680 = tpu.vector_load %get3A_2678[%get3A_2679] {strides = array<i32>} : memref<128xi32, #tpu.memory_space<vmem>>, vector<16xi32>,
    %and3A_2681 = arith.constant 3 : i32
    %and3A_2682 = vector.broadcast %and3A_2681 : i32 to vector<16xi32>
    %and3A_2683 = arith.andi %get3A_2680, %and3A_2682 : vector<16xi32>
    %shift_left3A_2684 = arith.constant 5 : i32
    %shift_left3A_2685 = vector.broadcast %shift_left3A_2684 : i32 to vector<16xi32>
    %shift_left3A_2686 = arith.shli %and3A_2683, %shift_left3A_2685 : vector<16xi32>
    %get3A_2687 = arith.constant 2 : i32
    %get3A_2688 = arith.constant 0 : i32
    %get3A_2689 = tpu.memref_slice %arg10[%get3A_2687, %get3A_2688] : memref<4x128xi32, #tpu.memory_space<vmem>> -> memref<1x128xi32, #tpu.memory_space<vmem>>
    %get3A_2690 = tpu.memref_squeeze %get3A_2689 : memref<1x128xi32, #tpu.memory_space<vmem>> -> memref<128xi32, #tpu.memory_space<vmem>>
    %get3A_2691 = arith.constant 64 : index
    %get3A_2692 = tpu.vector_load %get3A_2690[%get3A_2691] {strides = array<i32>} : memref<128xi32, #tpu.memory_space<vmem>>, vector<16xi32>,
    %and3A_2693 = arith.constant 3 : i32
    %and3A_2694 = vector.broadcast %and3A_2693 : i32 to vector<16xi32>
    %and3A_2695 = arith.andi %get3A_2692, %and3A_2694 : vector<16xi32>
    %shift_left3A_2696 = arith.constant 5 : i32
    %shift_left3A_2697 = vector.broadcast %shift_left3A_2696 : i32 to vector<16xi32>
    %shift_left3A_2698 = arith.shli %and3A_2695, %shift_left3A_2697 : vector<16xi32>
    %gather3A_2699 = tpu.vector_load_idx %arg14[%add3A_2662, %shift_left3A_2674] : memref<128x128xf32, #tpu.memory_space<vmem>>[vector<16xi32>, vector<16xi32>], vector<16xf32>,
    %gather3A_2700 = tpu.vector_load_idx %arg16[%add3A_2662, %shift_left3A_2686] : memref<128x128xf32, #tpu.memory_space<vmem>>[vector<16xi32>, vector<16xi32>], vector<16xf32>,
    %gather3A_2701 = tpu.vector_load_idx %arg18[%add3A_2662, %shift_left3A_2698] : memref<128x128xf32, #tpu.memory_space<vmem>>[vector<16xi32>, vector<16xi32>], vector<16xf32>,
    %mul3A_2702 = arith.mulf %gather3A_2699, %gather3A_2700 : vector<16xf32>
    %mul3A_2703 = arith.mulf %gather3A_2699, %gather3A_2701 : vector<16xf32>
    %scan3A_2704 = arith.constant 1 : i32
    %scan3A_2705 = arith.constant 31 : i32
    %scan3A_2706 = arith.addi %scan3A_2704, %scan3A_2705 : i32
    %scan3A_2707 = arith.constant 1 : i32
    %scan3A_2708:2 = scf.for %scan3A_3333 = %scan3A_2704 to %scan3A_2706 step %scan3A_2707 iter_args(%scan3A_3334 = %mul3A_2702, %scan3A_3335 = %mul3A_2703) -> (vector<16xf32>, vector<16xf32>)  : i32 {
      %add3A_3336 = vector.broadcast %scan3A_3333 : i32 to vector<16xi32>
      %add3A_3337 = arith.addi %shift_left3A_2674, %add3A_3336 : vector<16xi32>
      %gather3A_3338 = tpu.vector_load_idx %arg14[%add3A_2662, %add3A_3337] : memref<128x128xf32, #tpu.memory_space<vmem>>[vector<16xi32>, vector<16xi32>], vector<16xf32>,
      %add3A_3339 = vector.broadcast %scan3A_3333 : i32 to vector<16xi32>
      %add3A_3340 = arith.addi %shift_left3A_2686, %add3A_3339 : vector<16xi32>
      %gather3A_3341 = tpu.vector_load_idx %arg16[%add3A_2662, %add3A_3340] : memref<128x128xf32, #tpu.memory_space<vmem>>[vector<16xi32>, vector<16xi32>], vector<16xf32>,
      %add3A_3342 = vector.broadcast %scan3A_3333 : i32 to vector<16xi32>
      %add3A_3343 = arith.addi %shift_left3A_2698, %add3A_3342 : vector<16xi32>
      %gather3A_3344 = tpu.vector_load_idx %arg18[%add3A_2662, %add3A_3343] : memref<128x128xf32, #tpu.memory_space<vmem>>[vector<16xi32>, vector<16xi32>], vector<16xf32>,
      %mul3A_3345 = arith.mulf %gather3A_3338, %gather3A_3341 : vector<16xf32>
      %sub3A = arith.subf %scan3A_3334, %mul3A_3345 : vector<16xf32>
      %mul3A_3346 = arith.mulf %gather3A_3338, %gather3A_3344 : vector<16xf32>
      %sub3A_3347 = arith.subf %scan3A_3335, %mul3A_3346 : vector<16xf32>
      scf.yield %sub3A, %sub3A_3347 : vector<16xf32>, vector<16xf32>
    }
    %scan3A_2709 = arith.constant 31 : i32
    %swap3A_2710 = arith.constant 320 : index
    %swap3A_2711 = tpu.vector_load %arg20[%swap3A_2710] {strides = array<i32>} : memref<512xf32, #tpu.memory_space<vmem>>, vector<16xf32>,
    tpu.vector_store %arg20[%swap3A_2710], %scan3A_2708#0 {strides = array<i32>} : memref<512xf32, #tpu.memory_space<vmem>>, vector<16xf32>,
    %swap3A_2712 = arith.constant 320 : index
    %swap3A_2713 = tpu.vector_load %arg21[%swap3A_2712] {strides = array<i32>} : memref<512xf32, #tpu.memory_space<vmem>>, vector<16xf32>,
    tpu.vector_store %arg21[%swap3A_2712], %scan3A_2708#1 {strides = array<i32>} : memref<512xf32, #tpu.memory_space<vmem>>, vector<16xf32>,
    %broadcast_in_dim3A_2714 = arith.constant 80 : i32
    %broadcast_in_dim3A_2715 = vector.broadcast %broadcast_in_dim3A_2714 : i32 to vector<16xi32>
    %add3A_2716 = arith.addi %broadcast_in_dim3A_2715, %iota3A : vector<16xi32>
    %get3A_2717 = arith.constant 2 : i32
    %get3A_2718 = arith.constant 0 : i32
    %get3A_2719 = tpu.memref_slice %arg8[%get3A_2717, %get3A_2718] : memref<4x128xi32, #tpu.memory_space<vmem>> -> memref<1x128xi32, #tpu.memory_space<vmem>>
    %get3A_2720 = tpu.memref_squeeze %get3A_2719 : memref<1x128xi32, #tpu.memory_space<vmem>> -> memref<128xi32, #tpu.memory_space<vmem>>
    %get3A_2721 = arith.constant 80 : index
    %get3A_2722 = tpu.vector_load %get3A_2720[%get3A_2721] {strides = array<i32>} : memref<128xi32, #tpu.memory_space<vmem>>, vector<16xi32>,
    %and3A_2723 = arith.constant 3 : i32
    %and3A_2724 = vector.broadcast %and3A_2723 : i32 to vector<16xi32>
    %and3A_2725 = arith.andi %get3A_2722, %and3A_2724 : vector<16xi32>
    %shift_left3A_2726 = arith.constant 5 : i32
    %shift_left3A_2727 = vector.broadcast %shift_left3A_2726 : i32 to vector<16xi32>
    %shift_left3A_2728 = arith.shli %and3A_2725, %shift_left3A_2727 : vector<16xi32>
    %get3A_2729 = arith.constant 2 : i32
    %get3A_2730 = arith.constant 0 : i32
    %get3A_2731 = tpu.memref_slice %arg9[%get3A_2729, %get3A_2730] : memref<4x128xi32, #tpu.memory_space<vmem>> -> memref<1x128xi32, #tpu.memory_space<vmem>>
    %get3A_2732 = tpu.memref_squeeze %get3A_2731 : memref<1x128xi32, #tpu.memory_space<vmem>> -> memref<128xi32, #tpu.memory_space<vmem>>
    %get3A_2733 = arith.constant 80 : index
    %get3A_2734 = tpu.vector_load %get3A_2732[%get3A_2733] {strides = array<i32>} : memref<128xi32, #tpu.memory_space<vmem>>, vector<16xi32>,
    %and3A_2735 = arith.constant 3 : i32
    %and3A_2736 = vector.broadcast %and3A_2735 : i32 to vector<16xi32>
    %and3A_2737 = arith.andi %get3A_2734, %and3A_2736 : vector<16xi32>
    %shift_left3A_2738 = arith.constant 5 : i32
    %shift_left3A_2739 = vector.broadcast %shift_left3A_2738 : i32 to vector<16xi32>
    %shift_left3A_2740 = arith.shli %and3A_2737, %shift_left3A_2739 : vector<16xi32>
    %get3A_2741 = arith.constant 2 : i32
    %get3A_2742 = arith.constant 0 : i32
    %get3A_2743 = tpu.memref_slice %arg10[%get3A_2741, %get3A_2742] : memref<4x128xi32, #tpu.memory_space<vmem>> -> memref<1x128xi32, #tpu.memory_space<vmem>>
    %get3A_2744 = tpu.memref_squeeze %get3A_2743 : memref<1x128xi32, #tpu.memory_space<vmem>> -> memref<128xi32, #tpu.memory_space<vmem>>
    %get3A_2745 = arith.constant 80 : index
    %get3A_2746 = tpu.vector_load %get3A_2744[%get3A_2745] {strides = array<i32>} : memref<128xi32, #tpu.memory_space<vmem>>, vector<16xi32>,
    %and3A_2747 = arith.constant 3 : i32
    %and3A_2748 = vector.broadcast %and3A_2747 : i32 to vector<16xi32>
    %and3A_2749 = arith.andi %get3A_2746, %and3A_2748 : vector<16xi32>
    %shift_left3A_2750 = arith.constant 5 : i32
    %shift_left3A_2751 = vector.broadcast %shift_left3A_2750 : i32 to vector<16xi32>
    %shift_left3A_2752 = arith.shli %and3A_2749, %shift_left3A_2751 : vector<16xi32>
    %gather3A_2753 = tpu.vector_load_idx %arg14[%add3A_2716, %shift_left3A_2728] : memref<128x128xf32, #tpu.memory_space<vmem>>[vector<16xi32>, vector<16xi32>], vector<16xf32>,
    %gather3A_2754 = tpu.vector_load_idx %arg16[%add3A_2716, %shift_left3A_2740] : memref<128x128xf32, #tpu.memory_space<vmem>>[vector<16xi32>, vector<16xi32>], vector<16xf32>,
    %gather3A_2755 = tpu.vector_load_idx %arg18[%add3A_2716, %shift_left3A_2752] : memref<128x128xf32, #tpu.memory_space<vmem>>[vector<16xi32>, vector<16xi32>], vector<16xf32>,
    %mul3A_2756 = arith.mulf %gather3A_2753, %gather3A_2754 : vector<16xf32>
    %mul3A_2757 = arith.mulf %gather3A_2753, %gather3A_2755 : vector<16xf32>
    %scan3A_2758 = arith.constant 1 : i32
    %scan3A_2759 = arith.constant 31 : i32
    %scan3A_2760 = arith.addi %scan3A_2758, %scan3A_2759 : i32
    %scan3A_2761 = arith.constant 1 : i32
    %scan3A_2762:2 = scf.for %scan3A_3333 = %scan3A_2758 to %scan3A_2760 step %scan3A_2761 iter_args(%scan3A_3334 = %mul3A_2756, %scan3A_3335 = %mul3A_2757) -> (vector<16xf32>, vector<16xf32>)  : i32 {
      %add3A_3336 = vector.broadcast %scan3A_3333 : i32 to vector<16xi32>
      %add3A_3337 = arith.addi %shift_left3A_2728, %add3A_3336 : vector<16xi32>
      %gather3A_3338 = tpu.vector_load_idx %arg14[%add3A_2716, %add3A_3337] : memref<128x128xf32, #tpu.memory_space<vmem>>[vector<16xi32>, vector<16xi32>], vector<16xf32>,
      %add3A_3339 = vector.broadcast %scan3A_3333 : i32 to vector<16xi32>
      %add3A_3340 = arith.addi %shift_left3A_2740, %add3A_3339 : vector<16xi32>
      %gather3A_3341 = tpu.vector_load_idx %arg16[%add3A_2716, %add3A_3340] : memref<128x128xf32, #tpu.memory_space<vmem>>[vector<16xi32>, vector<16xi32>], vector<16xf32>,
      %add3A_3342 = vector.broadcast %scan3A_3333 : i32 to vector<16xi32>
      %add3A_3343 = arith.addi %shift_left3A_2752, %add3A_3342 : vector<16xi32>
      %gather3A_3344 = tpu.vector_load_idx %arg18[%add3A_2716, %add3A_3343] : memref<128x128xf32, #tpu.memory_space<vmem>>[vector<16xi32>, vector<16xi32>], vector<16xf32>,
      %mul3A_3345 = arith.mulf %gather3A_3338, %gather3A_3341 : vector<16xf32>
      %sub3A = arith.subf %scan3A_3334, %mul3A_3345 : vector<16xf32>
      %mul3A_3346 = arith.mulf %gather3A_3338, %gather3A_3344 : vector<16xf32>
      %sub3A_3347 = arith.subf %scan3A_3335, %mul3A_3346 : vector<16xf32>
      scf.yield %sub3A, %sub3A_3347 : vector<16xf32>, vector<16xf32>
    }
    %scan3A_2763 = arith.constant 31 : i32
    %swap3A_2764 = arith.constant 336 : index
    %swap3A_2765 = tpu.vector_load %arg20[%swap3A_2764] {strides = array<i32>} : memref<512xf32, #tpu.memory_space<vmem>>, vector<16xf32>,
    tpu.vector_store %arg20[%swap3A_2764], %scan3A_2762#0 {strides = array<i32>} : memref<512xf32, #tpu.memory_space<vmem>>, vector<16xf32>,
    %swap3A_2766 = arith.constant 336 : index
    %swap3A_2767 = tpu.vector_load %arg21[%swap3A_2766] {strides = array<i32>} : memref<512xf32, #tpu.memory_space<vmem>>, vector<16xf32>,
    tpu.vector_store %arg21[%swap3A_2766], %scan3A_2762#1 {strides = array<i32>} : memref<512xf32, #tpu.memory_space<vmem>>, vector<16xf32>,
    %broadcast_in_dim3A_2768 = arith.constant 96 : i32
    %broadcast_in_dim3A_2769 = vector.broadcast %broadcast_in_dim3A_2768 : i32 to vector<16xi32>
    %add3A_2770 = arith.addi %broadcast_in_dim3A_2769, %iota3A : vector<16xi32>
    %get3A_2771 = arith.constant 2 : i32
    %get3A_2772 = arith.constant 0 : i32
    %get3A_2773 = tpu.memref_slice %arg8[%get3A_2771, %get3A_2772] : memref<4x128xi32, #tpu.memory_space<vmem>> -> memref<1x128xi32, #tpu.memory_space<vmem>>
    %get3A_2774 = tpu.memref_squeeze %get3A_2773 : memref<1x128xi32, #tpu.memory_space<vmem>> -> memref<128xi32, #tpu.memory_space<vmem>>
    %get3A_2775 = arith.constant 96 : index
    %get3A_2776 = tpu.vector_load %get3A_2774[%get3A_2775] {strides = array<i32>} : memref<128xi32, #tpu.memory_space<vmem>>, vector<16xi32>,
    %and3A_2777 = arith.constant 3 : i32
    %and3A_2778 = vector.broadcast %and3A_2777 : i32 to vector<16xi32>
    %and3A_2779 = arith.andi %get3A_2776, %and3A_2778 : vector<16xi32>
    %shift_left3A_2780 = arith.constant 5 : i32
    %shift_left3A_2781 = vector.broadcast %shift_left3A_2780 : i32 to vector<16xi32>
    %shift_left3A_2782 = arith.shli %and3A_2779, %shift_left3A_2781 : vector<16xi32>
    %get3A_2783 = arith.constant 2 : i32
    %get3A_2784 = arith.constant 0 : i32
    %get3A_2785 = tpu.memref_slice %arg9[%get3A_2783, %get3A_2784] : memref<4x128xi32, #tpu.memory_space<vmem>> -> memref<1x128xi32, #tpu.memory_space<vmem>>
    %get3A_2786 = tpu.memref_squeeze %get3A_2785 : memref<1x128xi32, #tpu.memory_space<vmem>> -> memref<128xi32, #tpu.memory_space<vmem>>
    %get3A_2787 = arith.constant 96 : index
    %get3A_2788 = tpu.vector_load %get3A_2786[%get3A_2787] {strides = array<i32>} : memref<128xi32, #tpu.memory_space<vmem>>, vector<16xi32>,
    %and3A_2789 = arith.constant 3 : i32
    %and3A_2790 = vector.broadcast %and3A_2789 : i32 to vector<16xi32>
    %and3A_2791 = arith.andi %get3A_2788, %and3A_2790 : vector<16xi32>
    %shift_left3A_2792 = arith.constant 5 : i32
    %shift_left3A_2793 = vector.broadcast %shift_left3A_2792 : i32 to vector<16xi32>
    %shift_left3A_2794 = arith.shli %and3A_2791, %shift_left3A_2793 : vector<16xi32>
    %get3A_2795 = arith.constant 2 : i32
    %get3A_2796 = arith.constant 0 : i32
    %get3A_2797 = tpu.memref_slice %arg10[%get3A_2795, %get3A_2796] : memref<4x128xi32, #tpu.memory_space<vmem>> -> memref<1x128xi32, #tpu.memory_space<vmem>>
    %get3A_2798 = tpu.memref_squeeze %get3A_2797 : memref<1x128xi32, #tpu.memory_space<vmem>> -> memref<128xi32, #tpu.memory_space<vmem>>
    %get3A_2799 = arith.constant 96 : index
    %get3A_2800 = tpu.vector_load %get3A_2798[%get3A_2799] {strides = array<i32>} : memref<128xi32, #tpu.memory_space<vmem>>, vector<16xi32>,
    %and3A_2801 = arith.constant 3 : i32
    %and3A_2802 = vector.broadcast %and3A_2801 : i32 to vector<16xi32>
    %and3A_2803 = arith.andi %get3A_2800, %and3A_2802 : vector<16xi32>
    %shift_left3A_2804 = arith.constant 5 : i32
    %shift_left3A_2805 = vector.broadcast %shift_left3A_2804 : i32 to vector<16xi32>
    %shift_left3A_2806 = arith.shli %and3A_2803, %shift_left3A_2805 : vector<16xi32>
    %gather3A_2807 = tpu.vector_load_idx %arg14[%add3A_2770, %shift_left3A_2782] : memref<128x128xf32, #tpu.memory_space<vmem>>[vector<16xi32>, vector<16xi32>], vector<16xf32>,
    %gather3A_2808 = tpu.vector_load_idx %arg16[%add3A_2770, %shift_left3A_2794] : memref<128x128xf32, #tpu.memory_space<vmem>>[vector<16xi32>, vector<16xi32>], vector<16xf32>,
    %gather3A_2809 = tpu.vector_load_idx %arg18[%add3A_2770, %shift_left3A_2806] : memref<128x128xf32, #tpu.memory_space<vmem>>[vector<16xi32>, vector<16xi32>], vector<16xf32>,
    %mul3A_2810 = arith.mulf %gather3A_2807, %gather3A_2808 : vector<16xf32>
    %mul3A_2811 = arith.mulf %gather3A_2807, %gather3A_2809 : vector<16xf32>
    %scan3A_2812 = arith.constant 1 : i32
    %scan3A_2813 = arith.constant 31 : i32
    %scan3A_2814 = arith.addi %scan3A_2812, %scan3A_2813 : i32
    %scan3A_2815 = arith.constant 1 : i32
    %scan3A_2816:2 = scf.for %scan3A_3333 = %scan3A_2812 to %scan3A_2814 step %scan3A_2815 iter_args(%scan3A_3334 = %mul3A_2810, %scan3A_3335 = %mul3A_2811) -> (vector<16xf32>, vector<16xf32>)  : i32 {
      %add3A_3336 = vector.broadcast %scan3A_3333 : i32 to vector<16xi32>
      %add3A_3337 = arith.addi %shift_left3A_2782, %add3A_3336 : vector<16xi32>
      %gather3A_3338 = tpu.vector_load_idx %arg14[%add3A_2770, %add3A_3337] : memref<128x128xf32, #tpu.memory_space<vmem>>[vector<16xi32>, vector<16xi32>], vector<16xf32>,
      %add3A_3339 = vector.broadcast %scan3A_3333 : i32 to vector<16xi32>
      %add3A_3340 = arith.addi %shift_left3A_2794, %add3A_3339 : vector<16xi32>
      %gather3A_3341 = tpu.vector_load_idx %arg16[%add3A_2770, %add3A_3340] : memref<128x128xf32, #tpu.memory_space<vmem>>[vector<16xi32>, vector<16xi32>], vector<16xf32>,
      %add3A_3342 = vector.broadcast %scan3A_3333 : i32 to vector<16xi32>
      %add3A_3343 = arith.addi %shift_left3A_2806, %add3A_3342 : vector<16xi32>
      %gather3A_3344 = tpu.vector_load_idx %arg18[%add3A_2770, %add3A_3343] : memref<128x128xf32, #tpu.memory_space<vmem>>[vector<16xi32>, vector<16xi32>], vector<16xf32>,
      %mul3A_3345 = arith.mulf %gather3A_3338, %gather3A_3341 : vector<16xf32>
      %sub3A = arith.subf %scan3A_3334, %mul3A_3345 : vector<16xf32>
      %mul3A_3346 = arith.mulf %gather3A_3338, %gather3A_3344 : vector<16xf32>
      %sub3A_3347 = arith.subf %scan3A_3335, %mul3A_3346 : vector<16xf32>
      scf.yield %sub3A, %sub3A_3347 : vector<16xf32>, vector<16xf32>
    }
    %scan3A_2817 = arith.constant 31 : i32
    %swap3A_2818 = arith.constant 352 : index
    %swap3A_2819 = tpu.vector_load %arg20[%swap3A_2818] {strides = array<i32>} : memref<512xf32, #tpu.memory_space<vmem>>, vector<16xf32>,
    tpu.vector_store %arg20[%swap3A_2818], %scan3A_2816#0 {strides = array<i32>} : memref<512xf32, #tpu.memory_space<vmem>>, vector<16xf32>,
    %swap3A_2820 = arith.constant 352 : index
    %swap3A_2821 = tpu.vector_load %arg21[%swap3A_2820] {strides = array<i32>} : memref<512xf32, #tpu.memory_space<vmem>>, vector<16xf32>,
    tpu.vector_store %arg21[%swap3A_2820], %scan3A_2816#1 {strides = array<i32>} : memref<512xf32, #tpu.memory_space<vmem>>, vector<16xf32>,
    %broadcast_in_dim3A_2822 = arith.constant 112 : i32
    %broadcast_in_dim3A_2823 = vector.broadcast %broadcast_in_dim3A_2822 : i32 to vector<16xi32>
    %add3A_2824 = arith.addi %broadcast_in_dim3A_2823, %iota3A : vector<16xi32>
    %get3A_2825 = arith.constant 2 : i32
    %get3A_2826 = arith.constant 0 : i32
    %get3A_2827 = tpu.memref_slice %arg8[%get3A_2825, %get3A_2826] : memref<4x128xi32, #tpu.memory_space<vmem>> -> memref<1x128xi32, #tpu.memory_space<vmem>>
    %get3A_2828 = tpu.memref_squeeze %get3A_2827 : memref<1x128xi32, #tpu.memory_space<vmem>> -> memref<128xi32, #tpu.memory_space<vmem>>
    %get3A_2829 = arith.constant 112 : index
    %get3A_2830 = tpu.vector_load %get3A_2828[%get3A_2829] {strides = array<i32>} : memref<128xi32, #tpu.memory_space<vmem>>, vector<16xi32>,
    %and3A_2831 = arith.constant 3 : i32
    %and3A_2832 = vector.broadcast %and3A_2831 : i32 to vector<16xi32>
    %and3A_2833 = arith.andi %get3A_2830, %and3A_2832 : vector<16xi32>
    %shift_left3A_2834 = arith.constant 5 : i32
    %shift_left3A_2835 = vector.broadcast %shift_left3A_2834 : i32 to vector<16xi32>
    %shift_left3A_2836 = arith.shli %and3A_2833, %shift_left3A_2835 : vector<16xi32>
    %get3A_2837 = arith.constant 2 : i32
    %get3A_2838 = arith.constant 0 : i32
    %get3A_2839 = tpu.memref_slice %arg9[%get3A_2837, %get3A_2838] : memref<4x128xi32, #tpu.memory_space<vmem>> -> memref<1x128xi32, #tpu.memory_space<vmem>>
    %get3A_2840 = tpu.memref_squeeze %get3A_2839 : memref<1x128xi32, #tpu.memory_space<vmem>> -> memref<128xi32, #tpu.memory_space<vmem>>
    %get3A_2841 = arith.constant 112 : index
    %get3A_2842 = tpu.vector_load %get3A_2840[%get3A_2841] {strides = array<i32>} : memref<128xi32, #tpu.memory_space<vmem>>, vector<16xi32>,
    %and3A_2843 = arith.constant 3 : i32
    %and3A_2844 = vector.broadcast %and3A_2843 : i32 to vector<16xi32>
    %and3A_2845 = arith.andi %get3A_2842, %and3A_2844 : vector<16xi32>
    %shift_left3A_2846 = arith.constant 5 : i32
    %shift_left3A_2847 = vector.broadcast %shift_left3A_2846 : i32 to vector<16xi32>
    %shift_left3A_2848 = arith.shli %and3A_2845, %shift_left3A_2847 : vector<16xi32>
    %get3A_2849 = arith.constant 2 : i32
    %get3A_2850 = arith.constant 0 : i32
    %get3A_2851 = tpu.memref_slice %arg10[%get3A_2849, %get3A_2850] : memref<4x128xi32, #tpu.memory_space<vmem>> -> memref<1x128xi32, #tpu.memory_space<vmem>>
    %get3A_2852 = tpu.memref_squeeze %get3A_2851 : memref<1x128xi32, #tpu.memory_space<vmem>> -> memref<128xi32, #tpu.memory_space<vmem>>
    %get3A_2853 = arith.constant 112 : index
    %get3A_2854 = tpu.vector_load %get3A_2852[%get3A_2853] {strides = array<i32>} : memref<128xi32, #tpu.memory_space<vmem>>, vector<16xi32>,
    %and3A_2855 = arith.constant 3 : i32
    %and3A_2856 = vector.broadcast %and3A_2855 : i32 to vector<16xi32>
    %and3A_2857 = arith.andi %get3A_2854, %and3A_2856 : vector<16xi32>
    %shift_left3A_2858 = arith.constant 5 : i32
    %shift_left3A_2859 = vector.broadcast %shift_left3A_2858 : i32 to vector<16xi32>
    %shift_left3A_2860 = arith.shli %and3A_2857, %shift_left3A_2859 : vector<16xi32>
    %gather3A_2861 = tpu.vector_load_idx %arg14[%add3A_2824, %shift_left3A_2836] : memref<128x128xf32, #tpu.memory_space<vmem>>[vector<16xi32>, vector<16xi32>], vector<16xf32>,
    %gather3A_2862 = tpu.vector_load_idx %arg16[%add3A_2824, %shift_left3A_2848] : memref<128x128xf32, #tpu.memory_space<vmem>>[vector<16xi32>, vector<16xi32>], vector<16xf32>,
    %gather3A_2863 = tpu.vector_load_idx %arg18[%add3A_2824, %shift_left3A_2860] : memref<128x128xf32, #tpu.memory_space<vmem>>[vector<16xi32>, vector<16xi32>], vector<16xf32>,
    %mul3A_2864 = arith.mulf %gather3A_2861, %gather3A_2862 : vector<16xf32>
    %mul3A_2865 = arith.mulf %gather3A_2861, %gather3A_2863 : vector<16xf32>
    %scan3A_2866 = arith.constant 1 : i32
    %scan3A_2867 = arith.constant 31 : i32
    %scan3A_2868 = arith.addi %scan3A_2866, %scan3A_2867 : i32
    %scan3A_2869 = arith.constant 1 : i32
    %scan3A_2870:2 = scf.for %scan3A_3333 = %scan3A_2866 to %scan3A_2868 step %scan3A_2869 iter_args(%scan3A_3334 = %mul3A_2864, %scan3A_3335 = %mul3A_2865) -> (vector<16xf32>, vector<16xf32>)  : i32 {
      %add3A_3336 = vector.broadcast %scan3A_3333 : i32 to vector<16xi32>
      %add3A_3337 = arith.addi %shift_left3A_2836, %add3A_3336 : vector<16xi32>
      %gather3A_3338 = tpu.vector_load_idx %arg14[%add3A_2824, %add3A_3337] : memref<128x128xf32, #tpu.memory_space<vmem>>[vector<16xi32>, vector<16xi32>], vector<16xf32>,
      %add3A_3339 = vector.broadcast %scan3A_3333 : i32 to vector<16xi32>
      %add3A_3340 = arith.addi %shift_left3A_2848, %add3A_3339 : vector<16xi32>
      %gather3A_3341 = tpu.vector_load_idx %arg16[%add3A_2824, %add3A_3340] : memref<128x128xf32, #tpu.memory_space<vmem>>[vector<16xi32>, vector<16xi32>], vector<16xf32>,
      %add3A_3342 = vector.broadcast %scan3A_3333 : i32 to vector<16xi32>
      %add3A_3343 = arith.addi %shift_left3A_2860, %add3A_3342 : vector<16xi32>
      %gather3A_3344 = tpu.vector_load_idx %arg18[%add3A_2824, %add3A_3343] : memref<128x128xf32, #tpu.memory_space<vmem>>[vector<16xi32>, vector<16xi32>], vector<16xf32>,
      %mul3A_3345 = arith.mulf %gather3A_3338, %gather3A_3341 : vector<16xf32>
      %sub3A = arith.subf %scan3A_3334, %mul3A_3345 : vector<16xf32>
      %mul3A_3346 = arith.mulf %gather3A_3338, %gather3A_3344 : vector<16xf32>
      %sub3A_3347 = arith.subf %scan3A_3335, %mul3A_3346 : vector<16xf32>
      scf.yield %sub3A, %sub3A_3347 : vector<16xf32>, vector<16xf32>
    }
    %scan3A_2871 = arith.constant 31 : i32
    %swap3A_2872 = arith.constant 368 : index
    %swap3A_2873 = tpu.vector_load %arg20[%swap3A_2872] {strides = array<i32>} : memref<512xf32, #tpu.memory_space<vmem>>, vector<16xf32>,
    tpu.vector_store %arg20[%swap3A_2872], %scan3A_2870#0 {strides = array<i32>} : memref<512xf32, #tpu.memory_space<vmem>>, vector<16xf32>,
    %swap3A_2874 = arith.constant 368 : index
    %swap3A_2875 = tpu.vector_load %arg21[%swap3A_2874] {strides = array<i32>} : memref<512xf32, #tpu.memory_space<vmem>>, vector<16xf32>,
    tpu.vector_store %arg21[%swap3A_2874], %scan3A_2870#1 {strides = array<i32>} : memref<512xf32, #tpu.memory_space<vmem>>, vector<16xf32>,
    %dma_wait3A_2876 = arith.constant 3 : i32
    %dma_wait3A_2877 = arith.constant 0 : i32
    %dma_wait3A_2878 = tpu.memref_slice %arg11[%dma_wait3A_2876, %dma_wait3A_2877] : memref<4x128xi32, #tpu.memory_space<vmem>> -> memref<1x128xi32, #tpu.memory_space<vmem>>
    %dma_wait3A_2879 = tpu.memref_squeeze %dma_wait3A_2878 : memref<1x128xi32, #tpu.memory_space<vmem>> -> memref<128xi32, #tpu.memory_space<vmem>>
    %dma_wait3A_2880 = arith.constant 0 : i32
    %dma_wait3A_2881 = arith.constant 0 : i32
    %dma_wait3A_2882 = tpu.memref_slice %arg2[%dma_wait3A_2880, %dma_wait3A_2881] : memref<250000x128xf32, #tpu.memory_space<hbm>> -> memref<250000x128xf32, #tpu.memory_space<hbm>>
    tpu.wait_indirect_dma semaphore(%arg22 : memref<!tpu.dma_semaphore, #tpu.memory_space<semaphore_mem>>) src(%dma_wait3A_2882 : memref<250000x128xf32, #tpu.memory_space<hbm>>) dst(%arg15 : memref<128x128xf32, #tpu.memory_space<vmem>>)
    %dma_wait3A_2883 = arith.constant 3 : i32
    %dma_wait3A_2884 = arith.constant 0 : i32
    %dma_wait3A_2885 = tpu.memref_slice %arg12[%dma_wait3A_2883, %dma_wait3A_2884] : memref<4x128xi32, #tpu.memory_space<vmem>> -> memref<1x128xi32, #tpu.memory_space<vmem>>
    %dma_wait3A_2886 = tpu.memref_squeeze %dma_wait3A_2885 : memref<1x128xi32, #tpu.memory_space<vmem>> -> memref<128xi32, #tpu.memory_space<vmem>>
    %dma_wait3A_2887 = arith.constant 0 : i32
    %dma_wait3A_2888 = arith.constant 0 : i32
    %dma_wait3A_2889 = tpu.memref_slice %arg2[%dma_wait3A_2887, %dma_wait3A_2888] : memref<250000x128xf32, #tpu.memory_space<hbm>> -> memref<250000x128xf32, #tpu.memory_space<hbm>>
    tpu.wait_indirect_dma semaphore(%arg22 : memref<!tpu.dma_semaphore, #tpu.memory_space<semaphore_mem>>) src(%dma_wait3A_2889 : memref<250000x128xf32, #tpu.memory_space<hbm>>) dst(%arg17 : memref<128x128xf32, #tpu.memory_space<vmem>>)
    %dma_wait3A_2890 = arith.constant 3 : i32
    %dma_wait3A_2891 = arith.constant 0 : i32
    %dma_wait3A_2892 = tpu.memref_slice %arg13[%dma_wait3A_2890, %dma_wait3A_2891] : memref<4x128xi32, #tpu.memory_space<vmem>> -> memref<1x128xi32, #tpu.memory_space<vmem>>
    %dma_wait3A_2893 = tpu.memref_squeeze %dma_wait3A_2892 : memref<1x128xi32, #tpu.memory_space<vmem>> -> memref<128xi32, #tpu.memory_space<vmem>>
    %dma_wait3A_2894 = arith.constant 0 : i32
    %dma_wait3A_2895 = arith.constant 0 : i32
    %dma_wait3A_2896 = tpu.memref_slice %arg2[%dma_wait3A_2894, %dma_wait3A_2895] : memref<250000x128xf32, #tpu.memory_space<hbm>> -> memref<250000x128xf32, #tpu.memory_space<hbm>>
    tpu.wait_indirect_dma semaphore(%arg22 : memref<!tpu.dma_semaphore, #tpu.memory_space<semaphore_mem>>) src(%dma_wait3A_2896 : memref<250000x128xf32, #tpu.memory_space<hbm>>) dst(%arg19 : memref<128x128xf32, #tpu.memory_space<vmem>>)
    %broadcast_in_dim3A_2897 = arith.constant 0 : i32
    %broadcast_in_dim3A_2898 = vector.broadcast %broadcast_in_dim3A_2897 : i32 to vector<16xi32>
    %add3A_2899 = arith.addi %broadcast_in_dim3A_2898, %iota3A : vector<16xi32>
    %get3A_2900 = arith.constant 3 : i32
    %get3A_2901 = arith.constant 0 : i32
    %get3A_2902 = tpu.memref_slice %arg8[%get3A_2900, %get3A_2901] : memref<4x128xi32, #tpu.memory_space<vmem>> -> memref<1x128xi32, #tpu.memory_space<vmem>>
    %get3A_2903 = tpu.memref_squeeze %get3A_2902 : memref<1x128xi32, #tpu.memory_space<vmem>> -> memref<128xi32, #tpu.memory_space<vmem>>
    %get3A_2904 = arith.constant 0 : index
    %get3A_2905 = tpu.vector_load %get3A_2903[%get3A_2904] {strides = array<i32>} : memref<128xi32, #tpu.memory_space<vmem>>, vector<16xi32>,
    %and3A_2906 = arith.constant 3 : i32
    %and3A_2907 = vector.broadcast %and3A_2906 : i32 to vector<16xi32>
    %and3A_2908 = arith.andi %get3A_2905, %and3A_2907 : vector<16xi32>
    %shift_left3A_2909 = arith.constant 5 : i32
    %shift_left3A_2910 = vector.broadcast %shift_left3A_2909 : i32 to vector<16xi32>
    %shift_left3A_2911 = arith.shli %and3A_2908, %shift_left3A_2910 : vector<16xi32>
    %get3A_2912 = arith.constant 3 : i32
    %get3A_2913 = arith.constant 0 : i32
    %get3A_2914 = tpu.memref_slice %arg9[%get3A_2912, %get3A_2913] : memref<4x128xi32, #tpu.memory_space<vmem>> -> memref<1x128xi32, #tpu.memory_space<vmem>>
    %get3A_2915 = tpu.memref_squeeze %get3A_2914 : memref<1x128xi32, #tpu.memory_space<vmem>> -> memref<128xi32, #tpu.memory_space<vmem>>
    %get3A_2916 = arith.constant 0 : index
    %get3A_2917 = tpu.vector_load %get3A_2915[%get3A_2916] {strides = array<i32>} : memref<128xi32, #tpu.memory_space<vmem>>, vector<16xi32>,
    %and3A_2918 = arith.constant 3 : i32
    %and3A_2919 = vector.broadcast %and3A_2918 : i32 to vector<16xi32>
    %and3A_2920 = arith.andi %get3A_2917, %and3A_2919 : vector<16xi32>
    %shift_left3A_2921 = arith.constant 5 : i32
    %shift_left3A_2922 = vector.broadcast %shift_left3A_2921 : i32 to vector<16xi32>
    %shift_left3A_2923 = arith.shli %and3A_2920, %shift_left3A_2922 : vector<16xi32>
    %get3A_2924 = arith.constant 3 : i32
    %get3A_2925 = arith.constant 0 : i32
    %get3A_2926 = tpu.memref_slice %arg10[%get3A_2924, %get3A_2925] : memref<4x128xi32, #tpu.memory_space<vmem>> -> memref<1x128xi32, #tpu.memory_space<vmem>>
    %get3A_2927 = tpu.memref_squeeze %get3A_2926 : memref<1x128xi32, #tpu.memory_space<vmem>> -> memref<128xi32, #tpu.memory_space<vmem>>
    %get3A_2928 = arith.constant 0 : index
    %get3A_2929 = tpu.vector_load %get3A_2927[%get3A_2928] {strides = array<i32>} : memref<128xi32, #tpu.memory_space<vmem>>, vector<16xi32>,
    %and3A_2930 = arith.constant 3 : i32
    %and3A_2931 = vector.broadcast %and3A_2930 : i32 to vector<16xi32>
    %and3A_2932 = arith.andi %get3A_2929, %and3A_2931 : vector<16xi32>
    %shift_left3A_2933 = arith.constant 5 : i32
    %shift_left3A_2934 = vector.broadcast %shift_left3A_2933 : i32 to vector<16xi32>
    %shift_left3A_2935 = arith.shli %and3A_2932, %shift_left3A_2934 : vector<16xi32>
    %gather3A_2936 = tpu.vector_load_idx %arg15[%add3A_2899, %shift_left3A_2911] : memref<128x128xf32, #tpu.memory_space<vmem>>[vector<16xi32>, vector<16xi32>], vector<16xf32>,
    %gather3A_2937 = tpu.vector_load_idx %arg17[%add3A_2899, %shift_left3A_2923] : memref<128x128xf32, #tpu.memory_space<vmem>>[vector<16xi32>, vector<16xi32>], vector<16xf32>,
    %gather3A_2938 = tpu.vector_load_idx %arg19[%add3A_2899, %shift_left3A_2935] : memref<128x128xf32, #tpu.memory_space<vmem>>[vector<16xi32>, vector<16xi32>], vector<16xf32>,
    %mul3A_2939 = arith.mulf %gather3A_2936, %gather3A_2937 : vector<16xf32>
    %mul3A_2940 = arith.mulf %gather3A_2936, %gather3A_2938 : vector<16xf32>
    %scan3A_2941 = arith.constant 1 : i32
    %scan3A_2942 = arith.constant 31 : i32
    %scan3A_2943 = arith.addi %scan3A_2941, %scan3A_2942 : i32
    %scan3A_2944 = arith.constant 1 : i32
    %scan3A_2945:2 = scf.for %scan3A_3333 = %scan3A_2941 to %scan3A_2943 step %scan3A_2944 iter_args(%scan3A_3334 = %mul3A_2939, %scan3A_3335 = %mul3A_2940) -> (vector<16xf32>, vector<16xf32>)  : i32 {
      %add3A_3336 = vector.broadcast %scan3A_3333 : i32 to vector<16xi32>
      %add3A_3337 = arith.addi %shift_left3A_2911, %add3A_3336 : vector<16xi32>
      %gather3A_3338 = tpu.vector_load_idx %arg15[%add3A_2899, %add3A_3337] : memref<128x128xf32, #tpu.memory_space<vmem>>[vector<16xi32>, vector<16xi32>], vector<16xf32>,
      %add3A_3339 = vector.broadcast %scan3A_3333 : i32 to vector<16xi32>
      %add3A_3340 = arith.addi %shift_left3A_2923, %add3A_3339 : vector<16xi32>
      %gather3A_3341 = tpu.vector_load_idx %arg17[%add3A_2899, %add3A_3340] : memref<128x128xf32, #tpu.memory_space<vmem>>[vector<16xi32>, vector<16xi32>], vector<16xf32>,
      %add3A_3342 = vector.broadcast %scan3A_3333 : i32 to vector<16xi32>
      %add3A_3343 = arith.addi %shift_left3A_2935, %add3A_3342 : vector<16xi32>
      %gather3A_3344 = tpu.vector_load_idx %arg19[%add3A_2899, %add3A_3343] : memref<128x128xf32, #tpu.memory_space<vmem>>[vector<16xi32>, vector<16xi32>], vector<16xf32>,
      %mul3A_3345 = arith.mulf %gather3A_3338, %gather3A_3341 : vector<16xf32>
      %sub3A = arith.subf %scan3A_3334, %mul3A_3345 : vector<16xf32>
      %mul3A_3346 = arith.mulf %gather3A_3338, %gather3A_3344 : vector<16xf32>
      %sub3A_3347 = arith.subf %scan3A_3335, %mul3A_3346 : vector<16xf32>
      scf.yield %sub3A, %sub3A_3347 : vector<16xf32>, vector<16xf32>
    }
    %scan3A_2946 = arith.constant 31 : i32
    %swap3A_2947 = arith.constant 384 : index
    %swap3A_2948 = tpu.vector_load %arg20[%swap3A_2947] {strides = array<i32>} : memref<512xf32, #tpu.memory_space<vmem>>, vector<16xf32>,
    tpu.vector_store %arg20[%swap3A_2947], %scan3A_2945#0 {strides = array<i32>} : memref<512xf32, #tpu.memory_space<vmem>>, vector<16xf32>,
    %swap3A_2949 = arith.constant 384 : index
    %swap3A_2950 = tpu.vector_load %arg21[%swap3A_2949] {strides = array<i32>} : memref<512xf32, #tpu.memory_space<vmem>>, vector<16xf32>,
    tpu.vector_store %arg21[%swap3A_2949], %scan3A_2945#1 {strides = array<i32>} : memref<512xf32, #tpu.memory_space<vmem>>, vector<16xf32>,
    %broadcast_in_dim3A_2951 = arith.constant 16 : i32
    %broadcast_in_dim3A_2952 = vector.broadcast %broadcast_in_dim3A_2951 : i32 to vector<16xi32>
    %add3A_2953 = arith.addi %broadcast_in_dim3A_2952, %iota3A : vector<16xi32>
    %get3A_2954 = arith.constant 3 : i32
    %get3A_2955 = arith.constant 0 : i32
    %get3A_2956 = tpu.memref_slice %arg8[%get3A_2954, %get3A_2955] : memref<4x128xi32, #tpu.memory_space<vmem>> -> memref<1x128xi32, #tpu.memory_space<vmem>>
    %get3A_2957 = tpu.memref_squeeze %get3A_2956 : memref<1x128xi32, #tpu.memory_space<vmem>> -> memref<128xi32, #tpu.memory_space<vmem>>
    %get3A_2958 = arith.constant 16 : index
    %get3A_2959 = tpu.vector_load %get3A_2957[%get3A_2958] {strides = array<i32>} : memref<128xi32, #tpu.memory_space<vmem>>, vector<16xi32>,
    %and3A_2960 = arith.constant 3 : i32
    %and3A_2961 = vector.broadcast %and3A_2960 : i32 to vector<16xi32>
    %and3A_2962 = arith.andi %get3A_2959, %and3A_2961 : vector<16xi32>
    %shift_left3A_2963 = arith.constant 5 : i32
    %shift_left3A_2964 = vector.broadcast %shift_left3A_2963 : i32 to vector<16xi32>
    %shift_left3A_2965 = arith.shli %and3A_2962, %shift_left3A_2964 : vector<16xi32>
    %get3A_2966 = arith.constant 3 : i32
    %get3A_2967 = arith.constant 0 : i32
    %get3A_2968 = tpu.memref_slice %arg9[%get3A_2966, %get3A_2967] : memref<4x128xi32, #tpu.memory_space<vmem>> -> memref<1x128xi32, #tpu.memory_space<vmem>>
    %get3A_2969 = tpu.memref_squeeze %get3A_2968 : memref<1x128xi32, #tpu.memory_space<vmem>> -> memref<128xi32, #tpu.memory_space<vmem>>
    %get3A_2970 = arith.constant 16 : index
    %get3A_2971 = tpu.vector_load %get3A_2969[%get3A_2970] {strides = array<i32>} : memref<128xi32, #tpu.memory_space<vmem>>, vector<16xi32>,
    %and3A_2972 = arith.constant 3 : i32
    %and3A_2973 = vector.broadcast %and3A_2972 : i32 to vector<16xi32>
    %and3A_2974 = arith.andi %get3A_2971, %and3A_2973 : vector<16xi32>
    %shift_left3A_2975 = arith.constant 5 : i32
    %shift_left3A_2976 = vector.broadcast %shift_left3A_2975 : i32 to vector<16xi32>
    %shift_left3A_2977 = arith.shli %and3A_2974, %shift_left3A_2976 : vector<16xi32>
    %get3A_2978 = arith.constant 3 : i32
    %get3A_2979 = arith.constant 0 : i32
    %get3A_2980 = tpu.memref_slice %arg10[%get3A_2978, %get3A_2979] : memref<4x128xi32, #tpu.memory_space<vmem>> -> memref<1x128xi32, #tpu.memory_space<vmem>>
    %get3A_2981 = tpu.memref_squeeze %get3A_2980 : memref<1x128xi32, #tpu.memory_space<vmem>> -> memref<128xi32, #tpu.memory_space<vmem>>
    %get3A_2982 = arith.constant 16 : index
    %get3A_2983 = tpu.vector_load %get3A_2981[%get3A_2982] {strides = array<i32>} : memref<128xi32, #tpu.memory_space<vmem>>, vector<16xi32>,
    %and3A_2984 = arith.constant 3 : i32
    %and3A_2985 = vector.broadcast %and3A_2984 : i32 to vector<16xi32>
    %and3A_2986 = arith.andi %get3A_2983, %and3A_2985 : vector<16xi32>
    %shift_left3A_2987 = arith.constant 5 : i32
    %shift_left3A_2988 = vector.broadcast %shift_left3A_2987 : i32 to vector<16xi32>
    %shift_left3A_2989 = arith.shli %and3A_2986, %shift_left3A_2988 : vector<16xi32>
    %gather3A_2990 = tpu.vector_load_idx %arg15[%add3A_2953, %shift_left3A_2965] : memref<128x128xf32, #tpu.memory_space<vmem>>[vector<16xi32>, vector<16xi32>], vector<16xf32>,
    %gather3A_2991 = tpu.vector_load_idx %arg17[%add3A_2953, %shift_left3A_2977] : memref<128x128xf32, #tpu.memory_space<vmem>>[vector<16xi32>, vector<16xi32>], vector<16xf32>,
    %gather3A_2992 = tpu.vector_load_idx %arg19[%add3A_2953, %shift_left3A_2989] : memref<128x128xf32, #tpu.memory_space<vmem>>[vector<16xi32>, vector<16xi32>], vector<16xf32>,
    %mul3A_2993 = arith.mulf %gather3A_2990, %gather3A_2991 : vector<16xf32>
    %mul3A_2994 = arith.mulf %gather3A_2990, %gather3A_2992 : vector<16xf32>
    %scan3A_2995 = arith.constant 1 : i32
    %scan3A_2996 = arith.constant 31 : i32
    %scan3A_2997 = arith.addi %scan3A_2995, %scan3A_2996 : i32
    %scan3A_2998 = arith.constant 1 : i32
    %scan3A_2999:2 = scf.for %scan3A_3333 = %scan3A_2995 to %scan3A_2997 step %scan3A_2998 iter_args(%scan3A_3334 = %mul3A_2993, %scan3A_3335 = %mul3A_2994) -> (vector<16xf32>, vector<16xf32>)  : i32 {
      %add3A_3336 = vector.broadcast %scan3A_3333 : i32 to vector<16xi32>
      %add3A_3337 = arith.addi %shift_left3A_2965, %add3A_3336 : vector<16xi32>
      %gather3A_3338 = tpu.vector_load_idx %arg15[%add3A_2953, %add3A_3337] : memref<128x128xf32, #tpu.memory_space<vmem>>[vector<16xi32>, vector<16xi32>], vector<16xf32>,
      %add3A_3339 = vector.broadcast %scan3A_3333 : i32 to vector<16xi32>
      %add3A_3340 = arith.addi %shift_left3A_2977, %add3A_3339 : vector<16xi32>
      %gather3A_3341 = tpu.vector_load_idx %arg17[%add3A_2953, %add3A_3340] : memref<128x128xf32, #tpu.memory_space<vmem>>[vector<16xi32>, vector<16xi32>], vector<16xf32>,
      %add3A_3342 = vector.broadcast %scan3A_3333 : i32 to vector<16xi32>
      %add3A_3343 = arith.addi %shift_left3A_2989, %add3A_3342 : vector<16xi32>
      %gather3A_3344 = tpu.vector_load_idx %arg19[%add3A_2953, %add3A_3343] : memref<128x128xf32, #tpu.memory_space<vmem>>[vector<16xi32>, vector<16xi32>], vector<16xf32>,
      %mul3A_3345 = arith.mulf %gather3A_3338, %gather3A_3341 : vector<16xf32>
      %sub3A = arith.subf %scan3A_3334, %mul3A_3345 : vector<16xf32>
      %mul3A_3346 = arith.mulf %gather3A_3338, %gather3A_3344 : vector<16xf32>
      %sub3A_3347 = arith.subf %scan3A_3335, %mul3A_3346 : vector<16xf32>
      scf.yield %sub3A, %sub3A_3347 : vector<16xf32>, vector<16xf32>
    }
    %scan3A_3000 = arith.constant 31 : i32
    %swap3A_3001 = arith.constant 400 : index
    %swap3A_3002 = tpu.vector_load %arg20[%swap3A_3001] {strides = array<i32>} : memref<512xf32, #tpu.memory_space<vmem>>, vector<16xf32>,
    tpu.vector_store %arg20[%swap3A_3001], %scan3A_2999#0 {strides = array<i32>} : memref<512xf32, #tpu.memory_space<vmem>>, vector<16xf32>,
    %swap3A_3003 = arith.constant 400 : index
    %swap3A_3004 = tpu.vector_load %arg21[%swap3A_3003] {strides = array<i32>} : memref<512xf32, #tpu.memory_space<vmem>>, vector<16xf32>,
    tpu.vector_store %arg21[%swap3A_3003], %scan3A_2999#1 {strides = array<i32>} : memref<512xf32, #tpu.memory_space<vmem>>, vector<16xf32>,
    %broadcast_in_dim3A_3005 = arith.constant 32 : i32
    %broadcast_in_dim3A_3006 = vector.broadcast %broadcast_in_dim3A_3005 : i32 to vector<16xi32>
    %add3A_3007 = arith.addi %broadcast_in_dim3A_3006, %iota3A : vector<16xi32>
    %get3A_3008 = arith.constant 3 : i32
    %get3A_3009 = arith.constant 0 : i32
    %get3A_3010 = tpu.memref_slice %arg8[%get3A_3008, %get3A_3009] : memref<4x128xi32, #tpu.memory_space<vmem>> -> memref<1x128xi32, #tpu.memory_space<vmem>>
    %get3A_3011 = tpu.memref_squeeze %get3A_3010 : memref<1x128xi32, #tpu.memory_space<vmem>> -> memref<128xi32, #tpu.memory_space<vmem>>
    %get3A_3012 = arith.constant 32 : index
    %get3A_3013 = tpu.vector_load %get3A_3011[%get3A_3012] {strides = array<i32>} : memref<128xi32, #tpu.memory_space<vmem>>, vector<16xi32>,
    %and3A_3014 = arith.constant 3 : i32
    %and3A_3015 = vector.broadcast %and3A_3014 : i32 to vector<16xi32>
    %and3A_3016 = arith.andi %get3A_3013, %and3A_3015 : vector<16xi32>
    %shift_left3A_3017 = arith.constant 5 : i32
    %shift_left3A_3018 = vector.broadcast %shift_left3A_3017 : i32 to vector<16xi32>
    %shift_left3A_3019 = arith.shli %and3A_3016, %shift_left3A_3018 : vector<16xi32>
    %get3A_3020 = arith.constant 3 : i32
    %get3A_3021 = arith.constant 0 : i32
    %get3A_3022 = tpu.memref_slice %arg9[%get3A_3020, %get3A_3021] : memref<4x128xi32, #tpu.memory_space<vmem>> -> memref<1x128xi32, #tpu.memory_space<vmem>>
    %get3A_3023 = tpu.memref_squeeze %get3A_3022 : memref<1x128xi32, #tpu.memory_space<vmem>> -> memref<128xi32, #tpu.memory_space<vmem>>
    %get3A_3024 = arith.constant 32 : index
    %get3A_3025 = tpu.vector_load %get3A_3023[%get3A_3024] {strides = array<i32>} : memref<128xi32, #tpu.memory_space<vmem>>, vector<16xi32>,
    %and3A_3026 = arith.constant 3 : i32
    %and3A_3027 = vector.broadcast %and3A_3026 : i32 to vector<16xi32>
    %and3A_3028 = arith.andi %get3A_3025, %and3A_3027 : vector<16xi32>
    %shift_left3A_3029 = arith.constant 5 : i32
    %shift_left3A_3030 = vector.broadcast %shift_left3A_3029 : i32 to vector<16xi32>
    %shift_left3A_3031 = arith.shli %and3A_3028, %shift_left3A_3030 : vector<16xi32>
    %get3A_3032 = arith.constant 3 : i32
    %get3A_3033 = arith.constant 0 : i32
    %get3A_3034 = tpu.memref_slice %arg10[%get3A_3032, %get3A_3033] : memref<4x128xi32, #tpu.memory_space<vmem>> -> memref<1x128xi32, #tpu.memory_space<vmem>>
    %get3A_3035 = tpu.memref_squeeze %get3A_3034 : memref<1x128xi32, #tpu.memory_space<vmem>> -> memref<128xi32, #tpu.memory_space<vmem>>
    %get3A_3036 = arith.constant 32 : index
    %get3A_3037 = tpu.vector_load %get3A_3035[%get3A_3036] {strides = array<i32>} : memref<128xi32, #tpu.memory_space<vmem>>, vector<16xi32>,
    %and3A_3038 = arith.constant 3 : i32
    %and3A_3039 = vector.broadcast %and3A_3038 : i32 to vector<16xi32>
    %and3A_3040 = arith.andi %get3A_3037, %and3A_3039 : vector<16xi32>
    %shift_left3A_3041 = arith.constant 5 : i32
    %shift_left3A_3042 = vector.broadcast %shift_left3A_3041 : i32 to vector<16xi32>
    %shift_left3A_3043 = arith.shli %and3A_3040, %shift_left3A_3042 : vector<16xi32>
    %gather3A_3044 = tpu.vector_load_idx %arg15[%add3A_3007, %shift_left3A_3019] : memref<128x128xf32, #tpu.memory_space<vmem>>[vector<16xi32>, vector<16xi32>], vector<16xf32>,
    %gather3A_3045 = tpu.vector_load_idx %arg17[%add3A_3007, %shift_left3A_3031] : memref<128x128xf32, #tpu.memory_space<vmem>>[vector<16xi32>, vector<16xi32>], vector<16xf32>,
    %gather3A_3046 = tpu.vector_load_idx %arg19[%add3A_3007, %shift_left3A_3043] : memref<128x128xf32, #tpu.memory_space<vmem>>[vector<16xi32>, vector<16xi32>], vector<16xf32>,
    %mul3A_3047 = arith.mulf %gather3A_3044, %gather3A_3045 : vector<16xf32>
    %mul3A_3048 = arith.mulf %gather3A_3044, %gather3A_3046 : vector<16xf32>
    %scan3A_3049 = arith.constant 1 : i32
    %scan3A_3050 = arith.constant 31 : i32
    %scan3A_3051 = arith.addi %scan3A_3049, %scan3A_3050 : i32
    %scan3A_3052 = arith.constant 1 : i32
    %scan3A_3053:2 = scf.for %scan3A_3333 = %scan3A_3049 to %scan3A_3051 step %scan3A_3052 iter_args(%scan3A_3334 = %mul3A_3047, %scan3A_3335 = %mul3A_3048) -> (vector<16xf32>, vector<16xf32>)  : i32 {
      %add3A_3336 = vector.broadcast %scan3A_3333 : i32 to vector<16xi32>
      %add3A_3337 = arith.addi %shift_left3A_3019, %add3A_3336 : vector<16xi32>
      %gather3A_3338 = tpu.vector_load_idx %arg15[%add3A_3007, %add3A_3337] : memref<128x128xf32, #tpu.memory_space<vmem>>[vector<16xi32>, vector<16xi32>], vector<16xf32>,
      %add3A_3339 = vector.broadcast %scan3A_3333 : i32 to vector<16xi32>
      %add3A_3340 = arith.addi %shift_left3A_3031, %add3A_3339 : vector<16xi32>
      %gather3A_3341 = tpu.vector_load_idx %arg17[%add3A_3007, %add3A_3340] : memref<128x128xf32, #tpu.memory_space<vmem>>[vector<16xi32>, vector<16xi32>], vector<16xf32>,
      %add3A_3342 = vector.broadcast %scan3A_3333 : i32 to vector<16xi32>
      %add3A_3343 = arith.addi %shift_left3A_3043, %add3A_3342 : vector<16xi32>
      %gather3A_3344 = tpu.vector_load_idx %arg19[%add3A_3007, %add3A_3343] : memref<128x128xf32, #tpu.memory_space<vmem>>[vector<16xi32>, vector<16xi32>], vector<16xf32>,
      %mul3A_3345 = arith.mulf %gather3A_3338, %gather3A_3341 : vector<16xf32>
      %sub3A = arith.subf %scan3A_3334, %mul3A_3345 : vector<16xf32>
      %mul3A_3346 = arith.mulf %gather3A_3338, %gather3A_3344 : vector<16xf32>
      %sub3A_3347 = arith.subf %scan3A_3335, %mul3A_3346 : vector<16xf32>
      scf.yield %sub3A, %sub3A_3347 : vector<16xf32>, vector<16xf32>
    }
    %scan3A_3054 = arith.constant 31 : i32
    %swap3A_3055 = arith.constant 416 : index
    %swap3A_3056 = tpu.vector_load %arg20[%swap3A_3055] {strides = array<i32>} : memref<512xf32, #tpu.memory_space<vmem>>, vector<16xf32>,
    tpu.vector_store %arg20[%swap3A_3055], %scan3A_3053#0 {strides = array<i32>} : memref<512xf32, #tpu.memory_space<vmem>>, vector<16xf32>,
    %swap3A_3057 = arith.constant 416 : index
    %swap3A_3058 = tpu.vector_load %arg21[%swap3A_3057] {strides = array<i32>} : memref<512xf32, #tpu.memory_space<vmem>>, vector<16xf32>,
    tpu.vector_store %arg21[%swap3A_3057], %scan3A_3053#1 {strides = array<i32>} : memref<512xf32, #tpu.memory_space<vmem>>, vector<16xf32>,
    %broadcast_in_dim3A_3059 = arith.constant 48 : i32
    %broadcast_in_dim3A_3060 = vector.broadcast %broadcast_in_dim3A_3059 : i32 to vector<16xi32>
    %add3A_3061 = arith.addi %broadcast_in_dim3A_3060, %iota3A : vector<16xi32>
    %get3A_3062 = arith.constant 3 : i32
    %get3A_3063 = arith.constant 0 : i32
    %get3A_3064 = tpu.memref_slice %arg8[%get3A_3062, %get3A_3063] : memref<4x128xi32, #tpu.memory_space<vmem>> -> memref<1x128xi32, #tpu.memory_space<vmem>>
    %get3A_3065 = tpu.memref_squeeze %get3A_3064 : memref<1x128xi32, #tpu.memory_space<vmem>> -> memref<128xi32, #tpu.memory_space<vmem>>
    %get3A_3066 = arith.constant 48 : index
    %get3A_3067 = tpu.vector_load %get3A_3065[%get3A_3066] {strides = array<i32>} : memref<128xi32, #tpu.memory_space<vmem>>, vector<16xi32>,
    %and3A_3068 = arith.constant 3 : i32
    %and3A_3069 = vector.broadcast %and3A_3068 : i32 to vector<16xi32>
    %and3A_3070 = arith.andi %get3A_3067, %and3A_3069 : vector<16xi32>
    %shift_left3A_3071 = arith.constant 5 : i32
    %shift_left3A_3072 = vector.broadcast %shift_left3A_3071 : i32 to vector<16xi32>
    %shift_left3A_3073 = arith.shli %and3A_3070, %shift_left3A_3072 : vector<16xi32>
    %get3A_3074 = arith.constant 3 : i32
    %get3A_3075 = arith.constant 0 : i32
    %get3A_3076 = tpu.memref_slice %arg9[%get3A_3074, %get3A_3075] : memref<4x128xi32, #tpu.memory_space<vmem>> -> memref<1x128xi32, #tpu.memory_space<vmem>>
    %get3A_3077 = tpu.memref_squeeze %get3A_3076 : memref<1x128xi32, #tpu.memory_space<vmem>> -> memref<128xi32, #tpu.memory_space<vmem>>
    %get3A_3078 = arith.constant 48 : index
    %get3A_3079 = tpu.vector_load %get3A_3077[%get3A_3078] {strides = array<i32>} : memref<128xi32, #tpu.memory_space<vmem>>, vector<16xi32>,
    %and3A_3080 = arith.constant 3 : i32
    %and3A_3081 = vector.broadcast %and3A_3080 : i32 to vector<16xi32>
    %and3A_3082 = arith.andi %get3A_3079, %and3A_3081 : vector<16xi32>
    %shift_left3A_3083 = arith.constant 5 : i32
    %shift_left3A_3084 = vector.broadcast %shift_left3A_3083 : i32 to vector<16xi32>
    %shift_left3A_3085 = arith.shli %and3A_3082, %shift_left3A_3084 : vector<16xi32>
    %get3A_3086 = arith.constant 3 : i32
    %get3A_3087 = arith.constant 0 : i32
    %get3A_3088 = tpu.memref_slice %arg10[%get3A_3086, %get3A_3087] : memref<4x128xi32, #tpu.memory_space<vmem>> -> memref<1x128xi32, #tpu.memory_space<vmem>>
    %get3A_3089 = tpu.memref_squeeze %get3A_3088 : memref<1x128xi32, #tpu.memory_space<vmem>> -> memref<128xi32, #tpu.memory_space<vmem>>
    %get3A_3090 = arith.constant 48 : index
    %get3A_3091 = tpu.vector_load %get3A_3089[%get3A_3090] {strides = array<i32>} : memref<128xi32, #tpu.memory_space<vmem>>, vector<16xi32>,
    %and3A_3092 = arith.constant 3 : i32
    %and3A_3093 = vector.broadcast %and3A_3092 : i32 to vector<16xi32>
    %and3A_3094 = arith.andi %get3A_3091, %and3A_3093 : vector<16xi32>
    %shift_left3A_3095 = arith.constant 5 : i32
    %shift_left3A_3096 = vector.broadcast %shift_left3A_3095 : i32 to vector<16xi32>
    %shift_left3A_3097 = arith.shli %and3A_3094, %shift_left3A_3096 : vector<16xi32>
    %gather3A_3098 = tpu.vector_load_idx %arg15[%add3A_3061, %shift_left3A_3073] : memref<128x128xf32, #tpu.memory_space<vmem>>[vector<16xi32>, vector<16xi32>], vector<16xf32>,
    %gather3A_3099 = tpu.vector_load_idx %arg17[%add3A_3061, %shift_left3A_3085] : memref<128x128xf32, #tpu.memory_space<vmem>>[vector<16xi32>, vector<16xi32>], vector<16xf32>,
    %gather3A_3100 = tpu.vector_load_idx %arg19[%add3A_3061, %shift_left3A_3097] : memref<128x128xf32, #tpu.memory_space<vmem>>[vector<16xi32>, vector<16xi32>], vector<16xf32>,
    %mul3A_3101 = arith.mulf %gather3A_3098, %gather3A_3099 : vector<16xf32>
    %mul3A_3102 = arith.mulf %gather3A_3098, %gather3A_3100 : vector<16xf32>
    %scan3A_3103 = arith.constant 1 : i32
    %scan3A_3104 = arith.constant 31 : i32
    %scan3A_3105 = arith.addi %scan3A_3103, %scan3A_3104 : i32
    %scan3A_3106 = arith.constant 1 : i32
    %scan3A_3107:2 = scf.for %scan3A_3333 = %scan3A_3103 to %scan3A_3105 step %scan3A_3106 iter_args(%scan3A_3334 = %mul3A_3101, %scan3A_3335 = %mul3A_3102) -> (vector<16xf32>, vector<16xf32>)  : i32 {
      %add3A_3336 = vector.broadcast %scan3A_3333 : i32 to vector<16xi32>
      %add3A_3337 = arith.addi %shift_left3A_3073, %add3A_3336 : vector<16xi32>
      %gather3A_3338 = tpu.vector_load_idx %arg15[%add3A_3061, %add3A_3337] : memref<128x128xf32, #tpu.memory_space<vmem>>[vector<16xi32>, vector<16xi32>], vector<16xf32>,
      %add3A_3339 = vector.broadcast %scan3A_3333 : i32 to vector<16xi32>
      %add3A_3340 = arith.addi %shift_left3A_3085, %add3A_3339 : vector<16xi32>
      %gather3A_3341 = tpu.vector_load_idx %arg17[%add3A_3061, %add3A_3340] : memref<128x128xf32, #tpu.memory_space<vmem>>[vector<16xi32>, vector<16xi32>], vector<16xf32>,
      %add3A_3342 = vector.broadcast %scan3A_3333 : i32 to vector<16xi32>
      %add3A_3343 = arith.addi %shift_left3A_3097, %add3A_3342 : vector<16xi32>
      %gather3A_3344 = tpu.vector_load_idx %arg19[%add3A_3061, %add3A_3343] : memref<128x128xf32, #tpu.memory_space<vmem>>[vector<16xi32>, vector<16xi32>], vector<16xf32>,
      %mul3A_3345 = arith.mulf %gather3A_3338, %gather3A_3341 : vector<16xf32>
      %sub3A = arith.subf %scan3A_3334, %mul3A_3345 : vector<16xf32>
      %mul3A_3346 = arith.mulf %gather3A_3338, %gather3A_3344 : vector<16xf32>
      %sub3A_3347 = arith.subf %scan3A_3335, %mul3A_3346 : vector<16xf32>
      scf.yield %sub3A, %sub3A_3347 : vector<16xf32>, vector<16xf32>
    }
    %scan3A_3108 = arith.constant 31 : i32
    %swap3A_3109 = arith.constant 432 : index
    %swap3A_3110 = tpu.vector_load %arg20[%swap3A_3109] {strides = array<i32>} : memref<512xf32, #tpu.memory_space<vmem>>, vector<16xf32>,
    tpu.vector_store %arg20[%swap3A_3109], %scan3A_3107#0 {strides = array<i32>} : memref<512xf32, #tpu.memory_space<vmem>>, vector<16xf32>,
    %swap3A_3111 = arith.constant 432 : index
    %swap3A_3112 = tpu.vector_load %arg21[%swap3A_3111] {strides = array<i32>} : memref<512xf32, #tpu.memory_space<vmem>>, vector<16xf32>,
    tpu.vector_store %arg21[%swap3A_3111], %scan3A_3107#1 {strides = array<i32>} : memref<512xf32, #tpu.memory_space<vmem>>, vector<16xf32>,
    %broadcast_in_dim3A_3113 = arith.constant 64 : i32
    %broadcast_in_dim3A_3114 = vector.broadcast %broadcast_in_dim3A_3113 : i32 to vector<16xi32>
    %add3A_3115 = arith.addi %broadcast_in_dim3A_3114, %iota3A : vector<16xi32>
    %get3A_3116 = arith.constant 3 : i32
    %get3A_3117 = arith.constant 0 : i32
    %get3A_3118 = tpu.memref_slice %arg8[%get3A_3116, %get3A_3117] : memref<4x128xi32, #tpu.memory_space<vmem>> -> memref<1x128xi32, #tpu.memory_space<vmem>>
    %get3A_3119 = tpu.memref_squeeze %get3A_3118 : memref<1x128xi32, #tpu.memory_space<vmem>> -> memref<128xi32, #tpu.memory_space<vmem>>
    %get3A_3120 = arith.constant 64 : index
    %get3A_3121 = tpu.vector_load %get3A_3119[%get3A_3120] {strides = array<i32>} : memref<128xi32, #tpu.memory_space<vmem>>, vector<16xi32>,
    %and3A_3122 = arith.constant 3 : i32
    %and3A_3123 = vector.broadcast %and3A_3122 : i32 to vector<16xi32>
    %and3A_3124 = arith.andi %get3A_3121, %and3A_3123 : vector<16xi32>
    %shift_left3A_3125 = arith.constant 5 : i32
    %shift_left3A_3126 = vector.broadcast %shift_left3A_3125 : i32 to vector<16xi32>
    %shift_left3A_3127 = arith.shli %and3A_3124, %shift_left3A_3126 : vector<16xi32>
    %get3A_3128 = arith.constant 3 : i32
    %get3A_3129 = arith.constant 0 : i32
    %get3A_3130 = tpu.memref_slice %arg9[%get3A_3128, %get3A_3129] : memref<4x128xi32, #tpu.memory_space<vmem>> -> memref<1x128xi32, #tpu.memory_space<vmem>>
    %get3A_3131 = tpu.memref_squeeze %get3A_3130 : memref<1x128xi32, #tpu.memory_space<vmem>> -> memref<128xi32, #tpu.memory_space<vmem>>
    %get3A_3132 = arith.constant 64 : index
    %get3A_3133 = tpu.vector_load %get3A_3131[%get3A_3132] {strides = array<i32>} : memref<128xi32, #tpu.memory_space<vmem>>, vector<16xi32>,
    %and3A_3134 = arith.constant 3 : i32
    %and3A_3135 = vector.broadcast %and3A_3134 : i32 to vector<16xi32>
    %and3A_3136 = arith.andi %get3A_3133, %and3A_3135 : vector<16xi32>
    %shift_left3A_3137 = arith.constant 5 : i32
    %shift_left3A_3138 = vector.broadcast %shift_left3A_3137 : i32 to vector<16xi32>
    %shift_left3A_3139 = arith.shli %and3A_3136, %shift_left3A_3138 : vector<16xi32>
    %get3A_3140 = arith.constant 3 : i32
    %get3A_3141 = arith.constant 0 : i32
    %get3A_3142 = tpu.memref_slice %arg10[%get3A_3140, %get3A_3141] : memref<4x128xi32, #tpu.memory_space<vmem>> -> memref<1x128xi32, #tpu.memory_space<vmem>>
    %get3A_3143 = tpu.memref_squeeze %get3A_3142 : memref<1x128xi32, #tpu.memory_space<vmem>> -> memref<128xi32, #tpu.memory_space<vmem>>
    %get3A_3144 = arith.constant 64 : index
    %get3A_3145 = tpu.vector_load %get3A_3143[%get3A_3144] {strides = array<i32>} : memref<128xi32, #tpu.memory_space<vmem>>, vector<16xi32>,
    %and3A_3146 = arith.constant 3 : i32
    %and3A_3147 = vector.broadcast %and3A_3146 : i32 to vector<16xi32>
    %and3A_3148 = arith.andi %get3A_3145, %and3A_3147 : vector<16xi32>
    %shift_left3A_3149 = arith.constant 5 : i32
    %shift_left3A_3150 = vector.broadcast %shift_left3A_3149 : i32 to vector<16xi32>
    %shift_left3A_3151 = arith.shli %and3A_3148, %shift_left3A_3150 : vector<16xi32>
    %gather3A_3152 = tpu.vector_load_idx %arg15[%add3A_3115, %shift_left3A_3127] : memref<128x128xf32, #tpu.memory_space<vmem>>[vector<16xi32>, vector<16xi32>], vector<16xf32>,
    %gather3A_3153 = tpu.vector_load_idx %arg17[%add3A_3115, %shift_left3A_3139] : memref<128x128xf32, #tpu.memory_space<vmem>>[vector<16xi32>, vector<16xi32>], vector<16xf32>,
    %gather3A_3154 = tpu.vector_load_idx %arg19[%add3A_3115, %shift_left3A_3151] : memref<128x128xf32, #tpu.memory_space<vmem>>[vector<16xi32>, vector<16xi32>], vector<16xf32>,
    %mul3A_3155 = arith.mulf %gather3A_3152, %gather3A_3153 : vector<16xf32>
    %mul3A_3156 = arith.mulf %gather3A_3152, %gather3A_3154 : vector<16xf32>
    %scan3A_3157 = arith.constant 1 : i32
    %scan3A_3158 = arith.constant 31 : i32
    %scan3A_3159 = arith.addi %scan3A_3157, %scan3A_3158 : i32
    %scan3A_3160 = arith.constant 1 : i32
    %scan3A_3161:2 = scf.for %scan3A_3333 = %scan3A_3157 to %scan3A_3159 step %scan3A_3160 iter_args(%scan3A_3334 = %mul3A_3155, %scan3A_3335 = %mul3A_3156) -> (vector<16xf32>, vector<16xf32>)  : i32 {
      %add3A_3336 = vector.broadcast %scan3A_3333 : i32 to vector<16xi32>
      %add3A_3337 = arith.addi %shift_left3A_3127, %add3A_3336 : vector<16xi32>
      %gather3A_3338 = tpu.vector_load_idx %arg15[%add3A_3115, %add3A_3337] : memref<128x128xf32, #tpu.memory_space<vmem>>[vector<16xi32>, vector<16xi32>], vector<16xf32>,
      %add3A_3339 = vector.broadcast %scan3A_3333 : i32 to vector<16xi32>
      %add3A_3340 = arith.addi %shift_left3A_3139, %add3A_3339 : vector<16xi32>
      %gather3A_3341 = tpu.vector_load_idx %arg17[%add3A_3115, %add3A_3340] : memref<128x128xf32, #tpu.memory_space<vmem>>[vector<16xi32>, vector<16xi32>], vector<16xf32>,
      %add3A_3342 = vector.broadcast %scan3A_3333 : i32 to vector<16xi32>
      %add3A_3343 = arith.addi %shift_left3A_3151, %add3A_3342 : vector<16xi32>
      %gather3A_3344 = tpu.vector_load_idx %arg19[%add3A_3115, %add3A_3343] : memref<128x128xf32, #tpu.memory_space<vmem>>[vector<16xi32>, vector<16xi32>], vector<16xf32>,
      %mul3A_3345 = arith.mulf %gather3A_3338, %gather3A_3341 : vector<16xf32>
      %sub3A = arith.subf %scan3A_3334, %mul3A_3345 : vector<16xf32>
      %mul3A_3346 = arith.mulf %gather3A_3338, %gather3A_3344 : vector<16xf32>
      %sub3A_3347 = arith.subf %scan3A_3335, %mul3A_3346 : vector<16xf32>
      scf.yield %sub3A, %sub3A_3347 : vector<16xf32>, vector<16xf32>
    }
    %scan3A_3162 = arith.constant 31 : i32
    %swap3A_3163 = arith.constant 448 : index
    %swap3A_3164 = tpu.vector_load %arg20[%swap3A_3163] {strides = array<i32>} : memref<512xf32, #tpu.memory_space<vmem>>, vector<16xf32>,
    tpu.vector_store %arg20[%swap3A_3163], %scan3A_3161#0 {strides = array<i32>} : memref<512xf32, #tpu.memory_space<vmem>>, vector<16xf32>,
    %swap3A_3165 = arith.constant 448 : index
    %swap3A_3166 = tpu.vector_load %arg21[%swap3A_3165] {strides = array<i32>} : memref<512xf32, #tpu.memory_space<vmem>>, vector<16xf32>,
    tpu.vector_store %arg21[%swap3A_3165], %scan3A_3161#1 {strides = array<i32>} : memref<512xf32, #tpu.memory_space<vmem>>, vector<16xf32>,
    %broadcast_in_dim3A_3167 = arith.constant 80 : i32
    %broadcast_in_dim3A_3168 = vector.broadcast %broadcast_in_dim3A_3167 : i32 to vector<16xi32>
    %add3A_3169 = arith.addi %broadcast_in_dim3A_3168, %iota3A : vector<16xi32>
    %get3A_3170 = arith.constant 3 : i32
    %get3A_3171 = arith.constant 0 : i32
    %get3A_3172 = tpu.memref_slice %arg8[%get3A_3170, %get3A_3171] : memref<4x128xi32, #tpu.memory_space<vmem>> -> memref<1x128xi32, #tpu.memory_space<vmem>>
    %get3A_3173 = tpu.memref_squeeze %get3A_3172 : memref<1x128xi32, #tpu.memory_space<vmem>> -> memref<128xi32, #tpu.memory_space<vmem>>
    %get3A_3174 = arith.constant 80 : index
    %get3A_3175 = tpu.vector_load %get3A_3173[%get3A_3174] {strides = array<i32>} : memref<128xi32, #tpu.memory_space<vmem>>, vector<16xi32>,
    %and3A_3176 = arith.constant 3 : i32
    %and3A_3177 = vector.broadcast %and3A_3176 : i32 to vector<16xi32>
    %and3A_3178 = arith.andi %get3A_3175, %and3A_3177 : vector<16xi32>
    %shift_left3A_3179 = arith.constant 5 : i32
    %shift_left3A_3180 = vector.broadcast %shift_left3A_3179 : i32 to vector<16xi32>
    %shift_left3A_3181 = arith.shli %and3A_3178, %shift_left3A_3180 : vector<16xi32>
    %get3A_3182 = arith.constant 3 : i32
    %get3A_3183 = arith.constant 0 : i32
    %get3A_3184 = tpu.memref_slice %arg9[%get3A_3182, %get3A_3183] : memref<4x128xi32, #tpu.memory_space<vmem>> -> memref<1x128xi32, #tpu.memory_space<vmem>>
    %get3A_3185 = tpu.memref_squeeze %get3A_3184 : memref<1x128xi32, #tpu.memory_space<vmem>> -> memref<128xi32, #tpu.memory_space<vmem>>
    %get3A_3186 = arith.constant 80 : index
    %get3A_3187 = tpu.vector_load %get3A_3185[%get3A_3186] {strides = array<i32>} : memref<128xi32, #tpu.memory_space<vmem>>, vector<16xi32>,
    %and3A_3188 = arith.constant 3 : i32
    %and3A_3189 = vector.broadcast %and3A_3188 : i32 to vector<16xi32>
    %and3A_3190 = arith.andi %get3A_3187, %and3A_3189 : vector<16xi32>
    %shift_left3A_3191 = arith.constant 5 : i32
    %shift_left3A_3192 = vector.broadcast %shift_left3A_3191 : i32 to vector<16xi32>
    %shift_left3A_3193 = arith.shli %and3A_3190, %shift_left3A_3192 : vector<16xi32>
    %get3A_3194 = arith.constant 3 : i32
    %get3A_3195 = arith.constant 0 : i32
    %get3A_3196 = tpu.memref_slice %arg10[%get3A_3194, %get3A_3195] : memref<4x128xi32, #tpu.memory_space<vmem>> -> memref<1x128xi32, #tpu.memory_space<vmem>>
    %get3A_3197 = tpu.memref_squeeze %get3A_3196 : memref<1x128xi32, #tpu.memory_space<vmem>> -> memref<128xi32, #tpu.memory_space<vmem>>
    %get3A_3198 = arith.constant 80 : index
    %get3A_3199 = tpu.vector_load %get3A_3197[%get3A_3198] {strides = array<i32>} : memref<128xi32, #tpu.memory_space<vmem>>, vector<16xi32>,
    %and3A_3200 = arith.constant 3 : i32
    %and3A_3201 = vector.broadcast %and3A_3200 : i32 to vector<16xi32>
    %and3A_3202 = arith.andi %get3A_3199, %and3A_3201 : vector<16xi32>
    %shift_left3A_3203 = arith.constant 5 : i32
    %shift_left3A_3204 = vector.broadcast %shift_left3A_3203 : i32 to vector<16xi32>
    %shift_left3A_3205 = arith.shli %and3A_3202, %shift_left3A_3204 : vector<16xi32>
    %gather3A_3206 = tpu.vector_load_idx %arg15[%add3A_3169, %shift_left3A_3181] : memref<128x128xf32, #tpu.memory_space<vmem>>[vector<16xi32>, vector<16xi32>], vector<16xf32>,
    %gather3A_3207 = tpu.vector_load_idx %arg17[%add3A_3169, %shift_left3A_3193] : memref<128x128xf32, #tpu.memory_space<vmem>>[vector<16xi32>, vector<16xi32>], vector<16xf32>,
    %gather3A_3208 = tpu.vector_load_idx %arg19[%add3A_3169, %shift_left3A_3205] : memref<128x128xf32, #tpu.memory_space<vmem>>[vector<16xi32>, vector<16xi32>], vector<16xf32>,
    %mul3A_3209 = arith.mulf %gather3A_3206, %gather3A_3207 : vector<16xf32>
    %mul3A_3210 = arith.mulf %gather3A_3206, %gather3A_3208 : vector<16xf32>
    %scan3A_3211 = arith.constant 1 : i32
    %scan3A_3212 = arith.constant 31 : i32
    %scan3A_3213 = arith.addi %scan3A_3211, %scan3A_3212 : i32
    %scan3A_3214 = arith.constant 1 : i32
    %scan3A_3215:2 = scf.for %scan3A_3333 = %scan3A_3211 to %scan3A_3213 step %scan3A_3214 iter_args(%scan3A_3334 = %mul3A_3209, %scan3A_3335 = %mul3A_3210) -> (vector<16xf32>, vector<16xf32>)  : i32 {
      %add3A_3336 = vector.broadcast %scan3A_3333 : i32 to vector<16xi32>
      %add3A_3337 = arith.addi %shift_left3A_3181, %add3A_3336 : vector<16xi32>
      %gather3A_3338 = tpu.vector_load_idx %arg15[%add3A_3169, %add3A_3337] : memref<128x128xf32, #tpu.memory_space<vmem>>[vector<16xi32>, vector<16xi32>], vector<16xf32>,
      %add3A_3339 = vector.broadcast %scan3A_3333 : i32 to vector<16xi32>
      %add3A_3340 = arith.addi %shift_left3A_3193, %add3A_3339 : vector<16xi32>
      %gather3A_3341 = tpu.vector_load_idx %arg17[%add3A_3169, %add3A_3340] : memref<128x128xf32, #tpu.memory_space<vmem>>[vector<16xi32>, vector<16xi32>], vector<16xf32>,
      %add3A_3342 = vector.broadcast %scan3A_3333 : i32 to vector<16xi32>
      %add3A_3343 = arith.addi %shift_left3A_3205, %add3A_3342 : vector<16xi32>
      %gather3A_3344 = tpu.vector_load_idx %arg19[%add3A_3169, %add3A_3343] : memref<128x128xf32, #tpu.memory_space<vmem>>[vector<16xi32>, vector<16xi32>], vector<16xf32>,
      %mul3A_3345 = arith.mulf %gather3A_3338, %gather3A_3341 : vector<16xf32>
      %sub3A = arith.subf %scan3A_3334, %mul3A_3345 : vector<16xf32>
      %mul3A_3346 = arith.mulf %gather3A_3338, %gather3A_3344 : vector<16xf32>
      %sub3A_3347 = arith.subf %scan3A_3335, %mul3A_3346 : vector<16xf32>
      scf.yield %sub3A, %sub3A_3347 : vector<16xf32>, vector<16xf32>
    }
    %scan3A_3216 = arith.constant 31 : i32
    %swap3A_3217 = arith.constant 464 : index
    %swap3A_3218 = tpu.vector_load %arg20[%swap3A_3217] {strides = array<i32>} : memref<512xf32, #tpu.memory_space<vmem>>, vector<16xf32>,
    tpu.vector_store %arg20[%swap3A_3217], %scan3A_3215#0 {strides = array<i32>} : memref<512xf32, #tpu.memory_space<vmem>>, vector<16xf32>,
    %swap3A_3219 = arith.constant 464 : index
    %swap3A_3220 = tpu.vector_load %arg21[%swap3A_3219] {strides = array<i32>} : memref<512xf32, #tpu.memory_space<vmem>>, vector<16xf32>,
    tpu.vector_store %arg21[%swap3A_3219], %scan3A_3215#1 {strides = array<i32>} : memref<512xf32, #tpu.memory_space<vmem>>, vector<16xf32>,
    %broadcast_in_dim3A_3221 = arith.constant 96 : i32
    %broadcast_in_dim3A_3222 = vector.broadcast %broadcast_in_dim3A_3221 : i32 to vector<16xi32>
    %add3A_3223 = arith.addi %broadcast_in_dim3A_3222, %iota3A : vector<16xi32>
    %get3A_3224 = arith.constant 3 : i32
    %get3A_3225 = arith.constant 0 : i32
    %get3A_3226 = tpu.memref_slice %arg8[%get3A_3224, %get3A_3225] : memref<4x128xi32, #tpu.memory_space<vmem>> -> memref<1x128xi32, #tpu.memory_space<vmem>>
    %get3A_3227 = tpu.memref_squeeze %get3A_3226 : memref<1x128xi32, #tpu.memory_space<vmem>> -> memref<128xi32, #tpu.memory_space<vmem>>
    %get3A_3228 = arith.constant 96 : index
    %get3A_3229 = tpu.vector_load %get3A_3227[%get3A_3228] {strides = array<i32>} : memref<128xi32, #tpu.memory_space<vmem>>, vector<16xi32>,
    %and3A_3230 = arith.constant 3 : i32
    %and3A_3231 = vector.broadcast %and3A_3230 : i32 to vector<16xi32>
    %and3A_3232 = arith.andi %get3A_3229, %and3A_3231 : vector<16xi32>
    %shift_left3A_3233 = arith.constant 5 : i32
    %shift_left3A_3234 = vector.broadcast %shift_left3A_3233 : i32 to vector<16xi32>
    %shift_left3A_3235 = arith.shli %and3A_3232, %shift_left3A_3234 : vector<16xi32>
    %get3A_3236 = arith.constant 3 : i32
    %get3A_3237 = arith.constant 0 : i32
    %get3A_3238 = tpu.memref_slice %arg9[%get3A_3236, %get3A_3237] : memref<4x128xi32, #tpu.memory_space<vmem>> -> memref<1x128xi32, #tpu.memory_space<vmem>>
    %get3A_3239 = tpu.memref_squeeze %get3A_3238 : memref<1x128xi32, #tpu.memory_space<vmem>> -> memref<128xi32, #tpu.memory_space<vmem>>
    %get3A_3240 = arith.constant 96 : index
    %get3A_3241 = tpu.vector_load %get3A_3239[%get3A_3240] {strides = array<i32>} : memref<128xi32, #tpu.memory_space<vmem>>, vector<16xi32>,
    %and3A_3242 = arith.constant 3 : i32
    %and3A_3243 = vector.broadcast %and3A_3242 : i32 to vector<16xi32>
    %and3A_3244 = arith.andi %get3A_3241, %and3A_3243 : vector<16xi32>
    %shift_left3A_3245 = arith.constant 5 : i32
    %shift_left3A_3246 = vector.broadcast %shift_left3A_3245 : i32 to vector<16xi32>
    %shift_left3A_3247 = arith.shli %and3A_3244, %shift_left3A_3246 : vector<16xi32>
    %get3A_3248 = arith.constant 3 : i32
    %get3A_3249 = arith.constant 0 : i32
    %get3A_3250 = tpu.memref_slice %arg10[%get3A_3248, %get3A_3249] : memref<4x128xi32, #tpu.memory_space<vmem>> -> memref<1x128xi32, #tpu.memory_space<vmem>>
    %get3A_3251 = tpu.memref_squeeze %get3A_3250 : memref<1x128xi32, #tpu.memory_space<vmem>> -> memref<128xi32, #tpu.memory_space<vmem>>
    %get3A_3252 = arith.constant 96 : index
    %get3A_3253 = tpu.vector_load %get3A_3251[%get3A_3252] {strides = array<i32>} : memref<128xi32, #tpu.memory_space<vmem>>, vector<16xi32>,
    %and3A_3254 = arith.constant 3 : i32
    %and3A_3255 = vector.broadcast %and3A_3254 : i32 to vector<16xi32>
    %and3A_3256 = arith.andi %get3A_3253, %and3A_3255 : vector<16xi32>
    %shift_left3A_3257 = arith.constant 5 : i32
    %shift_left3A_3258 = vector.broadcast %shift_left3A_3257 : i32 to vector<16xi32>
    %shift_left3A_3259 = arith.shli %and3A_3256, %shift_left3A_3258 : vector<16xi32>
    %gather3A_3260 = tpu.vector_load_idx %arg15[%add3A_3223, %shift_left3A_3235] : memref<128x128xf32, #tpu.memory_space<vmem>>[vector<16xi32>, vector<16xi32>], vector<16xf32>,
    %gather3A_3261 = tpu.vector_load_idx %arg17[%add3A_3223, %shift_left3A_3247] : memref<128x128xf32, #tpu.memory_space<vmem>>[vector<16xi32>, vector<16xi32>], vector<16xf32>,
    %gather3A_3262 = tpu.vector_load_idx %arg19[%add3A_3223, %shift_left3A_3259] : memref<128x128xf32, #tpu.memory_space<vmem>>[vector<16xi32>, vector<16xi32>], vector<16xf32>,
    %mul3A_3263 = arith.mulf %gather3A_3260, %gather3A_3261 : vector<16xf32>
    %mul3A_3264 = arith.mulf %gather3A_3260, %gather3A_3262 : vector<16xf32>
    %scan3A_3265 = arith.constant 1 : i32
    %scan3A_3266 = arith.constant 31 : i32
    %scan3A_3267 = arith.addi %scan3A_3265, %scan3A_3266 : i32
    %scan3A_3268 = arith.constant 1 : i32
    %scan3A_3269:2 = scf.for %scan3A_3333 = %scan3A_3265 to %scan3A_3267 step %scan3A_3268 iter_args(%scan3A_3334 = %mul3A_3263, %scan3A_3335 = %mul3A_3264) -> (vector<16xf32>, vector<16xf32>)  : i32 {
      %add3A_3336 = vector.broadcast %scan3A_3333 : i32 to vector<16xi32>
      %add3A_3337 = arith.addi %shift_left3A_3235, %add3A_3336 : vector<16xi32>
      %gather3A_3338 = tpu.vector_load_idx %arg15[%add3A_3223, %add3A_3337] : memref<128x128xf32, #tpu.memory_space<vmem>>[vector<16xi32>, vector<16xi32>], vector<16xf32>,
      %add3A_3339 = vector.broadcast %scan3A_3333 : i32 to vector<16xi32>
      %add3A_3340 = arith.addi %shift_left3A_3247, %add3A_3339 : vector<16xi32>
      %gather3A_3341 = tpu.vector_load_idx %arg17[%add3A_3223, %add3A_3340] : memref<128x128xf32, #tpu.memory_space<vmem>>[vector<16xi32>, vector<16xi32>], vector<16xf32>,
      %add3A_3342 = vector.broadcast %scan3A_3333 : i32 to vector<16xi32>
      %add3A_3343 = arith.addi %shift_left3A_3259, %add3A_3342 : vector<16xi32>
      %gather3A_3344 = tpu.vector_load_idx %arg19[%add3A_3223, %add3A_3343] : memref<128x128xf32, #tpu.memory_space<vmem>>[vector<16xi32>, vector<16xi32>], vector<16xf32>,
      %mul3A_3345 = arith.mulf %gather3A_3338, %gather3A_3341 : vector<16xf32>
      %sub3A = arith.subf %scan3A_3334, %mul3A_3345 : vector<16xf32>
      %mul3A_3346 = arith.mulf %gather3A_3338, %gather3A_3344 : vector<16xf32>
      %sub3A_3347 = arith.subf %scan3A_3335, %mul3A_3346 : vector<16xf32>
      scf.yield %sub3A, %sub3A_3347 : vector<16xf32>, vector<16xf32>
    }
    %scan3A_3270 = arith.constant 31 : i32
    %swap3A_3271 = arith.constant 480 : index
    %swap3A_3272 = tpu.vector_load %arg20[%swap3A_3271] {strides = array<i32>} : memref<512xf32, #tpu.memory_space<vmem>>, vector<16xf32>,
    tpu.vector_store %arg20[%swap3A_3271], %scan3A_3269#0 {strides = array<i32>} : memref<512xf32, #tpu.memory_space<vmem>>, vector<16xf32>,
    %swap3A_3273 = arith.constant 480 : index
    %swap3A_3274 = tpu.vector_load %arg21[%swap3A_3273] {strides = array<i32>} : memref<512xf32, #tpu.memory_space<vmem>>, vector<16xf32>,
    tpu.vector_store %arg21[%swap3A_3273], %scan3A_3269#1 {strides = array<i32>} : memref<512xf32, #tpu.memory_space<vmem>>, vector<16xf32>,
    %broadcast_in_dim3A_3275 = arith.constant 112 : i32
    %broadcast_in_dim3A_3276 = vector.broadcast %broadcast_in_dim3A_3275 : i32 to vector<16xi32>
    %add3A_3277 = arith.addi %broadcast_in_dim3A_3276, %iota3A : vector<16xi32>
    %get3A_3278 = arith.constant 3 : i32
    %get3A_3279 = arith.constant 0 : i32
    %get3A_3280 = tpu.memref_slice %arg8[%get3A_3278, %get3A_3279] : memref<4x128xi32, #tpu.memory_space<vmem>> -> memref<1x128xi32, #tpu.memory_space<vmem>>
    %get3A_3281 = tpu.memref_squeeze %get3A_3280 : memref<1x128xi32, #tpu.memory_space<vmem>> -> memref<128xi32, #tpu.memory_space<vmem>>
    %get3A_3282 = arith.constant 112 : index
    %get3A_3283 = tpu.vector_load %get3A_3281[%get3A_3282] {strides = array<i32>} : memref<128xi32, #tpu.memory_space<vmem>>, vector<16xi32>,
    %and3A_3284 = arith.constant 3 : i32
    %and3A_3285 = vector.broadcast %and3A_3284 : i32 to vector<16xi32>
    %and3A_3286 = arith.andi %get3A_3283, %and3A_3285 : vector<16xi32>
    %shift_left3A_3287 = arith.constant 5 : i32
    %shift_left3A_3288 = vector.broadcast %shift_left3A_3287 : i32 to vector<16xi32>
    %shift_left3A_3289 = arith.shli %and3A_3286, %shift_left3A_3288 : vector<16xi32>
    %get3A_3290 = arith.constant 3 : i32
    %get3A_3291 = arith.constant 0 : i32
    %get3A_3292 = tpu.memref_slice %arg9[%get3A_3290, %get3A_3291] : memref<4x128xi32, #tpu.memory_space<vmem>> -> memref<1x128xi32, #tpu.memory_space<vmem>>
    %get3A_3293 = tpu.memref_squeeze %get3A_3292 : memref<1x128xi32, #tpu.memory_space<vmem>> -> memref<128xi32, #tpu.memory_space<vmem>>
    %get3A_3294 = arith.constant 112 : index
    %get3A_3295 = tpu.vector_load %get3A_3293[%get3A_3294] {strides = array<i32>} : memref<128xi32, #tpu.memory_space<vmem>>, vector<16xi32>,
    %and3A_3296 = arith.constant 3 : i32
    %and3A_3297 = vector.broadcast %and3A_3296 : i32 to vector<16xi32>
    %and3A_3298 = arith.andi %get3A_3295, %and3A_3297 : vector<16xi32>
    %shift_left3A_3299 = arith.constant 5 : i32
    %shift_left3A_3300 = vector.broadcast %shift_left3A_3299 : i32 to vector<16xi32>
    %shift_left3A_3301 = arith.shli %and3A_3298, %shift_left3A_3300 : vector<16xi32>
    %get3A_3302 = arith.constant 3 : i32
    %get3A_3303 = arith.constant 0 : i32
    %get3A_3304 = tpu.memref_slice %arg10[%get3A_3302, %get3A_3303] : memref<4x128xi32, #tpu.memory_space<vmem>> -> memref<1x128xi32, #tpu.memory_space<vmem>>
    %get3A_3305 = tpu.memref_squeeze %get3A_3304 : memref<1x128xi32, #tpu.memory_space<vmem>> -> memref<128xi32, #tpu.memory_space<vmem>>
    %get3A_3306 = arith.constant 112 : index
    %get3A_3307 = tpu.vector_load %get3A_3305[%get3A_3306] {strides = array<i32>} : memref<128xi32, #tpu.memory_space<vmem>>, vector<16xi32>,
    %and3A_3308 = arith.constant 3 : i32
    %and3A_3309 = vector.broadcast %and3A_3308 : i32 to vector<16xi32>
    %and3A_3310 = arith.andi %get3A_3307, %and3A_3309 : vector<16xi32>
    %shift_left3A_3311 = arith.constant 5 : i32
    %shift_left3A_3312 = vector.broadcast %shift_left3A_3311 : i32 to vector<16xi32>
    %shift_left3A_3313 = arith.shli %and3A_3310, %shift_left3A_3312 : vector<16xi32>
    %gather3A_3314 = tpu.vector_load_idx %arg15[%add3A_3277, %shift_left3A_3289] : memref<128x128xf32, #tpu.memory_space<vmem>>[vector<16xi32>, vector<16xi32>], vector<16xf32>,
    %gather3A_3315 = tpu.vector_load_idx %arg17[%add3A_3277, %shift_left3A_3301] : memref<128x128xf32, #tpu.memory_space<vmem>>[vector<16xi32>, vector<16xi32>], vector<16xf32>,
    %gather3A_3316 = tpu.vector_load_idx %arg19[%add3A_3277, %shift_left3A_3313] : memref<128x128xf32, #tpu.memory_space<vmem>>[vector<16xi32>, vector<16xi32>], vector<16xf32>,
    %mul3A_3317 = arith.mulf %gather3A_3314, %gather3A_3315 : vector<16xf32>
    %mul3A_3318 = arith.mulf %gather3A_3314, %gather3A_3316 : vector<16xf32>
    %scan3A_3319 = arith.constant 1 : i32
    %scan3A_3320 = arith.constant 31 : i32
    %scan3A_3321 = arith.addi %scan3A_3319, %scan3A_3320 : i32
    %scan3A_3322 = arith.constant 1 : i32
    %scan3A_3323:2 = scf.for %scan3A_3333 = %scan3A_3319 to %scan3A_3321 step %scan3A_3322 iter_args(%scan3A_3334 = %mul3A_3317, %scan3A_3335 = %mul3A_3318) -> (vector<16xf32>, vector<16xf32>)  : i32 {
      %add3A_3336 = vector.broadcast %scan3A_3333 : i32 to vector<16xi32>
      %add3A_3337 = arith.addi %shift_left3A_3289, %add3A_3336 : vector<16xi32>
      %gather3A_3338 = tpu.vector_load_idx %arg15[%add3A_3277, %add3A_3337] : memref<128x128xf32, #tpu.memory_space<vmem>>[vector<16xi32>, vector<16xi32>], vector<16xf32>,
      %add3A_3339 = vector.broadcast %scan3A_3333 : i32 to vector<16xi32>
      %add3A_3340 = arith.addi %shift_left3A_3301, %add3A_3339 : vector<16xi32>
      %gather3A_3341 = tpu.vector_load_idx %arg17[%add3A_3277, %add3A_3340] : memref<128x128xf32, #tpu.memory_space<vmem>>[vector<16xi32>, vector<16xi32>], vector<16xf32>,
      %add3A_3342 = vector.broadcast %scan3A_3333 : i32 to vector<16xi32>
      %add3A_3343 = arith.addi %shift_left3A_3313, %add3A_3342 : vector<16xi32>
      %gather3A_3344 = tpu.vector_load_idx %arg19[%add3A_3277, %add3A_3343] : memref<128x128xf32, #tpu.memory_space<vmem>>[vector<16xi32>, vector<16xi32>], vector<16xf32>,
      %mul3A_3345 = arith.mulf %gather3A_3338, %gather3A_3341 : vector<16xf32>
      %sub3A = arith.subf %scan3A_3334, %mul3A_3345 : vector<16xf32>
      %mul3A_3346 = arith.mulf %gather3A_3338, %gather3A_3344 : vector<16xf32>
      %sub3A_3347 = arith.subf %scan3A_3335, %mul3A_3346 : vector<16xf32>
      scf.yield %sub3A, %sub3A_3347 : vector<16xf32>, vector<16xf32>
    }
    %scan3A_3324 = arith.constant 31 : i32
    %swap3A_3325 = arith.constant 496 : index
    %swap3A_3326 = tpu.vector_load %arg20[%swap3A_3325] {strides = array<i32>} : memref<512xf32, #tpu.memory_space<vmem>>, vector<16xf32>,
    tpu.vector_store %arg20[%swap3A_3325], %scan3A_3323#0 {strides = array<i32>} : memref<512xf32, #tpu.memory_space<vmem>>, vector<16xf32>,
    %swap3A_3327 = arith.constant 496 : index
    %swap3A_3328 = tpu.vector_load %arg21[%swap3A_3327] {strides = array<i32>} : memref<512xf32, #tpu.memory_space<vmem>>, vector<16xf32>,
    tpu.vector_store %arg21[%swap3A_3327], %scan3A_3323#1 {strides = array<i32>} : memref<512xf32, #tpu.memory_space<vmem>>, vector<16xf32>,
    %mul3A_3329 = arith.constant 512 : i32
    %mul3A_3330 = arith.muli %add3A, %mul3A_3329 : i32
    "tpu.region"() ({
      %run_scoped3A = tpu.sem_alloc : memref<!tpu.dma_semaphore, #tpu.memory_space<semaphore_mem>>
      %dma_start3A_3333 = tpu.memref_slice %arg6[%mul3A_3330] : memref<16384xf32, #tpu.memory_space<hbm>> -> memref<512xf32, #tpu.memory_space<hbm>>
      %dma_start3A_3334 = tpu.memref_slice %arg6[%mul3A_3330] : memref<16384xf32, #tpu.memory_space<hbm>> -> memref<512xf32, #tpu.memory_space<hbm>>
      tpu.enqueue_dma source(%arg20 : memref<512xf32, #tpu.memory_space<vmem>>) target(%dma_start3A_3334 : memref<512xf32, #tpu.memory_space<hbm>>) target_semaphore(%run_scoped3A : memref<!tpu.dma_semaphore, #tpu.memory_space<semaphore_mem>>)
      %dma_wait3A_3335 = tpu.memref_slice %arg6[%mul3A_3330] : memref<16384xf32, #tpu.memory_space<hbm>> -> memref<512xf32, #tpu.memory_space<hbm>>
      %dma_wait3A_3336 = tpu.memref_slice %arg6[%mul3A_3330] : memref<16384xf32, #tpu.memory_space<hbm>> -> memref<512xf32, #tpu.memory_space<hbm>>
      tpu.wait_dma2 semaphore(%run_scoped3A : memref<!tpu.dma_semaphore, #tpu.memory_space<semaphore_mem>>) src(%arg20 : memref<512xf32, #tpu.memory_space<vmem>>) dst(%dma_wait3A_3336 : memref<512xf32, #tpu.memory_space<hbm>>)
      tpu.yield
    }) : () -> ()
    %mul3A_3331 = arith.constant 512 : i32
    %mul3A_3332 = arith.muli %add3A, %mul3A_3331 : i32
    "tpu.region"() ({
      %run_scoped3A = tpu.sem_alloc : memref<!tpu.dma_semaphore, #tpu.memory_space<semaphore_mem>>
      %dma_start3A_3333 = tpu.memref_slice %arg7[%mul3A_3332] : memref<16384xf32, #tpu.memory_space<hbm>> -> memref<512xf32, #tpu.memory_space<hbm>>
      %dma_start3A_3334 = tpu.memref_slice %arg7[%mul3A_3332] : memref<16384xf32, #tpu.memory_space<hbm>> -> memref<512xf32, #tpu.memory_space<hbm>>
      tpu.enqueue_dma source(%arg21 : memref<512xf32, #tpu.memory_space<vmem>>) target(%dma_start3A_3334 : memref<512xf32, #tpu.memory_space<hbm>>) target_semaphore(%run_scoped3A : memref<!tpu.dma_semaphore, #tpu.memory_space<semaphore_mem>>)
      %dma_wait3A_3335 = tpu.memref_slice %arg7[%mul3A_3332] : memref<16384xf32, #tpu.memory_space<hbm>> -> memref<512xf32, #tpu.memory_space<hbm>>
      %dma_wait3A_3336 = tpu.memref_slice %arg7[%mul3A_3332] : memref<16384xf32, #tpu.memory_space<hbm>> -> memref<512xf32, #tpu.memory_space<hbm>>
      tpu.wait_dma2 semaphore(%run_scoped3A : memref<!tpu.dma_semaphore, #tpu.memory_space<semaphore_mem>>) src(%arg21 : memref<512xf32, #tpu.memory_space<vmem>>) dst(%dma_wait3A_3336 : memref<512xf32, #tpu.memory_space<hbm>>)
      tpu.yield
    }) : () -> ()
    return
  }
}

module attributes {stable_mosaic.version = 14 : i64} {
  func.func @_acosh_body(%arg0: memref<128x128xf32, #tpu.memory_space<vmem>>, %arg1: memref<128x128xf32, #tpu.memory_space<vmem>>, %arg2: memref<128x128xf32, #tpu.memory_space<vmem>>, %arg3: memref<128x128xf32, #tpu.memory_space<vmem>>) attributes {dimension_semantics = [], scalar_prefetch = 0 : i64, scratch_operands = 0 : i64, tpu.core_type = #tpu.core_type<tc>} {
    %get3A = arith.constant 0 : index
    %get3A_0 = arith.constant 0 : index
    %get3A_1 = vector.load %arg0[%get3A, %get3A_0] : memref<128x128xf32, #tpu.memory_space<vmem>>, vector<128x128xf32>
    %max3A = arith.constant 1.00000012 : f32
    %max3A_2 = vector.broadcast %max3A : f32 to vector<128x128xf32>
    %max3A_3 = arith.maximumf %get3A_1, %max3A_2 : vector<128x128xf32>
    %mul3A = arith.mulf %max3A_3, %max3A_3 : vector<128x128xf32>
    %sub3A = arith.constant 1.000000e+00 : f32
    %sub3A_4 = vector.broadcast %sub3A : f32 to vector<128x128xf32>
    %sub3A_5 = arith.subf %mul3A, %sub3A_4 : vector<128x128xf32>
    %sqrt3A = math.sqrt %sub3A_5 : vector<128x128xf32>
    %add3A = arith.addf %max3A_3, %sqrt3A : vector<128x128xf32>
    %log3A = math.log %add3A : vector<128x128xf32>
    %swap3A = arith.constant 0 : index
    %swap3A_6 = arith.constant 0 : index
    %swap3A_7 = vector.load %arg2[%swap3A, %swap3A_6] : memref<128x128xf32, #tpu.memory_space<vmem>>, vector<128x128xf32>
    tpu.vector_store %arg2[%swap3A, %swap3A_6], %log3A {strides = array<i32>} : memref<128x128xf32, #tpu.memory_space<vmem>>, vector<128x128xf32>,
    %get3A_8 = arith.constant 0 : index
    %get3A_9 = arith.constant 0 : index
    %get3A_10 = vector.load %arg1[%get3A_8, %get3A_9] : memref<128x128xf32, #tpu.memory_space<vmem>>, vector<128x128xf32>
    %max3A_11 = arith.constant 1.00000012 : f32
    %max3A_12 = vector.broadcast %max3A_11 : f32 to vector<128x128xf32>
    %max3A_13 = arith.maximumf %get3A_10, %max3A_12 : vector<128x128xf32>
    %mul3A_14 = arith.mulf %max3A_13, %max3A_13 : vector<128x128xf32>
    %sub3A_15 = arith.constant 1.000000e+00 : f32
    %sub3A_16 = vector.broadcast %sub3A_15 : f32 to vector<128x128xf32>
    %sub3A_17 = arith.subf %mul3A_14, %sub3A_16 : vector<128x128xf32>
    %sqrt3A_18 = math.sqrt %sub3A_17 : vector<128x128xf32>
    %add3A_19 = arith.addf %max3A_13, %sqrt3A_18 : vector<128x128xf32>
    %log3A_20 = math.log %add3A_19 : vector<128x128xf32>
    %swap3A_21 = arith.constant 0 : index
    %swap3A_22 = arith.constant 0 : index
    %swap3A_23 = vector.load %arg3[%swap3A_21, %swap3A_22] : memref<128x128xf32, #tpu.memory_space<vmem>>, vector<128x128xf32>
    tpu.vector_store %arg3[%swap3A_21, %swap3A_22], %log3A_20 {strides = array<i32>} : memref<128x128xf32, #tpu.memory_space<vmem>>, vector<128x128xf32>,
    return
  }
}

</mosaic_0001>

<sc_bundles>
// kernel: kernel.4.cloned.1.call-start
scs
__scs_entry_jumppad:
0x0: {  	(pc) =	sbr.rel $0x88, $3  }
0x1: {  	(tag) =	ssettag $0x0;
	lr =	simm.s32 $0x1  }
0x2: {  	[smem:$0x3F9D] =	sst lr;
	_ =	strace $0xD0000000  }
0x3: {  	_ = 	snop  }
0x4: {  	_ = 	snop  }
0x5: {  	_ = 	snop  }
0x6: {  	_ = 	snop  }
0x7: {  	_ = 	snop  }
__scs_overlays_trampoline_lowered:
0x8: {  	[smem:$0x3FAC] =	sst s0  }
0x9: {  	[smem:$0x3FAD] =	sst s1  }
0xa: {  	[smem:$0x3FAE] =	sst s2  }
0xb: {  	[smem:$0x3FAF] =	sst s3  }
0xc: {  	[smem:$0x3FB0] =	sst s4  }
0xd: {  	[smem:$0x3FB1] =	sst s5  }
0xe: {  	[smem:$0x3FB2] =	sst s6  }
0xf: {  	[smem:$0x3FB3] =	sst s7  }
0x10: {  	[smem:$0x3FB4] =	sst s8  }
0x11: {  	[smem:$0x3FB5] =	sst s9;
	s0 =	simm.s32 @!p0 $0x0  }
0x12: {  	s1 =	sld [smem:$0x3F9B];
	s0 =	simm.s32 @p0 $0x1  }
0x13: {  	[smem:$0x3FB6] =	sst s0;
	s0 =	simm.s32 @!p1 $0x0  }
0x14: {  	s2 =	sld [smem:$0x3F9A];
	s0 =	simm.s32 @p1 $0x1  }
0x15: {  	[smem:$0x3FB7] =	sst s0;
	s0 =	simm.s32 @!p2 $0x0  }
0x16: {  	s3 =	sld [smem:$0x3FDB];
	s0 =	simm.s32 @p2 $0x1  }
0x17: {  	s4 =	simm.s32 $0x1BF5;
	[smem:$0x3FB9] =	sst s0  }
0x18: {  	s0 =	sld [smem:$0x3F9C];
	_ =	swait.ge [sflag:s4], $0x0  }
0x19: {  	s7 =	sld [smem:$0x3F9D]  }
0x1a: {  	s8 =	sadd.s32 $0xFFFFE003, lr  }
0x1b: {  	s9 =	sadd.s32 $0xFFFFFEF7, lr;
	s5 =	simm.s32 $0xFFFFFFFF;
	p2 =	slt.u32 s8, $0xFFFFF086  }
0x1c: {  	p1 =	slt.u32 s9, $0xF7A;
	s5 =	simm.s32 @!p2 $0x0  }
0x1d: {  	s5 =	simm.s32 @p1 $0x1;
	p0 =	seq.s32 s7, s2  }
0x1e: {  	s7 =	smul.u32 @!p0 $0xF7A, s2;
	p2 =	seq.s32 @!p0 s5, $0x0  }
0x1f: {  	s9 =	smul.u32 $0xF7A, s1;
	s8 =	simm.s32 @!p0 $0x1BF5;
	p2 =	por !p2, p0  }
0x20: {  	[sflag:s8] =	ssyncset.s32 @!p0 $0xFFFFF086;
	s6 =	sadd.s32 @!p0 s3, s7;
	s7 =	simm.s32 @!p0 $0x108  }
0x21: {  	s3 =	sadd.s32 s3, s9;
	s6 =	sadd.s32 @!p0 $0x88, s6;
	s7 =	simm.s32 @p2 $0x1082  }
0x22: {  	[simem:s7], [sflag:s8] =	dma.local @!p0 [hbm:s6], $0xF7A  }
0x23: {  	s9 =	sor.u32 $0xD0000000, s2;
	s6 =	simm.s32 $0x108;
	_ =	swait.ge @!p0 [sflag:s8], $0x0  }
0x24: {  	s3 =	sadd.s32 $0x88, s3;
	s6 =	simm.s32 @!p1 $0x1082;
	[sflag:s4] =	ssyncset.s32 $0xFFFFF086  }
0x25: {  	[simem:s6], [sflag:s4] =	dma.local [hbm:s3], $0xF7A  }
0x26: {  	[smem:$0x3F9D] =	sst s1;
	(tag) =	ssettag s2;
	_ =	strace s9  }
0x27: {  	s1 =	sld [smem:$0x3FAD]  }
0x28: {  	s2 =	sld [smem:$0x3FAE]  }
0x29: {  	s4 =	sld [smem:$0x3FB0]  }
0x2a: {  	p0 =	seq.s32 s5, $0x0;
	s5 =	sld [smem:$0x3FB1]  }
0x2b: {  	s6 =	sld [smem:$0x3FB2]  }
0x2c: {  	s7 =	sld [smem:$0x3FB3]  }
0x2d: {  	s3 =	simm.s32 $0x108;
	s8 =	sld [smem:$0x3FB4]  }
0x2e: {  	s3 =	simm.s32 @!p0 $0x1082;
	s9 =	sld [smem:$0x3FB5]  }
0x2f: {  	lr =	sadd.s32 s0, s3;
	s0 =	sld [smem:$0x3FAC]  }
0x30: {  	s3 =	sld [smem:$0x3FAF]  }
0x31: {  	[smem:$0x3FB8] =	sst s10  }
0x32: {  	s10 =	sld [smem:$0x3FB6];
	_ =	sdelay $0x3  }
0x33: {  	p0 =	seq.s32 s10, $0x1;
	s10 =	sld [smem:$0x3FB8];
	_ =	sdelay $0x3  }
0x34: {  	[smem:$0x3FB8] =	sst s10  }
0x35: {  	s10 =	sld [smem:$0x3FB7];
	_ =	sdelay $0x3  }
0x36: {  	p1 =	seq.s32 s10, $0x1;
	s10 =	sld [smem:$0x3FB8];
	_ =	sdelay $0x3  }
0x37: {  	[smem:$0x3FB8] =	sst s10  }
0x38: {  	s10 =	sld [smem:$0x3FB9]  }
0x39: {  	_ = 	snop;
	(pc) =	sbr.ind lr, $3  }
0x3a: {  	_ = 	snop  }
0x3b: {  	_ = 	snop  }
0x3c: {  	p2 =	seq.s32 s10, $0x1;
	s10 =	sld [smem:$0x3FB8]  }
0x3d: {  	_ =	shalt  }
0x3e: {  	_ =	shalt  }
0x3f: {  	_ =	shalt  }
0x40: {  	_ =	shalt  }
0x41: {  	_ =	shalt  }
0x42: {  	_ =	shalt  }
0x43: {  	_ =	shalt  }
0x44: {  	_ =	shalt  }
0x45: {  	_ =	shalt  }
0x46: {  	_ =	shalt  }
0x47: {  	_ =	shalt  }
0x48: {  	_ =	shalt  }
0x49: {  	_ =	shalt  }
0x4a: {  	_ =	shalt  }
0x4b: {  	_ =	shalt  }
0x4c: {  	_ =	shalt  }
0x4d: {  	_ =	shalt  }
0x4e: {  	_ =	shalt  }
0x4f: {  	_ =	shalt  }
0x50: {  	_ =	shalt  }
0x51: {  	_ =	shalt  }
0x52: {  	_ =	shalt  }
0x53: {  	_ =	shalt  }
0x54: {  	_ =	shalt  }
0x55: {  	_ =	shalt  }
0x56: {  	_ =	shalt  }
0x57: {  	_ =	shalt  }
0x58: {  	_ =	shalt  }
0x59: {  	_ =	shalt  }
0x5a: {  	_ =	shalt  }
0x5b: {  	_ =	shalt  }
0x5c: {  	_ =	shalt  }
0x5d: {  	_ =	shalt  }
0x5e: {  	_ =	shalt  }
0x5f: {  	_ =	shalt  }
0x60: {  	_ =	shalt  }
0x61: {  	_ =	shalt  }
0x62: {  	_ =	shalt  }
0x63: {  	_ =	shalt  }
0x64: {  	_ =	shalt  }
0x65: {  	_ =	shalt  }
0x66: {  	_ =	shalt  }
0x67: {  	_ =	shalt  }
0x68: {  	_ =	shalt  }
0x69: {  	_ =	shalt  }
0x6a: {  	_ =	shalt  }
0x6b: {  	_ =	shalt  }
0x6c: {  	_ =	shalt  }
0x6d: {  	_ =	shalt  }
0x6e: {  	_ =	shalt  }
0x6f: {  	_ =	shalt  }
0x70: {  	_ =	shalt  }
0x71: {  	_ =	shalt  }
0x72: {  	_ =	shalt  }
0x73: {  	_ =	shalt  }
0x74: {  	_ =	shalt  }
0x75: {  	_ =	shalt  }
0x76: {  	_ =	shalt  }
0x77: {  	_ =	shalt  }
0x78: {  	_ =	shalt  }
0x79: {  	_ =	shalt  }
0x7a: {  	_ =	shalt  }
0x7b: {  	_ =	shalt  }
0x7c: {  	_ =	shalt  }
0x7d: {  	_ =	shalt  }
0x7e: {  	_ =	shalt  }
0x7f: {  	_ =	shalt  }
0x80: {  	_ =	shalt  }
0x81: {  	_ =	shalt  }
0x82: {  	_ =	shalt  }
0x83: {  	_ =	shalt  }
0x84: {  	_ =	shalt  }
0x85: {  	_ =	shalt  }
0x86: {  	_ =	shalt  }
0x87: {  	_ =	shalt  }
.Lfunc_end0:
.L_simem_size_0:
called_computation_lowered:
.L_overlay_start_0:
0x88: {  	s2 =	sld [smem:$0x3FD9]  }
0x89: {  	s3 =	sld [smem:$0x3FFE];
	_ =	sdelay $0x1  }
0x8a: {  	s1 =	srdreg.scid  }
0x8b: {  	s0 =	sand.u32 $0x1, s1  }
0x8c: {  	s14 =	sshll.u32 s0, $0xA;
	s2 =	sadd.s32 s3, s2  }
0x8d: {  	s2 =	sadd.s32 s2, s14  }
0x8e: {  	[smem:$0x3FC4] =	sst s2  }
0x8f: {  	_ = 	snop  }
0x90: {  	s2 =	sld [smem:$0x3FD0]  }
0x91: {  	s15 =	sld [smem:$0x3FC8]  }
0x92: {  	s4 =	sld [smem:$0x3FC7]  }
0x93: {  	s6 =	simm.s32 $0xA;
	s7 =	simm.s32 $0x10;
	s5 =	sld [smem:$0x3FC6]  }
0x94: {  	[smem:s7], [sflag:s6] =	dma.local [hbm:s2], $0x1  }
0x95: {  	_ =	swait.eq [sflag:s6], $0x1  }
0x96: {  	[sflag:s6] =	ssyncset.done $0x0  }
0x97: {  	s16 =	sld [smem:$0x10];
	[sflag:s6] =	ssyncadd.s32 $0xFFFFFFFF  }
0x98: {  	s17 =	sld [smem:$0x11];
	(tm) =	ssettm $0x1  }
0x99: {  	s18 =	sld [smem:$0x3FFB];
	_ =	sdelay $0x3  }
0x9a: {  	_ =	strace s18  }
0x9b: {  	s7 =	sld [smem:$0x3FFC];
	_ =	sdelay $0x3  }
0x9c: {  	_ =	strace s7  }
0x9d: {  	s7 =	sld [smem:$0x3FFD];
	_ =	sdelay $0x3  }
0x9e: {  	_ =	strace s7  }
0x9f: {  	_ =	strace $0x8FFFFFFF  }
0xa0: {  	s19 =	sld [smem:$0x3FDB];
	_ =	sdelay $0x1  }
0xa1: {  	s8 =	simm.s32 $_scs_section_size  }
0xa2: {  	s9 =	simm.s32 $_size__tile_overlayer_lowered;
	s10 =	simm.s32 $_tile_overlayer_lowered  }
0xa3: {  	s22 =	simm.s32 $0x1BFF;
	s21 =	sshll.u32 s10, $0x1;
	s7 =	sadd.s32 s8, s19  }
0xa4: {  	s11 =	simm.s32 $0x0;
	s20 =	sshll.u32 s9, $0x1;
	s9 =	sadd.s32 s21, s7  }
0xa5: {  	[timem:s11], [sflag:s22] =	dma.local [hbm:s9], s20  }
0xa6: {  	_ =	swait.ge [sflag:s22], s20  }
0xa7: {  	s8 =	ssub.s32 $0x0, s20;
	[sflag:s22] =	ssyncset.done $0x0  }
0xa8: {  	[sflag:s22] =	ssyncadd.s32 s8;
	_ =	sdelay $0x1  }
0xa9: {  	s23 =	simm.s32 $0x1B8B  }
0xaa: {  	_ =	swait.ge [sflag:s23], $0x1  }
0xab: {  	[sflag:s23] =	ssyncset.done $0x0  }
0xac: {  	s25 =	simm.s32 $0x1B8E;
	s24 =	sld [smem:$0x3FFE];
	[sflag:s23] =	ssyncadd.s32 $0xFFFFFFFF  }
0xad: {  	s26 =	simm.s32 $execute0_lowered;
	[smem:$0x3FD2] =	sst s25  }
0xae: {  	s9 =	sshll.u32 s26, $0x1;
	_ =	strace $0x80000046;
	[dreg:$0x1] =	wrdreg $0xFFFFFFFF  }
0xaf: {  	s28 =	simm.s32 $_size_execute0_lowered;
	s7 =	sadd.s32 s7, s9;
	[dreg:$0x0] =	wrdreg $0x0  }
0xb0: {  	s9 =	sshll.u32 s28, $0x1;
	[dreg:$0x2] =	wrdreg s7  }
0xb1: {  	[dreg:$0x3] =	wrdreg s9  }
0xb2: {  	[dreg:$0x4] =	wrdreg $0xC0  }
0xb3: {  	_ =	task [dreg:s11], $0x5FFFF  }
0xb4: {  	[dreg:$0x1] =	wrdreg $0xFFFFFFFF  }
0xb5: {  	[dreg:$0x0] =	wrdreg $0x60  }
0xb6: {  	[dreg:$0x2] =	wrdreg s24  }
0xb7: {  	[dreg:$0x3] =	wrdreg s15  }
0xb8: {  	[dreg:$0x4] =	wrdreg s4  }
0xb9: {  	[dreg:$0x5] =	wrdreg s5  }
0xba: {  	[dreg:$0x6] =	wrdreg s17  }
0xbb: {  	[dreg:$0x7] =	wrdreg s16  }
0xbc: {  	[dreg:$0x8] =	wrdreg $0x9  }
0xbd: {  	_ =	task.clear_ibuf [dreg:s11], $0x9FFFF;
	_ =	strace $0x90000046  }
0xbe: {  	s29 =	simm.s32 $0x9;
	_ =	strace $0x80000048  }
0xbf: {  	_ =	swait.ge [sflag:s29], $0x1  }
0xc0: {  	[sflag:s29] =	ssyncadd.s32 $0xFFFFFFFF  }
0xc1: {  	_ =	strace $0x90000048  }
0xc2: {  	_ =	sfence  }
0xc3: {  	s30 =	sld [smem:$0x0];
	_ =	sdelay $0x2  }
0xc4: {  	s31 =	sshll.u32 s1, $0xD;
	s1 =	sshrl.u32 s1, $0x2  }
0xc5: {  	s3 =	sand.u32 $0x4000, s31;
	s1 =	sadd.s32 s1, s30  }
0xc6: {  	s0 =	sor.u32 s3, s0;
	s1 =	sshll.u32 s1, $0x11  }
0xc7: {  	s0 =	sor.u32 s1, s0  }
0xc8: {  	s0 =	sadd.s32 $0x8F2B, s0  }
0xc9: {  	[sflag:s0] =	ssyncadd.remote.s32 $0x1  }
0xca: {  	_ =	sfence.sel $0xFFFF  }
0xcb: {  	[dreg:$0x0] =	wrdreg $0xFFFFFFFF;
	(pc) =	sbr.abs _section_cstart, $3  }
0xcc: {  	[dreg:$0x1] =	wrdreg $0xFFFFFFFF  }
0xcd: {  	_ =	task.clear_ibuf [dreg:s11], $0x2FFFF;
	_ =	strace $0x9FFFFFFF  }
0xce: {  	(tm) =	ssettm $0x7FFFFFFF  }
0xcf: {  	_ =	shalt  }
tec
execute0_lowered:
.L_overlay_start_1:
0x0: {  	(tag) =	ssettag $0x1  }
0x1: {  	s0 =	rddreg [dreg:$0x0]  }
0x2: {  	s1 =	rddreg [dreg:$0x1]  }
0x3: {  	s5 =	rddreg [dreg:$0x2]  }
0x4: {  	s6 =	rddreg [dreg:$0x3]  }
0x5: {  	s7 =	rddreg [dreg:$0x4]  }
0x6: {  	s8 =	rddreg [dreg:$0x5];
	s2 =	simm.s32 $0x0;
	s3 =	srdreg.scid  }
0x7: {  	s9 =	stileid.u32;
	s13 =	simm.s32 $0x80;
	s15 =	simm.s32 $0xC00  }
0x8: {  	s16 =	simm.s32 $0x800;
	s17 =	simm.s32 $0x8C00;
	s18 =	simm.s32 $0xA00  }
0x9: {  	s19 =	simm.s32 $0x10C00;
	s20 =	simm.s32 $0x680;
	s21 =	simm.s32 $0x4C00  }
0xa: {  	s22 =	simm.s32 $0x880;
	s23 =	simm.s32 $0xCC00;
	s24 =	simm.s32 $0xA80  }
0xb: {  	s25 =	simm.s32 $0x14C00;
	s28 =	simm.s32 $0x900;
	s29 =	simm.s32 $0xB00  }
0xc: {  	s30 =	simm.s32 $0x780;
	s31 =	simm.s32 $0x980;
	s11 =	simm.s32 $0x18E00  }
0xd: {  	s12 =	simm.s32 $0x0;
	[smem:$0x7FF] =	sst s2;
	s3 =	sand.u32 $0x1, s3  }
0xe: {  	s9 =	sshll.u32 s9, $0x7;
	s4 =	ssub.s32 $0x2, s3;
	s3 =	sshll.u32 s3, $0x6  }
0xf: {  	v0 =	vlaneseq.u32;
	_ =	strace $0x80000047;
	s10 =	sshrl.u32 s4, $0x1;
	s9 =	sor.u32 s3, s9  }
0x10: {  	v0 =	vmul.u32 $0x80, v0;
	s3 =	sadd.s32 $0xF43200, s0;
	s0 =	simm.s32 $0xB80;
	s26 =	ssub.s32 s4, s10  }
0x11: {  	s4 =	sadd.s32 s1, s9;
	s5 =	sadd.s32 s5, s9;
	s6 =	sadd.s32 s6, s9  }
0x12: {  	v1 =	vor.u32 $0x800, v0;
	v2 =	vor.u32 $0x1000, v0;
	v3 =	vor.u32 $0x1800, v0;
	s7 =	sadd.s32 s7, s9;
	s8 =	sadd.s32 s8, s9;
	s10 =	simm.s32 $0x2  }
0x13: {  	v4 =	vor.u32 $0x2000, v0;
	v5 =	vor.u32 $0x2800, v0;
	v6 =	vor.u32 $0x3000, v0;
	s1 =	simm.s32 $0x18C00;
	s9 =	smax.u32 s26, $0x1;
	s26 =	simm.s32 $0x700  }
.LBB2_1:
0x14: {  	[tilespmem:s2], [sflag:$0x2] =	stream.linear.gather [hbm4b:s4+s2], $0x200, $0x38;
	[tilespmem:$0x19000] =	vst v63  }
0x15: {  	_ =	swait.ge [sflag:s10], $0x200  }
0x16: {  	[sflag:s10] =	ssyncset.done $0x0  }
0x17: {  	s14 =	simm.s32 $0x200;
	[sflag:s10] =	ssyncadd.s32 $0xFFFFFE00  }
0x18: {  	[tilespmem:s14], [sflag:$0x2] =	stream.linear.gather [hbm4b:s5+s2], $0x200, $0x38;
	[tilespmem:$0x19000] =	vst v63  }
0x19: {  	_ =	swait.ge [sflag:s10], $0x200  }
0x1a: {  	[sflag:s10] =	ssyncset.done $0x0  }
0x1b: {  	s14 =	simm.s32 $0x400;
	[sflag:s10] =	ssyncadd.s32 $0xFFFFFE00  }
0x1c: {  	[tilespmem:s14], [sflag:$0x2] =	stream.linear.gather [hbm4b:s6+s2], $0x200, $0x38;
	[tilespmem:$0x19000] =	vst v63  }
0x1d: {  	_ =	swait.ge [sflag:s10], $0x200  }
0x1e: {  	[sflag:s10] =	ssyncset.done $0x0  }
0x1f: {  	[sflag:s10] =	ssyncadd.s32 $0xFFFFFE00  }
0x20: {  	v7 =	vld [tilespmem:$0x0]  }
0x21: {  	v8 =	vld [tilespmem:$0x10]  }
0x22: {  	v9 =	vld [tilespmem:$0x20]  }
0x23: {  	v10 =	vld [tilespmem:$0x30]  }
0x24: {  	v11 =	vld [tilespmem:$0x40]  }
0x25: {  	v12 =	vld [tilespmem:$0x50];
	v7 =	vshrl.u32 v7, $0x2  }
0x26: {  	[tilespmem:$0x600] =	vst v7;
	v7 =	vshrl.u32 v8, $0x2;
	v8 =	vld [tilespmem:$0x60]  }
0x27: {  	[tilespmem:$0x610] =	vst v7;
	v7 =	vshrl.u32 v9, $0x2;
	v9 =	vld [tilespmem:$0x70]  }
0x28: {  	[tilespmem:$0x620] =	vst v7;
	v7 =	vshrl.u32 v10, $0x2;
	v10 =	vld [tilespmem:$0x80]  }
0x29: {  	[tilespmem:$0x630] =	vst v7;
	v7 =	vshrl.u32 v11, $0x2;
	v11 =	vld [tilespmem:$0x90]  }
0x2a: {  	[tilespmem:$0x640] =	vst v7;
	v7 =	vshrl.u32 v12, $0x2;
	v12 =	vld [tilespmem:$0xA0]  }
0x2b: {  	[tilespmem:$0x650] =	vst v7;
	v7 =	vshrl.u32 v8, $0x2;
	v8 =	vld [tilespmem:$0xB0]  }
0x2c: {  	[tilespmem:$0x660] =	vst v7;
	v7 =	vshrl.u32 v9, $0x2;
	v9 =	vld [tilespmem:$0xC0]  }
0x2d: {  	[tilespmem:$0x670] =	vst v7;
	v7 =	vshrl.u32 v10, $0x2;
	v10 =	vld [tilespmem:$0xD0]  }
0x2e: {  	[tilespmem:$0x680] =	vst v7;
	v7 =	vshrl.u32 v11, $0x2;
	v11 =	vld [tilespmem:$0xE0]  }
0x2f: {  	[tilespmem:$0x690] =	vst v7;
	v7 =	vshrl.u32 v12, $0x2;
	v12 =	vld [tilespmem:$0xF0]  }
0x30: {  	[tilespmem:$0x6A0] =	vst v7;
	v7 =	vshrl.u32 v8, $0x2;
	v8 =	vld [tilespmem:$0x100]  }
0x31: {  	[tilespmem:$0x6B0] =	vst v7;
	v7 =	vshrl.u32 v9, $0x2;
	v9 =	vld [tilespmem:$0x110]  }
0x32: {  	[tilespmem:$0x6C0] =	vst v7;
	v7 =	vshrl.u32 v10, $0x2;
	v10 =	vld [tilespmem:$0x120]  }
0x33: {  	[tilespmem:$0x6D0] =	vst v7;
	v7 =	vshrl.u32 v11, $0x2;
	v11 =	vld [tilespmem:$0x130]  }
0x34: {  	[tilespmem:$0x6E0] =	vst v7;
	v7 =	vshrl.u32 v12, $0x2;
	v12 =	vld [tilespmem:$0x140]  }
0x35: {  	[tilespmem:$0x6F0] =	vst v7;
	v7 =	vshrl.u32 v8, $0x2;
	v8 =	vld [tilespmem:$0x150]  }
0x36: {  	[tilespmem:$0x700] =	vst v7;
	v7 =	vshrl.u32 v9, $0x2;
	v9 =	vld [tilespmem:$0x160]  }
0x37: {  	[tilespmem:$0x710] =	vst v7;
	v7 =	vshrl.u32 v10, $0x2;
	v10 =	vld [tilespmem:$0x170]  }
0x38: {  	[tilespmem:$0x720] =	vst v7;
	v7 =	vshrl.u32 v11, $0x2;
	v11 =	vld [tilespmem:$0x180]  }
0x39: {  	[tilespmem:$0x730] =	vst v7;
	v7 =	vshrl.u32 v12, $0x2;
	v12 =	vld [tilespmem:$0x190]  }
0x3a: {  	[tilespmem:$0x740] =	vst v7;
	v7 =	vshrl.u32 v8, $0x2;
	v8 =	vld [tilespmem:$0x1A0]  }
0x3b: {  	[tilespmem:$0x750] =	vst v7;
	v7 =	vshrl.u32 v9, $0x2;
	v9 =	vld [tilespmem:$0x1B0]  }
0x3c: {  	[tilespmem:$0x760] =	vst v7;
	v7 =	vshrl.u32 v10, $0x2;
	v10 =	vld [tilespmem:$0x1C0]  }
0x3d: {  	[tilespmem:$0x770] =	vst v7;
	v7 =	vshrl.u32 v11, $0x2;
	v11 =	vld [tilespmem:$0x1D0]  }
0x3e: {  	[tilespmem:$0x780] =	vst v7;
	v7 =	vshrl.u32 v12, $0x2;
	v12 =	vld [tilespmem:$0x1E0]  }
0x3f: {  	[tilespmem:$0x790] =	vst v7;
	v7 =	vshrl.u32 v8, $0x2;
	v8 =	vld [tilespmem:$0x1F0]  }
0x40: {  	[tilespmem:$0x7A0] =	vst v7;
	v7 =	vshrl.u32 v9, $0x2;
	v9 =	vld [tilespmem:$0x200]  }
0x41: {  	[tilespmem:$0x7B0] =	vst v7;
	v7 =	vshrl.u32 v10, $0x2;
	v10 =	vld [tilespmem:$0x210]  }
0x42: {  	[tilespmem:$0x7C0] =	vst v7;
	v7 =	vshrl.u32 v11, $0x2;
	v11 =	vld [tilespmem:$0x220]  }
0x43: {  	[tilespmem:$0x7D0] =	vst v7;
	v7 =	vshrl.u32 v12, $0x2;
	v12 =	vld [tilespmem:$0x230]  }
0x44: {  	[tilespmem:$0x7E0] =	vst v7;
	v7 =	vshrl.u32 v8, $0x2;
	v8 =	vld [tilespmem:$0x240]  }
0x45: {  	[tilespmem:$0x7F0] =	vst v7;
	v7 =	vshrl.u32 v9, $0x2;
	v9 =	vld [tilespmem:$0x250]  }
0x46: {  	[tilespmem:$0x800] =	vst v7;
	v7 =	vshrl.u32 v10, $0x2;
	v10 =	vld [tilespmem:$0x260]  }
0x47: {  	[tilespmem:$0x810] =	vst v7;
	v7 =	vshrl.u32 v11, $0x2;
	v11 =	vld [tilespmem:$0x270]  }
0x48: {  	[tilespmem:$0x820] =	vst v7;
	v7 =	vshrl.u32 v12, $0x2;
	v12 =	vld [tilespmem:$0x280]  }
0x49: {  	[tilespmem:$0x830] =	vst v7;
	v7 =	vshrl.u32 v8, $0x2;
	v8 =	vld [tilespmem:$0x290]  }
0x4a: {  	[tilespmem:$0x840] =	vst v7;
	v7 =	vshrl.u32 v9, $0x2;
	v9 =	vld [tilespmem:$0x2A0]  }
0x4b: {  	[tilespmem:$0x850] =	vst v7;
	v7 =	vshrl.u32 v10, $0x2;
	v10 =	vld [tilespmem:$0x2B0]  }
0x4c: {  	[tilespmem:$0x860] =	vst v7;
	v7 =	vshrl.u32 v11, $0x2;
	v11 =	vld [tilespmem:$0x2C0]  }
0x4d: {  	[tilespmem:$0x870] =	vst v7;
	v7 =	vshrl.u32 v12, $0x2;
	v12 =	vld [tilespmem:$0x2D0]  }
0x4e: {  	[tilespmem:$0x880] =	vst v7;
	v7 =	vshrl.u32 v8, $0x2;
	v8 =	vld [tilespmem:$0x2E0]  }
0x4f: {  	[tilespmem:$0x890] =	vst v7;
	v7 =	vshrl.u32 v9, $0x2;
	v9 =	vld [tilespmem:$0x2F0]  }
0x50: {  	[tilespmem:$0x8A0] =	vst v7;
	v7 =	vshrl.u32 v10, $0x2;
	v10 =	vld [tilespmem:$0x300]  }
0x51: {  	[tilespmem:$0x8B0] =	vst v7;
	v7 =	vshrl.u32 v11, $0x2;
	v11 =	vld [tilespmem:$0x310]  }
0x52: {  	[tilespmem:$0x8C0] =	vst v7;
	v7 =	vshrl.u32 v12, $0x2;
	v12 =	vld [tilespmem:$0x320]  }
0x53: {  	[tilespmem:$0x8D0] =	vst v7;
	v7 =	vshrl.u32 v8, $0x2;
	v8 =	vld [tilespmem:$0x330]  }
0x54: {  	[tilespmem:$0x8E0] =	vst v7;
	v7 =	vshrl.u32 v9, $0x2;
	v9 =	vld [tilespmem:$0x340]  }
0x55: {  	[tilespmem:$0x8F0] =	vst v7;
	v7 =	vshrl.u32 v10, $0x2;
	v10 =	vld [tilespmem:$0x350]  }
0x56: {  	[tilespmem:$0x900] =	vst v7;
	v7 =	vshrl.u32 v11, $0x2;
	v11 =	vld [tilespmem:$0x360]  }
0x57: {  	[tilespmem:$0x910] =	vst v7;
	v7 =	vshrl.u32 v12, $0x2;
	v12 =	vld [tilespmem:$0x370]  }
0x58: {  	[tilespmem:$0x920] =	vst v7;
	v7 =	vshrl.u32 v8, $0x2;
	v8 =	vld [tilespmem:$0x380]  }
0x59: {  	[tilespmem:$0x930] =	vst v7;
	v7 =	vshrl.u32 v9, $0x2;
	v9 =	vld [tilespmem:$0x390]  }
0x5a: {  	[tilespmem:$0x940] =	vst v7;
	v7 =	vshrl.u32 v10, $0x2;
	v10 =	vld [tilespmem:$0x3A0]  }
0x5b: {  	[tilespmem:$0x950] =	vst v7;
	v7 =	vshrl.u32 v11, $0x2;
	v11 =	vld [tilespmem:$0x3B0]  }
0x5c: {  	[tilespmem:$0x960] =	vst v7;
	v7 =	vshrl.u32 v12, $0x2;
	v12 =	vld [tilespmem:$0x3C0]  }
0x5d: {  	[tilespmem:$0x970] =	vst v7;
	v7 =	vshrl.u32 v8, $0x2;
	v8 =	vld [tilespmem:$0x3D0]  }
0x5e: {  	[tilespmem:$0x980] =	vst v7;
	v7 =	vshrl.u32 v9, $0x2;
	v9 =	vld [tilespmem:$0x3E0]  }
0x5f: {  	[tilespmem:$0x990] =	vst v7;
	v7 =	vshrl.u32 v10, $0x2;
	v10 =	vld [tilespmem:$0x3F0]  }
0x60: {  	[tilespmem:$0x9A0] =	vst v7;
	v7 =	vshrl.u32 v11, $0x2;
	v11 =	vld [tilespmem:$0x400]  }
0x61: {  	[tilespmem:$0x9B0] =	vst v7;
	v7 =	vshrl.u32 v12, $0x2;
	v12 =	vld [tilespmem:$0x410]  }
0x62: {  	[tilespmem:$0x9C0] =	vst v7;
	v7 =	vshrl.u32 v8, $0x2;
	v8 =	vld [tilespmem:$0x420]  }
0x63: {  	[tilespmem:$0x9D0] =	vst v7;
	v7 =	vshrl.u32 v9, $0x2;
	v9 =	vld [tilespmem:$0x430]  }
0x64: {  	[tilespmem:$0x9E0] =	vst v7;
	v7 =	vshrl.u32 v10, $0x2;
	v10 =	vld [tilespmem:$0x440]  }
0x65: {  	[tilespmem:$0x9F0] =	vst v7;
	v7 =	vshrl.u32 v11, $0x2;
	v11 =	vld [tilespmem:$0x450]  }
0x66: {  	[tilespmem:$0xA00] =	vst v7;
	v7 =	vshrl.u32 v12, $0x2;
	v12 =	vld [tilespmem:$0x460]  }
0x67: {  	[tilespmem:$0xA10] =	vst v7;
	v7 =	vshrl.u32 v8, $0x2;
	v8 =	vld [tilespmem:$0x470]  }
0x68: {  	[tilespmem:$0xA20] =	vst v7;
	v7 =	vshrl.u32 v9, $0x2;
	v9 =	vld [tilespmem:$0x480]  }
0x69: {  	[tilespmem:$0xA30] =	vst v7;
	v7 =	vshrl.u32 v10, $0x2;
	v10 =	vld [tilespmem:$0x490]  }
0x6a: {  	[tilespmem:$0xA40] =	vst v7;
	v7 =	vshrl.u32 v11, $0x2;
	v11 =	vld [tilespmem:$0x4A0]  }
0x6b: {  	[tilespmem:$0xA50] =	vst v7;
	v7 =	vshrl.u32 v12, $0x2;
	v12 =	vld [tilespmem:$0x4B0]  }
0x6c: {  	[tilespmem:$0xA60] =	vst v7;
	v7 =	vshrl.u32 v8, $0x2;
	v8 =	vld [tilespmem:$0x4C0]  }
0x6d: {  	[tilespmem:$0xA70] =	vst v7;
	v7 =	vshrl.u32 v9, $0x2;
	v9 =	vld [tilespmem:$0x4D0]  }
0x6e: {  	[tilespmem:$0xA80] =	vst v7;
	v7 =	vshrl.u32 v10, $0x2;
	v10 =	vld [tilespmem:$0x4E0]  }
0x6f: {  	[tilespmem:$0xA90] =	vst v7;
	v7 =	vshrl.u32 v11, $0x2;
	v11 =	vld [tilespmem:$0x4F0]  }
0x70: {  	[tilespmem:$0xAA0] =	vst v7;
	v7 =	vshrl.u32 v12, $0x2;
	v12 =	vld [tilespmem:$0x500]  }
0x71: {  	[tilespmem:$0xAB0] =	vst v7;
	v7 =	vshrl.u32 v8, $0x2;
	v8 =	vld [tilespmem:$0x510]  }
0x72: {  	[tilespmem:$0xAC0] =	vst v7;
	v7 =	vshrl.u32 v9, $0x2;
	v9 =	vld [tilespmem:$0x520]  }
0x73: {  	[tilespmem:$0xAD0] =	vst v7;
	v7 =	vshrl.u32 v10, $0x2;
	v10 =	vld [tilespmem:$0x530]  }
0x74: {  	[tilespmem:$0xAE0] =	vst v7;
	v7 =	vshrl.u32 v11, $0x2;
	v11 =	vld [tilespmem:$0x540]  }
0x75: {  	[tilespmem:$0xAF0] =	vst v7;
	v7 =	vshrl.u32 v12, $0x2;
	v12 =	vld [tilespmem:$0x550]  }
0x76: {  	[tilespmem:$0xB00] =	vst v7;
	v7 =	vshrl.u32 v8, $0x2;
	v8 =	vld [tilespmem:$0x560]  }
0x77: {  	[tilespmem:$0xB10] =	vst v7;
	v7 =	vshrl.u32 v9, $0x2;
	v9 =	vld [tilespmem:$0x570]  }
0x78: {  	[tilespmem:$0xB20] =	vst v7;
	v7 =	vshrl.u32 v10, $0x2;
	v10 =	vld [tilespmem:$0x580]  }
0x79: {  	[tilespmem:$0xB30] =	vst v7;
	v7 =	vshrl.u32 v11, $0x2;
	v11 =	vld [tilespmem:$0x590]  }
0x7a: {  	[tilespmem:$0xB40] =	vst v7;
	v7 =	vshrl.u32 v12, $0x2;
	v12 =	vld [tilespmem:$0x5A0]  }
0x7b: {  	[tilespmem:$0xB50] =	vst v7;
	v7 =	vshrl.u32 v8, $0x2;
	v8 =	vld [tilespmem:$0x5B0]  }
0x7c: {  	[tilespmem:$0xB60] =	vst v7;
	v7 =	vshrl.u32 v9, $0x2;
	v9 =	vld [tilespmem:$0x5C0]  }
0x7d: {  	[tilespmem:$0xB70] =	vst v7;
	v7 =	vshrl.u32 v10, $0x2;
	v10 =	vld [tilespmem:$0x5D0]  }
0x7e: {  	[tilespmem:$0xB80] =	vst v7;
	v7 =	vshrl.u32 v11, $0x2;
	v11 =	vld [tilespmem:$0x5E0]  }
0x7f: {  	[tilespmem:$0xB90] =	vst v7;
	v7 =	vshrl.u32 v12, $0x2;
	v12 =	vld [tilespmem:$0x5F0]  }
0x80: {  	[tilespmem:$0xBA0] =	vst v7;
	v7 =	vshrl.u32 v8, $0x2  }
0x81: {  	[tilespmem:$0xBB0] =	vst v7;
	v7 =	vshrl.u32 v9, $0x2  }
0x82: {  	[tilespmem:$0xBC0] =	vst v7;
	v7 =	vshrl.u32 v10, $0x2  }
0x83: {  	[tilespmem:$0xBD0] =	vst v7;
	v7 =	vshrl.u32 v11, $0x2  }
0x84: {  	[tilespmem:$0xBE0] =	vst v7;
	v7 =	vshrl.u32 v12, $0x2  }
0x85: {  	s14 =	simm.s32 $0x600;
	[tilespmem:$0xBF0] =	vst v7  }
0x86: {  	[tilespmem:s15], [sflag:$0x1] =	stream.indirect.gather [hbm4b:s3+s13], $0x80, s14, s13, $0xb8;
	[tilespmem:$0x19000] =	vst v63  }
0x87: {  	_ = 	snop  }
0x88: {  	[tilespmem:s17], [sflag:$0x1] =	stream.indirect.gather [hbm4b:s3+s13], $0x80, s16, s13, $0xb8;
	[tilespmem:$0x19000] =	vst v63  }
0x89: {  	s14 =	simm.s32 $0x1  }
0x8a: {  	[tilespmem:s19], [sflag:$0x1] =	stream.indirect.gather [hbm4b:s3+s13], $0x80, s18, s13, $0xb8;
	[tilespmem:$0x19000] =	vst v63  }
0x8b: {  	_ =	swait.ge [sflag:s14], $0x4000  }
0x8c: {  	[sflag:s14] =	ssyncset.done $0x0  }
0x8d: {  	[sflag:s14] =	ssyncadd.s32 $0xFFFFC000  }
0x8e: {  	_ =	swait.ge [sflag:s14], $0x4000  }
0x8f: {  	[sflag:s14] =	ssyncset.done $0x0  }
0x90: {  	[sflag:s14] =	ssyncadd.s32 $0xFFFFC000  }
0x91: {  	_ =	swait.ge [sflag:s14], $0x4000  }
0x92: {  	[sflag:s14] =	ssyncset.done $0x0  }
0x93: {  	[sflag:s14] =	ssyncadd.s32 $0xFFFFC000  }
0x94: {  	[tilespmem:s21], [sflag:$0x1] =	stream.indirect.gather [hbm4b:s3+s13], $0x80, s20, s13, $0xb8;
	[tilespmem:$0x19000] =	vst v63  }
0x95: {  	_ = 	snop  }
0x96: {  	[tilespmem:s23], [sflag:$0x1] =	stream.indirect.gather [hbm4b:s3+s13], $0x80, s22, s13, $0xb8;
	[tilespmem:$0x19000] =	vst v63  }
0x97: {  	_ = 	snop  }
0x98: {  	[tilespmem:s25], [sflag:$0x1] =	stream.indirect.gather [hbm4b:s3+s13], $0x80, s24, s13, $0xb8;
	[tilespmem:$0x19000] =	vst v63  }
0x99: {  	v7 =	vld [tilespmem:$0x0]  }
0x9a: {  	v8 =	vld [tilespmem:$0x200]  }
0x9b: {  	v9 =	vld [tilespmem:$0x400];
	_ =	sdelay $0x2  }
0x9c: {  	v7 =	vshll.u32 v7, $0x5  }
0x9d: {  	v8 =	vshll.u32 v8, $0x5;
	v7 =	vand.u32 $0x60, v7  }
0x9e: {  	v9 =	vshll.u32 v9, $0x5;
	v8 =	vand.u32 $0x60, v8;
	v7 =	vor.u32 v0, v7  }
0x9f: {  	v9 =	vand.u32 $0x60, v9;
	v8 =	vor.u32 v0, v8  }
0xa0: {  	v9 =	vor.u32 v0, v9;
	_ =	sdelay $0x2  }
0xa1: {  	v12 =	vld.idx.msk [tilespmem:v7+s15+$0x0], $0xffff  }
0xa2: {  	v10 =	vor.u32 s14, v8;
	v13 =	vld.idx.msk [tilespmem:v8+s17+$0x0], $0xffff  }
0xa3: {  	v11 =	vor.u32 s14, v7;
	v15 =	vld.idx.msk [tilespmem:v9+s19+$0x0], $0xffff  }
0xa4: {  	v14 =	vor.u32 s14, v9;
	_ =	sdelay $0x1  }
0xa5: {  	s14 =	simm.s32 $0x2  }
0xa6: {  	v18 =	vor.u32 s14, v8;
	v17 =	vld.idx.msk [tilespmem:v10+s17+$0x0], $0xffff  }
0xa7: {  	v11 =	vld.idx.msk [tilespmem:v11+s15+$0x0], $0xffff;
	v10 =	vmul.f32 v13, v12;
	v12 =	vmul.f32 v15, v12;
	v15 =	vor.u32 s14, v7  }
0xa8: {  	v16 =	vor.u32 s14, v9;
	v13 =	vld.idx.msk [tilespmem:v14+s19+$0x0], $0xffff;
	_ =	sdelay $0x2  }
0xa9: {  	s14 =	simm.s32 $0x3;
	v14 =	vld.idx.msk [tilespmem:v18+s17+$0x0], $0xffff  }
.LBB2_2:
0xaa: {  	v18 =	vor.u32 s14, v8;
	v17 =	vmul.f32 v17, v11;
	v19 =	vmov v11;
	v11 =	vld.idx.msk [tilespmem:v15+s15+$0x0], $0xffff;
	p0 =	sne.s32 s14, $0x1F  }
.Ltmp0:
0xab: {  	v15 =	vor.u32 s14, v7;
	v19 =	vmul.f32 v13, v19;
	v13 =	vld.idx.msk [tilespmem:v16+s19+$0x0], $0xffff;
	(pc) =	sbr.rel @p0 .LBB2_2-.Ltmp0, $3  }
0xac: {  	v16 =	vor.u32 s14, v9;
	s14 =	sadd.s32 $0x1, s14;
	v10 =	vsub.f32 v10, v17  }
0xad: {  	v12 =	vsub.f32 v12, v19;
	_ =	sdelay $0x1  }
0xae: {  	v17 =	vmov v14;
	v14 =	vld.idx.msk [tilespmem:v18+s17+$0x0], $0xffff  }
0xaf: {  	_ =	sdelay $0x3  }
0xb0: {  	v7 =	vld.idx.msk [tilespmem:v15+s15+$0x0], $0xffff  }
0xb1: {  	v8 =	vld.idx.msk [tilespmem:v16+s19+$0x0], $0xffff  }
0xb2: {  	v9 =	vld [tilespmem:$0x10]  }
0xb3: {  	v15 =	vld [tilespmem:$0x210]  }
0xb4: {  	v16 =	vmul.f32 v17, v11;
	v17 =	vld [tilespmem:$0x410]  }
0xb5: {  	v11 =	vmul.f32 v13, v11  }
0xb6: {  	v10 =	vsub.f32 v10, v16  }
0xb7: {  	v11 =	vsub.f32 v12, v11;
	v12 =	vmul.f32 v14, v7;
	v9 =	vshll.u32 v9, $0x5  }
0xb8: {  	v13 =	vmul.f32 v8, v7;
	v8 =	vshll.u32 v15, $0x5;
	v7 =	vand.u32 $0x60, v9  }
0xb9: {  	v8 =	vand.u32 $0x60, v8;
	v9 =	vshll.u32 v17, $0x5;
	v7 =	vor.u32 v1, v7  }
0xba: {  	v10 =	vsub.f32 v10, v12;
	v9 =	vand.u32 $0x60, v9;
	v8 =	vor.u32 v1, v8  }
0xbb: {  	v11 =	vsub.f32 v11, v13;
	v9 =	vor.u32 v1, v9  }
0xbc: {  	[tilespmem:$0x18C00] =	vst v10  }
0xbd: {  	[tilespmem:$0x18E00] =	vst v11  }
0xbe: {  	s14 =	simm.s32 $0x1;
	v12 =	vld.idx.msk [tilespmem:v7+s15+$0x0], $0xffff  }
0xbf: {  	v10 =	vor.u32 s14, v8;
	v13 =	vld.idx.msk [tilespmem:v8+s17+$0x0], $0xffff  }
0xc0: {  	v11 =	vor.u32 s14, v7;
	v15 =	vld.idx.msk [tilespmem:v9+s19+$0x0], $0xffff  }
0xc1: {  	v14 =	vor.u32 s14, v9;
	_ =	sdelay $0x1  }
0xc2: {  	s14 =	simm.s32 $0x2  }
0xc3: {  	v18 =	vor.u32 s14, v8;
	v17 =	vld.idx.msk [tilespmem:v10+s17+$0x0], $0xffff  }
0xc4: {  	v11 =	vld.idx.msk [tilespmem:v11+s15+$0x0], $0xffff;
	v10 =	vmul.f32 v13, v12;
	v12 =	vmul.f32 v15, v12;
	v15 =	vor.u32 s14, v7  }
0xc5: {  	v16 =	vor.u32 s14, v9;
	v13 =	vld.idx.msk [tilespmem:v14+s19+$0x0], $0xffff;
	_ =	sdelay $0x2  }
0xc6: {  	v14 =	vld.idx.msk [tilespmem:v18+s17+$0x0], $0xffff;
	s14 =	simm.s32 $0x3  }
.LBB2_4:
0xc7: {  	v18 =	vor.u32 s14, v8;
	v17 =	vmul.f32 v17, v11;
	v19 =	vmov v11;
	v11 =	vld.idx.msk [tilespmem:v15+s15+$0x0], $0xffff;
	p0 =	sne.s32 s14, $0x1F  }
.Ltmp1:
0xc8: {  	v15 =	vor.u32 s14, v7;
	v19 =	vmul.f32 v13, v19;
	v13 =	vld.idx.msk [tilespmem:v16+s19+$0x0], $0xffff;
	(pc) =	sbr.rel @p0 .LBB2_4-.Ltmp1, $3  }
0xc9: {  	v16 =	vor.u32 s14, v9;
	s14 =	sadd.s32 $0x1, s14;
	v10 =	vsub.f32 v10, v17  }
0xca: {  	v12 =	vsub.f32 v12, v19;
	_ =	sdelay $0x1  }
0xcb: {  	v17 =	vmov v14;
	v14 =	vld.idx.msk [tilespmem:v18+s17+$0x0], $0xffff  }
0xcc: {  	_ =	sdelay $0x3  }
0xcd: {  	v7 =	vld.idx.msk [tilespmem:v15+s15+$0x0], $0xffff  }
0xce: {  	v8 =	vld.idx.msk [tilespmem:v16+s19+$0x0], $0xffff  }
0xcf: {  	v9 =	vld [tilespmem:$0x20]  }
0xd0: {  	v15 =	vld [tilespmem:$0x220]  }
0xd1: {  	v16 =	vmul.f32 v17, v11;
	v17 =	vld [tilespmem:$0x420]  }
0xd2: {  	v11 =	vmul.f32 v13, v11  }
0xd3: {  	v10 =	vsub.f32 v10, v16  }
0xd4: {  	v11 =	vsub.f32 v12, v11;
	v12 =	vmul.f32 v14, v7;
	v9 =	vshll.u32 v9, $0x5  }
0xd5: {  	v13 =	vmul.f32 v8, v7;
	v8 =	vshll.u32 v15, $0x5;
	v7 =	vand.u32 $0x60, v9  }
0xd6: {  	v8 =	vand.u32 $0x60, v8;
	v9 =	vshll.u32 v17, $0x5;
	v7 =	vor.u32 v2, v7  }
0xd7: {  	v10 =	vsub.f32 v10, v12;
	v9 =	vand.u32 $0x60, v9;
	v8 =	vor.u32 v2, v8  }
0xd8: {  	v11 =	vsub.f32 v11, v13;
	v9 =	vor.u32 v2, v9  }
0xd9: {  	[tilespmem:$0x18C10] =	vst v10  }
0xda: {  	[tilespmem:$0x18E10] =	vst v11  }
0xdb: {  	s14 =	simm.s32 $0x1;
	v12 =	vld.idx.msk [tilespmem:v7+s15+$0x0], $0xffff  }
0xdc: {  	v10 =	vor.u32 s14, v8;
	v13 =	vld.idx.msk [tilespmem:v8+s17+$0x0], $0xffff  }
0xdd: {  	v11 =	vor.u32 s14, v7;
	v15 =	vld.idx.msk [tilespmem:v9+s19+$0x0], $0xffff  }
0xde: {  	v14 =	vor.u32 s14, v9;
	_ =	sdelay $0x1  }
0xdf: {  	s14 =	simm.s32 $0x2  }
0xe0: {  	v18 =	vor.u32 s14, v8;
	v17 =	vld.idx.msk [tilespmem:v10+s17+$0x0], $0xffff  }
0xe1: {  	v11 =	vld.idx.msk [tilespmem:v11+s15+$0x0], $0xffff;
	v10 =	vmul.f32 v13, v12;
	v12 =	vmul.f32 v15, v12;
	v15 =	vor.u32 s14, v7  }
0xe2: {  	v16 =	vor.u32 s14, v9;
	v13 =	vld.idx.msk [tilespmem:v14+s19+$0x0], $0xffff;
	_ =	sdelay $0x2  }
0xe3: {  	v14 =	vld.idx.msk [tilespmem:v18+s17+$0x0], $0xffff;
	s14 =	simm.s32 $0x3  }
.LBB2_6:
0xe4: {  	v18 =	vor.u32 s14, v8;
	v17 =	vmul.f32 v17, v11;
	v19 =	vmov v11;
	v11 =	vld.idx.msk [tilespmem:v15+s15+$0x0], $0xffff;
	p0 =	sne.s32 s14, $0x1F  }
.Ltmp2:
0xe5: {  	v15 =	vor.u32 s14, v7;
	v19 =	vmul.f32 v13, v19;
	v13 =	vld.idx.msk [tilespmem:v16+s19+$0x0], $0xffff;
	(pc) =	sbr.rel @p0 .LBB2_6-.Ltmp2, $3  }
0xe6: {  	v16 =	vor.u32 s14, v9;
	s14 =	sadd.s32 $0x1, s14;
	v10 =	vsub.f32 v10, v17  }
0xe7: {  	v12 =	vsub.f32 v12, v19;
	_ =	sdelay $0x1  }
0xe8: {  	v17 =	vmov v14;
	v14 =	vld.idx.msk [tilespmem:v18+s17+$0x0], $0xffff  }
0xe9: {  	_ =	sdelay $0x3  }
0xea: {  	v7 =	vld.idx.msk [tilespmem:v15+s15+$0x0], $0xffff  }
0xeb: {  	v8 =	vld.idx.msk [tilespmem:v16+s19+$0x0], $0xffff  }
0xec: {  	v9 =	vld [tilespmem:$0x30]  }
0xed: {  	v15 =	vld [tilespmem:$0x230]  }
0xee: {  	v16 =	vmul.f32 v17, v11;
	v17 =	vld [tilespmem:$0x430]  }
0xef: {  	v11 =	vmul.f32 v13, v11  }
0xf0: {  	v10 =	vsub.f32 v10, v16  }
0xf1: {  	v11 =	vsub.f32 v12, v11;
	v12 =	vmul.f32 v14, v7;
	v9 =	vshll.u32 v9, $0x5  }
0xf2: {  	v13 =	vmul.f32 v8, v7;
	v8 =	vshll.u32 v15, $0x5;
	v7 =	vand.u32 $0x60, v9  }
0xf3: {  	v8 =	vand.u32 $0x60, v8;
	v9 =	vshll.u32 v17, $0x5;
	v7 =	vor.u32 v3, v7  }
0xf4: {  	v10 =	vsub.f32 v10, v12;
	v9 =	vand.u32 $0x60, v9;
	v8 =	vor.u32 v3, v8  }
0xf5: {  	v11 =	vsub.f32 v11, v13;
	v9 =	vor.u32 v3, v9  }
0xf6: {  	[tilespmem:$0x18C20] =	vst v10  }
0xf7: {  	[tilespmem:$0x18E20] =	vst v11  }
0xf8: {  	s14 =	simm.s32 $0x1;
	v12 =	vld.idx.msk [tilespmem:v7+s15+$0x0], $0xffff  }
0xf9: {  	v10 =	vor.u32 s14, v8;
	v13 =	vld.idx.msk [tilespmem:v8+s17+$0x0], $0xffff  }
0xfa: {  	v11 =	vor.u32 s14, v7;
	v15 =	vld.idx.msk [tilespmem:v9+s19+$0x0], $0xffff  }
0xfb: {  	v14 =	vor.u32 s14, v9;
	_ =	sdelay $0x1  }
0xfc: {  	s14 =	simm.s32 $0x2  }
0xfd: {  	v18 =	vor.u32 s14, v8;
	v17 =	vld.idx.msk [tilespmem:v10+s17+$0x0], $0xffff  }
0xfe: {  	v11 =	vld.idx.msk [tilespmem:v11+s15+$0x0], $0xffff;
	v10 =	vmul.f32 v13, v12;
	v12 =	vmul.f32 v15, v12;
	v15 =	vor.u32 s14, v7  }
0xff: {  	v16 =	vor.u32 s14, v9;
	v13 =	vld.idx.msk [tilespmem:v14+s19+$0x0], $0xffff;
	_ =	sdelay $0x2  }
0x100: {  	v14 =	vld.idx.msk [tilespmem:v18+s17+$0x0], $0xffff;
	s14 =	simm.s32 $0x3  }
.LBB2_8:
0x101: {  	v18 =	vor.u32 s14, v8;
	v17 =	vmul.f32 v17, v11;
	v19 =	vmov v11;
	v11 =	vld.idx.msk [tilespmem:v15+s15+$0x0], $0xffff;
	p0 =	sne.s32 s14, $0x1F  }
.Ltmp3:
0x102: {  	v15 =	vor.u32 s14, v7;
	v19 =	vmul.f32 v13, v19;
	v13 =	vld.idx.msk [tilespmem:v16+s19+$0x0], $0xffff;
	(pc) =	sbr.rel @p0 .LBB2_8-.Ltmp3, $3  }
0x103: {  	v16 =	vor.u32 s14, v9;
	s14 =	sadd.s32 $0x1, s14;
	v10 =	vsub.f32 v10, v17  }
0x104: {  	v12 =	vsub.f32 v12, v19;
	_ =	sdelay $0x1  }
0x105: {  	v17 =	vmov v14;
	v14 =	vld.idx.msk [tilespmem:v18+s17+$0x0], $0xffff  }
0x106: {  	_ =	sdelay $0x3  }
0x107: {  	v7 =	vld.idx.msk [tilespmem:v15+s15+$0x0], $0xffff  }
0x108: {  	v8 =	vld.idx.msk [tilespmem:v16+s19+$0x0], $0xffff  }
0x109: {  	v9 =	vld [tilespmem:$0x40]  }
0x10a: {  	v15 =	vld [tilespmem:$0x240]  }
0x10b: {  	v16 =	vmul.f32 v17, v11;
	v17 =	vld [tilespmem:$0x440]  }
0x10c: {  	v11 =	vmul.f32 v13, v11  }
0x10d: {  	v10 =	vsub.f32 v10, v16  }
0x10e: {  	v11 =	vsub.f32 v12, v11;
	v12 =	vmul.f32 v14, v7;
	v9 =	vshll.u32 v9, $0x5  }
0x10f: {  	v13 =	vmul.f32 v8, v7;
	v8 =	vshll.u32 v15, $0x5;
	v7 =	vand.u32 $0x60, v9  }
0x110: {  	v8 =	vand.u32 $0x60, v8;
	v9 =	vshll.u32 v17, $0x5;
	v7 =	vor.u32 v4, v7  }
0x111: {  	v10 =	vsub.f32 v10, v12;
	v9 =	vand.u32 $0x60, v9;
	v8 =	vor.u32 v4, v8  }
0x112: {  	v11 =	vsub.f32 v11, v13;
	v9 =	vor.u32 v4, v9  }
0x113: {  	[tilespmem:$0x18C30] =	vst v10  }
0x114: {  	[tilespmem:$0x18E30] =	vst v11  }
0x115: {  	s14 =	simm.s32 $0x1;
	v12 =	vld.idx.msk [tilespmem:v7+s15+$0x0], $0xffff  }
0x116: {  	v10 =	vor.u32 s14, v8;
	v13 =	vld.idx.msk [tilespmem:v8+s17+$0x0], $0xffff  }
0x117: {  	v11 =	vor.u32 s14, v7;
	v15 =	vld.idx.msk [tilespmem:v9+s19+$0x0], $0xffff  }
0x118: {  	v14 =	vor.u32 s14, v9;
	_ =	sdelay $0x1  }
0x119: {  	s14 =	simm.s32 $0x2  }
0x11a: {  	v18 =	vor.u32 s14, v8;
	v17 =	vld.idx.msk [tilespmem:v10+s17+$0x0], $0xffff  }
0x11b: {  	v11 =	vld.idx.msk [tilespmem:v11+s15+$0x0], $0xffff;
	v10 =	vmul.f32 v13, v12;
	v12 =	vmul.f32 v15, v12;
	v15 =	vor.u32 s14, v7  }
0x11c: {  	v16 =	vor.u32 s14, v9;
	v13 =	vld.idx.msk [tilespmem:v14+s19+$0x0], $0xffff;
	_ =	sdelay $0x2  }
0x11d: {  	v14 =	vld.idx.msk [tilespmem:v18+s17+$0x0], $0xffff;
	s14 =	simm.s32 $0x3  }
.LBB2_10:
0x11e: {  	v18 =	vor.u32 s14, v8;
	v17 =	vmul.f32 v17, v11;
	v19 =	vmov v11;
	v11 =	vld.idx.msk [tilespmem:v15+s15+$0x0], $0xffff;
	p0 =	sne.s32 s14, $0x1F  }
.Ltmp4:
0x11f: {  	v15 =	vor.u32 s14, v7;
	v19 =	vmul.f32 v13, v19;
	v13 =	vld.idx.msk [tilespmem:v16+s19+$0x0], $0xffff;
	(pc) =	sbr.rel @p0 .LBB2_10-.Ltmp4, $3  }
0x120: {  	v16 =	vor.u32 s14, v9;
	s14 =	sadd.s32 $0x1, s14;
	v10 =	vsub.f32 v10, v17  }
0x121: {  	v12 =	vsub.f32 v12, v19;
	_ =	sdelay $0x1  }
0x122: {  	v17 =	vmov v14;
	v14 =	vld.idx.msk [tilespmem:v18+s17+$0x0], $0xffff  }
0x123: {  	_ =	sdelay $0x3  }
0x124: {  	v7 =	vld.idx.msk [tilespmem:v15+s15+$0x0], $0xffff  }
0x125: {  	v8 =	vld.idx.msk [tilespmem:v16+s19+$0x0], $0xffff  }
0x126: {  	v9 =	vld [tilespmem:$0x50]  }
0x127: {  	v15 =	vld [tilespmem:$0x250]  }
0x128: {  	v16 =	vmul.f32 v17, v11;
	v17 =	vld [tilespmem:$0x450]  }
0x129: {  	v11 =	vmul.f32 v13, v11  }
0x12a: {  	v10 =	vsub.f32 v10, v16  }
0x12b: {  	v11 =	vsub.f32 v12, v11;
	v12 =	vmul.f32 v14, v7;
	v9 =	vshll.u32 v9, $0x5  }
0x12c: {  	v13 =	vmul.f32 v8, v7;
	v8 =	vshll.u32 v15, $0x5;
	v7 =	vand.u32 $0x60, v9  }
0x12d: {  	v8 =	vand.u32 $0x60, v8;
	v9 =	vshll.u32 v17, $0x5;
	v7 =	vor.u32 v5, v7  }
0x12e: {  	v10 =	vsub.f32 v10, v12;
	v9 =	vand.u32 $0x60, v9;
	v8 =	vor.u32 v5, v8  }
0x12f: {  	v11 =	vsub.f32 v11, v13;
	v9 =	vor.u32 v5, v9  }
0x130: {  	[tilespmem:$0x18C40] =	vst v10  }
0x131: {  	[tilespmem:$0x18E40] =	vst v11  }
0x132: {  	s14 =	simm.s32 $0x1;
	v12 =	vld.idx.msk [tilespmem:v7+s15+$0x0], $0xffff  }
0x133: {  	v10 =	vor.u32 s14, v8;
	v13 =	vld.idx.msk [tilespmem:v8+s17+$0x0], $0xffff  }
0x134: {  	v11 =	vor.u32 s14, v7;
	v15 =	vld.idx.msk [tilespmem:v9+s19+$0x0], $0xffff  }
0x135: {  	v14 =	vor.u32 s14, v9;
	_ =	sdelay $0x1  }
0x136: {  	s14 =	simm.s32 $0x2  }
0x137: {  	v18 =	vor.u32 s14, v8;
	v17 =	vld.idx.msk [tilespmem:v10+s17+$0x0], $0xffff  }
0x138: {  	v11 =	vld.idx.msk [tilespmem:v11+s15+$0x0], $0xffff;
	v10 =	vmul.f32 v13, v12;
	v12 =	vmul.f32 v15, v12;
	v15 =	vor.u32 s14, v7  }
0x139: {  	v16 =	vor.u32 s14, v9;
	v13 =	vld.idx.msk [tilespmem:v14+s19+$0x0], $0xffff;
	_ =	sdelay $0x2  }
0x13a: {  	v14 =	vld.idx.msk [tilespmem:v18+s17+$0x0], $0xffff;
	s14 =	simm.s32 $0x3  }
.LBB2_12:
0x13b: {  	v18 =	vor.u32 s14, v8;
	v17 =	vmul.f32 v17, v11;
	v19 =	vmov v11;
	v11 =	vld.idx.msk [tilespmem:v15+s15+$0x0], $0xffff;
	p0 =	sne.s32 s14, $0x1F  }
.Ltmp5:
0x13c: {  	v15 =	vor.u32 s14, v7;
	v19 =	vmul.f32 v13, v19;
	v13 =	vld.idx.msk [tilespmem:v16+s19+$0x0], $0xffff;
	(pc) =	sbr.rel @p0 .LBB2_12-.Ltmp5, $3  }
0x13d: {  	v16 =	vor.u32 s14, v9;
	s14 =	sadd.s32 $0x1, s14;
	v10 =	vsub.f32 v10, v17  }
0x13e: {  	v12 =	vsub.f32 v12, v19;
	_ =	sdelay $0x1  }
0x13f: {  	v17 =	vmov v14;
	v14 =	vld.idx.msk [tilespmem:v18+s17+$0x0], $0xffff  }
0x140: {  	_ =	sdelay $0x3  }
0x141: {  	v7 =	vld.idx.msk [tilespmem:v15+s15+$0x0], $0xffff  }
0x142: {  	v8 =	vld.idx.msk [tilespmem:v16+s19+$0x0], $0xffff  }
0x143: {  	v9 =	vld [tilespmem:$0x60]  }
0x144: {  	v15 =	vld [tilespmem:$0x260]  }
0x145: {  	v16 =	vmul.f32 v17, v11;
	v17 =	vld [tilespmem:$0x460]  }
0x146: {  	v11 =	vmul.f32 v13, v11  }
0x147: {  	v10 =	vsub.f32 v10, v16  }
0x148: {  	v11 =	vsub.f32 v12, v11;
	v12 =	vmul.f32 v14, v7;
	v9 =	vshll.u32 v9, $0x5  }
0x149: {  	v13 =	vmul.f32 v8, v7;
	v8 =	vshll.u32 v15, $0x5;
	v7 =	vand.u32 $0x60, v9  }
0x14a: {  	v8 =	vand.u32 $0x60, v8;
	v9 =	vshll.u32 v17, $0x5;
	v7 =	vor.u32 v6, v7  }
0x14b: {  	v10 =	vsub.f32 v10, v12;
	v9 =	vand.u32 $0x60, v9;
	v8 =	vor.u32 v6, v8  }
0x14c: {  	v11 =	vsub.f32 v11, v13;
	v9 =	vor.u32 v6, v9  }
0x14d: {  	[tilespmem:$0x18C50] =	vst v10  }
0x14e: {  	[tilespmem:$0x18E50] =	vst v11  }
0x14f: {  	s14 =	simm.s32 $0x1;
	v11 =	vld.idx.msk [tilespmem:v7+s15+$0x0], $0xffff  }
0x150: {  	v12 =	vor.u32 s14, v7;
	v13 =	vld.idx.msk [tilespmem:v8+s17+$0x0], $0xffff  }
0x151: {  	v10 =	vor.u32 s14, v8;
	v15 =	vld.idx.msk [tilespmem:v9+s19+$0x0], $0xffff  }
0x152: {  	v14 =	vor.u32 s14, v9;
	_ =	sdelay $0x1  }
0x153: {  	s14 =	simm.s32 $0x2  }
0x154: {  	v18 =	vor.u32 s14, v8;
	v12 =	vld.idx.msk [tilespmem:v12+s15+$0x0], $0xffff  }
0x155: {  	v17 =	vld.idx.msk [tilespmem:v10+s17+$0x0], $0xffff;
	v10 =	vmul.f32 v13, v11;
	v11 =	vmul.f32 v15, v11;
	v15 =	vor.u32 s14, v7  }
0x156: {  	v16 =	vor.u32 s14, v9;
	v13 =	vld.idx.msk [tilespmem:v14+s19+$0x0], $0xffff;
	_ =	sdelay $0x2  }
0x157: {  	v14 =	vld.idx.msk [tilespmem:v18+s17+$0x0], $0xffff;
	s14 =	simm.s32 $0x3  }
.LBB2_14:
0x158: {  	v18 =	vor.u32 s14, v8;
	v17 =	vmul.f32 v17, v12;
	v19 =	vmov v12;
	v12 =	vld.idx.msk [tilespmem:v15+s15+$0x0], $0xffff;
	p0 =	sne.s32 s14, $0x1F  }
.Ltmp6:
0x159: {  	v15 =	vor.u32 s14, v7;
	v19 =	vmul.f32 v13, v19;
	v13 =	vld.idx.msk [tilespmem:v16+s19+$0x0], $0xffff;
	(pc) =	sbr.rel @p0 .LBB2_14-.Ltmp6, $3  }
0x15a: {  	v16 =	vor.u32 s14, v9;
	s14 =	sadd.s32 $0x1, s14;
	v10 =	vsub.f32 v10, v17  }
0x15b: {  	v11 =	vsub.f32 v11, v19;
	_ =	sdelay $0x1  }
0x15c: {  	v17 =	vmov v14;
	v14 =	vld.idx.msk [tilespmem:v18+s17+$0x0], $0xffff  }
0x15d: {  	_ =	sdelay $0x3  }
0x15e: {  	v7 =	vld.idx.msk [tilespmem:v15+s15+$0x0], $0xffff  }
0x15f: {  	v8 =	vld.idx.msk [tilespmem:v16+s19+$0x0], $0xffff  }
0x160: {  	v9 =	vld [tilespmem:$0x70]  }
0x161: {  	v15 =	vld [tilespmem:$0x270]  }
0x162: {  	v16 =	vmul.f32 v17, v12;
	v12 =	vmul.f32 v13, v12;
	v13 =	vld [tilespmem:$0x470];
	_ =	sdelay $0x1  }
0x163: {  	v10 =	vsub.f32 v10, v16;
	v11 =	vsub.f32 v11, v12  }
0x164: {  	v12 =	vmul.f32 v14, v7;
	v14 =	vmul.f32 v8, v7;
	v7 =	vshll.u32 v9, $0x5  }
0x165: {  	v9 =	vshll.u32 v15, $0x5;
	v8 =	vand.u32 $0x60, v7;
	v7 =	vor.u32 $0x3800, v0  }
0x166: {  	v13 =	vshll.u32 v13, $0x5;
	v9 =	vand.u32 $0x60, v9;
	v8 =	vor.u32 v7, v8  }
0x167: {  	v12 =	vsub.f32 v10, v12;
	v10 =	vand.u32 $0x60, v13;
	v9 =	vor.u32 v7, v9  }
0x168: {  	v11 =	vsub.f32 v11, v14;
	v10 =	vor.u32 v7, v10  }
0x169: {  	[tilespmem:$0x18C60] =	vst v12  }
0x16a: {  	[tilespmem:$0x18E60] =	vst v11  }
0x16b: {  	s14 =	simm.s32 $0x1;
	v12 =	vld.idx.msk [tilespmem:v8+s15+$0x0], $0xffff  }
0x16c: {  	v13 =	vor.u32 s14, v8;
	v14 =	vld.idx.msk [tilespmem:v9+s17+$0x0], $0xffff  }
0x16d: {  	v11 =	vor.u32 s14, v9;
	v16 =	vld.idx.msk [tilespmem:v10+s19+$0x0], $0xffff  }
0x16e: {  	v15 =	vor.u32 s14, v10;
	_ =	sdelay $0x1  }
0x16f: {  	s14 =	simm.s32 $0x2  }
0x170: {  	v19 =	vor.u32 s14, v9;
	v13 =	vld.idx.msk [tilespmem:v13+s15+$0x0], $0xffff  }
0x171: {  	v18 =	vld.idx.msk [tilespmem:v11+s17+$0x0], $0xffff;
	v11 =	vmul.f32 v14, v12;
	v12 =	vmul.f32 v16, v12;
	v16 =	vor.u32 s14, v8  }
0x172: {  	v17 =	vor.u32 s14, v10;
	v14 =	vld.idx.msk [tilespmem:v15+s19+$0x0], $0xffff;
	_ =	sdelay $0x2  }
0x173: {  	v15 =	vld.idx.msk [tilespmem:v19+s17+$0x0], $0xffff;
	s14 =	simm.s32 $0x3  }
.LBB2_16:
0x174: {  	v19 =	vor.u32 s14, v9;
	v18 =	vmul.f32 v18, v13;
	v20 =	vmov v13;
	v13 =	vld.idx.msk [tilespmem:v16+s15+$0x0], $0xffff;
	p0 =	sne.s32 s14, $0x1F  }
.Ltmp7:
0x175: {  	v16 =	vor.u32 s14, v8;
	v20 =	vmul.f32 v14, v20;
	v14 =	vld.idx.msk [tilespmem:v17+s19+$0x0], $0xffff;
	(pc) =	sbr.rel @p0 .LBB2_16-.Ltmp7, $3  }
0x176: {  	v17 =	vor.u32 s14, v10;
	s14 =	sadd.s32 $0x1, s14;
	v11 =	vsub.f32 v11, v18  }
0x177: {  	v12 =	vsub.f32 v12, v20;
	_ =	sdelay $0x1  }
0x178: {  	v18 =	vmov v15;
	v15 =	vld.idx.msk [tilespmem:v19+s17+$0x0], $0xffff  }
0x179: {  	_ =	sdelay $0x3  }
0x17a: {  	v8 =	vld.idx.msk [tilespmem:v16+s15+$0x0], $0xffff  }
0x17b: {  	v9 =	vld.idx.msk [tilespmem:v17+s19+$0x0], $0xffff;
	_ =	sdelay $0x1  }
0x17c: {  	v10 =	vmul.f32 v18, v13  }
0x17d: {  	v13 =	vmul.f32 v14, v13  }
0x17e: {  	v10 =	vsub.f32 v11, v10;
	v11 =	vmul.f32 v15, v8  }
0x17f: {  	v12 =	vsub.f32 v12, v13;
	v8 =	vmul.f32 v9, v8  }
0x180: {  	v9 =	vsub.f32 v10, v11  }
0x181: {  	v8 =	vsub.f32 v12, v8  }
0x182: {  	[tilespmem:$0x18C70] =	vst v9  }
0x183: {  	s14 =	simm.s32 $0x1;
	[tilespmem:$0x18E70] =	vst v8  }
0x184: {  	_ =	swait.ge [sflag:s14], $0x4000  }
0x185: {  	[sflag:s14] =	ssyncset.done $0x0  }
0x186: {  	[sflag:s14] =	ssyncadd.s32 $0xFFFFC000  }
0x187: {  	_ =	swait.ge [sflag:s14], $0x4000  }
0x188: {  	[sflag:s14] =	ssyncset.done $0x0  }
0x189: {  	[sflag:s14] =	ssyncadd.s32 $0xFFFFC000  }
0x18a: {  	_ =	swait.ge [sflag:s14], $0x4000  }
0x18b: {  	[sflag:s14] =	ssyncset.done $0x0  }
0x18c: {  	[sflag:s14] =	ssyncadd.s32 $0xFFFFC000  }
0x18d: {  	[tilespmem:s15], [sflag:$0x1] =	stream.indirect.gather [hbm4b:s3+s13], $0x80, s26, s13, $0xb8;
	[tilespmem:$0x19000] =	vst v63  }
0x18e: {  	_ = 	snop  }
0x18f: {  	[tilespmem:s17], [sflag:$0x1] =	stream.indirect.gather [hbm4b:s3+s13], $0x80, s28, s13, $0xb8;
	[tilespmem:$0x19000] =	vst v63  }
0x190: {  	_ = 	snop  }
0x191: {  	[tilespmem:s19], [sflag:$0x1] =	stream.indirect.gather [hbm4b:s3+s13], $0x80, s29, s13, $0xb8;
	[tilespmem:$0x19000] =	vst v63  }
0x192: {  	v8 =	vld [tilespmem:$0x80]  }
0x193: {  	v9 =	vld [tilespmem:$0x280]  }
0x194: {  	v10 =	vld [tilespmem:$0x480];
	_ =	sdelay $0x2  }
0x195: {  	v8 =	vshll.u32 v8, $0x5  }
0x196: {  	v9 =	vshll.u32 v9, $0x5;
	v8 =	vand.u32 $0x60, v8  }
0x197: {  	v10 =	vshll.u32 v10, $0x5;
	v9 =	vand.u32 $0x60, v9;
	v8 =	vor.u32 v0, v8  }
0x198: {  	v10 =	vand.u32 $0x60, v10;
	v9 =	vor.u32 v0, v9  }
0x199: {  	v10 =	vor.u32 v0, v10;
	_ =	sdelay $0x2  }
0x19a: {  	v13 =	vld.idx.msk [tilespmem:v8+s21+$0x0], $0xffff  }
0x19b: {  	v11 =	vor.u32 s14, v9;
	v14 =	vld.idx.msk [tilespmem:v9+s23+$0x0], $0xffff  }
0x19c: {  	v12 =	vor.u32 s14, v8;
	v16 =	vld.idx.msk [tilespmem:v10+s25+$0x0], $0xffff  }
0x19d: {  	v15 =	vor.u32 s14, v10;
	_ =	sdelay $0x1  }
0x19e: {  	s14 =	simm.s32 $0x2  }
0x19f: {  	v19 =	vor.u32 s14, v9;
	v18 =	vld.idx.msk [tilespmem:v11+s23+$0x0], $0xffff  }
0x1a0: {  	v12 =	vld.idx.msk [tilespmem:v12+s21+$0x0], $0xffff;
	v11 =	vmul.f32 v14, v13;
	v13 =	vmul.f32 v16, v13;
	v16 =	vor.u32 s14, v8  }
0x1a1: {  	v17 =	vor.u32 s14, v10;
	v14 =	vld.idx.msk [tilespmem:v15+s25+$0x0], $0xffff;
	_ =	sdelay $0x2  }
0x1a2: {  	s14 =	simm.s32 $0x3;
	v15 =	vld.idx.msk [tilespmem:v19+s23+$0x0], $0xffff  }
.LBB2_18:
0x1a3: {  	v19 =	vor.u32 s14, v9;
	v18 =	vmul.f32 v18, v12;
	v20 =	vmov v12;
	v12 =	vld.idx.msk [tilespmem:v16+s21+$0x0], $0xffff;
	p0 =	sne.s32 s14, $0x1F  }
.Ltmp8:
0x1a4: {  	v16 =	vor.u32 s14, v8;
	v20 =	vmul.f32 v14, v20;
	v14 =	vld.idx.msk [tilespmem:v17+s25+$0x0], $0xffff;
	(pc) =	sbr.rel @p0 .LBB2_18-.Ltmp8, $3  }
0x1a5: {  	v17 =	vor.u32 s14, v10;
	s14 =	sadd.s32 $0x1, s14;
	v11 =	vsub.f32 v11, v18  }
0x1a6: {  	v13 =	vsub.f32 v13, v20;
	_ =	sdelay $0x1  }
0x1a7: {  	v18 =	vmov v15;
	v15 =	vld.idx.msk [tilespmem:v19+s23+$0x0], $0xffff  }
0x1a8: {  	_ =	sdelay $0x3  }
0x1a9: {  	v8 =	vld.idx.msk [tilespmem:v16+s21+$0x0], $0xffff  }
0x1aa: {  	v9 =	vld.idx.msk [tilespmem:v17+s25+$0x0], $0xffff  }
0x1ab: {  	v10 =	vld [tilespmem:$0x90]  }
0x1ac: {  	v16 =	vld [tilespmem:$0x290]  }
0x1ad: {  	v17 =	vmul.f32 v18, v12;
	v18 =	vld [tilespmem:$0x490]  }
0x1ae: {  	v12 =	vmul.f32 v14, v12  }
0x1af: {  	v11 =	vsub.f32 v11, v17  }
0x1b0: {  	v12 =	vsub.f32 v13, v12;
	v13 =	vmul.f32 v15, v8;
	v10 =	vshll.u32 v10, $0x5  }
0x1b1: {  	v14 =	vmul.f32 v9, v8;
	v9 =	vshll.u32 v16, $0x5;
	v8 =	vand.u32 $0x60, v10  }
0x1b2: {  	v9 =	vand.u32 $0x60, v9;
	v10 =	vshll.u32 v18, $0x5;
	v8 =	vor.u32 v1, v8  }
0x1b3: {  	v11 =	vsub.f32 v11, v13;
	v10 =	vand.u32 $0x60, v10;
	v9 =	vor.u32 v1, v9  }
0x1b4: {  	v12 =	vsub.f32 v12, v14;
	v10 =	vor.u32 v1, v10  }
0x1b5: {  	[tilespmem:$0x18C80] =	vst v11  }
0x1b6: {  	[tilespmem:$0x18E80] =	vst v12  }
0x1b7: {  	s14 =	simm.s32 $0x1;
	v13 =	vld.idx.msk [tilespmem:v8+s21+$0x0], $0xffff  }
0x1b8: {  	v11 =	vor.u32 s14, v9;
	v14 =	vld.idx.msk [tilespmem:v9+s23+$0x0], $0xffff  }
0x1b9: {  	v12 =	vor.u32 s14, v8;
	v16 =	vld.idx.msk [tilespmem:v10+s25+$0x0], $0xffff  }
0x1ba: {  	v15 =	vor.u32 s14, v10;
	_ =	sdelay $0x1  }
0x1bb: {  	s14 =	simm.s32 $0x2  }
0x1bc: {  	v19 =	vor.u32 s14, v9;
	v18 =	vld.idx.msk [tilespmem:v11+s23+$0x0], $0xffff  }
0x1bd: {  	v12 =	vld.idx.msk [tilespmem:v12+s21+$0x0], $0xffff;
	v11 =	vmul.f32 v14, v13;
	v13 =	vmul.f32 v16, v13;
	v16 =	vor.u32 s14, v8  }
0x1be: {  	v17 =	vor.u32 s14, v10;
	v14 =	vld.idx.msk [tilespmem:v15+s25+$0x0], $0xffff;
	_ =	sdelay $0x2  }
0x1bf: {  	v15 =	vld.idx.msk [tilespmem:v19+s23+$0x0], $0xffff;
	s14 =	simm.s32 $0x3  }
.LBB2_20:
0x1c0: {  	v19 =	vor.u32 s14, v9;
	v18 =	vmul.f32 v18, v12;
	v20 =	vmov v12;
	v12 =	vld.idx.msk [tilespmem:v16+s21+$0x0], $0xffff;
	p0 =	sne.s32 s14, $0x1F  }
.Ltmp9:
0x1c1: {  	v16 =	vor.u32 s14, v8;
	v20 =	vmul.f32 v14, v20;
	v14 =	vld.idx.msk [tilespmem:v17+s25+$0x0], $0xffff;
	(pc) =	sbr.rel @p0 .LBB2_20-.Ltmp9, $3  }
0x1c2: {  	v17 =	vor.u32 s14, v10;
	s14 =	sadd.s32 $0x1, s14;
	v11 =	vsub.f32 v11, v18  }
0x1c3: {  	v13 =	vsub.f32 v13, v20;
	_ =	sdelay $0x1  }
0x1c4: {  	v18 =	vmov v15;
	v15 =	vld.idx.msk [tilespmem:v19+s23+$0x0], $0xffff  }
0x1c5: {  	_ =	sdelay $0x3  }
0x1c6: {  	v8 =	vld.idx.msk [tilespmem:v16+s21+$0x0], $0xffff  }
0x1c7: {  	v9 =	vld.idx.msk [tilespmem:v17+s25+$0x0], $0xffff  }
0x1c8: {  	v10 =	vld [tilespmem:$0xA0]  }
0x1c9: {  	v16 =	vld [tilespmem:$0x2A0]  }
0x1ca: {  	v17 =	vmul.f32 v18, v12;
	v18 =	vld [tilespmem:$0x4A0]  }
0x1cb: {  	v12 =	vmul.f32 v14, v12  }
0x1cc: {  	v11 =	vsub.f32 v11, v17  }
0x1cd: {  	v12 =	vsub.f32 v13, v12;
	v13 =	vmul.f32 v15, v8;
	v10 =	vshll.u32 v10, $0x5  }
0x1ce: {  	v14 =	vmul.f32 v9, v8;
	v9 =	vshll.u32 v16, $0x5;
	v8 =	vand.u32 $0x60, v10  }
0x1cf: {  	v9 =	vand.u32 $0x60, v9;
	v10 =	vshll.u32 v18, $0x5;
	v8 =	vor.u32 v2, v8  }
0x1d0: {  	v11 =	vsub.f32 v11, v13;
	v10 =	vand.u32 $0x60, v10;
	v9 =	vor.u32 v2, v9  }
0x1d1: {  	v12 =	vsub.f32 v12, v14;
	v10 =	vor.u32 v2, v10  }
0x1d2: {  	[tilespmem:$0x18C90] =	vst v11  }
0x1d3: {  	[tilespmem:$0x18E90] =	vst v12  }
0x1d4: {  	s14 =	simm.s32 $0x1;
	v13 =	vld.idx.msk [tilespmem:v8+s21+$0x0], $0xffff  }
0x1d5: {  	v11 =	vor.u32 s14, v9;
	v14 =	vld.idx.msk [tilespmem:v9+s23+$0x0], $0xffff  }
0x1d6: {  	v12 =	vor.u32 s14, v8;
	v16 =	vld.idx.msk [tilespmem:v10+s25+$0x0], $0xffff  }
0x1d7: {  	v15 =	vor.u32 s14, v10;
	_ =	sdelay $0x1  }
0x1d8: {  	s14 =	simm.s32 $0x2  }
0x1d9: {  	v19 =	vor.u32 s14, v9;
	v18 =	vld.idx.msk [tilespmem:v11+s23+$0x0], $0xffff  }
0x1da: {  	v12 =	vld.idx.msk [tilespmem:v12+s21+$0x0], $0xffff;
	v11 =	vmul.f32 v14, v13;
	v13 =	vmul.f32 v16, v13;
	v16 =	vor.u32 s14, v8  }
0x1db: {  	v17 =	vor.u32 s14, v10;
	v14 =	vld.idx.msk [tilespmem:v15+s25+$0x0], $0xffff;
	_ =	sdelay $0x2  }
0x1dc: {  	v15 =	vld.idx.msk [tilespmem:v19+s23+$0x0], $0xffff;
	s14 =	simm.s32 $0x3  }
.LBB2_22:
0x1dd: {  	v19 =	vor.u32 s14, v9;
	v18 =	vmul.f32 v18, v12;
	v20 =	vmov v12;
	v12 =	vld.idx.msk [tilespmem:v16+s21+$0x0], $0xffff;
	p0 =	sne.s32 s14, $0x1F  }
.Ltmp10:
0x1de: {  	v16 =	vor.u32 s14, v8;
	v20 =	vmul.f32 v14, v20;
	v14 =	vld.idx.msk [tilespmem:v17+s25+$0x0], $0xffff;
	(pc) =	sbr.rel @p0 .LBB2_22-.Ltmp10, $3  }
0x1df: {  	v17 =	vor.u32 s14, v10;
	s14 =	sadd.s32 $0x1, s14;
	v11 =	vsub.f32 v11, v18  }
0x1e0: {  	v13 =	vsub.f32 v13, v20;
	_ =	sdelay $0x1  }
0x1e1: {  	v18 =	vmov v15;
	v15 =	vld.idx.msk [tilespmem:v19+s23+$0x0], $0xffff  }
0x1e2: {  	_ =	sdelay $0x3  }
0x1e3: {  	v8 =	vld.idx.msk [tilespmem:v16+s21+$0x0], $0xffff  }
0x1e4: {  	v9 =	vld.idx.msk [tilespmem:v17+s25+$0x0], $0xffff  }
0x1e5: {  	v10 =	vld [tilespmem:$0xB0]  }
0x1e6: {  	v16 =	vld [tilespmem:$0x2B0]  }
0x1e7: {  	v17 =	vmul.f32 v18, v12;
	v18 =	vld [tilespmem:$0x4B0]  }
0x1e8: {  	v12 =	vmul.f32 v14, v12  }
0x1e9: {  	v11 =	vsub.f32 v11, v17  }
0x1ea: {  	v12 =	vsub.f32 v13, v12;
	v13 =	vmul.f32 v15, v8;
	v10 =	vshll.u32 v10, $0x5  }
0x1eb: {  	v14 =	vmul.f32 v9, v8;
	v9 =	vshll.u32 v16, $0x5;
	v8 =	vand.u32 $0x60, v10  }
0x1ec: {  	v9 =	vand.u32 $0x60, v9;
	v10 =	vshll.u32 v18, $0x5;
	v8 =	vor.u32 v3, v8  }
0x1ed: {  	v11 =	vsub.f32 v11, v13;
	v10 =	vand.u32 $0x60, v10;
	v9 =	vor.u32 v3, v9  }
0x1ee: {  	v12 =	vsub.f32 v12, v14;
	v10 =	vor.u32 v3, v10  }
0x1ef: {  	[tilespmem:$0x18CA0] =	vst v11  }
0x1f0: {  	[tilespmem:$0x18EA0] =	vst v12  }
0x1f1: {  	s14 =	simm.s32 $0x1;
	v13 =	vld.idx.msk [tilespmem:v8+s21+$0x0], $0xffff  }
0x1f2: {  	v11 =	vor.u32 s14, v9;
	v14 =	vld.idx.msk [tilespmem:v9+s23+$0x0], $0xffff  }
0x1f3: {  	v12 =	vor.u32 s14, v8;
	v16 =	vld.idx.msk [tilespmem:v10+s25+$0x0], $0xffff  }
0x1f4: {  	v15 =	vor.u32 s14, v10;
	_ =	sdelay $0x1  }
0x1f5: {  	s14 =	simm.s32 $0x2  }
0x1f6: {  	v19 =	vor.u32 s14, v9;
	v18 =	vld.idx.msk [tilespmem:v11+s23+$0x0], $0xffff  }
0x1f7: {  	v12 =	vld.idx.msk [tilespmem:v12+s21+$0x0], $0xffff;
	v11 =	vmul.f32 v14, v13;
	v13 =	vmul.f32 v16, v13;
	v16 =	vor.u32 s14, v8  }
0x1f8: {  	v17 =	vor.u32 s14, v10;
	v14 =	vld.idx.msk [tilespmem:v15+s25+$0x0], $0xffff;
	_ =	sdelay $0x2  }
0x1f9: {  	v15 =	vld.idx.msk [tilespmem:v19+s23+$0x0], $0xffff;
	s14 =	simm.s32 $0x3  }
.LBB2_24:
0x1fa: {  	v19 =	vor.u32 s14, v9;
	v18 =	vmul.f32 v18, v12;
	v20 =	vmov v12;
	v12 =	vld.idx.msk [tilespmem:v16+s21+$0x0], $0xffff;
	p0 =	sne.s32 s14, $0x1F  }
.Ltmp11:
0x1fb: {  	v16 =	vor.u32 s14, v8;
	v20 =	vmul.f32 v14, v20;
	v14 =	vld.idx.msk [tilespmem:v17+s25+$0x0], $0xffff;
	(pc) =	sbr.rel @p0 .LBB2_24-.Ltmp11, $3  }
0x1fc: {  	v17 =	vor.u32 s14, v10;
	s14 =	sadd.s32 $0x1, s14;
	v11 =	vsub.f32 v11, v18  }
0x1fd: {  	v13 =	vsub.f32 v13, v20;
	_ =	sdelay $0x1  }
0x1fe: {  	v18 =	vmov v15;
	v15 =	vld.idx.msk [tilespmem:v19+s23+$0x0], $0xffff  }
0x1ff: {  	_ =	sdelay $0x3  }
0x200: {  	v8 =	vld.idx.msk [tilespmem:v16+s21+$0x0], $0xffff  }
0x201: {  	v9 =	vld.idx.msk [tilespmem:v17+s25+$0x0], $0xffff  }
0x202: {  	v10 =	vld [tilespmem:$0xC0]  }
0x203: {  	v16 =	vld [tilespmem:$0x2C0]  }
0x204: {  	v17 =	vmul.f32 v18, v12;
	v18 =	vld [tilespmem:$0x4C0]  }
0x205: {  	v12 =	vmul.f32 v14, v12  }
0x206: {  	v11 =	vsub.f32 v11, v17  }
0x207: {  	v12 =	vsub.f32 v13, v12;
	v13 =	vmul.f32 v15, v8;
	v10 =	vshll.u32 v10, $0x5  }
0x208: {  	v14 =	vmul.f32 v9, v8;
	v9 =	vshll.u32 v16, $0x5;
	v8 =	vand.u32 $0x60, v10  }
0x209: {  	v9 =	vand.u32 $0x60, v9;
	v10 =	vshll.u32 v18, $0x5;
	v8 =	vor.u32 v4, v8  }
0x20a: {  	v11 =	vsub.f32 v11, v13;
	v10 =	vand.u32 $0x60, v10;
	v9 =	vor.u32 v4, v9  }
0x20b: {  	v12 =	vsub.f32 v12, v14;
	v10 =	vor.u32 v4, v10  }
0x20c: {  	[tilespmem:$0x18CB0] =	vst v11  }
0x20d: {  	[tilespmem:$0x18EB0] =	vst v12  }
0x20e: {  	s14 =	simm.s32 $0x1;
	v13 =	vld.idx.msk [tilespmem:v8+s21+$0x0], $0xffff  }
0x20f: {  	v11 =	vor.u32 s14, v9;
	v14 =	vld.idx.msk [tilespmem:v9+s23+$0x0], $0xffff  }
0x210: {  	v12 =	vor.u32 s14, v8;
	v16 =	vld.idx.msk [tilespmem:v10+s25+$0x0], $0xffff  }
0x211: {  	v15 =	vor.u32 s14, v10;
	_ =	sdelay $0x1  }
0x212: {  	s14 =	simm.s32 $0x2  }
0x213: {  	v19 =	vor.u32 s14, v9;
	v18 =	vld.idx.msk [tilespmem:v11+s23+$0x0], $0xffff  }
0x214: {  	v12 =	vld.idx.msk [tilespmem:v12+s21+$0x0], $0xffff;
	v11 =	vmul.f32 v14, v13;
	v13 =	vmul.f32 v16, v13;
	v16 =	vor.u32 s14, v8  }
0x215: {  	v17 =	vor.u32 s14, v10;
	v14 =	vld.idx.msk [tilespmem:v15+s25+$0x0], $0xffff;
	_ =	sdelay $0x2  }
0x216: {  	v15 =	vld.idx.msk [tilespmem:v19+s23+$0x0], $0xffff;
	s14 =	simm.s32 $0x3  }
.LBB2_26:
0x217: {  	v19 =	vor.u32 s14, v9;
	v18 =	vmul.f32 v18, v12;
	v20 =	vmov v12;
	v12 =	vld.idx.msk [tilespmem:v16+s21+$0x0], $0xffff;
	p0 =	sne.s32 s14, $0x1F  }
.Ltmp12:
0x218: {  	v16 =	vor.u32 s14, v8;
	v20 =	vmul.f32 v14, v20;
	v14 =	vld.idx.msk [tilespmem:v17+s25+$0x0], $0xffff;
	(pc) =	sbr.rel @p0 .LBB2_26-.Ltmp12, $3  }
0x219: {  	v17 =	vor.u32 s14, v10;
	s14 =	sadd.s32 $0x1, s14;
	v11 =	vsub.f32 v11, v18  }
0x21a: {  	v13 =	vsub.f32 v13, v20;
	_ =	sdelay $0x1  }
0x21b: {  	v18 =	vmov v15;
	v15 =	vld.idx.msk [tilespmem:v19+s23+$0x0], $0xffff  }
0x21c: {  	_ =	sdelay $0x3  }
0x21d: {  	v8 =	vld.idx.msk [tilespmem:v16+s21+$0x0], $0xffff  }
0x21e: {  	v9 =	vld.idx.msk [tilespmem:v17+s25+$0x0], $0xffff  }
0x21f: {  	v10 =	vld [tilespmem:$0xD0]  }
0x220: {  	v16 =	vld [tilespmem:$0x2D0]  }
0x221: {  	v17 =	vmul.f32 v18, v12;
	v18 =	vld [tilespmem:$0x4D0]  }
0x222: {  	v12 =	vmul.f32 v14, v12  }
0x223: {  	v11 =	vsub.f32 v11, v17  }
0x224: {  	v12 =	vsub.f32 v13, v12;
	v13 =	vmul.f32 v15, v8;
	v10 =	vshll.u32 v10, $0x5  }
0x225: {  	v14 =	vmul.f32 v9, v8;
	v9 =	vshll.u32 v16, $0x5;
	v8 =	vand.u32 $0x60, v10  }
0x226: {  	v9 =	vand.u32 $0x60, v9;
	v10 =	vshll.u32 v18, $0x5;
	v8 =	vor.u32 v5, v8  }
0x227: {  	v11 =	vsub.f32 v11, v13;
	v10 =	vand.u32 $0x60, v10;
	v9 =	vor.u32 v5, v9  }
0x228: {  	v12 =	vsub.f32 v12, v14;
	v10 =	vor.u32 v5, v10  }
0x229: {  	[tilespmem:$0x18CC0] =	vst v11  }
0x22a: {  	[tilespmem:$0x18EC0] =	vst v12  }
0x22b: {  	s14 =	simm.s32 $0x1;
	v13 =	vld.idx.msk [tilespmem:v8+s21+$0x0], $0xffff  }
0x22c: {  	v11 =	vor.u32 s14, v9;
	v14 =	vld.idx.msk [tilespmem:v9+s23+$0x0], $0xffff  }
0x22d: {  	v12 =	vor.u32 s14, v8;
	v16 =	vld.idx.msk [tilespmem:v10+s25+$0x0], $0xffff  }
0x22e: {  	v15 =	vor.u32 s14, v10;
	_ =	sdelay $0x1  }
0x22f: {  	s14 =	simm.s32 $0x2  }
0x230: {  	v19 =	vor.u32 s14, v9;
	v18 =	vld.idx.msk [tilespmem:v11+s23+$0x0], $0xffff  }
0x231: {  	v12 =	vld.idx.msk [tilespmem:v12+s21+$0x0], $0xffff;
	v11 =	vmul.f32 v14, v13;
	v13 =	vmul.f32 v16, v13;
	v16 =	vor.u32 s14, v8  }
0x232: {  	v17 =	vor.u32 s14, v10;
	v14 =	vld.idx.msk [tilespmem:v15+s25+$0x0], $0xffff;
	_ =	sdelay $0x2  }
0x233: {  	v15 =	vld.idx.msk [tilespmem:v19+s23+$0x0], $0xffff;
	s14 =	simm.s32 $0x3  }
.LBB2_28:
0x234: {  	v19 =	vor.u32 s14, v9;
	v18 =	vmul.f32 v18, v12;
	v20 =	vmov v12;
	v12 =	vld.idx.msk [tilespmem:v16+s21+$0x0], $0xffff;
	p0 =	sne.s32 s14, $0x1F  }
.Ltmp13:
0x235: {  	v16 =	vor.u32 s14, v8;
	v20 =	vmul.f32 v14, v20;
	v14 =	vld.idx.msk [tilespmem:v17+s25+$0x0], $0xffff;
	(pc) =	sbr.rel @p0 .LBB2_28-.Ltmp13, $3  }
0x236: {  	v17 =	vor.u32 s14, v10;
	s14 =	sadd.s32 $0x1, s14;
	v11 =	vsub.f32 v11, v18  }
0x237: {  	v13 =	vsub.f32 v13, v20;
	_ =	sdelay $0x1  }
0x238: {  	v18 =	vmov v15;
	v15 =	vld.idx.msk [tilespmem:v19+s23+$0x0], $0xffff  }
0x239: {  	_ =	sdelay $0x3  }
0x23a: {  	v8 =	vld.idx.msk [tilespmem:v16+s21+$0x0], $0xffff  }
0x23b: {  	v9 =	vld.idx.msk [tilespmem:v17+s25+$0x0], $0xffff  }
0x23c: {  	v10 =	vld [tilespmem:$0xE0]  }
0x23d: {  	v16 =	vld [tilespmem:$0x2E0]  }
0x23e: {  	v17 =	vmul.f32 v18, v12;
	v18 =	vld [tilespmem:$0x4E0]  }
0x23f: {  	v12 =	vmul.f32 v14, v12  }
0x240: {  	v11 =	vsub.f32 v11, v17  }
0x241: {  	v12 =	vsub.f32 v13, v12;
	v13 =	vmul.f32 v15, v8;
	v10 =	vshll.u32 v10, $0x5  }
0x242: {  	v14 =	vmul.f32 v9, v8;
	v9 =	vshll.u32 v16, $0x5;
	v8 =	vand.u32 $0x60, v10  }
0x243: {  	v9 =	vand.u32 $0x60, v9;
	v10 =	vshll.u32 v18, $0x5;
	v8 =	vor.u32 v6, v8  }
0x244: {  	v11 =	vsub.f32 v11, v13;
	v10 =	vand.u32 $0x60, v10;
	v9 =	vor.u32 v6, v9  }
0x245: {  	v12 =	vsub.f32 v12, v14;
	v10 =	vor.u32 v6, v10  }
0x246: {  	[tilespmem:$0x18CD0] =	vst v11  }
0x247: {  	[tilespmem:$0x18ED0] =	vst v12  }
0x248: {  	s14 =	simm.s32 $0x1;
	v13 =	vld.idx.msk [tilespmem:v8+s21+$0x0], $0xffff  }
0x249: {  	v11 =	vor.u32 s14, v9;
	v14 =	vld.idx.msk [tilespmem:v9+s23+$0x0], $0xffff  }
0x24a: {  	v12 =	vor.u32 s14, v8;
	v16 =	vld.idx.msk [tilespmem:v10+s25+$0x0], $0xffff  }
0x24b: {  	v15 =	vor.u32 s14, v10;
	_ =	sdelay $0x1  }
0x24c: {  	s14 =	simm.s32 $0x2  }
0x24d: {  	v19 =	vor.u32 s14, v9;
	v18 =	vld.idx.msk [tilespmem:v11+s23+$0x0], $0xffff  }
0x24e: {  	v12 =	vld.idx.msk [tilespmem:v12+s21+$0x0], $0xffff;
	v11 =	vmul.f32 v14, v13;
	v13 =	vmul.f32 v16, v13;
	v16 =	vor.u32 s14, v8  }
0x24f: {  	v17 =	vor.u32 s14, v10;
	v14 =	vld.idx.msk [tilespmem:v15+s25+$0x0], $0xffff;
	_ =	sdelay $0x2  }
0x250: {  	v15 =	vld.idx.msk [tilespmem:v19+s23+$0x0], $0xffff;
	s14 =	simm.s32 $0x3  }
.LBB2_30:
0x251: {  	v19 =	vor.u32 s14, v9;
	v18 =	vmul.f32 v18, v12;
	v20 =	vmov v12;
	v12 =	vld.idx.msk [tilespmem:v16+s21+$0x0], $0xffff;
	p0 =	sne.s32 s14, $0x1F  }
.Ltmp14:
0x252: {  	v16 =	vor.u32 s14, v8;
	v20 =	vmul.f32 v14, v20;
	v14 =	vld.idx.msk [tilespmem:v17+s25+$0x0], $0xffff;
	(pc) =	sbr.rel @p0 .LBB2_30-.Ltmp14, $3  }
0x253: {  	v17 =	vor.u32 s14, v10;
	s14 =	sadd.s32 $0x1, s14;
	v11 =	vsub.f32 v11, v18  }
0x254: {  	v13 =	vsub.f32 v13, v20;
	_ =	sdelay $0x1  }
0x255: {  	v18 =	vmov v15;
	v15 =	vld.idx.msk [tilespmem:v19+s23+$0x0], $0xffff  }
0x256: {  	_ =	sdelay $0x3  }
0x257: {  	v8 =	vld.idx.msk [tilespmem:v16+s21+$0x0], $0xffff  }
0x258: {  	v9 =	vld.idx.msk [tilespmem:v17+s25+$0x0], $0xffff  }
0x259: {  	v10 =	vld [tilespmem:$0xF0]  }
0x25a: {  	v16 =	vld [tilespmem:$0x2F0]  }
0x25b: {  	v17 =	vmul.f32 v18, v12;
	v18 =	vld [tilespmem:$0x4F0]  }
0x25c: {  	v12 =	vmul.f32 v14, v12  }
0x25d: {  	v11 =	vsub.f32 v11, v17  }
0x25e: {  	v12 =	vsub.f32 v13, v12;
	v13 =	vmul.f32 v15, v8;
	v10 =	vshll.u32 v10, $0x5  }
0x25f: {  	v14 =	vmul.f32 v9, v8;
	v9 =	vshll.u32 v16, $0x5;
	v8 =	vand.u32 $0x60, v10  }
0x260: {  	v9 =	vand.u32 $0x60, v9;
	v10 =	vshll.u32 v18, $0x5;
	v8 =	vor.u32 v7, v8  }
0x261: {  	v11 =	vsub.f32 v11, v13;
	v10 =	vand.u32 $0x60, v10;
	v9 =	vor.u32 v7, v9  }
0x262: {  	v12 =	vsub.f32 v12, v14;
	v10 =	vor.u32 v7, v10  }
0x263: {  	[tilespmem:$0x18CE0] =	vst v11  }
0x264: {  	[tilespmem:$0x18EE0] =	vst v12  }
0x265: {  	s14 =	simm.s32 $0x1;
	v12 =	vld.idx.msk [tilespmem:v8+s21+$0x0], $0xffff  }
0x266: {  	v13 =	vor.u32 s14, v8;
	v14 =	vld.idx.msk [tilespmem:v9+s23+$0x0], $0xffff  }
0x267: {  	v11 =	vor.u32 s14, v9;
	v16 =	vld.idx.msk [tilespmem:v10+s25+$0x0], $0xffff  }
0x268: {  	v15 =	vor.u32 s14, v10;
	_ =	sdelay $0x1  }
0x269: {  	s14 =	simm.s32 $0x2  }
0x26a: {  	v19 =	vor.u32 s14, v9;
	v13 =	vld.idx.msk [tilespmem:v13+s21+$0x0], $0xffff  }
0x26b: {  	v18 =	vld.idx.msk [tilespmem:v11+s23+$0x0], $0xffff;
	v11 =	vmul.f32 v14, v12;
	v12 =	vmul.f32 v16, v12;
	v16 =	vor.u32 s14, v8  }
0x26c: {  	v17 =	vor.u32 s14, v10;
	v14 =	vld.idx.msk [tilespmem:v15+s25+$0x0], $0xffff;
	_ =	sdelay $0x2  }
0x26d: {  	v15 =	vld.idx.msk [tilespmem:v19+s23+$0x0], $0xffff;
	s14 =	simm.s32 $0x3  }
.LBB2_32:
0x26e: {  	v19 =	vor.u32 s14, v9;
	v18 =	vmul.f32 v18, v13;
	v20 =	vmov v13;
	v13 =	vld.idx.msk [tilespmem:v16+s21+$0x0], $0xffff;
	p0 =	sne.s32 s14, $0x1F  }
.Ltmp15:
0x26f: {  	v16 =	vor.u32 s14, v8;
	v20 =	vmul.f32 v14, v20;
	v14 =	vld.idx.msk [tilespmem:v17+s25+$0x0], $0xffff;
	(pc) =	sbr.rel @p0 .LBB2_32-.Ltmp15, $3  }
0x270: {  	v17 =	vor.u32 s14, v10;
	s14 =	sadd.s32 $0x1, s14;
	v11 =	vsub.f32 v11, v18  }
0x271: {  	v12 =	vsub.f32 v12, v20;
	_ =	sdelay $0x1  }
0x272: {  	v18 =	vmov v15;
	v15 =	vld.idx.msk [tilespmem:v19+s23+$0x0], $0xffff  }
0x273: {  	_ =	sdelay $0x3  }
0x274: {  	v8 =	vld.idx.msk [tilespmem:v16+s21+$0x0], $0xffff  }
0x275: {  	v9 =	vld.idx.msk [tilespmem:v17+s25+$0x0], $0xffff;
	_ =	sdelay $0x1  }
0x276: {  	v10 =	vmul.f32 v18, v13  }
0x277: {  	v13 =	vmul.f32 v14, v13  }
0x278: {  	v10 =	vsub.f32 v11, v10;
	v11 =	vmul.f32 v15, v8  }
0x279: {  	v12 =	vsub.f32 v12, v13;
	v8 =	vmul.f32 v9, v8  }
0x27a: {  	v9 =	vsub.f32 v10, v11  }
0x27b: {  	v8 =	vsub.f32 v12, v8  }
0x27c: {  	[tilespmem:$0x18CF0] =	vst v9  }
0x27d: {  	s14 =	simm.s32 $0x1;
	[tilespmem:$0x18EF0] =	vst v8  }
0x27e: {  	_ =	swait.ge [sflag:s14], $0x4000  }
0x27f: {  	[sflag:s14] =	ssyncset.done $0x0  }
0x280: {  	[sflag:s14] =	ssyncadd.s32 $0xFFFFC000  }
0x281: {  	_ =	swait.ge [sflag:s14], $0x4000  }
0x282: {  	[sflag:s14] =	ssyncset.done $0x0  }
0x283: {  	[sflag:s14] =	ssyncadd.s32 $0xFFFFC000  }
0x284: {  	_ =	swait.ge [sflag:s14], $0x4000  }
0x285: {  	[sflag:s14] =	ssyncset.done $0x0  }
0x286: {  	[sflag:s14] =	ssyncadd.s32 $0xFFFFC000  }
0x287: {  	[tilespmem:s21], [sflag:$0x1] =	stream.indirect.gather [hbm4b:s3+s13], $0x80, s30, s13, $0xb8;
	[tilespmem:$0x19000] =	vst v63  }
0x288: {  	_ = 	snop  }
0x289: {  	[tilespmem:s23], [sflag:$0x1] =	stream.indirect.gather [hbm4b:s3+s13], $0x80, s31, s13, $0xb8;
	[tilespmem:$0x19000] =	vst v63  }
0x28a: {  	_ = 	snop  }
0x28b: {  	[tilespmem:s25], [sflag:$0x1] =	stream.indirect.gather [hbm4b:s3+s13], $0x80, s0, s13, $0xb8;
	[tilespmem:$0x19000] =	vst v63  }
0x28c: {  	v8 =	vld [tilespmem:$0x100]  }
0x28d: {  	v9 =	vld [tilespmem:$0x300]  }
0x28e: {  	v10 =	vld [tilespmem:$0x500];
	_ =	sdelay $0x2  }
0x28f: {  	v8 =	vshll.u32 v8, $0x5  }
0x290: {  	v9 =	vshll.u32 v9, $0x5;
	v8 =	vand.u32 $0x60, v8  }
0x291: {  	v10 =	vshll.u32 v10, $0x5;
	v9 =	vand.u32 $0x60, v9;
	v8 =	vor.u32 v0, v8  }
0x292: {  	v10 =	vand.u32 $0x60, v10;
	v9 =	vor.u32 v0, v9  }
0x293: {  	v10 =	vor.u32 v0, v10;
	_ =	sdelay $0x2  }
0x294: {  	v13 =	vld.idx.msk [tilespmem:v8+s15+$0x0], $0xffff  }
0x295: {  	v11 =	vor.u32 s14, v9;
	v14 =	vld.idx.msk [tilespmem:v9+s17+$0x0], $0xffff  }
0x296: {  	v12 =	vor.u32 s14, v8;
	v16 =	vld.idx.msk [tilespmem:v10+s19+$0x0], $0xffff  }
0x297: {  	v15 =	vor.u32 s14, v10;
	_ =	sdelay $0x1  }
0x298: {  	s14 =	simm.s32 $0x2  }
0x299: {  	v19 =	vor.u32 s14, v9;
	v18 =	vld.idx.msk [tilespmem:v11+s17+$0x0], $0xffff  }
0x29a: {  	v12 =	vld.idx.msk [tilespmem:v12+s15+$0x0], $0xffff;
	v11 =	vmul.f32 v14, v13;
	v13 =	vmul.f32 v16, v13;
	v16 =	vor.u32 s14, v8  }
0x29b: {  	v17 =	vor.u32 s14, v10;
	v14 =	vld.idx.msk [tilespmem:v15+s19+$0x0], $0xffff;
	_ =	sdelay $0x2  }
0x29c: {  	s14 =	simm.s32 $0x3;
	v15 =	vld.idx.msk [tilespmem:v19+s17+$0x0], $0xffff  }
.LBB2_34:
0x29d: {  	v19 =	vor.u32 s14, v9;
	v18 =	vmul.f32 v18, v12;
	v20 =	vmov v12;
	v12 =	vld.idx.msk [tilespmem:v16+s15+$0x0], $0xffff;
	p0 =	sne.s32 s14, $0x1F  }
.Ltmp16:
0x29e: {  	v16 =	vor.u32 s14, v8;
	v20 =	vmul.f32 v14, v20;
	v14 =	vld.idx.msk [tilespmem:v17+s19+$0x0], $0xffff;
	(pc) =	sbr.rel @p0 .LBB2_34-.Ltmp16, $3  }
0x29f: {  	v17 =	vor.u32 s14, v10;
	s14 =	sadd.s32 $0x1, s14;
	v11 =	vsub.f32 v11, v18  }
0x2a0: {  	v13 =	vsub.f32 v13, v20;
	_ =	sdelay $0x1  }
0x2a1: {  	v18 =	vmov v15;
	v15 =	vld.idx.msk [tilespmem:v19+s17+$0x0], $0xffff  }
0x2a2: {  	_ =	sdelay $0x3  }
0x2a3: {  	v8 =	vld.idx.msk [tilespmem:v16+s15+$0x0], $0xffff  }
0x2a4: {  	v9 =	vld.idx.msk [tilespmem:v17+s19+$0x0], $0xffff  }
0x2a5: {  	v10 =	vld [tilespmem:$0x110]  }
0x2a6: {  	v16 =	vld [tilespmem:$0x310]  }
0x2a7: {  	v17 =	vmul.f32 v18, v12;
	v18 =	vld [tilespmem:$0x510]  }
0x2a8: {  	v12 =	vmul.f32 v14, v12  }
0x2a9: {  	v11 =	vsub.f32 v11, v17  }
0x2aa: {  	v12 =	vsub.f32 v13, v12;
	v13 =	vmul.f32 v15, v8;
	v10 =	vshll.u32 v10, $0x5  }
0x2ab: {  	v14 =	vmul.f32 v9, v8;
	v9 =	vshll.u32 v16, $0x5;
	v8 =	vand.u32 $0x60, v10  }
0x2ac: {  	v9 =	vand.u32 $0x60, v9;
	v10 =	vshll.u32 v18, $0x5;
	v8 =	vor.u32 v1, v8  }
0x2ad: {  	v11 =	vsub.f32 v11, v13;
	v10 =	vand.u32 $0x60, v10;
	v9 =	vor.u32 v1, v9  }
0x2ae: {  	v12 =	vsub.f32 v12, v14;
	v10 =	vor.u32 v1, v10  }
0x2af: {  	[tilespmem:$0x18D00] =	vst v11  }
0x2b0: {  	[tilespmem:$0x18F00] =	vst v12  }
0x2b1: {  	s14 =	simm.s32 $0x1;
	v13 =	vld.idx.msk [tilespmem:v8+s15+$0x0], $0xffff  }
0x2b2: {  	v11 =	vor.u32 s14, v9;
	v14 =	vld.idx.msk [tilespmem:v9+s17+$0x0], $0xffff  }
0x2b3: {  	v12 =	vor.u32 s14, v8;
	v16 =	vld.idx.msk [tilespmem:v10+s19+$0x0], $0xffff  }
0x2b4: {  	v15 =	vor.u32 s14, v10;
	_ =	sdelay $0x1  }
0x2b5: {  	s14 =	simm.s32 $0x2  }
0x2b6: {  	v19 =	vor.u32 s14, v9;
	v18 =	vld.idx.msk [tilespmem:v11+s17+$0x0], $0xffff  }
0x2b7: {  	v12 =	vld.idx.msk [tilespmem:v12+s15+$0x0], $0xffff;
	v11 =	vmul.f32 v14, v13;
	v13 =	vmul.f32 v16, v13;
	v16 =	vor.u32 s14, v8  }
0x2b8: {  	v17 =	vor.u32 s14, v10;
	v14 =	vld.idx.msk [tilespmem:v15+s19+$0x0], $0xffff;
	_ =	sdelay $0x2  }
0x2b9: {  	v15 =	vld.idx.msk [tilespmem:v19+s17+$0x0], $0xffff;
	s14 =	simm.s32 $0x3  }
.LBB2_36:
0x2ba: {  	v19 =	vor.u32 s14, v9;
	v18 =	vmul.f32 v18, v12;
	v20 =	vmov v12;
	v12 =	vld.idx.msk [tilespmem:v16+s15+$0x0], $0xffff;
	p0 =	sne.s32 s14, $0x1F  }
.Ltmp17:
0x2bb: {  	v16 =	vor.u32 s14, v8;
	v20 =	vmul.f32 v14, v20;
	v14 =	vld.idx.msk [tilespmem:v17+s19+$0x0], $0xffff;
	(pc) =	sbr.rel @p0 .LBB2_36-.Ltmp17, $3  }
0x2bc: {  	v17 =	vor.u32 s14, v10;
	s14 =	sadd.s32 $0x1, s14;
	v11 =	vsub.f32 v11, v18  }
0x2bd: {  	v13 =	vsub.f32 v13, v20;
	_ =	sdelay $0x1  }
0x2be: {  	v18 =	vmov v15;
	v15 =	vld.idx.msk [tilespmem:v19+s17+$0x0], $0xffff  }
0x2bf: {  	_ =	sdelay $0x3  }
0x2c0: {  	v8 =	vld.idx.msk [tilespmem:v16+s15+$0x0], $0xffff  }
0x2c1: {  	v9 =	vld.idx.msk [tilespmem:v17+s19+$0x0], $0xffff  }
0x2c2: {  	v10 =	vld [tilespmem:$0x120]  }
0x2c3: {  	v16 =	vld [tilespmem:$0x320]  }
0x2c4: {  	v17 =	vmul.f32 v18, v12;
	v18 =	vld [tilespmem:$0x520]  }
0x2c5: {  	v12 =	vmul.f32 v14, v12  }
0x2c6: {  	v11 =	vsub.f32 v11, v17  }
0x2c7: {  	v12 =	vsub.f32 v13, v12;
	v13 =	vmul.f32 v15, v8;
	v10 =	vshll.u32 v10, $0x5  }
0x2c8: {  	v14 =	vmul.f32 v9, v8;
	v9 =	vshll.u32 v16, $0x5;
	v8 =	vand.u32 $0x60, v10  }
0x2c9: {  	v9 =	vand.u32 $0x60, v9;
	v10 =	vshll.u32 v18, $0x5;
	v8 =	vor.u32 v2, v8  }
0x2ca: {  	v11 =	vsub.f32 v11, v13;
	v10 =	vand.u32 $0x60, v10;
	v9 =	vor.u32 v2, v9  }
0x2cb: {  	v12 =	vsub.f32 v12, v14;
	v10 =	vor.u32 v2, v10  }
0x2cc: {  	[tilespmem:$0x18D10] =	vst v11  }
0x2cd: {  	[tilespmem:$0x18F10] =	vst v12  }
0x2ce: {  	s14 =	simm.s32 $0x1;
	v13 =	vld.idx.msk [tilespmem:v8+s15+$0x0], $0xffff  }
0x2cf: {  	v11 =	vor.u32 s14, v9;
	v14 =	vld.idx.msk [tilespmem:v9+s17+$0x0], $0xffff  }
0x2d0: {  	v12 =	vor.u32 s14, v8;
	v16 =	vld.idx.msk [tilespmem:v10+s19+$0x0], $0xffff  }
0x2d1: {  	v15 =	vor.u32 s14, v10;
	_ =	sdelay $0x1  }
0x2d2: {  	s14 =	simm.s32 $0x2  }
0x2d3: {  	v19 =	vor.u32 s14, v9;
	v18 =	vld.idx.msk [tilespmem:v11+s17+$0x0], $0xffff  }
0x2d4: {  	v12 =	vld.idx.msk [tilespmem:v12+s15+$0x0], $0xffff;
	v11 =	vmul.f32 v14, v13;
	v13 =	vmul.f32 v16, v13;
	v16 =	vor.u32 s14, v8  }
0x2d5: {  	v17 =	vor.u32 s14, v10;
	v14 =	vld.idx.msk [tilespmem:v15+s19+$0x0], $0xffff;
	_ =	sdelay $0x2  }
0x2d6: {  	v15 =	vld.idx.msk [tilespmem:v19+s17+$0x0], $0xffff;
	s14 =	simm.s32 $0x3  }
.LBB2_38:
0x2d7: {  	v19 =	vor.u32 s14, v9;
	v18 =	vmul.f32 v18, v12;
	v20 =	vmov v12;
	v12 =	vld.idx.msk [tilespmem:v16+s15+$0x0], $0xffff;
	p0 =	sne.s32 s14, $0x1F  }
.Ltmp18:
0x2d8: {  	v16 =	vor.u32 s14, v8;
	v20 =	vmul.f32 v14, v20;
	v14 =	vld.idx.msk [tilespmem:v17+s19+$0x0], $0xffff;
	(pc) =	sbr.rel @p0 .LBB2_38-.Ltmp18, $3  }
0x2d9: {  	v17 =	vor.u32 s14, v10;
	s14 =	sadd.s32 $0x1, s14;
	v11 =	vsub.f32 v11, v18  }
0x2da: {  	v13 =	vsub.f32 v13, v20;
	_ =	sdelay $0x1  }
0x2db: {  	v18 =	vmov v15;
	v15 =	vld.idx.msk [tilespmem:v19+s17+$0x0], $0xffff  }
0x2dc: {  	_ =	sdelay $0x3  }
0x2dd: {  	v8 =	vld.idx.msk [tilespmem:v16+s15+$0x0], $0xffff  }
0x2de: {  	v9 =	vld.idx.msk [tilespmem:v17+s19+$0x0], $0xffff  }
0x2df: {  	v10 =	vld [tilespmem:$0x130]  }
0x2e0: {  	v16 =	vld [tilespmem:$0x330]  }
0x2e1: {  	v17 =	vmul.f32 v18, v12;
	v18 =	vld [tilespmem:$0x530]  }
0x2e2: {  	v12 =	vmul.f32 v14, v12  }
0x2e3: {  	v11 =	vsub.f32 v11, v17  }
0x2e4: {  	v12 =	vsub.f32 v13, v12;
	v13 =	vmul.f32 v15, v8;
	v10 =	vshll.u32 v10, $0x5  }
0x2e5: {  	v14 =	vmul.f32 v9, v8;
	v9 =	vshll.u32 v16, $0x5;
	v8 =	vand.u32 $0x60, v10  }
0x2e6: {  	v9 =	vand.u32 $0x60, v9;
	v10 =	vshll.u32 v18, $0x5;
	v8 =	vor.u32 v3, v8  }
0x2e7: {  	v11 =	vsub.f32 v11, v13;
	v10 =	vand.u32 $0x60, v10;
	v9 =	vor.u32 v3, v9  }
0x2e8: {  	v12 =	vsub.f32 v12, v14;
	v10 =	vor.u32 v3, v10  }
0x2e9: {  	[tilespmem:$0x18D20] =	vst v11  }
0x2ea: {  	[tilespmem:$0x18F20] =	vst v12  }
0x2eb: {  	s14 =	simm.s32 $0x1;
	v13 =	vld.idx.msk [tilespmem:v8+s15+$0x0], $0xffff  }
0x2ec: {  	v11 =	vor.u32 s14, v9;
	v14 =	vld.idx.msk [tilespmem:v9+s17+$0x0], $0xffff  }
0x2ed: {  	v12 =	vor.u32 s14, v8;
	v16 =	vld.idx.msk [tilespmem:v10+s19+$0x0], $0xffff  }
0x2ee: {  	v15 =	vor.u32 s14, v10;
	_ =	sdelay $0x1  }
0x2ef: {  	s14 =	simm.s32 $0x2  }
0x2f0: {  	v19 =	vor.u32 s14, v9;
	v18 =	vld.idx.msk [tilespmem:v11+s17+$0x0], $0xffff  }
0x2f1: {  	v12 =	vld.idx.msk [tilespmem:v12+s15+$0x0], $0xffff;
	v11 =	vmul.f32 v14, v13;
	v13 =	vmul.f32 v16, v13;
	v16 =	vor.u32 s14, v8  }
0x2f2: {  	v17 =	vor.u32 s14, v10;
	v14 =	vld.idx.msk [tilespmem:v15+s19+$0x0], $0xffff;
	_ =	sdelay $0x2  }
0x2f3: {  	v15 =	vld.idx.msk [tilespmem:v19+s17+$0x0], $0xffff;
	s14 =	simm.s32 $0x3  }
.LBB2_40:
0x2f4: {  	v19 =	vor.u32 s14, v9;
	v18 =	vmul.f32 v18, v12;
	v20 =	vmov v12;
	v12 =	vld.idx.msk [tilespmem:v16+s15+$0x0], $0xffff;
	p0 =	sne.s32 s14, $0x1F  }
.Ltmp19:
0x2f5: {  	v16 =	vor.u32 s14, v8;
	v20 =	vmul.f32 v14, v20;
	v14 =	vld.idx.msk [tilespmem:v17+s19+$0x0], $0xffff;
	(pc) =	sbr.rel @p0 .LBB2_40-.Ltmp19, $3  }
0x2f6: {  	v17 =	vor.u32 s14, v10;
	s14 =	sadd.s32 $0x1, s14;
	v11 =	vsub.f32 v11, v18  }
0x2f7: {  	v13 =	vsub.f32 v13, v20;
	_ =	sdelay $0x1  }
0x2f8: {  	v18 =	vmov v15;
	v15 =	vld.idx.msk [tilespmem:v19+s17+$0x0], $0xffff  }
0x2f9: {  	_ =	sdelay $0x3  }
0x2fa: {  	v8 =	vld.idx.msk [tilespmem:v16+s15+$0x0], $0xffff  }
0x2fb: {  	v9 =	vld.idx.msk [tilespmem:v17+s19+$0x0], $0xffff  }
0x2fc: {  	v10 =	vld [tilespmem:$0x140]  }
0x2fd: {  	v16 =	vld [tilespmem:$0x340]  }
0x2fe: {  	v17 =	vmul.f32 v18, v12;
	v18 =	vld [tilespmem:$0x540]  }
0x2ff: {  	v12 =	vmul.f32 v14, v12  }
0x300: {  	v11 =	vsub.f32 v11, v17  }
0x301: {  	v12 =	vsub.f32 v13, v12;
	v13 =	vmul.f32 v15, v8;
	v10 =	vshll.u32 v10, $0x5  }
0x302: {  	v14 =	vmul.f32 v9, v8;
	v9 =	vshll.u32 v16, $0x5;
	v8 =	vand.u32 $0x60, v10  }
0x303: {  	v9 =	vand.u32 $0x60, v9;
	v10 =	vshll.u32 v18, $0x5;
	v8 =	vor.u32 v4, v8  }
0x304: {  	v11 =	vsub.f32 v11, v13;
	v10 =	vand.u32 $0x60, v10;
	v9 =	vor.u32 v4, v9  }
0x305: {  	v12 =	vsub.f32 v12, v14;
	v10 =	vor.u32 v4, v10  }
0x306: {  	[tilespmem:$0x18D30] =	vst v11  }
0x307: {  	[tilespmem:$0x18F30] =	vst v12  }
0x308: {  	s14 =	simm.s32 $0x1;
	v13 =	vld.idx.msk [tilespmem:v8+s15+$0x0], $0xffff  }
0x309: {  	v11 =	vor.u32 s14, v9;
	v14 =	vld.idx.msk [tilespmem:v9+s17+$0x0], $0xffff  }
0x30a: {  	v12 =	vor.u32 s14, v8;
	v16 =	vld.idx.msk [tilespmem:v10+s19+$0x0], $0xffff  }
0x30b: {  	v15 =	vor.u32 s14, v10;
	_ =	sdelay $0x1  }
0x30c: {  	s14 =	simm.s32 $0x2  }
0x30d: {  	v19 =	vor.u32 s14, v9;
	v18 =	vld.idx.msk [tilespmem:v11+s17+$0x0], $0xffff  }
0x30e: {  	v12 =	vld.idx.msk [tilespmem:v12+s15+$0x0], $0xffff;
	v11 =	vmul.f32 v14, v13;
	v13 =	vmul.f32 v16, v13;
	v16 =	vor.u32 s14, v8  }
0x30f: {  	v17 =	vor.u32 s14, v10;
	v14 =	vld.idx.msk [tilespmem:v15+s19+$0x0], $0xffff;
	_ =	sdelay $0x2  }
0x310: {  	v15 =	vld.idx.msk [tilespmem:v19+s17+$0x0], $0xffff;
	s14 =	simm.s32 $0x3  }
.LBB2_42:
0x311: {  	v19 =	vor.u32 s14, v9;
	v18 =	vmul.f32 v18, v12;
	v20 =	vmov v12;
	v12 =	vld.idx.msk [tilespmem:v16+s15+$0x0], $0xffff;
	p0 =	sne.s32 s14, $0x1F  }
.Ltmp20:
0x312: {  	v16 =	vor.u32 s14, v8;
	v20 =	vmul.f32 v14, v20;
	v14 =	vld.idx.msk [tilespmem:v17+s19+$0x0], $0xffff;
	(pc) =	sbr.rel @p0 .LBB2_42-.Ltmp20, $3  }
0x313: {  	v17 =	vor.u32 s14, v10;
	s14 =	sadd.s32 $0x1, s14;
	v11 =	vsub.f32 v11, v18  }
0x314: {  	v13 =	vsub.f32 v13, v20;
	_ =	sdelay $0x1  }
0x315: {  	v18 =	vmov v15;
	v15 =	vld.idx.msk [tilespmem:v19+s17+$0x0], $0xffff  }
0x316: {  	_ =	sdelay $0x3  }
0x317: {  	v8 =	vld.idx.msk [tilespmem:v16+s15+$0x0], $0xffff  }
0x318: {  	v9 =	vld.idx.msk [tilespmem:v17+s19+$0x0], $0xffff  }
0x319: {  	v10 =	vld [tilespmem:$0x150]  }
0x31a: {  	v16 =	vld [tilespmem:$0x350]  }
0x31b: {  	v17 =	vmul.f32 v18, v12;
	v18 =	vld [tilespmem:$0x550]  }
0x31c: {  	v12 =	vmul.f32 v14, v12  }
0x31d: {  	v11 =	vsub.f32 v11, v17  }
0x31e: {  	v12 =	vsub.f32 v13, v12;
	v13 =	vmul.f32 v15, v8;
	v10 =	vshll.u32 v10, $0x5  }
0x31f: {  	v14 =	vmul.f32 v9, v8;
	v9 =	vshll.u32 v16, $0x5;
	v8 =	vand.u32 $0x60, v10  }
0x320: {  	v9 =	vand.u32 $0x60, v9;
	v10 =	vshll.u32 v18, $0x5;
	v8 =	vor.u32 v5, v8  }
0x321: {  	v11 =	vsub.f32 v11, v13;
	v10 =	vand.u32 $0x60, v10;
	v9 =	vor.u32 v5, v9  }
0x322: {  	v12 =	vsub.f32 v12, v14;
	v10 =	vor.u32 v5, v10  }
0x323: {  	[tilespmem:$0x18D40] =	vst v11  }
0x324: {  	[tilespmem:$0x18F40] =	vst v12  }
0x325: {  	s14 =	simm.s32 $0x1;
	v13 =	vld.idx.msk [tilespmem:v8+s15+$0x0], $0xffff  }
0x326: {  	v11 =	vor.u32 s14, v9;
	v14 =	vld.idx.msk [tilespmem:v9+s17+$0x0], $0xffff  }
0x327: {  	v12 =	vor.u32 s14, v8;
	v16 =	vld.idx.msk [tilespmem:v10+s19+$0x0], $0xffff  }
0x328: {  	v15 =	vor.u32 s14, v10;
	_ =	sdelay $0x1  }
0x329: {  	s14 =	simm.s32 $0x2  }
0x32a: {  	v19 =	vor.u32 s14, v9;
	v18 =	vld.idx.msk [tilespmem:v11+s17+$0x0], $0xffff  }
0x32b: {  	v12 =	vld.idx.msk [tilespmem:v12+s15+$0x0], $0xffff;
	v11 =	vmul.f32 v14, v13;
	v13 =	vmul.f32 v16, v13;
	v16 =	vor.u32 s14, v8  }
0x32c: {  	v17 =	vor.u32 s14, v10;
	v14 =	vld.idx.msk [tilespmem:v15+s19+$0x0], $0xffff;
	_ =	sdelay $0x2  }
0x32d: {  	v15 =	vld.idx.msk [tilespmem:v19+s17+$0x0], $0xffff;
	s14 =	simm.s32 $0x3  }
.LBB2_44:
0x32e: {  	v19 =	vor.u32 s14, v9;
	v18 =	vmul.f32 v18, v12;
	v20 =	vmov v12;
	v12 =	vld.idx.msk [tilespmem:v16+s15+$0x0], $0xffff;
	p0 =	sne.s32 s14, $0x1F  }
.Ltmp21:
0x32f: {  	v16 =	vor.u32 s14, v8;
	v20 =	vmul.f32 v14, v20;
	v14 =	vld.idx.msk [tilespmem:v17+s19+$0x0], $0xffff;
	(pc) =	sbr.rel @p0 .LBB2_44-.Ltmp21, $3  }
0x330: {  	v17 =	vor.u32 s14, v10;
	s14 =	sadd.s32 $0x1, s14;
	v11 =	vsub.f32 v11, v18  }
0x331: {  	v13 =	vsub.f32 v13, v20;
	_ =	sdelay $0x1  }
0x332: {  	v18 =	vmov v15;
	v15 =	vld.idx.msk [tilespmem:v19+s17+$0x0], $0xffff  }
0x333: {  	_ =	sdelay $0x3  }
0x334: {  	v8 =	vld.idx.msk [tilespmem:v16+s15+$0x0], $0xffff  }
0x335: {  	v9 =	vld.idx.msk [tilespmem:v17+s19+$0x0], $0xffff  }
0x336: {  	v10 =	vld [tilespmem:$0x160]  }
0x337: {  	v16 =	vld [tilespmem:$0x360]  }
0x338: {  	v17 =	vmul.f32 v18, v12;
	v18 =	vld [tilespmem:$0x560]  }
0x339: {  	v12 =	vmul.f32 v14, v12  }
0x33a: {  	v11 =	vsub.f32 v11, v17  }
0x33b: {  	v12 =	vsub.f32 v13, v12;
	v13 =	vmul.f32 v15, v8;
	v10 =	vshll.u32 v10, $0x5  }
0x33c: {  	v14 =	vmul.f32 v9, v8;
	v9 =	vshll.u32 v16, $0x5;
	v8 =	vand.u32 $0x60, v10  }
0x33d: {  	v9 =	vand.u32 $0x60, v9;
	v10 =	vshll.u32 v18, $0x5;
	v8 =	vor.u32 v6, v8  }
0x33e: {  	v11 =	vsub.f32 v11, v13;
	v10 =	vand.u32 $0x60, v10;
	v9 =	vor.u32 v6, v9  }
0x33f: {  	v12 =	vsub.f32 v12, v14;
	v10 =	vor.u32 v6, v10  }
0x340: {  	[tilespmem:$0x18D50] =	vst v11  }
0x341: {  	[tilespmem:$0x18F50] =	vst v12  }
0x342: {  	s14 =	simm.s32 $0x1;
	v13 =	vld.idx.msk [tilespmem:v8+s15+$0x0], $0xffff  }
0x343: {  	v11 =	vor.u32 s14, v9;
	v14 =	vld.idx.msk [tilespmem:v9+s17+$0x0], $0xffff  }
0x344: {  	v12 =	vor.u32 s14, v8;
	v16 =	vld.idx.msk [tilespmem:v10+s19+$0x0], $0xffff  }
0x345: {  	v15 =	vor.u32 s14, v10;
	_ =	sdelay $0x1  }
0x346: {  	s14 =	simm.s32 $0x2  }
0x347: {  	v19 =	vor.u32 s14, v9;
	v18 =	vld.idx.msk [tilespmem:v11+s17+$0x0], $0xffff  }
0x348: {  	v12 =	vld.idx.msk [tilespmem:v12+s15+$0x0], $0xffff;
	v11 =	vmul.f32 v14, v13;
	v13 =	vmul.f32 v16, v13;
	v16 =	vor.u32 s14, v8  }
0x349: {  	v17 =	vor.u32 s14, v10;
	v14 =	vld.idx.msk [tilespmem:v15+s19+$0x0], $0xffff;
	_ =	sdelay $0x2  }
0x34a: {  	v15 =	vld.idx.msk [tilespmem:v19+s17+$0x0], $0xffff;
	s14 =	simm.s32 $0x3  }
.LBB2_46:
0x34b: {  	v19 =	vor.u32 s14, v9;
	v18 =	vmul.f32 v18, v12;
	v20 =	vmov v12;
	v12 =	vld.idx.msk [tilespmem:v16+s15+$0x0], $0xffff;
	p0 =	sne.s32 s14, $0x1F  }
.Ltmp22:
0x34c: {  	v16 =	vor.u32 s14, v8;
	v20 =	vmul.f32 v14, v20;
	v14 =	vld.idx.msk [tilespmem:v17+s19+$0x0], $0xffff;
	(pc) =	sbr.rel @p0 .LBB2_46-.Ltmp22, $3  }
0x34d: {  	v17 =	vor.u32 s14, v10;
	s14 =	sadd.s32 $0x1, s14;
	v11 =	vsub.f32 v11, v18  }
0x34e: {  	v13 =	vsub.f32 v13, v20;
	_ =	sdelay $0x1  }
0x34f: {  	v18 =	vmov v15;
	v15 =	vld.idx.msk [tilespmem:v19+s17+$0x0], $0xffff  }
0x350: {  	_ =	sdelay $0x3  }
0x351: {  	v8 =	vld.idx.msk [tilespmem:v16+s15+$0x0], $0xffff  }
0x352: {  	v9 =	vld.idx.msk [tilespmem:v17+s19+$0x0], $0xffff  }
0x353: {  	v10 =	vld [tilespmem:$0x170]  }
0x354: {  	v16 =	vld [tilespmem:$0x370]  }
0x355: {  	v17 =	vmul.f32 v18, v12;
	v18 =	vld [tilespmem:$0x570]  }
0x356: {  	v12 =	vmul.f32 v14, v12  }
0x357: {  	v11 =	vsub.f32 v11, v17  }
0x358: {  	v12 =	vsub.f32 v13, v12;
	v13 =	vmul.f32 v15, v8;
	v10 =	vshll.u32 v10, $0x5  }
0x359: {  	v14 =	vmul.f32 v9, v8;
	v9 =	vshll.u32 v16, $0x5;
	v8 =	vand.u32 $0x60, v10  }
0x35a: {  	v9 =	vand.u32 $0x60, v9;
	v10 =	vshll.u32 v18, $0x5;
	v8 =	vor.u32 v7, v8  }
0x35b: {  	v11 =	vsub.f32 v11, v13;
	v10 =	vand.u32 $0x60, v10;
	v9 =	vor.u32 v7, v9  }
0x35c: {  	v12 =	vsub.f32 v12, v14;
	v10 =	vor.u32 v7, v10  }
0x35d: {  	[tilespmem:$0x18D60] =	vst v11  }
0x35e: {  	[tilespmem:$0x18F60] =	vst v12  }
0x35f: {  	s14 =	simm.s32 $0x1;
	v12 =	vld.idx.msk [tilespmem:v8+s15+$0x0], $0xffff  }
0x360: {  	v13 =	vor.u32 s14, v8;
	v14 =	vld.idx.msk [tilespmem:v9+s17+$0x0], $0xffff  }
0x361: {  	v11 =	vor.u32 s14, v9;
	v16 =	vld.idx.msk [tilespmem:v10+s19+$0x0], $0xffff  }
0x362: {  	v15 =	vor.u32 s14, v10;
	_ =	sdelay $0x1  }
0x363: {  	s14 =	simm.s32 $0x2  }
0x364: {  	v19 =	vor.u32 s14, v9;
	v13 =	vld.idx.msk [tilespmem:v13+s15+$0x0], $0xffff  }
0x365: {  	v18 =	vld.idx.msk [tilespmem:v11+s17+$0x0], $0xffff;
	v11 =	vmul.f32 v14, v12;
	v12 =	vmul.f32 v16, v12;
	v16 =	vor.u32 s14, v8  }
0x366: {  	v17 =	vor.u32 s14, v10;
	v14 =	vld.idx.msk [tilespmem:v15+s19+$0x0], $0xffff;
	_ =	sdelay $0x2  }
0x367: {  	v15 =	vld.idx.msk [tilespmem:v19+s17+$0x0], $0xffff;
	s14 =	simm.s32 $0x3  }
.LBB2_48:
0x368: {  	v19 =	vor.u32 s14, v9;
	v18 =	vmul.f32 v18, v13;
	v20 =	vmov v13;
	v13 =	vld.idx.msk [tilespmem:v16+s15+$0x0], $0xffff;
	p0 =	sne.s32 s14, $0x1F  }
.Ltmp23:
0x369: {  	v16 =	vor.u32 s14, v8;
	v20 =	vmul.f32 v14, v20;
	v14 =	vld.idx.msk [tilespmem:v17+s19+$0x0], $0xffff;
	(pc) =	sbr.rel @p0 .LBB2_48-.Ltmp23, $3  }
0x36a: {  	v17 =	vor.u32 s14, v10;
	s14 =	sadd.s32 $0x1, s14;
	v11 =	vsub.f32 v11, v18  }
0x36b: {  	v12 =	vsub.f32 v12, v20;
	_ =	sdelay $0x1  }
0x36c: {  	v18 =	vmov v15;
	v15 =	vld.idx.msk [tilespmem:v19+s17+$0x0], $0xffff  }
0x36d: {  	_ =	sdelay $0x3  }
0x36e: {  	v8 =	vld.idx.msk [tilespmem:v16+s15+$0x0], $0xffff  }
0x36f: {  	v9 =	vld.idx.msk [tilespmem:v17+s19+$0x0], $0xffff;
	_ =	sdelay $0x1  }
0x370: {  	v10 =	vmul.f32 v18, v13  }
0x371: {  	v13 =	vmul.f32 v14, v13  }
0x372: {  	v10 =	vsub.f32 v11, v10;
	v11 =	vmul.f32 v15, v8  }
0x373: {  	v12 =	vsub.f32 v12, v13;
	v8 =	vmul.f32 v9, v8  }
0x374: {  	v9 =	vsub.f32 v10, v11  }
0x375: {  	v8 =	vsub.f32 v12, v8  }
0x376: {  	[tilespmem:$0x18D70] =	vst v9  }
0x377: {  	s14 =	simm.s32 $0x1;
	[tilespmem:$0x18F70] =	vst v8  }
0x378: {  	_ =	swait.ge [sflag:s14], $0x4000  }
0x379: {  	[sflag:s14] =	ssyncset.done $0x0  }
0x37a: {  	[sflag:s14] =	ssyncadd.s32 $0xFFFFC000  }
0x37b: {  	_ =	swait.ge [sflag:s14], $0x4000  }
0x37c: {  	[sflag:s14] =	ssyncset.done $0x0  }
0x37d: {  	[sflag:s14] =	ssyncadd.s32 $0xFFFFC000  }
0x37e: {  	_ =	swait.ge [sflag:s14], $0x4000  }
0x37f: {  	[sflag:s14] =	ssyncset.done $0x0  }
0x380: {  	[sflag:s14] =	ssyncadd.s32 $0xFFFFC000  }
0x381: {  	v8 =	vld [tilespmem:$0x180]  }
0x382: {  	v9 =	vld [tilespmem:$0x380]  }
0x383: {  	v10 =	vld [tilespmem:$0x580];
	_ =	sdelay $0x2  }
0x384: {  	v8 =	vshll.u32 v8, $0x5  }
0x385: {  	v9 =	vshll.u32 v9, $0x5;
	v8 =	vand.u32 $0x60, v8  }
0x386: {  	v10 =	vshll.u32 v10, $0x5;
	v9 =	vand.u32 $0x60, v9;
	v8 =	vor.u32 v0, v8  }
0x387: {  	v10 =	vand.u32 $0x60, v10;
	v9 =	vor.u32 v0, v9  }
0x388: {  	v10 =	vor.u32 v0, v10;
	_ =	sdelay $0x2  }
0x389: {  	v13 =	vld.idx.msk [tilespmem:v8+s21+$0x0], $0xffff  }
0x38a: {  	v11 =	vor.u32 s14, v9;
	v14 =	vld.idx.msk [tilespmem:v9+s23+$0x0], $0xffff  }
0x38b: {  	v12 =	vor.u32 s14, v8;
	v16 =	vld.idx.msk [tilespmem:v10+s25+$0x0], $0xffff  }
0x38c: {  	v15 =	vor.u32 s14, v10;
	_ =	sdelay $0x1  }
0x38d: {  	s14 =	simm.s32 $0x2  }
0x38e: {  	v19 =	vor.u32 s14, v9;
	v18 =	vld.idx.msk [tilespmem:v11+s23+$0x0], $0xffff  }
0x38f: {  	v12 =	vld.idx.msk [tilespmem:v12+s21+$0x0], $0xffff;
	v11 =	vmul.f32 v14, v13;
	v13 =	vmul.f32 v16, v13;
	v16 =	vor.u32 s14, v8  }
0x390: {  	v17 =	vor.u32 s14, v10;
	v14 =	vld.idx.msk [tilespmem:v15+s25+$0x0], $0xffff;
	_ =	sdelay $0x2  }
0x391: {  	s14 =	simm.s32 $0x3;
	v15 =	vld.idx.msk [tilespmem:v19+s23+$0x0], $0xffff  }
.LBB2_50:
0x392: {  	v19 =	vor.u32 s14, v9;
	v18 =	vmul.f32 v18, v12;
	v20 =	vmov v12;
	v12 =	vld.idx.msk [tilespmem:v16+s21+$0x0], $0xffff;
	p0 =	sne.s32 s14, $0x1F  }
.Ltmp24:
0x393: {  	v16 =	vor.u32 s14, v8;
	v20 =	vmul.f32 v14, v20;
	v14 =	vld.idx.msk [tilespmem:v17+s25+$0x0], $0xffff;
	(pc) =	sbr.rel @p0 .LBB2_50-.Ltmp24, $3  }
0x394: {  	v17 =	vor.u32 s14, v10;
	s14 =	sadd.s32 $0x1, s14;
	v11 =	vsub.f32 v11, v18  }
0x395: {  	v13 =	vsub.f32 v13, v20;
	_ =	sdelay $0x1  }
0x396: {  	v18 =	vmov v15;
	v15 =	vld.idx.msk [tilespmem:v19+s23+$0x0], $0xffff  }
0x397: {  	_ =	sdelay $0x3  }
0x398: {  	v8 =	vld.idx.msk [tilespmem:v16+s21+$0x0], $0xffff  }
0x399: {  	v9 =	vld.idx.msk [tilespmem:v17+s25+$0x0], $0xffff  }
0x39a: {  	v10 =	vld [tilespmem:$0x190]  }
0x39b: {  	v16 =	vld [tilespmem:$0x390]  }
0x39c: {  	v17 =	vmul.f32 v18, v12;
	v18 =	vld [tilespmem:$0x590]  }
0x39d: {  	v12 =	vmul.f32 v14, v12  }
0x39e: {  	v11 =	vsub.f32 v11, v17  }
0x39f: {  	v12 =	vsub.f32 v13, v12;
	v13 =	vmul.f32 v15, v8;
	v10 =	vshll.u32 v10, $0x5  }
0x3a0: {  	v14 =	vmul.f32 v9, v8;
	v9 =	vshll.u32 v16, $0x5;
	v8 =	vand.u32 $0x60, v10  }
0x3a1: {  	v9 =	vand.u32 $0x60, v9;
	v10 =	vshll.u32 v18, $0x5;
	v8 =	vor.u32 v1, v8  }
0x3a2: {  	v11 =	vsub.f32 v11, v13;
	v10 =	vand.u32 $0x60, v10;
	v9 =	vor.u32 v1, v9  }
0x3a3: {  	v12 =	vsub.f32 v12, v14;
	v10 =	vor.u32 v1, v10  }
0x3a4: {  	[tilespmem:$0x18D80] =	vst v11  }
0x3a5: {  	[tilespmem:$0x18F80] =	vst v12  }
0x3a6: {  	s14 =	simm.s32 $0x1;
	v13 =	vld.idx.msk [tilespmem:v8+s21+$0x0], $0xffff  }
0x3a7: {  	v11 =	vor.u32 s14, v9;
	v14 =	vld.idx.msk [tilespmem:v9+s23+$0x0], $0xffff  }
0x3a8: {  	v12 =	vor.u32 s14, v8;
	v16 =	vld.idx.msk [tilespmem:v10+s25+$0x0], $0xffff  }
0x3a9: {  	v15 =	vor.u32 s14, v10;
	_ =	sdelay $0x1  }
0x3aa: {  	s14 =	simm.s32 $0x2  }
0x3ab: {  	v19 =	vor.u32 s14, v9;
	v18 =	vld.idx.msk [tilespmem:v11+s23+$0x0], $0xffff  }
0x3ac: {  	v12 =	vld.idx.msk [tilespmem:v12+s21+$0x0], $0xffff;
	v11 =	vmul.f32 v14, v13;
	v13 =	vmul.f32 v16, v13;
	v16 =	vor.u32 s14, v8  }
0x3ad: {  	v17 =	vor.u32 s14, v10;
	v14 =	vld.idx.msk [tilespmem:v15+s25+$0x0], $0xffff;
	_ =	sdelay $0x2  }
0x3ae: {  	v15 =	vld.idx.msk [tilespmem:v19+s23+$0x0], $0xffff;
	s14 =	simm.s32 $0x3  }
.LBB2_52:
0x3af: {  	v19 =	vor.u32 s14, v9;
	v18 =	vmul.f32 v18, v12;
	v20 =	vmov v12;
	v12 =	vld.idx.msk [tilespmem:v16+s21+$0x0], $0xffff;
	p0 =	sne.s32 s14, $0x1F  }
.Ltmp25:
0x3b0: {  	v16 =	vor.u32 s14, v8;
	v20 =	vmul.f32 v14, v20;
	v14 =	vld.idx.msk [tilespmem:v17+s25+$0x0], $0xffff;
	(pc) =	sbr.rel @p0 .LBB2_52-.Ltmp25, $3  }
0x3b1: {  	v17 =	vor.u32 s14, v10;
	s14 =	sadd.s32 $0x1, s14;
	v11 =	vsub.f32 v11, v18  }
0x3b2: {  	v13 =	vsub.f32 v13, v20;
	_ =	sdelay $0x1  }
0x3b3: {  	v18 =	vmov v15;
	v15 =	vld.idx.msk [tilespmem:v19+s23+$0x0], $0xffff  }
0x3b4: {  	_ =	sdelay $0x3  }
0x3b5: {  	v8 =	vld.idx.msk [tilespmem:v16+s21+$0x0], $0xffff  }
0x3b6: {  	v9 =	vld.idx.msk [tilespmem:v17+s25+$0x0], $0xffff  }
0x3b7: {  	v10 =	vld [tilespmem:$0x1A0]  }
0x3b8: {  	v16 =	vld [tilespmem:$0x3A0]  }
0x3b9: {  	v17 =	vmul.f32 v18, v12;
	v18 =	vld [tilespmem:$0x5A0]  }
0x3ba: {  	v12 =	vmul.f32 v14, v12  }
0x3bb: {  	v11 =	vsub.f32 v11, v17  }
0x3bc: {  	v12 =	vsub.f32 v13, v12;
	v13 =	vmul.f32 v15, v8;
	v10 =	vshll.u32 v10, $0x5  }
0x3bd: {  	v14 =	vmul.f32 v9, v8;
	v9 =	vshll.u32 v16, $0x5;
	v8 =	vand.u32 $0x60, v10  }
0x3be: {  	v9 =	vand.u32 $0x60, v9;
	v10 =	vshll.u32 v18, $0x5;
	v8 =	vor.u32 v2, v8  }
0x3bf: {  	v11 =	vsub.f32 v11, v13;
	v10 =	vand.u32 $0x60, v10;
	v9 =	vor.u32 v2, v9  }
0x3c0: {  	v12 =	vsub.f32 v12, v14;
	v10 =	vor.u32 v2, v10  }
0x3c1: {  	[tilespmem:$0x18D90] =	vst v11  }
0x3c2: {  	[tilespmem:$0x18F90] =	vst v12  }
0x3c3: {  	s14 =	simm.s32 $0x1;
	v13 =	vld.idx.msk [tilespmem:v8+s21+$0x0], $0xffff  }
0x3c4: {  	v11 =	vor.u32 s14, v9;
	v14 =	vld.idx.msk [tilespmem:v9+s23+$0x0], $0xffff  }
0x3c5: {  	v12 =	vor.u32 s14, v8;
	v16 =	vld.idx.msk [tilespmem:v10+s25+$0x0], $0xffff  }
0x3c6: {  	v15 =	vor.u32 s14, v10;
	_ =	sdelay $0x1  }
0x3c7: {  	s14 =	simm.s32 $0x2  }
0x3c8: {  	v19 =	vor.u32 s14, v9;
	v18 =	vld.idx.msk [tilespmem:v11+s23+$0x0], $0xffff  }
0x3c9: {  	v12 =	vld.idx.msk [tilespmem:v12+s21+$0x0], $0xffff;
	v11 =	vmul.f32 v14, v13;
	v13 =	vmul.f32 v16, v13;
	v16 =	vor.u32 s14, v8  }
0x3ca: {  	v17 =	vor.u32 s14, v10;
	v14 =	vld.idx.msk [tilespmem:v15+s25+$0x0], $0xffff;
	_ =	sdelay $0x2  }
0x3cb: {  	v15 =	vld.idx.msk [tilespmem:v19+s23+$0x0], $0xffff;
	s14 =	simm.s32 $0x3  }
.LBB2_54:
0x3cc: {  	v19 =	vor.u32 s14, v9;
	v18 =	vmul.f32 v18, v12;
	v20 =	vmov v12;
	v12 =	vld.idx.msk [tilespmem:v16+s21+$0x0], $0xffff;
	p0 =	sne.s32 s14, $0x1F  }
.Ltmp26:
0x3cd: {  	v16 =	vor.u32 s14, v8;
	v20 =	vmul.f32 v14, v20;
	v14 =	vld.idx.msk [tilespmem:v17+s25+$0x0], $0xffff;
	(pc) =	sbr.rel @p0 .LBB2_54-.Ltmp26, $3  }
0x3ce: {  	v17 =	vor.u32 s14, v10;
	s14 =	sadd.s32 $0x1, s14;
	v11 =	vsub.f32 v11, v18  }
0x3cf: {  	v13 =	vsub.f32 v13, v20;
	_ =	sdelay $0x1  }
0x3d0: {  	v18 =	vmov v15;
	v15 =	vld.idx.msk [tilespmem:v19+s23+$0x0], $0xffff  }
0x3d1: {  	_ =	sdelay $0x3  }
0x3d2: {  	v8 =	vld.idx.msk [tilespmem:v16+s21+$0x0], $0xffff  }
0x3d3: {  	v9 =	vld.idx.msk [tilespmem:v17+s25+$0x0], $0xffff  }
0x3d4: {  	v10 =	vld [tilespmem:$0x1B0]  }
0x3d5: {  	v16 =	vld [tilespmem:$0x3B0]  }
0x3d6: {  	v17 =	vmul.f32 v18, v12;
	v18 =	vld [tilespmem:$0x5B0]  }
0x3d7: {  	v12 =	vmul.f32 v14, v12  }
0x3d8: {  	v11 =	vsub.f32 v11, v17  }
0x3d9: {  	v12 =	vsub.f32 v13, v12;
	v13 =	vmul.f32 v15, v8;
	v10 =	vshll.u32 v10, $0x5  }
0x3da: {  	v14 =	vmul.f32 v9, v8;
	v9 =	vshll.u32 v16, $0x5;
	v8 =	vand.u32 $0x60, v10  }
0x3db: {  	v9 =	vand.u32 $0x60, v9;
	v10 =	vshll.u32 v18, $0x5;
	v8 =	vor.u32 v3, v8  }
0x3dc: {  	v11 =	vsub.f32 v11, v13;
	v10 =	vand.u32 $0x60, v10;
	v9 =	vor.u32 v3, v9  }
0x3dd: {  	v12 =	vsub.f32 v12, v14;
	v10 =	vor.u32 v3, v10  }
0x3de: {  	[tilespmem:$0x18DA0] =	vst v11  }
0x3df: {  	[tilespmem:$0x18FA0] =	vst v12  }
0x3e0: {  	s14 =	simm.s32 $0x1;
	v13 =	vld.idx.msk [tilespmem:v8+s21+$0x0], $0xffff  }
0x3e1: {  	v11 =	vor.u32 s14, v9;
	v14 =	vld.idx.msk [tilespmem:v9+s23+$0x0], $0xffff  }
0x3e2: {  	v12 =	vor.u32 s14, v8;
	v16 =	vld.idx.msk [tilespmem:v10+s25+$0x0], $0xffff  }
0x3e3: {  	v15 =	vor.u32 s14, v10;
	_ =	sdelay $0x1  }
0x3e4: {  	s14 =	simm.s32 $0x2  }
0x3e5: {  	v19 =	vor.u32 s14, v9;
	v18 =	vld.idx.msk [tilespmem:v11+s23+$0x0], $0xffff  }
0x3e6: {  	v12 =	vld.idx.msk [tilespmem:v12+s21+$0x0], $0xffff;
	v11 =	vmul.f32 v14, v13;
	v13 =	vmul.f32 v16, v13;
	v16 =	vor.u32 s14, v8  }
0x3e7: {  	v17 =	vor.u32 s14, v10;
	v14 =	vld.idx.msk [tilespmem:v15+s25+$0x0], $0xffff;
	_ =	sdelay $0x2  }
0x3e8: {  	v15 =	vld.idx.msk [tilespmem:v19+s23+$0x0], $0xffff;
	s14 =	simm.s32 $0x3  }
.LBB2_56:
0x3e9: {  	v19 =	vor.u32 s14, v9;
	v18 =	vmul.f32 v18, v12;
	v20 =	vmov v12;
	v12 =	vld.idx.msk [tilespmem:v16+s21+$0x0], $0xffff;
	p0 =	sne.s32 s14, $0x1F  }
.Ltmp27:
0x3ea: {  	v16 =	vor.u32 s14, v8;
	v20 =	vmul.f32 v14, v20;
	v14 =	vld.idx.msk [tilespmem:v17+s25+$0x0], $0xffff;
	(pc) =	sbr.rel @p0 .LBB2_56-.Ltmp27, $3  }
0x3eb: {  	v17 =	vor.u32 s14, v10;
	s14 =	sadd.s32 $0x1, s14;
	v11 =	vsub.f32 v11, v18  }
0x3ec: {  	v13 =	vsub.f32 v13, v20;
	_ =	sdelay $0x1  }
0x3ed: {  	v18 =	vmov v15;
	v15 =	vld.idx.msk [tilespmem:v19+s23+$0x0], $0xffff  }
0x3ee: {  	_ =	sdelay $0x3  }
0x3ef: {  	v8 =	vld.idx.msk [tilespmem:v16+s21+$0x0], $0xffff  }
0x3f0: {  	v9 =	vld.idx.msk [tilespmem:v17+s25+$0x0], $0xffff  }
0x3f1: {  	v10 =	vld [tilespmem:$0x1C0]  }
0x3f2: {  	v16 =	vld [tilespmem:$0x3C0]  }
0x3f3: {  	v17 =	vmul.f32 v18, v12;
	v18 =	vld [tilespmem:$0x5C0]  }
0x3f4: {  	v12 =	vmul.f32 v14, v12  }
0x3f5: {  	v11 =	vsub.f32 v11, v17  }
0x3f6: {  	v12 =	vsub.f32 v13, v12;
	v13 =	vmul.f32 v15, v8;
	v10 =	vshll.u32 v10, $0x5  }
0x3f7: {  	v14 =	vmul.f32 v9, v8;
	v9 =	vshll.u32 v16, $0x5;
	v8 =	vand.u32 $0x60, v10  }
0x3f8: {  	v9 =	vand.u32 $0x60, v9;
	v10 =	vshll.u32 v18, $0x5;
	v8 =	vor.u32 v4, v8  }
0x3f9: {  	v11 =	vsub.f32 v11, v13;
	v10 =	vand.u32 $0x60, v10;
	v9 =	vor.u32 v4, v9  }
0x3fa: {  	v12 =	vsub.f32 v12, v14;
	v10 =	vor.u32 v4, v10  }
0x3fb: {  	[tilespmem:$0x18DB0] =	vst v11  }
0x3fc: {  	[tilespmem:$0x18FB0] =	vst v12  }
0x3fd: {  	s14 =	simm.s32 $0x1;
	v13 =	vld.idx.msk [tilespmem:v8+s21+$0x0], $0xffff  }
0x3fe: {  	v11 =	vor.u32 s14, v9;
	v14 =	vld.idx.msk [tilespmem:v9+s23+$0x0], $0xffff  }
0x3ff: {  	v12 =	vor.u32 s14, v8;
	v16 =	vld.idx.msk [tilespmem:v10+s25+$0x0], $0xffff  }
0x400: {  	v15 =	vor.u32 s14, v10;
	_ =	sdelay $0x1  }
0x401: {  	s14 =	simm.s32 $0x2  }
0x402: {  	v19 =	vor.u32 s14, v9;
	v18 =	vld.idx.msk [tilespmem:v11+s23+$0x0], $0xffff  }
0x403: {  	v12 =	vld.idx.msk [tilespmem:v12+s21+$0x0], $0xffff;
	v11 =	vmul.f32 v14, v13;
	v13 =	vmul.f32 v16, v13;
	v16 =	vor.u32 s14, v8  }
0x404: {  	v17 =	vor.u32 s14, v10;
	v14 =	vld.idx.msk [tilespmem:v15+s25+$0x0], $0xffff;
	_ =	sdelay $0x2  }
0x405: {  	v15 =	vld.idx.msk [tilespmem:v19+s23+$0x0], $0xffff;
	s14 =	simm.s32 $0x3  }
.LBB2_58:
0x406: {  	v19 =	vor.u32 s14, v9;
	v18 =	vmul.f32 v18, v12;
	v20 =	vmov v12;
	v12 =	vld.idx.msk [tilespmem:v16+s21+$0x0], $0xffff;
	p0 =	sne.s32 s14, $0x1F  }
.Ltmp28:
0x407: {  	v16 =	vor.u32 s14, v8;
	v20 =	vmul.f32 v14, v20;
	v14 =	vld.idx.msk [tilespmem:v17+s25+$0x0], $0xffff;
	(pc) =	sbr.rel @p0 .LBB2_58-.Ltmp28, $3  }
0x408: {  	v17 =	vor.u32 s14, v10;
	s14 =	sadd.s32 $0x1, s14;
	v11 =	vsub.f32 v11, v18  }
0x409: {  	v13 =	vsub.f32 v13, v20;
	_ =	sdelay $0x1  }
0x40a: {  	v18 =	vmov v15;
	v15 =	vld.idx.msk [tilespmem:v19+s23+$0x0], $0xffff  }
0x40b: {  	_ =	sdelay $0x3  }
0x40c: {  	v8 =	vld.idx.msk [tilespmem:v16+s21+$0x0], $0xffff  }
0x40d: {  	v9 =	vld.idx.msk [tilespmem:v17+s25+$0x0], $0xffff  }
0x40e: {  	v10 =	vld [tilespmem:$0x1D0]  }
0x40f: {  	v16 =	vld [tilespmem:$0x3D0]  }
0x410: {  	v17 =	vmul.f32 v18, v12;
	v18 =	vld [tilespmem:$0x5D0]  }
0x411: {  	v12 =	vmul.f32 v14, v12  }
0x412: {  	v11 =	vsub.f32 v11, v17  }
0x413: {  	v12 =	vsub.f32 v13, v12;
	v13 =	vmul.f32 v15, v8;
	v10 =	vshll.u32 v10, $0x5  }
0x414: {  	v14 =	vmul.f32 v9, v8;
	v9 =	vshll.u32 v16, $0x5;
	v8 =	vand.u32 $0x60, v10  }
0x415: {  	v9 =	vand.u32 $0x60, v9;
	v10 =	vshll.u32 v18, $0x5;
	v8 =	vor.u32 v5, v8  }
0x416: {  	v11 =	vsub.f32 v11, v13;
	v10 =	vand.u32 $0x60, v10;
	v9 =	vor.u32 v5, v9  }
0x417: {  	v12 =	vsub.f32 v12, v14;
	v10 =	vor.u32 v5, v10  }
0x418: {  	[tilespmem:$0x18DC0] =	vst v11  }
0x419: {  	[tilespmem:$0x18FC0] =	vst v12  }
0x41a: {  	s14 =	simm.s32 $0x1;
	v13 =	vld.idx.msk [tilespmem:v8+s21+$0x0], $0xffff  }
0x41b: {  	v11 =	vor.u32 s14, v9;
	v14 =	vld.idx.msk [tilespmem:v9+s23+$0x0], $0xffff  }
0x41c: {  	v12 =	vor.u32 s14, v8;
	v16 =	vld.idx.msk [tilespmem:v10+s25+$0x0], $0xffff  }
0x41d: {  	v15 =	vor.u32 s14, v10;
	_ =	sdelay $0x1  }
0x41e: {  	s14 =	simm.s32 $0x2  }
0x41f: {  	v19 =	vor.u32 s14, v9;
	v18 =	vld.idx.msk [tilespmem:v11+s23+$0x0], $0xffff  }
0x420: {  	v12 =	vld.idx.msk [tilespmem:v12+s21+$0x0], $0xffff;
	v11 =	vmul.f32 v14, v13;
	v13 =	vmul.f32 v16, v13;
	v16 =	vor.u32 s14, v8  }
0x421: {  	v17 =	vor.u32 s14, v10;
	v14 =	vld.idx.msk [tilespmem:v15+s25+$0x0], $0xffff;
	_ =	sdelay $0x2  }
0x422: {  	v15 =	vld.idx.msk [tilespmem:v19+s23+$0x0], $0xffff;
	s14 =	simm.s32 $0x3  }
.LBB2_60:
0x423: {  	v19 =	vor.u32 s14, v9;
	v18 =	vmul.f32 v18, v12;
	v20 =	vmov v12;
	v12 =	vld.idx.msk [tilespmem:v16+s21+$0x0], $0xffff;
	p0 =	sne.s32 s14, $0x1F  }
.Ltmp29:
0x424: {  	v16 =	vor.u32 s14, v8;
	v20 =	vmul.f32 v14, v20;
	v14 =	vld.idx.msk [tilespmem:v17+s25+$0x0], $0xffff;
	(pc) =	sbr.rel @p0 .LBB2_60-.Ltmp29, $3  }
0x425: {  	v17 =	vor.u32 s14, v10;
	s14 =	sadd.s32 $0x1, s14;
	v11 =	vsub.f32 v11, v18  }
0x426: {  	v13 =	vsub.f32 v13, v20;
	_ =	sdelay $0x1  }
0x427: {  	v18 =	vmov v15;
	v15 =	vld.idx.msk [tilespmem:v19+s23+$0x0], $0xffff  }
0x428: {  	_ =	sdelay $0x3  }
0x429: {  	v8 =	vld.idx.msk [tilespmem:v16+s21+$0x0], $0xffff  }
0x42a: {  	v9 =	vld.idx.msk [tilespmem:v17+s25+$0x0], $0xffff  }
0x42b: {  	v10 =	vld [tilespmem:$0x1E0]  }
0x42c: {  	v16 =	vld [tilespmem:$0x3E0]  }
0x42d: {  	v17 =	vmul.f32 v18, v12;
	v18 =	vld [tilespmem:$0x5E0]  }
0x42e: {  	v12 =	vmul.f32 v14, v12  }
0x42f: {  	v11 =	vsub.f32 v11, v17  }
0x430: {  	v12 =	vsub.f32 v13, v12;
	v13 =	vmul.f32 v15, v8;
	v10 =	vshll.u32 v10, $0x5  }
0x431: {  	v14 =	vmul.f32 v9, v8;
	v9 =	vshll.u32 v16, $0x5;
	v8 =	vand.u32 $0x60, v10  }
0x432: {  	v9 =	vand.u32 $0x60, v9;
	v10 =	vshll.u32 v18, $0x5;
	v8 =	vor.u32 v6, v8  }
0x433: {  	v11 =	vsub.f32 v11, v13;
	v10 =	vand.u32 $0x60, v10;
	v9 =	vor.u32 v6, v9  }
0x434: {  	v12 =	vsub.f32 v12, v14;
	v10 =	vor.u32 v6, v10  }
0x435: {  	[tilespmem:$0x18DD0] =	vst v11  }
0x436: {  	[tilespmem:$0x18FD0] =	vst v12  }
0x437: {  	s14 =	simm.s32 $0x1;
	v13 =	vld.idx.msk [tilespmem:v8+s21+$0x0], $0xffff  }
0x438: {  	v11 =	vor.u32 s14, v9;
	v14 =	vld.idx.msk [tilespmem:v9+s23+$0x0], $0xffff  }
0x439: {  	v12 =	vor.u32 s14, v8;
	v16 =	vld.idx.msk [tilespmem:v10+s25+$0x0], $0xffff  }
0x43a: {  	v15 =	vor.u32 s14, v10;
	_ =	sdelay $0x1  }
0x43b: {  	s14 =	simm.s32 $0x2  }
0x43c: {  	v19 =	vor.u32 s14, v9;
	v18 =	vld.idx.msk [tilespmem:v11+s23+$0x0], $0xffff  }
0x43d: {  	v12 =	vld.idx.msk [tilespmem:v12+s21+$0x0], $0xffff;
	v11 =	vmul.f32 v14, v13;
	v13 =	vmul.f32 v16, v13;
	v16 =	vor.u32 s14, v8  }
0x43e: {  	v17 =	vor.u32 s14, v10;
	v14 =	vld.idx.msk [tilespmem:v15+s25+$0x0], $0xffff;
	_ =	sdelay $0x2  }
0x43f: {  	v15 =	vld.idx.msk [tilespmem:v19+s23+$0x0], $0xffff;
	s14 =	simm.s32 $0x3  }
.LBB2_62:
0x440: {  	v19 =	vor.u32 s14, v9;
	v18 =	vmul.f32 v18, v12;
	v20 =	vmov v12;
	v12 =	vld.idx.msk [tilespmem:v16+s21+$0x0], $0xffff;
	p0 =	sne.s32 s14, $0x1F  }
.Ltmp30:
0x441: {  	v16 =	vor.u32 s14, v8;
	v20 =	vmul.f32 v14, v20;
	v14 =	vld.idx.msk [tilespmem:v17+s25+$0x0], $0xffff;
	(pc) =	sbr.rel @p0 .LBB2_62-.Ltmp30, $3  }
0x442: {  	v17 =	vor.u32 s14, v10;
	s14 =	sadd.s32 $0x1, s14;
	v11 =	vsub.f32 v11, v18  }
0x443: {  	v13 =	vsub.f32 v13, v20;
	_ =	sdelay $0x1  }
0x444: {  	v18 =	vmov v15;
	v15 =	vld.idx.msk [tilespmem:v19+s23+$0x0], $0xffff  }
0x445: {  	_ =	sdelay $0x3  }
0x446: {  	v8 =	vld.idx.msk [tilespmem:v16+s21+$0x0], $0xffff  }
0x447: {  	v9 =	vld.idx.msk [tilespmem:v17+s25+$0x0], $0xffff  }
0x448: {  	v10 =	vld [tilespmem:$0x1F0]  }
0x449: {  	v16 =	vld [tilespmem:$0x3F0]  }
0x44a: {  	v17 =	vmul.f32 v18, v12;
	v18 =	vld [tilespmem:$0x5F0]  }
0x44b: {  	v12 =	vmul.f32 v14, v12  }
0x44c: {  	v11 =	vsub.f32 v11, v17  }
0x44d: {  	v12 =	vsub.f32 v13, v12;
	v13 =	vmul.f32 v15, v8;
	v10 =	vshll.u32 v10, $0x5  }
0x44e: {  	v14 =	vmul.f32 v9, v8;
	v9 =	vshll.u32 v16, $0x5;
	v8 =	vand.u32 $0x60, v10  }
0x44f: {  	v9 =	vand.u32 $0x60, v9;
	v10 =	vshll.u32 v18, $0x5;
	v8 =	vor.u32 v7, v8  }
0x450: {  	v11 =	vsub.f32 v11, v13;
	v10 =	vand.u32 $0x60, v10;
	v9 =	vor.u32 v7, v9  }
0x451: {  	v12 =	vsub.f32 v12, v14;
	v7 =	vor.u32 v7, v10  }
0x452: {  	[tilespmem:$0x18DE0] =	vst v11  }
0x453: {  	[tilespmem:$0x18FE0] =	vst v12  }
0x454: {  	s14 =	simm.s32 $0x1;
	v11 =	vld.idx.msk [tilespmem:v8+s21+$0x0], $0xffff  }
0x455: {  	v10 =	vor.u32 s14, v9;
	v13 =	vld.idx.msk [tilespmem:v9+s23+$0x0], $0xffff  }
0x456: {  	v12 =	vor.u32 s14, v8;
	v15 =	vld.idx.msk [tilespmem:v7+s25+$0x0], $0xffff  }
0x457: {  	v14 =	vor.u32 s14, v7;
	_ =	sdelay $0x1  }
0x458: {  	s14 =	simm.s32 $0x2  }
0x459: {  	v18 =	vor.u32 s14, v9;
	v17 =	vld.idx.msk [tilespmem:v10+s23+$0x0], $0xffff  }
0x45a: {  	v12 =	vld.idx.msk [tilespmem:v12+s21+$0x0], $0xffff;
	v10 =	vmul.f32 v13, v11;
	v11 =	vmul.f32 v15, v11;
	v15 =	vor.u32 s14, v8  }
0x45b: {  	v16 =	vor.u32 s14, v7;
	v13 =	vld.idx.msk [tilespmem:v14+s25+$0x0], $0xffff;
	_ =	sdelay $0x2  }
0x45c: {  	v14 =	vld.idx.msk [tilespmem:v18+s23+$0x0], $0xffff;
	s14 =	simm.s32 $0x3  }
.LBB2_64:
0x45d: {  	v18 =	vor.u32 s14, v9;
	v17 =	vmul.f32 v17, v12;
	v19 =	vmov v12;
	v12 =	vld.idx.msk [tilespmem:v15+s21+$0x0], $0xffff;
	p0 =	sne.s32 s14, $0x1F  }
.Ltmp31:
0x45e: {  	v15 =	vor.u32 s14, v8;
	v19 =	vmul.f32 v13, v19;
	v13 =	vld.idx.msk [tilespmem:v16+s25+$0x0], $0xffff;
	(pc) =	sbr.rel @p0 .LBB2_64-.Ltmp31, $3  }
0x45f: {  	v16 =	vor.u32 s14, v7;
	s14 =	sadd.s32 $0x1, s14;
	v10 =	vsub.f32 v10, v17  }
0x460: {  	v11 =	vsub.f32 v11, v19;
	_ =	sdelay $0x1  }
0x461: {  	v17 =	vmov v14;
	v14 =	vld.idx.msk [tilespmem:v18+s23+$0x0], $0xffff  }
0x462: {  	_ =	sdelay $0x3  }
0x463: {  	v7 =	vld.idx.msk [tilespmem:v15+s21+$0x0], $0xffff  }
0x464: {  	v8 =	vld.idx.msk [tilespmem:v16+s25+$0x0], $0xffff;
	_ =	sdelay $0x1  }
0x465: {  	v9 =	vmul.f32 v17, v12  }
0x466: {  	v62 =	vmul.f32 v13, v12  }
0x467: {  	v9 =	vsub.f32 v10, v9;
	v63 =	vmul.f32 v14, v7  }
0x468: {  	v11 =	vsub.f32 v11, v62;
	v7 =	vmul.f32 v8, v7  }
0x469: {  	v8 =	vsub.f32 v9, v63  }
0x46a: {  	v7 =	vsub.f32 v11, v7  }
0x46b: {  	[tilespmem:$0x18DF0] =	vst v8  }
0x46c: {  	[tilespmem:$0x18FF0] =	vst v7  }
0x46d: {  	[hbm4b:s7+s2] =	stream.linear.scatter [tilespmem:s1], [sflag:$0x2], $0x200, $0x38;
	[tilespmem:$0x19000] =	vst v63  }
0x46e: {  	s12 =	sadd.s32 $0x1, s12;
	_ =	swait.ge [sflag:s10], $0x200  }
0x46f: {  	p0 =	sne.s32 s12, s9;
	[sflag:s10] =	ssyncset.done $0x0  }
.Ltmp32:
0x470: {  	[sflag:s10] =	ssyncadd.s32 $0xFFFFFE00;
	(pc) =	sbr.rel @p0 .LBB2_1-.Ltmp32, $4  }
0x471: {  	[hbm4b:s8+s2] =	stream.linear.scatter [tilespmem:s11], [sflag:$0x2], $0x200, $0x38;
	[tilespmem:$0x19000] =	vst v63  }
0x472: {  	_ =	swait.ge [sflag:s10], $0x200  }
0x473: {  	[sflag:s10] =	ssyncset.done $0x0  }
0x474: {  	[sflag:s10] =	ssyncadd.s32 $0xFFFFFE00  }
0x475: {  	_ =	sfence.sel $0x180000  }
0x476: {  	[bflag:$0x0] =	sbarrier.arrive $0xFFFF  }
0x477: {  	_ =	strace $0x90000047  }
0x478: {  	s0 =	stileid.u32;
	[bflag:$0x2] =	sbarrier.arrive $0xFFFF  }
0x479: {  	p0 =	sne.s32 s0, $0x0;
	s0 =	rddreg [dreg:$0x6]  }
0x47a: {  	s0 =	sadd.s32 @!p0 $0x100000, s0  }
0x47b: {  	[sflag:s0] =	ssyncadd.tile.s32 @!p0 $0x1;
	_ =	shalt  }
.Lfunc_end2:
_tile_overlayer_lowered:
.L_overlay_start_2:
0x47c: {  	(tag) =	ssettag $0x2  }
0x47d: {  	s0 =	rddreg [dreg:$0x0];
	s2 =	stileid.u32  }
0x47e: {  	s1 =	rddreg [dreg:$0x1];
	p0 =	sne.s32 s2, $0x0  }
0x47f: {  	s3 =	rddreg [dreg:$0x2];
	[bflag:$0x3] =	sbarrier.arrive $0xFFFF;
	s2 =	simm.s32 @!p0 $0x1C02  }
0x480: {  	[timem:s3], [sflag:s2] =	dma.local @!p0 [hbm:s0], s1  }
0x481: {  	s0 =	simm.s32 @!p0 $0x2  }
0x482: {  	_ =	swait.ge @!p0 [sflag:s0], s1  }
0x483: {  	s1 =	ssub.s32 @!p0 $0x0, s1;
	[sflag:s0] =	ssyncset.done @!p0 $0x0  }
0x484: {  	[sflag:s0] =	ssyncadd.s32 @!p0 s1  }
0x485: {  	[bflag:$0x3] =	sbarrier.arrive $0xFFFF  }
0x486: {  	_ =	shalt  }

</sc_bundles>
